<compile_context>
chip_gen: v7x
topology: tpu7x:2x2x1
jax: 0.10.2.dev20260603
libtpu: 0.0.44.dev20260713+nightly
codegen_flags: <defaults>
</compile_context>

<pallas_src>
import functools

import jax
import jax.numpy as jnp
from jax import lax
from jax.experimental import pallas as pl
from jax.experimental.pallas import tpu as pltpu
from jax.experimental.pallas import tpu_sc as plsc

B, N = 32, 4096
G, K = 256, 32
L = 16
NV = N // L
HB = 384
HLO = 112 * 16
CAND = 256
C = 4
BIG_I32 = 0x7FFFFFFF


def _splat(x):
    return jnp.full((L,), x)


def _bf16_round(v):
    bits = plsc.bitcast(v, jnp.int32)
    rnd = bits + 0x7FFF + jnp.bitwise_and(lax.shift_right_logical(bits, 16), 1)
    return plsc.bitcast(jnp.bitwise_and(rnd, -0x10000), jnp.float32)


def _merge32(Ak, Av, Bk, Bv, ck, cv):
    rk, rv = lax.rev(ck, (0,)), lax.rev(cv, (0,))
    m1 = Bk <= rk
    l1k = jnp.where(m1, Bk, rk)
    l1v = jnp.where(m1, Bv, rv)
    b1k, b1v = plsc.sort_key_val(l1k, l1v)
    rk2, rv2 = lax.rev(b1k, (0,)), lax.rev(b1v, (0,))
    m2 = Ak <= rk2
    lok = jnp.where(m2, Ak, rk2)
    lov = jnp.where(m2, Av, rv2)
    hik = jnp.where(m2, rk2, Ak)
    hiv = jnp.where(m2, rv2, Av)
    Ak, Av = plsc.sort_key_val(lok, lov)
    Bk, Bv = plsc.sort_key_val(hik, hiv)
    return Ak, Av, Bk, Bv


def _body(xyz_hbm, nb_hbm, ct_hbm,
          px, py, pz, xb, yb, zb, sx2, dmin, cidx,
          drow, hist, cand_d, cand_i, nb_v, ct_v):
    c = lax.axis_index("c")
    s = lax.axis_index("s")
    b = s * 2 + c
    pltpu.sync_copy(xyz_hbm.at[pl.ds(b * 3 * N, N)], px)
    pltpu.sync_copy(xyz_hbm.at[pl.ds(b * 3 * N + N, N)], py)
    pltpu.sync_copy(xyz_hbm.at[pl.ds(b * 3 * N + 2 * N, N)], pz)

    lanes = lax.iota(jnp.int32, L)
    ones = jnp.ones((L,), jnp.int32)
    inf_k = jnp.full((L,), jnp.inf, jnp.float32)
    zero_v = jnp.zeros((L,), jnp.int32)

    def init_pass(j, _):
        base = j * L
        dmin[pl.ds(base, L)] = jnp.full((L,), 1e10, jnp.float32)
        x = px[pl.ds(base, L)]
        y = py[pl.ds(base, L)]
        z = pz[pl.ds(base, L)]
        xb[pl.ds(base, L)] = _bf16_round(x)
        yb[pl.ds(base, L)] = _bf16_round(y)
        zb[pl.ds(base, L)] = _bf16_round(z)
        sx2[pl.ds(base, L)] = (x * x + y * y) + z * z
        return 0
    lax.fori_loop(0, NV, init_pass, 0)

    def clr_hist(j, _):
        hist[pl.ds(j * L, L)] = jnp.zeros((L,), jnp.int32)
        return 0
    lax.fori_loop(0, C * HB // L, clr_hist, 0)

    def fps_iter(i, far):
        far_v = _splat(far)
        cx = plsc.load_gather(px, [far_v])
        cy = plsc.load_gather(py, [far_v])
        cz = plsc.load_gather(pz, [far_v])
        cvals = jnp.where(lanes == 0, cx, jnp.where(lanes == 1, cy, cz))
        plsc.store_scatter(ct_v, [3 * _splat(i) + lanes], cvals, mask=lanes < 3)
        plsc.store_scatter(cidx, [_splat(i)], far_v, mask=lanes < 1)

        def pass_a(j, carry):
            out = []
            for u in range(4):
                rmax, ridx = carry[2 * u], carry[2 * u + 1]
                base = (4 * j + u) * L
                x = px[pl.ds(base, L)]
                y = py[pl.ds(base, L)]
                z = pz[pl.ds(base, L)]
                dx = x - cx
                dy = y - cy
                dz = z - cz
                d = (dx * dx + dy * dy) + dz * dz
                dm = jnp.minimum(dmin[pl.ds(base, L)], d)
                dmin[pl.ds(base, L)] = dm
                upd = dm > rmax
                out.append(jnp.where(upd, dm, rmax))
                out.append(jnp.where(upd, base + lanes, ridx))
            return tuple(out)

        init = (jnp.full((L,), -1.0, jnp.float32),
                jnp.zeros((L,), jnp.int32)) * 4
        carry = plsc.parallel_loop(0, NV // 4, carry=init)(pass_a)

        def comb(va, ia, vb, ib):
            selb = jnp.logical_or(
                vb > va, jnp.logical_and(vb == va, ib < ia))
            return jnp.where(selb, vb, va), jnp.where(selb, ib, ia)
        r0, i0 = comb(carry[0], carry[1], carry[2], carry[3])
        r1, i1 = comb(carry[4], carry[5], carry[6], carry[7])
        rmax, ridx = comb(r0, i0, r1, i1)
        gmax = jnp.max(rmax)
        return jnp.min(jnp.where(rmax == gmax, ridx, BIG_I32))

    lax.fori_loop(0, G, fps_iter, jnp.int32(0))

    def knn_group(g, _):
        row0 = g * C
        cxb2s, cyb2s, czb2s, sc2s = [], [], [], []
        for t in range(C):
            fv = plsc.load_gather(cidx, [_splat(row0 + t)])
            cx = plsc.load_gather(px, [fv])
            cy = plsc.load_gather(py, [fv])
            cz = plsc.load_gather(pz, [fv])
            cxb = _bf16_round(cx)
            cyb = _bf16_round(cy)
            czb = _bf16_round(cz)
            cxb2s.append(cxb + cxb)
            cyb2s.append(cyb + cyb)
            czb2s.append(czb + czb)
            sc2s.append((cx * cx + cy * cy) + cz * cz)

        def sweep(j, _):
            for u in range(2):
                base = (2 * j + u) * L
                xbv = xb[pl.ds(base, L)]
                ybv = yb[pl.ds(base, L)]
                zbv = zb[pl.ds(base, L)]
                sxv = sx2[pl.ds(base, L)]
                for t in range(C):
                    dot2 = (cxb2s[t] * xbv + cyb2s[t] * ybv) + czb2s[t] * zbv
                    ds = (sc2s[t] - dot2) + sxv
                    drow[pl.ds(t * N + base, L)] = ds
                    bits = plsc.bitcast(ds, jnp.int32)
                    bk = jnp.clip(lax.shift_right_arithmetic(bits, 19) - HLO,
                                  0, HB - 1)
                    plsc.addupdate_scatter(hist, [t * HB + bk], ones)
            return j
        plsc.parallel_loop(0, NV // 2, carry=jnp.int32(0))(
            lambda j, _: sweep(j, _))

        for t in range(C):
            def scan_hist(j, carry):
                cum, bstar, done = carry
                h = hist[pl.ds(t * HB + j * L, L)]
                hist[pl.ds(t * HB + j * L, L)] = zero_v
                csum = plsc.cumsum(h) + cum
                lane = jnp.min(jnp.where(csum >= K, lanes, jnp.int32(L)))
                found = lane < L
                take = jnp.logical_and(found, jnp.logical_not(done))
                bstar = jnp.where(take, j * L + lane, bstar)
                done = jnp.logical_or(done, found)
                cum = cum + jnp.sum(h)
                return cum, bstar, done
            _, bstar, _ = lax.fori_loop(
                0, HB // L, scan_hist,
                (jnp.int32(0), jnp.int32(HB - 1), jnp.bool_(False)))
            tf_bits = lax.shift_left(bstar + (HLO + 1), 19)
            tf = plsc.bitcast(jnp.full((L,), tf_bits), jnp.float32)

            def clr_cand(j, _):
                cand_d[pl.ds(j * L, L)] = inf_k
                return 0
            lax.fori_loop(0, CAND // L, clr_cand, 0)

            def pass_b(j, basel):
                for u in range(4):
                    base = (4 * j + u) * L
                    d = drow[pl.ds(t * N + base, L)]
                    m = d < tf
                    pos = jnp.minimum(lax.shift_left(basel, 4) + lanes,
                                      CAND - 1)
                    plsc.store_scatter(cand_d, [pos], d, mask=m)
                    plsc.store_scatter(cand_i, [pos], base + lanes, mask=m)
                    basel = basel + m.astype(jnp.int32)
                return basel
            basel = plsc.parallel_loop(
                0, NV // 4, carry=jnp.zeros((L,), jnp.int32))(pass_b)

            def merge_step(u, carry):
                ak, av, bk2, bv2 = carry
                ck = cand_d[pl.ds(u * L, L)]
                cv = cand_i[pl.ds(u * L, L)]
                ck, cv = plsc.sort_key_val(ck, cv)
                return _merge32(ak, av, bk2, bv2, ck, cv)
            nvm = jnp.minimum(jnp.max(basel), CAND // L)
            Ak, Av, Bk, Bv = lax.fori_loop(
                0, nvm, merge_step, (inf_k, zero_v, inf_k, zero_v))

            fv = plsc.load_gather(cidx, [_splat(row0 + t)])
            cx = plsc.load_gather(px, [fv])
            cy = plsc.load_gather(py, [fv])
            cz = plsc.load_gather(pz, [fv])
            for vals, koff in ((Av, 0), (Bv, L)):
                xg = plsc.load_gather(px, [vals]) - cx
                yg = plsc.load_gather(py, [vals]) - cy
                zg = plsc.load_gather(pz, [vals]) - cz
                pos = 3 * (K * _splat(row0 + t) + koff + lanes)
                plsc.store_scatter(nb_v, [pos], xg)
                plsc.store_scatter(nb_v, [pos + 1], yg)
                plsc.store_scatter(nb_v, [pos + 2], zg)
        return 0

    lax.fori_loop(0, G // C, knn_group, 0)

    pltpu.sync_copy(nb_v, nb_hbm.at[pl.ds(b * (G * K * 3), G * K * 3)])
    pltpu.sync_copy(ct_v, ct_hbm.at[pl.ds(b * (G * 3), G * 3)])


@functools.partial(
    pl.kernel,
    out_type=(jax.ShapeDtypeStruct((B * G * K * 3,), jnp.float32),
              jax.ShapeDtypeStruct((B * G * 3,), jnp.float32)),
    mesh=plsc.VectorSubcoreMesh(core_axis_name="c", subcore_axis_name="s"),
    compiler_params=pltpu.CompilerParams(needs_layout_passes=False),
    scratch_types=[
        pltpu.VMEM((N,), jnp.float32),
        pltpu.VMEM((N,), jnp.float32),
        pltpu.VMEM((N,), jnp.float32),
        pltpu.VMEM((N,), jnp.float32),
        pltpu.VMEM((N,), jnp.float32),
        pltpu.VMEM((N,), jnp.float32),
        pltpu.VMEM((N,), jnp.float32),
        pltpu.VMEM((N,), jnp.float32),
        pltpu.VMEM((G,), jnp.int32),
        pltpu.VMEM((C * N,), jnp.float32),
        pltpu.VMEM((C * HB,), jnp.int32),
        pltpu.VMEM((CAND,), jnp.float32),
        pltpu.VMEM((CAND,), jnp.int32),
        pltpu.VMEM((G * K * 3,), jnp.float32),
        pltpu.VMEM((G * 3,), jnp.float32),
    ],
)
def _group_kernel(xyz_hbm, nb_hbm, ct_hbm, *scratch):
    _body(xyz_hbm, nb_hbm, ct_hbm, *scratch)


def kernel(xyz):
    xyz_flat = jnp.transpose(xyz, (0, 2, 1)).reshape(-1)
    nb_flat, ct_flat = _group_kernel(xyz_flat)
    return nb_flat.reshape(B, G, K, 3), ct_flat.reshape(B, G, 3)

# --- scband reference (transcript-rebuilt; emitter-appended) ---
"""Pipeline reference for scband-group-19361712570464 (READ-ONLY COPY).

The authoritative reference and input builder live on the scoring server;
editing this copy changes nothing except your own understanding.
"""

import jax, jax.numpy as jnp
import numpy as np

NUM_GROUP = 256
GROUP_SIZE = 32


def setup_inputs(seed: int = 0):
    key = jax.random.key(seed)
    xyz = jax.random.normal(key, (32, 4096, 3), dtype=jnp.float32)
    return {"xyz": xyz}


def _fps(xyz, K):
    B, N, _ = xyz.shape

    def body(i, state):
        dists, idxs, farthest = state
        idxs = idxs.at[:, i].set(farthest)
        pt = xyz[jnp.arange(B), farthest]  # (B, 3)
        d = jnp.sum((xyz - pt[:, None, :]) ** 2, axis=-1)  # (B, N)
        dists = jnp.minimum(dists, d)
        farthest = jnp.argmax(dists, axis=-1).astype(jnp.int32)
        return (dists, idxs, farthest)

    dists0 = jnp.full((B, N), 1e10, dtype=xyz.dtype)
    idxs0 = jnp.zeros((B, K), dtype=jnp.int32)
    far0 = jnp.zeros((B,), dtype=jnp.int32)
    dists, idxs, _ = jax.lax.fori_loop(0, K, body, (dists0, idxs0, far0))
    center = jnp.take_along_axis(xyz, idxs[:, :, None].astype(jnp.int32), axis=1)  # (B, K, 3)
    return center, idxs


def _knn_idx(center, xyz, K):
    # squared pairwise distances (B, G, N)
    d = (jnp.sum(center ** 2, axis=-1)[:, :, None]
         - 2.0 * jnp.einsum('bgc,bnc->bgn', center, xyz)
         + jnp.sum(xyz ** 2, axis=-1)[:, None, :])
    _, idx = jax.lax.top_k(-d, K)  # (B, G, K)
    return idx


def reference(xyz):
    B, N, _ = xyz.shape
    center, _ = _fps(xyz, NUM_GROUP)
    idx = _knn_idx(center, xyz, GROUP_SIZE)  # (B, G, M)
    idx_base = jnp.arange(B, dtype=idx.dtype)[:, None, None] * N
    flat_idx = (idx + idx_base).reshape(-1)
    neighborhood = xyz.reshape(B * N, 3)[flat_idx, :]
    neighborhood = neighborhood.reshape(B, NUM_GROUP, GROUP_SIZE, 3)
    neighborhood = neighborhood - center[:, :, None, :]
    return (neighborhood, center)

if __name__ == "__main__":
    import jax
    _d = setup_inputs()
    print(jax.jit(kernel)(*tuple(_d.values())))

</pallas_src>

<mosaic_0001>
#map = affine_map<(d0, d1) -> (0)>
module attributes {stable_mosaic.version = 14 : i64} {
  func.func @_group_kernel(%arg0: i32, %arg1: i32, %arg2: memref<393216xf32, #tpu.memory_space<hbm>>, %arg3: memref<786432xf32, #tpu.memory_space<hbm>>, %arg4: memref<24576xf32, #tpu.memory_space<hbm>>, %arg5: memref<4096xf32, #tpu.memory_space<vmem>>, %arg6: memref<4096xf32, #tpu.memory_space<vmem>>, %arg7: memref<4096xf32, #tpu.memory_space<vmem>>, %arg8: memref<4096xf32, #tpu.memory_space<vmem>>, %arg9: memref<4096xf32, #tpu.memory_space<vmem>>, %arg10: memref<4096xf32, #tpu.memory_space<vmem>>, %arg11: memref<4096xf32, #tpu.memory_space<vmem>>, %arg12: memref<4096xf32, #tpu.memory_space<vmem>>, %arg13: memref<256xi32, #tpu.memory_space<vmem>>, %arg14: memref<16384xf32, #tpu.memory_space<vmem>>, %arg15: memref<1536xi32, #tpu.memory_space<vmem>>, %arg16: memref<256xf32, #tpu.memory_space<vmem>>, %arg17: memref<256xi32, #tpu.memory_space<vmem>>, %arg18: memref<24576xf32, #tpu.memory_space<vmem>>, %arg19: memref<768xf32, #tpu.memory_space<vmem>>) attributes {dimension_semantics = [#tpu.dimension_semantics<core_parallel>, #tpu.dimension_semantics<subcore_parallel>], iteration_bounds = array<i64: 2, 16>, scalar_prefetch = 0 : i64, scratch_operands = 15 : i64, tpu.core_type = #tpu.core_type<sc_vector_subcore>, window_params = [{transform_indices = #map}, {transform_indices = #map}, {transform_indices = #map}]} {
    %mul3A = arith.constant 2 : i32
    %mul3A_0 = arith.muli %arg1, %mul3A : i32
    %add3A = arith.addi %mul3A_0, %arg0 : i32
    %mul3A_1 = arith.constant 3 : i32
    %mul3A_2 = arith.muli %add3A, %mul3A_1 : i32
    %mul3A_3 = arith.constant 4096 : i32
    %mul3A_4 = arith.muli %mul3A_2, %mul3A_3 : i32
    "tpu.region"() ({
      %run_scoped3A = tpu.sem_alloc : memref<!tpu.dma_semaphore, #tpu.memory_space<semaphore_mem>>
      %dma_start3A = tpu.memref_slice %arg2[%mul3A_4] : memref<393216xf32, #tpu.memory_space<hbm>> -> memref<4096xf32, #tpu.memory_space<hbm>>
      %dma_start3A_53 = tpu.memref_slice %arg2[%mul3A_4] : memref<393216xf32, #tpu.memory_space<hbm>> -> memref<4096xf32, #tpu.memory_space<hbm>>
      tpu.enqueue_dma source(%dma_start3A_53 : memref<4096xf32, #tpu.memory_space<hbm>>) target(%arg5 : memref<4096xf32, #tpu.memory_space<vmem>>) target_semaphore(%run_scoped3A : memref<!tpu.dma_semaphore, #tpu.memory_space<semaphore_mem>>)
      %dma_wait3A = tpu.memref_slice %arg2[%mul3A_4] : memref<393216xf32, #tpu.memory_space<hbm>> -> memref<4096xf32, #tpu.memory_space<hbm>>
      %dma_wait3A_54 = tpu.memref_slice %arg2[%mul3A_4] : memref<393216xf32, #tpu.memory_space<hbm>> -> memref<4096xf32, #tpu.memory_space<hbm>>
      tpu.wait_dma2 semaphore(%run_scoped3A : memref<!tpu.dma_semaphore, #tpu.memory_space<semaphore_mem>>) src(%dma_wait3A_54 : memref<4096xf32, #tpu.memory_space<hbm>>) dst(%arg5 : memref<4096xf32, #tpu.memory_space<vmem>>)
      tpu.yield
    }) : () -> ()
    %mul3A_5 = arith.constant 3 : i32
    %mul3A_6 = arith.muli %add3A, %mul3A_5 : i32
    %mul3A_7 = arith.constant 4096 : i32
    %mul3A_8 = arith.muli %mul3A_6, %mul3A_7 : i32
    %add3A_9 = arith.constant 4096 : i32
    %add3A_10 = arith.addi %mul3A_8, %add3A_9 : i32
    "tpu.region"() ({
      %run_scoped3A = tpu.sem_alloc : memref<!tpu.dma_semaphore, #tpu.memory_space<semaphore_mem>>
      %dma_start3A = tpu.memref_slice %arg2[%add3A_10] : memref<393216xf32, #tpu.memory_space<hbm>> -> memref<4096xf32, #tpu.memory_space<hbm>>
      %dma_start3A_53 = tpu.memref_slice %arg2[%add3A_10] : memref<393216xf32, #tpu.memory_space<hbm>> -> memref<4096xf32, #tpu.memory_space<hbm>>
      tpu.enqueue_dma source(%dma_start3A_53 : memref<4096xf32, #tpu.memory_space<hbm>>) target(%arg6 : memref<4096xf32, #tpu.memory_space<vmem>>) target_semaphore(%run_scoped3A : memref<!tpu.dma_semaphore, #tpu.memory_space<semaphore_mem>>)
      %dma_wait3A = tpu.memref_slice %arg2[%add3A_10] : memref<393216xf32, #tpu.memory_space<hbm>> -> memref<4096xf32, #tpu.memory_space<hbm>>
      %dma_wait3A_54 = tpu.memref_slice %arg2[%add3A_10] : memref<393216xf32, #tpu.memory_space<hbm>> -> memref<4096xf32, #tpu.memory_space<hbm>>
      tpu.wait_dma2 semaphore(%run_scoped3A : memref<!tpu.dma_semaphore, #tpu.memory_space<semaphore_mem>>) src(%dma_wait3A_54 : memref<4096xf32, #tpu.memory_space<hbm>>) dst(%arg6 : memref<4096xf32, #tpu.memory_space<vmem>>)
      tpu.yield
    }) : () -> ()
    %mul3A_11 = arith.constant 3 : i32
    %mul3A_12 = arith.muli %add3A, %mul3A_11 : i32
    %mul3A_13 = arith.constant 4096 : i32
    %mul3A_14 = arith.muli %mul3A_12, %mul3A_13 : i32
    %add3A_15 = arith.constant 8192 : i32
    %add3A_16 = arith.addi %mul3A_14, %add3A_15 : i32
    "tpu.region"() ({
      %run_scoped3A = tpu.sem_alloc : memref<!tpu.dma_semaphore, #tpu.memory_space<semaphore_mem>>
      %dma_start3A = tpu.memref_slice %arg2[%add3A_16] : memref<393216xf32, #tpu.memory_space<hbm>> -> memref<4096xf32, #tpu.memory_space<hbm>>
      %dma_start3A_53 = tpu.memref_slice %arg2[%add3A_16] : memref<393216xf32, #tpu.memory_space<hbm>> -> memref<4096xf32, #tpu.memory_space<hbm>>
      tpu.enqueue_dma source(%dma_start3A_53 : memref<4096xf32, #tpu.memory_space<hbm>>) target(%arg7 : memref<4096xf32, #tpu.memory_space<vmem>>) target_semaphore(%run_scoped3A : memref<!tpu.dma_semaphore, #tpu.memory_space<semaphore_mem>>)
      %dma_wait3A = tpu.memref_slice %arg2[%add3A_16] : memref<393216xf32, #tpu.memory_space<hbm>> -> memref<4096xf32, #tpu.memory_space<hbm>>
      %dma_wait3A_54 = tpu.memref_slice %arg2[%add3A_16] : memref<393216xf32, #tpu.memory_space<hbm>> -> memref<4096xf32, #tpu.memory_space<hbm>>
      tpu.wait_dma2 semaphore(%run_scoped3A : memref<!tpu.dma_semaphore, #tpu.memory_space<semaphore_mem>>) src(%dma_wait3A_54 : memref<4096xf32, #tpu.memory_space<hbm>>) dst(%arg7 : memref<4096xf32, #tpu.memory_space<vmem>>)
      tpu.yield
    }) : () -> ()
    %iota3A = tpu.iota {dimensions = array<i32: 0>} : vector<16xi32>
    %broadcast_in_dim3A = arith.constant 1 : i32
    %broadcast_in_dim3A_17 = vector.broadcast %broadcast_in_dim3A : i32 to vector<16xi32>
    %broadcast_in_dim3A_18 = arith.constant 0x7F800000 : f32
    %broadcast_in_dim3A_19 = vector.broadcast %broadcast_in_dim3A_18 : f32 to vector<16xf32>
    %broadcast_in_dim3A_20 = arith.constant 0 : i32
    %broadcast_in_dim3A_21 = vector.broadcast %broadcast_in_dim3A_20 : i32 to vector<16xi32>
    %scan3A = arith.constant 0 : i32
    %scan3A_22 = arith.constant 0 : i32
    %scan3A_23 = arith.constant 256 : i32
    %scan3A_24 = arith.addi %scan3A_22, %scan3A_23 : i32
    %scan3A_25 = arith.constant 1 : i32
    %scan3A_26 = scf.for %scan3A_53 = %scan3A_22 to %scan3A_24 step %scan3A_25 iter_args(%scan3A_54 = %scan3A) -> (i32)  : i32 {
      %mul3A_55 = arith.constant 16 : i32
      %mul3A_56 = arith.muli %scan3A_53, %mul3A_55 : i32
      %broadcast_in_dim3A_57 = arith.constant 1.000000e+10 : f32
      %broadcast_in_dim3A_58 = vector.broadcast %broadcast_in_dim3A_57 : f32 to vector<16xf32>
      %swap3A = arith.index_cast %mul3A_56 : i32 to index
      %swap3A_59 = tpu.vector_load %arg12[%swap3A] {strides = array<i32>} : memref<4096xf32, #tpu.memory_space<vmem>>, vector<16xf32>,
      tpu.vector_store %arg12[%swap3A], %broadcast_in_dim3A_58 {strides = array<i32>} : memref<4096xf32, #tpu.memory_space<vmem>>, vector<16xf32>,
      %get3A = arith.index_cast %mul3A_56 : i32 to index
      %get3A_60 = tpu.vector_load %arg5[%get3A] {strides = array<i32>} : memref<4096xf32, #tpu.memory_space<vmem>>, vector<16xf32>,
      %get3A_61 = arith.index_cast %mul3A_56 : i32 to index
      %get3A_62 = tpu.vector_load %arg6[%get3A_61] {strides = array<i32>} : memref<4096xf32, #tpu.memory_space<vmem>>, vector<16xf32>,
      %get3A_63 = arith.index_cast %mul3A_56 : i32 to index
      %get3A_64 = tpu.vector_load %arg7[%get3A_63] {strides = array<i32>} : memref<4096xf32, #tpu.memory_space<vmem>>, vector<16xf32>,
      %bitcast3A = vector.bitcast %get3A_60 : vector<16xf32> to vector<16xi32>
      %add3A_65 = arith.constant 32767 : i32
      %add3A_66 = vector.broadcast %add3A_65 : i32 to vector<16xi32>
      %add3A_67 = arith.addi %bitcast3A, %add3A_66 : vector<16xi32>
      %shift_right_logical3A = arith.constant 16 : i32
      %shift_right_logical3A_68 = vector.broadcast %shift_right_logical3A : i32 to vector<16xi32>
      %shift_right_logical3A_69 = arith.shrui %bitcast3A, %shift_right_logical3A_68 : vector<16xi32>
      %and3A = arith.constant 1 : i32
      %and3A_70 = vector.broadcast %and3A : i32 to vector<16xi32>
      %and3A_71 = arith.andi %shift_right_logical3A_69, %and3A_70 : vector<16xi32>
      %add3A_72 = arith.addi %add3A_67, %and3A_71 : vector<16xi32>
      %and3A_73 = arith.constant -65536 : i32
      %and3A_74 = vector.broadcast %and3A_73 : i32 to vector<16xi32>
      %and3A_75 = arith.andi %add3A_72, %and3A_74 : vector<16xi32>
      %bitcast3A_76 = vector.bitcast %and3A_75 : vector<16xi32> to vector<16xf32>
      %swap3A_77 = arith.index_cast %mul3A_56 : i32 to index
      %swap3A_78 = tpu.vector_load %arg8[%swap3A_77] {strides = array<i32>} : memref<4096xf32, #tpu.memory_space<vmem>>, vector<16xf32>,
      tpu.vector_store %arg8[%swap3A_77], %bitcast3A_76 {strides = array<i32>} : memref<4096xf32, #tpu.memory_space<vmem>>, vector<16xf32>,
      %bitcast3A_79 = vector.bitcast %get3A_62 : vector<16xf32> to vector<16xi32>
      %add3A_80 = arith.constant 32767 : i32
      %add3A_81 = vector.broadcast %add3A_80 : i32 to vector<16xi32>
      %add3A_82 = arith.addi %bitcast3A_79, %add3A_81 : vector<16xi32>
      %shift_right_logical3A_83 = arith.constant 16 : i32
      %shift_right_logical3A_84 = vector.broadcast %shift_right_logical3A_83 : i32 to vector<16xi32>
      %shift_right_logical3A_85 = arith.shrui %bitcast3A_79, %shift_right_logical3A_84 : vector<16xi32>
      %and3A_86 = arith.constant 1 : i32
      %and3A_87 = vector.broadcast %and3A_86 : i32 to vector<16xi32>
      %and3A_88 = arith.andi %shift_right_logical3A_85, %and3A_87 : vector<16xi32>
      %add3A_89 = arith.addi %add3A_82, %and3A_88 : vector<16xi32>
      %and3A_90 = arith.constant -65536 : i32
      %and3A_91 = vector.broadcast %and3A_90 : i32 to vector<16xi32>
      %and3A_92 = arith.andi %add3A_89, %and3A_91 : vector<16xi32>
      %bitcast3A_93 = vector.bitcast %and3A_92 : vector<16xi32> to vector<16xf32>
      %swap3A_94 = arith.index_cast %mul3A_56 : i32 to index
      %swap3A_95 = tpu.vector_load %arg9[%swap3A_94] {strides = array<i32>} : memref<4096xf32, #tpu.memory_space<vmem>>, vector<16xf32>,
      tpu.vector_store %arg9[%swap3A_94], %bitcast3A_93 {strides = array<i32>} : memref<4096xf32, #tpu.memory_space<vmem>>, vector<16xf32>,
      %bitcast3A_96 = vector.bitcast %get3A_64 : vector<16xf32> to vector<16xi32>
      %add3A_97 = arith.constant 32767 : i32
      %add3A_98 = vector.broadcast %add3A_97 : i32 to vector<16xi32>
      %add3A_99 = arith.addi %bitcast3A_96, %add3A_98 : vector<16xi32>
      %shift_right_logical3A_100 = arith.constant 16 : i32
      %shift_right_logical3A_101 = vector.broadcast %shift_right_logical3A_100 : i32 to vector<16xi32>
      %shift_right_logical3A_102 = arith.shrui %bitcast3A_96, %shift_right_logical3A_101 : vector<16xi32>
      %and3A_103 = arith.constant 1 : i32
      %and3A_104 = vector.broadcast %and3A_103 : i32 to vector<16xi32>
      %and3A_105 = arith.andi %shift_right_logical3A_102, %and3A_104 : vector<16xi32>
      %add3A_106 = arith.addi %add3A_99, %and3A_105 : vector<16xi32>
      %and3A_107 = arith.constant -65536 : i32
      %and3A_108 = vector.broadcast %and3A_107 : i32 to vector<16xi32>
      %and3A_109 = arith.andi %add3A_106, %and3A_108 : vector<16xi32>
      %bitcast3A_110 = vector.bitcast %and3A_109 : vector<16xi32> to vector<16xf32>
      %swap3A_111 = arith.index_cast %mul3A_56 : i32 to index
      %swap3A_112 = tpu.vector_load %arg10[%swap3A_111] {strides = array<i32>} : memref<4096xf32, #tpu.memory_space<vmem>>, vector<16xf32>,
      tpu.vector_store %arg10[%swap3A_111], %bitcast3A_110 {strides = array<i32>} : memref<4096xf32, #tpu.memory_space<vmem>>, vector<16xf32>,
      %mul3A_113 = arith.mulf %get3A_60, %get3A_60 : vector<16xf32>
      %mul3A_114 = arith.mulf %get3A_62, %get3A_62 : vector<16xf32>
      %add3A_115 = arith.addf %mul3A_113, %mul3A_114 : vector<16xf32>
      %mul3A_116 = arith.mulf %get3A_64, %get3A_64 : vector<16xf32>
      %add3A_117 = arith.addf %add3A_115, %mul3A_116 : vector<16xf32>
      %swap3A_118 = arith.index_cast %mul3A_56 : i32 to index
      %swap3A_119 = tpu.vector_load %arg11[%swap3A_118] {strides = array<i32>} : memref<4096xf32, #tpu.memory_space<vmem>>, vector<16xf32>,
      tpu.vector_store %arg11[%swap3A_118], %add3A_117 {strides = array<i32>} : memref<4096xf32, #tpu.memory_space<vmem>>, vector<16xf32>,
      %scan3A_120 = arith.constant 0 : i32
      scf.yield %scan3A_120 : i32
    }
    %scan3A_27 = arith.constant 256 : i32
    %scan3A_28 = arith.constant 0 : i32
    %scan3A_29 = arith.constant 0 : i32
    %scan3A_30 = arith.constant 96 : i32
    %scan3A_31 = arith.addi %scan3A_29, %scan3A_30 : i32
    %scan3A_32 = arith.constant 1 : i32
    %scan3A_33 = scf.for %scan3A_53 = %scan3A_29 to %scan3A_31 step %scan3A_32 iter_args(%scan3A_54 = %scan3A_28) -> (i32)  : i32 {
      %broadcast_in_dim3A_55 = arith.constant 0 : i32
      %broadcast_in_dim3A_56 = vector.broadcast %broadcast_in_dim3A_55 : i32 to vector<16xi32>
      %mul3A_57 = arith.constant 16 : i32
      %mul3A_58 = arith.muli %scan3A_53, %mul3A_57 : i32
      %swap3A = arith.index_cast %mul3A_58 : i32 to index
      %swap3A_59 = tpu.vector_load %arg15[%swap3A] {strides = array<i32>} : memref<1536xi32, #tpu.memory_space<vmem>>, vector<16xi32>,
      tpu.vector_store %arg15[%swap3A], %broadcast_in_dim3A_56 {strides = array<i32>} : memref<1536xi32, #tpu.memory_space<vmem>>, vector<16xi32>,
      %scan3A_60 = arith.constant 0 : i32
      scf.yield %scan3A_60 : i32
    }
    %scan3A_34 = arith.constant 96 : i32
    %scan3A_35 = arith.constant 0 : i32
    %scan3A_36 = arith.constant 0 : i32
    %scan3A_37 = arith.constant 256 : i32
    %scan3A_38 = arith.addi %scan3A_36, %scan3A_37 : i32
    %scan3A_39 = arith.constant 1 : i32
    %scan3A_40 = scf.for %scan3A_53 = %scan3A_36 to %scan3A_38 step %scan3A_39 iter_args(%scan3A_54 = %scan3A_35) -> (i32)  : i32 {
      %broadcast_in_dim3A_55 = vector.broadcast %scan3A_54 : i32 to vector<16xi32>
      %gather3A = tpu.vector_load_idx %arg5[%broadcast_in_dim3A_55] : memref<4096xf32, #tpu.memory_space<vmem>>[vector<16xi32>], vector<16xf32>,
      %gather3A_56 = tpu.vector_load_idx %arg6[%broadcast_in_dim3A_55] : memref<4096xf32, #tpu.memory_space<vmem>>[vector<16xi32>], vector<16xf32>,
      %gather3A_57 = tpu.vector_load_idx %arg7[%broadcast_in_dim3A_55] : memref<4096xf32, #tpu.memory_space<vmem>>[vector<16xi32>], vector<16xf32>,
      %eq3A = arith.constant 0 : i32
      %eq3A_58 = vector.broadcast %eq3A : i32 to vector<16xi32>
      %eq3A_59 = arith.cmpi eq, %iota3A, %eq3A_58 : vector<16xi32>
      %eq3A_60 = arith.constant 1 : i32
      %eq3A_61 = vector.broadcast %eq3A_60 : i32 to vector<16xi32>
      %eq3A_62 = arith.cmpi eq, %iota3A, %eq3A_61 : vector<16xi32>
      %select_n3A = arith.select %eq3A_62, %gather3A_56, %gather3A_57 : vector<16xi1>, vector<16xf32>
      %select_n3A_63 = arith.select %eq3A_59, %gather3A, %select_n3A : vector<16xi1>, vector<16xf32>
      %broadcast_in_dim3A_64 = vector.broadcast %scan3A_53 : i32 to vector<16xi32>
      %mul3A_65 = arith.constant 3 : i32
      %mul3A_66 = vector.broadcast %mul3A_65 : i32 to vector<16xi32>
      %mul3A_67 = arith.muli %mul3A_66, %broadcast_in_dim3A_64 : vector<16xi32>
      %add3A_68 = arith.addi %mul3A_67, %iota3A : vector<16xi32>
      %lt3A = arith.constant 3 : i32
      %lt3A_69 = vector.broadcast %lt3A : i32 to vector<16xi32>
      %lt3A_70 = arith.cmpi slt, %iota3A, %lt3A_69 : vector<16xi32>
      tpu.vector_store_idx %arg19[%add3A_68], %select_n3A_63 masked %lt3A_70 : memref<768xf32, #tpu.memory_space<vmem>>[vector<16xi32>], vector<16xf32>, vector<16xi1>
      %broadcast_in_dim3A_71 = vector.broadcast %scan3A_53 : i32 to vector<16xi32>
      %lt3A_72 = arith.constant 1 : i32
      %lt3A_73 = vector.broadcast %lt3A_72 : i32 to vector<16xi32>
      %lt3A_74 = arith.cmpi slt, %iota3A, %lt3A_73 : vector<16xi32>
      tpu.vector_store_idx %arg13[%broadcast_in_dim3A_71], %broadcast_in_dim3A_55 masked %lt3A_74 : memref<256xi32, #tpu.memory_space<vmem>>[vector<16xi32>], vector<16xi32>, vector<16xi1>
      %broadcast_in_dim3A_75 = arith.constant -1.000000e+00 : f32
      %broadcast_in_dim3A_76 = vector.broadcast %broadcast_in_dim3A_75 : f32 to vector<16xf32>
      %broadcast_in_dim3A_77 = arith.constant 0 : i32
      %broadcast_in_dim3A_78 = vector.broadcast %broadcast_in_dim3A_77 : i32 to vector<16xi32>
      %parallel_loop3A = arith.constant 0 : i32
      %parallel_loop3A_79 = arith.constant 64 : i32
      %parallel_loop3A_80 = arith.constant 1 : i32
      %parallel_loop3A_81:8 = scf.for %parallel_loop3A_114 = %parallel_loop3A to %parallel_loop3A_79 step %parallel_loop3A_80 iter_args(%parallel_loop3A_115 = %broadcast_in_dim3A_76, %parallel_loop3A_116 = %broadcast_in_dim3A_78, %parallel_loop3A_117 = %broadcast_in_dim3A_76, %parallel_loop3A_118 = %broadcast_in_dim3A_78, %parallel_loop3A_119 = %broadcast_in_dim3A_76, %parallel_loop3A_120 = %broadcast_in_dim3A_78, %parallel_loop3A_121 = %broadcast_in_dim3A_76, %parallel_loop3A_122 = %broadcast_in_dim3A_78) -> (vector<16xf32>, vector<16xi32>, vector<16xf32>, vector<16xi32>, vector<16xf32>, vector<16xi32>, vector<16xf32>, vector<16xi32>)  : i32 {
        %parallel_loop3A_123 = arith.constant 4 : i32
        %parallel_loop3A_124 = arith.muli %parallel_loop3A_123, %parallel_loop3A_114 : i32
        %parallel_loop3A_125 = arith.constant 0 : i32
        %parallel_loop3A_126 = arith.addi %parallel_loop3A_124, %parallel_loop3A_125 : i32
        %parallel_loop3A_127 = arith.constant 16 : i32
        %parallel_loop3A_128 = arith.muli %parallel_loop3A_126, %parallel_loop3A_127 : i32
        %parallel_loop3A_129 = arith.index_cast %parallel_loop3A_128 : i32 to index
        %parallel_loop3A_130 = tpu.vector_load %arg5[%parallel_loop3A_129] {strides = array<i32>} : memref<4096xf32, #tpu.memory_space<vmem>>, vector<16xf32>,
        %parallel_loop3A_131 = arith.index_cast %parallel_loop3A_128 : i32 to index
        %parallel_loop3A_132 = tpu.vector_load %arg6[%parallel_loop3A_131] {strides = array<i32>} : memref<4096xf32, #tpu.memory_space<vmem>>, vector<16xf32>,
        %parallel_loop3A_133 = arith.index_cast %parallel_loop3A_128 : i32 to index
        %parallel_loop3A_134 = tpu.vector_load %arg7[%parallel_loop3A_133] {strides = array<i32>} : memref<4096xf32, #tpu.memory_space<vmem>>, vector<16xf32>,
        %parallel_loop3A_135 = arith.subf %parallel_loop3A_130, %gather3A : vector<16xf32>
        %parallel_loop3A_136 = arith.subf %parallel_loop3A_132, %gather3A_56 : vector<16xf32>
        %parallel_loop3A_137 = arith.subf %parallel_loop3A_134, %gather3A_57 : vector<16xf32>
        %parallel_loop3A_138 = arith.mulf %parallel_loop3A_135, %parallel_loop3A_135 : vector<16xf32>
        %parallel_loop3A_139 = arith.mulf %parallel_loop3A_136, %parallel_loop3A_136 : vector<16xf32>
        %parallel_loop3A_140 = arith.addf %parallel_loop3A_138, %parallel_loop3A_139 : vector<16xf32>
        %parallel_loop3A_141 = arith.mulf %parallel_loop3A_137, %parallel_loop3A_137 : vector<16xf32>
        %parallel_loop3A_142 = arith.addf %parallel_loop3A_140, %parallel_loop3A_141 : vector<16xf32>
        %parallel_loop3A_143 = arith.index_cast %parallel_loop3A_128 : i32 to index
        %parallel_loop3A_144 = tpu.vector_load %arg12[%parallel_loop3A_143] {strides = array<i32>} : memref<4096xf32, #tpu.memory_space<vmem>>, vector<16xf32>,
        %parallel_loop3A_145 = arith.minimumf %parallel_loop3A_144, %parallel_loop3A_142 : vector<16xf32>
        %parallel_loop3A_146 = arith.index_cast %parallel_loop3A_128 : i32 to index
        %parallel_loop3A_147 = tpu.vector_load %arg12[%parallel_loop3A_146] {strides = array<i32>} : memref<4096xf32, #tpu.memory_space<vmem>>, vector<16xf32>,
        tpu.vector_store %arg12[%parallel_loop3A_146], %parallel_loop3A_145 {strides = array<i32>} : memref<4096xf32, #tpu.memory_space<vmem>>, vector<16xf32>,
        %parallel_loop3A_148 = arith.cmpf ogt, %parallel_loop3A_145, %parallel_loop3A_115 : vector<16xf32>
        %parallel_loop3A_149 = arith.select %parallel_loop3A_148, %parallel_loop3A_145, %parallel_loop3A_115 : vector<16xi1>, vector<16xf32>
        %parallel_loop3A_150 = vector.broadcast %parallel_loop3A_128 : i32 to vector<16xi32>
        %parallel_loop3A_151 = arith.addi %parallel_loop3A_150, %iota3A : vector<16xi32>
        %parallel_loop3A_152 = arith.select %parallel_loop3A_148, %parallel_loop3A_151, %parallel_loop3A_116 : vector<16xi1>, vector<16xi32>
        %parallel_loop3A_153 = arith.constant 4 : i32
        %parallel_loop3A_154 = arith.muli %parallel_loop3A_153, %parallel_loop3A_114 : i32
        %parallel_loop3A_155 = arith.constant 1 : i32
        %parallel_loop3A_156 = arith.addi %parallel_loop3A_154, %parallel_loop3A_155 : i32
        %parallel_loop3A_157 = arith.constant 16 : i32
        %parallel_loop3A_158 = arith.muli %parallel_loop3A_156, %parallel_loop3A_157 : i32
        %parallel_loop3A_159 = arith.index_cast %parallel_loop3A_158 : i32 to index
        %parallel_loop3A_160 = tpu.vector_load %arg5[%parallel_loop3A_159] {strides = array<i32>} : memref<4096xf32, #tpu.memory_space<vmem>>, vector<16xf32>,
        %parallel_loop3A_161 = arith.index_cast %parallel_loop3A_158 : i32 to index
        %parallel_loop3A_162 = tpu.vector_load %arg6[%parallel_loop3A_161] {strides = array<i32>} : memref<4096xf32, #tpu.memory_space<vmem>>, vector<16xf32>,
        %parallel_loop3A_163 = arith.index_cast %parallel_loop3A_158 : i32 to index
        %parallel_loop3A_164 = tpu.vector_load %arg7[%parallel_loop3A_163] {strides = array<i32>} : memref<4096xf32, #tpu.memory_space<vmem>>, vector<16xf32>,
        %parallel_loop3A_165 = arith.subf %parallel_loop3A_160, %gather3A : vector<16xf32>
        %parallel_loop3A_166 = arith.subf %parallel_loop3A_162, %gather3A_56 : vector<16xf32>
        %parallel_loop3A_167 = arith.subf %parallel_loop3A_164, %gather3A_57 : vector<16xf32>
        %parallel_loop3A_168 = arith.mulf %parallel_loop3A_165, %parallel_loop3A_165 : vector<16xf32>
        %parallel_loop3A_169 = arith.mulf %parallel_loop3A_166, %parallel_loop3A_166 : vector<16xf32>
        %parallel_loop3A_170 = arith.addf %parallel_loop3A_168, %parallel_loop3A_169 : vector<16xf32>
        %parallel_loop3A_171 = arith.mulf %parallel_loop3A_167, %parallel_loop3A_167 : vector<16xf32>
        %parallel_loop3A_172 = arith.addf %parallel_loop3A_170, %parallel_loop3A_171 : vector<16xf32>
        %parallel_loop3A_173 = arith.index_cast %parallel_loop3A_158 : i32 to index
        %parallel_loop3A_174 = tpu.vector_load %arg12[%parallel_loop3A_173] {strides = array<i32>} : memref<4096xf32, #tpu.memory_space<vmem>>, vector<16xf32>,
        %parallel_loop3A_175 = arith.minimumf %parallel_loop3A_174, %parallel_loop3A_172 : vector<16xf32>
        %parallel_loop3A_176 = arith.index_cast %parallel_loop3A_158 : i32 to index
        %parallel_loop3A_177 = tpu.vector_load %arg12[%parallel_loop3A_176] {strides = array<i32>} : memref<4096xf32, #tpu.memory_space<vmem>>, vector<16xf32>,
        tpu.vector_store %arg12[%parallel_loop3A_176], %parallel_loop3A_175 {strides = array<i32>} : memref<4096xf32, #tpu.memory_space<vmem>>, vector<16xf32>,
        %parallel_loop3A_178 = arith.cmpf ogt, %parallel_loop3A_175, %parallel_loop3A_117 : vector<16xf32>
        %parallel_loop3A_179 = arith.select %parallel_loop3A_178, %parallel_loop3A_175, %parallel_loop3A_117 : vector<16xi1>, vector<16xf32>
        %parallel_loop3A_180 = vector.broadcast %parallel_loop3A_158 : i32 to vector<16xi32>
        %parallel_loop3A_181 = arith.addi %parallel_loop3A_180, %iota3A : vector<16xi32>
        %parallel_loop3A_182 = arith.select %parallel_loop3A_178, %parallel_loop3A_181, %parallel_loop3A_118 : vector<16xi1>, vector<16xi32>
        %parallel_loop3A_183 = arith.constant 4 : i32
        %parallel_loop3A_184 = arith.muli %parallel_loop3A_183, %parallel_loop3A_114 : i32
        %parallel_loop3A_185 = arith.constant 2 : i32
        %parallel_loop3A_186 = arith.addi %parallel_loop3A_184, %parallel_loop3A_185 : i32
        %parallel_loop3A_187 = arith.constant 16 : i32
        %parallel_loop3A_188 = arith.muli %parallel_loop3A_186, %parallel_loop3A_187 : i32
        %parallel_loop3A_189 = arith.index_cast %parallel_loop3A_188 : i32 to index
        %parallel_loop3A_190 = tpu.vector_load %arg5[%parallel_loop3A_189] {strides = array<i32>} : memref<4096xf32, #tpu.memory_space<vmem>>, vector<16xf32>,
        %parallel_loop3A_191 = arith.index_cast %parallel_loop3A_188 : i32 to index
        %parallel_loop3A_192 = tpu.vector_load %arg6[%parallel_loop3A_191] {strides = array<i32>} : memref<4096xf32, #tpu.memory_space<vmem>>, vector<16xf32>,
        %parallel_loop3A_193 = arith.index_cast %parallel_loop3A_188 : i32 to index
        %parallel_loop3A_194 = tpu.vector_load %arg7[%parallel_loop3A_193] {strides = array<i32>} : memref<4096xf32, #tpu.memory_space<vmem>>, vector<16xf32>,
        %parallel_loop3A_195 = arith.subf %parallel_loop3A_190, %gather3A : vector<16xf32>
        %parallel_loop3A_196 = arith.subf %parallel_loop3A_192, %gather3A_56 : vector<16xf32>
        %parallel_loop3A_197 = arith.subf %parallel_loop3A_194, %gather3A_57 : vector<16xf32>
        %parallel_loop3A_198 = arith.mulf %parallel_loop3A_195, %parallel_loop3A_195 : vector<16xf32>
        %parallel_loop3A_199 = arith.mulf %parallel_loop3A_196, %parallel_loop3A_196 : vector<16xf32>
        %parallel_loop3A_200 = arith.addf %parallel_loop3A_198, %parallel_loop3A_199 : vector<16xf32>
        %parallel_loop3A_201 = arith.mulf %parallel_loop3A_197, %parallel_loop3A_197 : vector<16xf32>
        %parallel_loop3A_202 = arith.addf %parallel_loop3A_200, %parallel_loop3A_201 : vector<16xf32>
        %parallel_loop3A_203 = arith.index_cast %parallel_loop3A_188 : i32 to index
        %parallel_loop3A_204 = tpu.vector_load %arg12[%parallel_loop3A_203] {strides = array<i32>} : memref<4096xf32, #tpu.memory_space<vmem>>, vector<16xf32>,
        %parallel_loop3A_205 = arith.minimumf %parallel_loop3A_204, %parallel_loop3A_202 : vector<16xf32>
        %parallel_loop3A_206 = arith.index_cast %parallel_loop3A_188 : i32 to index
        %parallel_loop3A_207 = tpu.vector_load %arg12[%parallel_loop3A_206] {strides = array<i32>} : memref<4096xf32, #tpu.memory_space<vmem>>, vector<16xf32>,
        tpu.vector_store %arg12[%parallel_loop3A_206], %parallel_loop3A_205 {strides = array<i32>} : memref<4096xf32, #tpu.memory_space<vmem>>, vector<16xf32>,
        %parallel_loop3A_208 = arith.cmpf ogt, %parallel_loop3A_205, %parallel_loop3A_119 : vector<16xf32>
        %parallel_loop3A_209 = arith.select %parallel_loop3A_208, %parallel_loop3A_205, %parallel_loop3A_119 : vector<16xi1>, vector<16xf32>
        %parallel_loop3A_210 = vector.broadcast %parallel_loop3A_188 : i32 to vector<16xi32>
        %parallel_loop3A_211 = arith.addi %parallel_loop3A_210, %iota3A : vector<16xi32>
        %parallel_loop3A_212 = arith.select %parallel_loop3A_208, %parallel_loop3A_211, %parallel_loop3A_120 : vector<16xi1>, vector<16xi32>
        %parallel_loop3A_213 = arith.constant 4 : i32
        %parallel_loop3A_214 = arith.muli %parallel_loop3A_213, %parallel_loop3A_114 : i32
        %parallel_loop3A_215 = arith.constant 3 : i32
        %parallel_loop3A_216 = arith.addi %parallel_loop3A_214, %parallel_loop3A_215 : i32
        %parallel_loop3A_217 = arith.constant 16 : i32
        %parallel_loop3A_218 = arith.muli %parallel_loop3A_216, %parallel_loop3A_217 : i32
        %parallel_loop3A_219 = arith.index_cast %parallel_loop3A_218 : i32 to index
        %parallel_loop3A_220 = tpu.vector_load %arg5[%parallel_loop3A_219] {strides = array<i32>} : memref<4096xf32, #tpu.memory_space<vmem>>, vector<16xf32>,
        %parallel_loop3A_221 = arith.index_cast %parallel_loop3A_218 : i32 to index
        %parallel_loop3A_222 = tpu.vector_load %arg6[%parallel_loop3A_221] {strides = array<i32>} : memref<4096xf32, #tpu.memory_space<vmem>>, vector<16xf32>,
        %parallel_loop3A_223 = arith.index_cast %parallel_loop3A_218 : i32 to index
        %parallel_loop3A_224 = tpu.vector_load %arg7[%parallel_loop3A_223] {strides = array<i32>} : memref<4096xf32, #tpu.memory_space<vmem>>, vector<16xf32>,
        %parallel_loop3A_225 = arith.subf %parallel_loop3A_220, %gather3A : vector<16xf32>
        %parallel_loop3A_226 = arith.subf %parallel_loop3A_222, %gather3A_56 : vector<16xf32>
        %parallel_loop3A_227 = arith.subf %parallel_loop3A_224, %gather3A_57 : vector<16xf32>
        %parallel_loop3A_228 = arith.mulf %parallel_loop3A_225, %parallel_loop3A_225 : vector<16xf32>
        %parallel_loop3A_229 = arith.mulf %parallel_loop3A_226, %parallel_loop3A_226 : vector<16xf32>
        %parallel_loop3A_230 = arith.addf %parallel_loop3A_228, %parallel_loop3A_229 : vector<16xf32>
        %parallel_loop3A_231 = arith.mulf %parallel_loop3A_227, %parallel_loop3A_227 : vector<16xf32>
        %parallel_loop3A_232 = arith.addf %parallel_loop3A_230, %parallel_loop3A_231 : vector<16xf32>
        %parallel_loop3A_233 = arith.index_cast %parallel_loop3A_218 : i32 to index
        %parallel_loop3A_234 = tpu.vector_load %arg12[%parallel_loop3A_233] {strides = array<i32>} : memref<4096xf32, #tpu.memory_space<vmem>>, vector<16xf32>,
        %parallel_loop3A_235 = arith.minimumf %parallel_loop3A_234, %parallel_loop3A_232 : vector<16xf32>
        %parallel_loop3A_236 = arith.index_cast %parallel_loop3A_218 : i32 to index
        %parallel_loop3A_237 = tpu.vector_load %arg12[%parallel_loop3A_236] {strides = array<i32>} : memref<4096xf32, #tpu.memory_space<vmem>>, vector<16xf32>,
        tpu.vector_store %arg12[%parallel_loop3A_236], %parallel_loop3A_235 {strides = array<i32>} : memref<4096xf32, #tpu.memory_space<vmem>>, vector<16xf32>,
        %parallel_loop3A_238 = arith.cmpf ogt, %parallel_loop3A_235, %parallel_loop3A_121 : vector<16xf32>
        %parallel_loop3A_239 = arith.select %parallel_loop3A_238, %parallel_loop3A_235, %parallel_loop3A_121 : vector<16xi1>, vector<16xf32>
        %parallel_loop3A_240 = vector.broadcast %parallel_loop3A_218 : i32 to vector<16xi32>
        %parallel_loop3A_241 = arith.addi %parallel_loop3A_240, %iota3A : vector<16xi32>
        %parallel_loop3A_242 = arith.select %parallel_loop3A_238, %parallel_loop3A_241, %parallel_loop3A_122 : vector<16xi1>, vector<16xi32>
        scf.yield %parallel_loop3A_149, %parallel_loop3A_152, %parallel_loop3A_179, %parallel_loop3A_182, %parallel_loop3A_209, %parallel_loop3A_212, %parallel_loop3A_239, %parallel_loop3A_242 : vector<16xf32>, vector<16xi32>, vector<16xf32>, vector<16xi32>, vector<16xf32>, vector<16xi32>, vector<16xf32>, vector<16xi32>
      } {sc.loop_unroll_factor = 1 : i64, sc.parallel_access}
      %gt3A = arith.cmpf ogt, %parallel_loop3A_81#2, %parallel_loop3A_81#0 : vector<16xf32>
      %eq3A_82 = arith.cmpf oeq, %parallel_loop3A_81#2, %parallel_loop3A_81#0 : vector<16xf32>
      %lt3A_83 = arith.cmpi slt, %parallel_loop3A_81#3, %parallel_loop3A_81#1 : vector<16xi32>
      %and3A = arith.andi %eq3A_82, %lt3A_83 : vector<16xi1>
      %or3A = arith.ori %gt3A, %and3A : vector<16xi1>
      %select_n3A_84 = arith.select %or3A, %parallel_loop3A_81#2, %parallel_loop3A_81#0 : vector<16xi1>, vector<16xf32>
      %select_n3A_85 = arith.select %or3A, %parallel_loop3A_81#3, %parallel_loop3A_81#1 : vector<16xi1>, vector<16xi32>
      %gt3A_86 = arith.cmpf ogt, %parallel_loop3A_81#6, %parallel_loop3A_81#4 : vector<16xf32>
      %eq3A_87 = arith.cmpf oeq, %parallel_loop3A_81#6, %parallel_loop3A_81#4 : vector<16xf32>
      %lt3A_88 = arith.cmpi slt, %parallel_loop3A_81#7, %parallel_loop3A_81#5 : vector<16xi32>
      %and3A_89 = arith.andi %eq3A_87, %lt3A_88 : vector<16xi1>
      %or3A_90 = arith.ori %gt3A_86, %and3A_89 : vector<16xi1>
      %select_n3A_91 = arith.select %or3A_90, %parallel_loop3A_81#6, %parallel_loop3A_81#4 : vector<16xi1>, vector<16xf32>
      %select_n3A_92 = arith.select %or3A_90, %parallel_loop3A_81#7, %parallel_loop3A_81#5 : vector<16xi1>, vector<16xi32>
      %gt3A_93 = arith.cmpf ogt, %select_n3A_91, %select_n3A_84 : vector<16xf32>
      %eq3A_94 = arith.cmpf oeq, %select_n3A_91, %select_n3A_84 : vector<16xf32>
      %lt3A_95 = arith.cmpi slt, %select_n3A_92, %select_n3A_85 : vector<16xi32>
      %and3A_96 = arith.andi %eq3A_94, %lt3A_95 : vector<16xi1>
      %or3A_97 = arith.ori %gt3A_93, %and3A_96 : vector<16xi1>
      %select_n3A_98 = arith.select %or3A_97, %select_n3A_91, %select_n3A_84 : vector<16xi1>, vector<16xf32>
      %select_n3A_99 = arith.select %or3A_97, %select_n3A_92, %select_n3A_85 : vector<16xi1>, vector<16xi32>
      %reduce_max3A = arith.constant true
      %reduce_max3A_100 = vector.broadcast %reduce_max3A : i1 to vector<16xi1>
      %reduce_max3A_101 = tpu.scan <max>, %select_n3A_98 masked %reduce_max3A_100 : vector<16xf32>, vector<16xi1> -> vector<16xf32>
      %reduce_max3A_102 = vector.extract %reduce_max3A_101[15] : f32 from vector<16xf32>
      %eq3A_103 = vector.broadcast %reduce_max3A_102 : f32 to vector<16xf32>
      %eq3A_104 = arith.cmpf oeq, %select_n3A_98, %eq3A_103 : vector<16xf32>
      %jit3A = arith.constant 2147483647 : i32
      %broadcast_in_dim3A_105 = vector.broadcast %jit3A : i32 to vector<16xi32>
      %select_n3A_106 = arith.select %eq3A_104, %select_n3A_99, %broadcast_in_dim3A_105 : vector<16xi1>, vector<16xi32>
      %reduce_min3A = arith.constant true
      %reduce_min3A_107 = vector.broadcast %reduce_min3A : i1 to vector<16xi1>
      %reduce_min3A_108 = arith.constant -2147483648 : i32
      %reduce_min3A_109 = vector.broadcast %reduce_min3A_108 : i32 to vector<16xi32>
      %reduce_min3A_110 = arith.xori %select_n3A_106, %reduce_min3A_109 : vector<16xi32>
      %reduce_min3A_111 = tpu.scan <min>, %reduce_min3A_110 masked %reduce_min3A_107 : vector<16xi32>, vector<16xi1> -> vector<16xi32>
      %reduce_min3A_112 = arith.xori %reduce_min3A_111, %reduce_min3A_109 : vector<16xi32>
      %reduce_min3A_113 = vector.extract %reduce_min3A_112[15] : i32 from vector<16xi32>
      scf.yield %reduce_min3A_113 : i32
    }
    %scan3A_41 = arith.constant 256 : i32
    %scan3A_42 = arith.constant 0 : i32
    %scan3A_43 = arith.constant 0 : i32
    %scan3A_44 = arith.constant 64 : i32
    %scan3A_45 = arith.addi %scan3A_43, %scan3A_44 : i32
    %scan3A_46 = arith.constant 1 : i32
    %scan3A_47 = scf.for %scan3A_53 = %scan3A_43 to %scan3A_45 step %scan3A_46 iter_args(%scan3A_54 = %scan3A_42) -> (i32)  : i32 {
      %mul3A_55 = arith.constant 4 : i32
      %mul3A_56 = arith.muli %scan3A_53, %mul3A_55 : i32
      %add3A_57 = arith.constant 0 : i32
      %add3A_58 = arith.addi %mul3A_56, %add3A_57 : i32
      %broadcast_in_dim3A_59 = vector.broadcast %add3A_58 : i32 to vector<16xi32>
      %gather3A = tpu.vector_load_idx %arg13[%broadcast_in_dim3A_59] : memref<256xi32, #tpu.memory_space<vmem>>[vector<16xi32>], vector<16xi32>,
      %gather3A_60 = tpu.vector_load_idx %arg5[%gather3A] : memref<4096xf32, #tpu.memory_space<vmem>>[vector<16xi32>], vector<16xf32>,
      %gather3A_61 = tpu.vector_load_idx %arg6[%gather3A] : memref<4096xf32, #tpu.memory_space<vmem>>[vector<16xi32>], vector<16xf32>,
      %gather3A_62 = tpu.vector_load_idx %arg7[%gather3A] : memref<4096xf32, #tpu.memory_space<vmem>>[vector<16xi32>], vector<16xf32>,
      %bitcast3A = vector.bitcast %gather3A_60 : vector<16xf32> to vector<16xi32>
      %add3A_63 = arith.constant 32767 : i32
      %add3A_64 = vector.broadcast %add3A_63 : i32 to vector<16xi32>
      %add3A_65 = arith.addi %bitcast3A, %add3A_64 : vector<16xi32>
      %shift_right_logical3A = arith.constant 16 : i32
      %shift_right_logical3A_66 = vector.broadcast %shift_right_logical3A : i32 to vector<16xi32>
      %shift_right_logical3A_67 = arith.shrui %bitcast3A, %shift_right_logical3A_66 : vector<16xi32>
      %and3A = arith.constant 1 : i32
      %and3A_68 = vector.broadcast %and3A : i32 to vector<16xi32>
      %and3A_69 = arith.andi %shift_right_logical3A_67, %and3A_68 : vector<16xi32>
      %add3A_70 = arith.addi %add3A_65, %and3A_69 : vector<16xi32>
      %and3A_71 = arith.constant -65536 : i32
      %and3A_72 = vector.broadcast %and3A_71 : i32 to vector<16xi32>
      %and3A_73 = arith.andi %add3A_70, %and3A_72 : vector<16xi32>
      %bitcast3A_74 = vector.bitcast %and3A_73 : vector<16xi32> to vector<16xf32>
      %bitcast3A_75 = vector.bitcast %gather3A_61 : vector<16xf32> to vector<16xi32>
      %add3A_76 = arith.constant 32767 : i32
      %add3A_77 = vector.broadcast %add3A_76 : i32 to vector<16xi32>
      %add3A_78 = arith.addi %bitcast3A_75, %add3A_77 : vector<16xi32>
      %shift_right_logical3A_79 = arith.constant 16 : i32
      %shift_right_logical3A_80 = vector.broadcast %shift_right_logical3A_79 : i32 to vector<16xi32>
      %shift_right_logical3A_81 = arith.shrui %bitcast3A_75, %shift_right_logical3A_80 : vector<16xi32>
      %and3A_82 = arith.constant 1 : i32
      %and3A_83 = vector.broadcast %and3A_82 : i32 to vector<16xi32>
      %and3A_84 = arith.andi %shift_right_logical3A_81, %and3A_83 : vector<16xi32>
      %add3A_85 = arith.addi %add3A_78, %and3A_84 : vector<16xi32>
      %and3A_86 = arith.constant -65536 : i32
      %and3A_87 = vector.broadcast %and3A_86 : i32 to vector<16xi32>
      %and3A_88 = arith.andi %add3A_85, %and3A_87 : vector<16xi32>
      %bitcast3A_89 = vector.bitcast %and3A_88 : vector<16xi32> to vector<16xf32>
      %bitcast3A_90 = vector.bitcast %gather3A_62 : vector<16xf32> to vector<16xi32>
      %add3A_91 = arith.constant 32767 : i32
      %add3A_92 = vector.broadcast %add3A_91 : i32 to vector<16xi32>
      %add3A_93 = arith.addi %bitcast3A_90, %add3A_92 : vector<16xi32>
      %shift_right_logical3A_94 = arith.constant 16 : i32
      %shift_right_logical3A_95 = vector.broadcast %shift_right_logical3A_94 : i32 to vector<16xi32>
      %shift_right_logical3A_96 = arith.shrui %bitcast3A_90, %shift_right_logical3A_95 : vector<16xi32>
      %and3A_97 = arith.constant 1 : i32
      %and3A_98 = vector.broadcast %and3A_97 : i32 to vector<16xi32>
      %and3A_99 = arith.andi %shift_right_logical3A_96, %and3A_98 : vector<16xi32>
      %add3A_100 = arith.addi %add3A_93, %and3A_99 : vector<16xi32>
      %and3A_101 = arith.constant -65536 : i32
      %and3A_102 = vector.broadcast %and3A_101 : i32 to vector<16xi32>
      %and3A_103 = arith.andi %add3A_100, %and3A_102 : vector<16xi32>
      %bitcast3A_104 = vector.bitcast %and3A_103 : vector<16xi32> to vector<16xf32>
      %add3A_105 = arith.addf %bitcast3A_74, %bitcast3A_74 : vector<16xf32>
      %add3A_106 = arith.addf %bitcast3A_89, %bitcast3A_89 : vector<16xf32>
      %add3A_107 = arith.addf %bitcast3A_104, %bitcast3A_104 : vector<16xf32>
      %mul3A_108 = arith.mulf %gather3A_60, %gather3A_60 : vector<16xf32>
      %mul3A_109 = arith.mulf %gather3A_61, %gather3A_61 : vector<16xf32>
      %add3A_110 = arith.addf %mul3A_108, %mul3A_109 : vector<16xf32>
      %mul3A_111 = arith.mulf %gather3A_62, %gather3A_62 : vector<16xf32>
      %add3A_112 = arith.addf %add3A_110, %mul3A_111 : vector<16xf32>
      %add3A_113 = arith.constant 1 : i32
      %add3A_114 = arith.addi %mul3A_56, %add3A_113 : i32
      %broadcast_in_dim3A_115 = vector.broadcast %add3A_114 : i32 to vector<16xi32>
      %gather3A_116 = tpu.vector_load_idx %arg13[%broadcast_in_dim3A_115] : memref<256xi32, #tpu.memory_space<vmem>>[vector<16xi32>], vector<16xi32>,
      %gather3A_117 = tpu.vector_load_idx %arg5[%gather3A_116] : memref<4096xf32, #tpu.memory_space<vmem>>[vector<16xi32>], vector<16xf32>,
      %gather3A_118 = tpu.vector_load_idx %arg6[%gather3A_116] : memref<4096xf32, #tpu.memory_space<vmem>>[vector<16xi32>], vector<16xf32>,
      %gather3A_119 = tpu.vector_load_idx %arg7[%gather3A_116] : memref<4096xf32, #tpu.memory_space<vmem>>[vector<16xi32>], vector<16xf32>,
      %bitcast3A_120 = vector.bitcast %gather3A_117 : vector<16xf32> to vector<16xi32>
      %add3A_121 = arith.constant 32767 : i32
      %add3A_122 = vector.broadcast %add3A_121 : i32 to vector<16xi32>
      %add3A_123 = arith.addi %bitcast3A_120, %add3A_122 : vector<16xi32>
      %shift_right_logical3A_124 = arith.constant 16 : i32
      %shift_right_logical3A_125 = vector.broadcast %shift_right_logical3A_124 : i32 to vector<16xi32>
      %shift_right_logical3A_126 = arith.shrui %bitcast3A_120, %shift_right_logical3A_125 : vector<16xi32>
      %and3A_127 = arith.constant 1 : i32
      %and3A_128 = vector.broadcast %and3A_127 : i32 to vector<16xi32>
      %and3A_129 = arith.andi %shift_right_logical3A_126, %and3A_128 : vector<16xi32>
      %add3A_130 = arith.addi %add3A_123, %and3A_129 : vector<16xi32>
      %and3A_131 = arith.constant -65536 : i32
      %and3A_132 = vector.broadcast %and3A_131 : i32 to vector<16xi32>
      %and3A_133 = arith.andi %add3A_130, %and3A_132 : vector<16xi32>
      %bitcast3A_134 = vector.bitcast %and3A_133 : vector<16xi32> to vector<16xf32>
      %bitcast3A_135 = vector.bitcast %gather3A_118 : vector<16xf32> to vector<16xi32>
      %add3A_136 = arith.constant 32767 : i32
      %add3A_137 = vector.broadcast %add3A_136 : i32 to vector<16xi32>
      %add3A_138 = arith.addi %bitcast3A_135, %add3A_137 : vector<16xi32>
      %shift_right_logical3A_139 = arith.constant 16 : i32
      %shift_right_logical3A_140 = vector.broadcast %shift_right_logical3A_139 : i32 to vector<16xi32>
      %shift_right_logical3A_141 = arith.shrui %bitcast3A_135, %shift_right_logical3A_140 : vector<16xi32>
      %and3A_142 = arith.constant 1 : i32
      %and3A_143 = vector.broadcast %and3A_142 : i32 to vector<16xi32>
      %and3A_144 = arith.andi %shift_right_logical3A_141, %and3A_143 : vector<16xi32>
      %add3A_145 = arith.addi %add3A_138, %and3A_144 : vector<16xi32>
      %and3A_146 = arith.constant -65536 : i32
      %and3A_147 = vector.broadcast %and3A_146 : i32 to vector<16xi32>
      %and3A_148 = arith.andi %add3A_145, %and3A_147 : vector<16xi32>
      %bitcast3A_149 = vector.bitcast %and3A_148 : vector<16xi32> to vector<16xf32>
      %bitcast3A_150 = vector.bitcast %gather3A_119 : vector<16xf32> to vector<16xi32>
      %add3A_151 = arith.constant 32767 : i32
      %add3A_152 = vector.broadcast %add3A_151 : i32 to vector<16xi32>
      %add3A_153 = arith.addi %bitcast3A_150, %add3A_152 : vector<16xi32>
      %shift_right_logical3A_154 = arith.constant 16 : i32
      %shift_right_logical3A_155 = vector.broadcast %shift_right_logical3A_154 : i32 to vector<16xi32>
      %shift_right_logical3A_156 = arith.shrui %bitcast3A_150, %shift_right_logical3A_155 : vector<16xi32>
      %and3A_157 = arith.constant 1 : i32
      %and3A_158 = vector.broadcast %and3A_157 : i32 to vector<16xi32>
      %and3A_159 = arith.andi %shift_right_logical3A_156, %and3A_158 : vector<16xi32>
      %add3A_160 = arith.addi %add3A_153, %and3A_159 : vector<16xi32>
      %and3A_161 = arith.constant -65536 : i32
      %and3A_162 = vector.broadcast %and3A_161 : i32 to vector<16xi32>
      %and3A_163 = arith.andi %add3A_160, %and3A_162 : vector<16xi32>
      %bitcast3A_164 = vector.bitcast %and3A_163 : vector<16xi32> to vector<16xf32>
      %add3A_165 = arith.addf %bitcast3A_134, %bitcast3A_134 : vector<16xf32>
      %add3A_166 = arith.addf %bitcast3A_149, %bitcast3A_149 : vector<16xf32>
      %add3A_167 = arith.addf %bitcast3A_164, %bitcast3A_164 : vector<16xf32>
      %mul3A_168 = arith.mulf %gather3A_117, %gather3A_117 : vector<16xf32>
      %mul3A_169 = arith.mulf %gather3A_118, %gather3A_118 : vector<16xf32>
      %add3A_170 = arith.addf %mul3A_168, %mul3A_169 : vector<16xf32>
      %mul3A_171 = arith.mulf %gather3A_119, %gather3A_119 : vector<16xf32>
      %add3A_172 = arith.addf %add3A_170, %mul3A_171 : vector<16xf32>
      %add3A_173 = arith.constant 2 : i32
      %add3A_174 = arith.addi %mul3A_56, %add3A_173 : i32
      %broadcast_in_dim3A_175 = vector.broadcast %add3A_174 : i32 to vector<16xi32>
      %gather3A_176 = tpu.vector_load_idx %arg13[%broadcast_in_dim3A_175] : memref<256xi32, #tpu.memory_space<vmem>>[vector<16xi32>], vector<16xi32>,
      %gather3A_177 = tpu.vector_load_idx %arg5[%gather3A_176] : memref<4096xf32, #tpu.memory_space<vmem>>[vector<16xi32>], vector<16xf32>,
      %gather3A_178 = tpu.vector_load_idx %arg6[%gather3A_176] : memref<4096xf32, #tpu.memory_space<vmem>>[vector<16xi32>], vector<16xf32>,
      %gather3A_179 = tpu.vector_load_idx %arg7[%gather3A_176] : memref<4096xf32, #tpu.memory_space<vmem>>[vector<16xi32>], vector<16xf32>,
      %bitcast3A_180 = vector.bitcast %gather3A_177 : vector<16xf32> to vector<16xi32>
      %add3A_181 = arith.constant 32767 : i32
      %add3A_182 = vector.broadcast %add3A_181 : i32 to vector<16xi32>
      %add3A_183 = arith.addi %bitcast3A_180, %add3A_182 : vector<16xi32>
      %shift_right_logical3A_184 = arith.constant 16 : i32
      %shift_right_logical3A_185 = vector.broadcast %shift_right_logical3A_184 : i32 to vector<16xi32>
      %shift_right_logical3A_186 = arith.shrui %bitcast3A_180, %shift_right_logical3A_185 : vector<16xi32>
      %and3A_187 = arith.constant 1 : i32
      %and3A_188 = vector.broadcast %and3A_187 : i32 to vector<16xi32>
      %and3A_189 = arith.andi %shift_right_logical3A_186, %and3A_188 : vector<16xi32>
      %add3A_190 = arith.addi %add3A_183, %and3A_189 : vector<16xi32>
      %and3A_191 = arith.constant -65536 : i32
      %and3A_192 = vector.broadcast %and3A_191 : i32 to vector<16xi32>
      %and3A_193 = arith.andi %add3A_190, %and3A_192 : vector<16xi32>
      %bitcast3A_194 = vector.bitcast %and3A_193 : vector<16xi32> to vector<16xf32>
      %bitcast3A_195 = vector.bitcast %gather3A_178 : vector<16xf32> to vector<16xi32>
      %add3A_196 = arith.constant 32767 : i32
      %add3A_197 = vector.broadcast %add3A_196 : i32 to vector<16xi32>
      %add3A_198 = arith.addi %bitcast3A_195, %add3A_197 : vector<16xi32>
      %shift_right_logical3A_199 = arith.constant 16 : i32
      %shift_right_logical3A_200 = vector.broadcast %shift_right_logical3A_199 : i32 to vector<16xi32>
      %shift_right_logical3A_201 = arith.shrui %bitcast3A_195, %shift_right_logical3A_200 : vector<16xi32>
      %and3A_202 = arith.constant 1 : i32
      %and3A_203 = vector.broadcast %and3A_202 : i32 to vector<16xi32>
      %and3A_204 = arith.andi %shift_right_logical3A_201, %and3A_203 : vector<16xi32>
      %add3A_205 = arith.addi %add3A_198, %and3A_204 : vector<16xi32>
      %and3A_206 = arith.constant -65536 : i32
      %and3A_207 = vector.broadcast %and3A_206 : i32 to vector<16xi32>
      %and3A_208 = arith.andi %add3A_205, %and3A_207 : vector<16xi32>
      %bitcast3A_209 = vector.bitcast %and3A_208 : vector<16xi32> to vector<16xf32>
      %bitcast3A_210 = vector.bitcast %gather3A_179 : vector<16xf32> to vector<16xi32>
      %add3A_211 = arith.constant 32767 : i32
      %add3A_212 = vector.broadcast %add3A_211 : i32 to vector<16xi32>
      %add3A_213 = arith.addi %bitcast3A_210, %add3A_212 : vector<16xi32>
      %shift_right_logical3A_214 = arith.constant 16 : i32
      %shift_right_logical3A_215 = vector.broadcast %shift_right_logical3A_214 : i32 to vector<16xi32>
      %shift_right_logical3A_216 = arith.shrui %bitcast3A_210, %shift_right_logical3A_215 : vector<16xi32>
      %and3A_217 = arith.constant 1 : i32
      %and3A_218 = vector.broadcast %and3A_217 : i32 to vector<16xi32>
      %and3A_219 = arith.andi %shift_right_logical3A_216, %and3A_218 : vector<16xi32>
      %add3A_220 = arith.addi %add3A_213, %and3A_219 : vector<16xi32>
      %and3A_221 = arith.constant -65536 : i32
      %and3A_222 = vector.broadcast %and3A_221 : i32 to vector<16xi32>
      %and3A_223 = arith.andi %add3A_220, %and3A_222 : vector<16xi32>
      %bitcast3A_224 = vector.bitcast %and3A_223 : vector<16xi32> to vector<16xf32>
      %add3A_225 = arith.addf %bitcast3A_194, %bitcast3A_194 : vector<16xf32>
      %add3A_226 = arith.addf %bitcast3A_209, %bitcast3A_209 : vector<16xf32>
      %add3A_227 = arith.addf %bitcast3A_224, %bitcast3A_224 : vector<16xf32>
      %mul3A_228 = arith.mulf %gather3A_177, %gather3A_177 : vector<16xf32>
      %mul3A_229 = arith.mulf %gather3A_178, %gather3A_178 : vector<16xf32>
      %add3A_230 = arith.addf %mul3A_228, %mul3A_229 : vector<16xf32>
      %mul3A_231 = arith.mulf %gather3A_179, %gather3A_179 : vector<16xf32>
      %add3A_232 = arith.addf %add3A_230, %mul3A_231 : vector<16xf32>
      %add3A_233 = arith.constant 3 : i32
      %add3A_234 = arith.addi %mul3A_56, %add3A_233 : i32
      %broadcast_in_dim3A_235 = vector.broadcast %add3A_234 : i32 to vector<16xi32>
      %gather3A_236 = tpu.vector_load_idx %arg13[%broadcast_in_dim3A_235] : memref<256xi32, #tpu.memory_space<vmem>>[vector<16xi32>], vector<16xi32>,
      %gather3A_237 = tpu.vector_load_idx %arg5[%gather3A_236] : memref<4096xf32, #tpu.memory_space<vmem>>[vector<16xi32>], vector<16xf32>,
      %gather3A_238 = tpu.vector_load_idx %arg6[%gather3A_236] : memref<4096xf32, #tpu.memory_space<vmem>>[vector<16xi32>], vector<16xf32>,
      %gather3A_239 = tpu.vector_load_idx %arg7[%gather3A_236] : memref<4096xf32, #tpu.memory_space<vmem>>[vector<16xi32>], vector<16xf32>,
      %bitcast3A_240 = vector.bitcast %gather3A_237 : vector<16xf32> to vector<16xi32>
      %add3A_241 = arith.constant 32767 : i32
      %add3A_242 = vector.broadcast %add3A_241 : i32 to vector<16xi32>
      %add3A_243 = arith.addi %bitcast3A_240, %add3A_242 : vector<16xi32>
      %shift_right_logical3A_244 = arith.constant 16 : i32
      %shift_right_logical3A_245 = vector.broadcast %shift_right_logical3A_244 : i32 to vector<16xi32>
      %shift_right_logical3A_246 = arith.shrui %bitcast3A_240, %shift_right_logical3A_245 : vector<16xi32>
      %and3A_247 = arith.constant 1 : i32
      %and3A_248 = vector.broadcast %and3A_247 : i32 to vector<16xi32>
      %and3A_249 = arith.andi %shift_right_logical3A_246, %and3A_248 : vector<16xi32>
      %add3A_250 = arith.addi %add3A_243, %and3A_249 : vector<16xi32>
      %and3A_251 = arith.constant -65536 : i32
      %and3A_252 = vector.broadcast %and3A_251 : i32 to vector<16xi32>
      %and3A_253 = arith.andi %add3A_250, %and3A_252 : vector<16xi32>
      %bitcast3A_254 = vector.bitcast %and3A_253 : vector<16xi32> to vector<16xf32>
      %bitcast3A_255 = vector.bitcast %gather3A_238 : vector<16xf32> to vector<16xi32>
      %add3A_256 = arith.constant 32767 : i32
      %add3A_257 = vector.broadcast %add3A_256 : i32 to vector<16xi32>
      %add3A_258 = arith.addi %bitcast3A_255, %add3A_257 : vector<16xi32>
      %shift_right_logical3A_259 = arith.constant 16 : i32
      %shift_right_logical3A_260 = vector.broadcast %shift_right_logical3A_259 : i32 to vector<16xi32>
      %shift_right_logical3A_261 = arith.shrui %bitcast3A_255, %shift_right_logical3A_260 : vector<16xi32>
      %and3A_262 = arith.constant 1 : i32
      %and3A_263 = vector.broadcast %and3A_262 : i32 to vector<16xi32>
      %and3A_264 = arith.andi %shift_right_logical3A_261, %and3A_263 : vector<16xi32>
      %add3A_265 = arith.addi %add3A_258, %and3A_264 : vector<16xi32>
      %and3A_266 = arith.constant -65536 : i32
      %and3A_267 = vector.broadcast %and3A_266 : i32 to vector<16xi32>
      %and3A_268 = arith.andi %add3A_265, %and3A_267 : vector<16xi32>
      %bitcast3A_269 = vector.bitcast %and3A_268 : vector<16xi32> to vector<16xf32>
      %bitcast3A_270 = vector.bitcast %gather3A_239 : vector<16xf32> to vector<16xi32>
      %add3A_271 = arith.constant 32767 : i32
      %add3A_272 = vector.broadcast %add3A_271 : i32 to vector<16xi32>
      %add3A_273 = arith.addi %bitcast3A_270, %add3A_272 : vector<16xi32>
      %shift_right_logical3A_274 = arith.constant 16 : i32
      %shift_right_logical3A_275 = vector.broadcast %shift_right_logical3A_274 : i32 to vector<16xi32>
      %shift_right_logical3A_276 = arith.shrui %bitcast3A_270, %shift_right_logical3A_275 : vector<16xi32>
      %and3A_277 = arith.constant 1 : i32
      %and3A_278 = vector.broadcast %and3A_277 : i32 to vector<16xi32>
      %and3A_279 = arith.andi %shift_right_logical3A_276, %and3A_278 : vector<16xi32>
      %add3A_280 = arith.addi %add3A_273, %and3A_279 : vector<16xi32>
      %and3A_281 = arith.constant -65536 : i32
      %and3A_282 = vector.broadcast %and3A_281 : i32 to vector<16xi32>
      %and3A_283 = arith.andi %add3A_280, %and3A_282 : vector<16xi32>
      %bitcast3A_284 = vector.bitcast %and3A_283 : vector<16xi32> to vector<16xf32>
      %add3A_285 = arith.addf %bitcast3A_254, %bitcast3A_254 : vector<16xf32>
      %add3A_286 = arith.addf %bitcast3A_269, %bitcast3A_269 : vector<16xf32>
      %add3A_287 = arith.addf %bitcast3A_284, %bitcast3A_284 : vector<16xf32>
      %mul3A_288 = arith.mulf %gather3A_237, %gather3A_237 : vector<16xf32>
      %mul3A_289 = arith.mulf %gather3A_238, %gather3A_238 : vector<16xf32>
      %add3A_290 = arith.addf %mul3A_288, %mul3A_289 : vector<16xf32>
      %mul3A_291 = arith.mulf %gather3A_239, %gather3A_239 : vector<16xf32>
      %add3A_292 = arith.addf %add3A_290, %mul3A_291 : vector<16xf32>
      %parallel_loop3A = arith.constant 0 : i32
      %parallel_loop3A_293 = arith.constant 128 : i32
      %parallel_loop3A_294 = arith.constant 1 : i32
      %parallel_loop3A_295 = arith.constant 0 : i32
      %parallel_loop3A_296 = scf.for %parallel_loop3A_717 = %parallel_loop3A to %parallel_loop3A_293 step %parallel_loop3A_294 iter_args(%parallel_loop3A_718 = %parallel_loop3A_295) -> (i32)  : i32 {
        %parallel_loop3A_719 = arith.constant 2 : i32
        %parallel_loop3A_720 = arith.muli %parallel_loop3A_719, %parallel_loop3A_717 : i32
        %parallel_loop3A_721 = arith.constant 0 : i32
        %parallel_loop3A_722 = arith.addi %parallel_loop3A_720, %parallel_loop3A_721 : i32
        %parallel_loop3A_723 = arith.constant 16 : i32
        %parallel_loop3A_724 = arith.muli %parallel_loop3A_722, %parallel_loop3A_723 : i32
        %parallel_loop3A_725 = arith.index_cast %parallel_loop3A_724 : i32 to index
        %parallel_loop3A_726 = tpu.vector_load %arg8[%parallel_loop3A_725] {strides = array<i32>} : memref<4096xf32, #tpu.memory_space<vmem>>, vector<16xf32>,
        %parallel_loop3A_727 = arith.index_cast %parallel_loop3A_724 : i32 to index
        %parallel_loop3A_728 = tpu.vector_load %arg9[%parallel_loop3A_727] {strides = array<i32>} : memref<4096xf32, #tpu.memory_space<vmem>>, vector<16xf32>,
        %parallel_loop3A_729 = arith.index_cast %parallel_loop3A_724 : i32 to index
        %parallel_loop3A_730 = tpu.vector_load %arg10[%parallel_loop3A_729] {strides = array<i32>} : memref<4096xf32, #tpu.memory_space<vmem>>, vector<16xf32>,
        %parallel_loop3A_731 = arith.index_cast %parallel_loop3A_724 : i32 to index
        %parallel_loop3A_732 = tpu.vector_load %arg11[%parallel_loop3A_731] {strides = array<i32>} : memref<4096xf32, #tpu.memory_space<vmem>>, vector<16xf32>,
        %parallel_loop3A_733 = arith.mulf %add3A_105, %parallel_loop3A_726 : vector<16xf32>
        %parallel_loop3A_734 = arith.mulf %add3A_106, %parallel_loop3A_728 : vector<16xf32>
        %parallel_loop3A_735 = arith.addf %parallel_loop3A_733, %parallel_loop3A_734 : vector<16xf32>
        %parallel_loop3A_736 = arith.mulf %add3A_107, %parallel_loop3A_730 : vector<16xf32>
        %parallel_loop3A_737 = arith.addf %parallel_loop3A_735, %parallel_loop3A_736 : vector<16xf32>
        %parallel_loop3A_738 = arith.subf %add3A_112, %parallel_loop3A_737 : vector<16xf32>
        %parallel_loop3A_739 = arith.addf %parallel_loop3A_738, %parallel_loop3A_732 : vector<16xf32>
        %parallel_loop3A_740 = arith.constant 0 : i32
        %parallel_loop3A_741 = arith.addi %parallel_loop3A_740, %parallel_loop3A_724 : i32
        %parallel_loop3A_742 = arith.index_cast %parallel_loop3A_741 : i32 to index
        %parallel_loop3A_743 = tpu.vector_load %arg14[%parallel_loop3A_742] {strides = array<i32>} : memref<16384xf32, #tpu.memory_space<vmem>>, vector<16xf32>,
        tpu.vector_store %arg14[%parallel_loop3A_742], %parallel_loop3A_739 {strides = array<i32>} : memref<16384xf32, #tpu.memory_space<vmem>>, vector<16xf32>,
        %parallel_loop3A_744 = vector.bitcast %parallel_loop3A_739 : vector<16xf32> to vector<16xi32>
        %parallel_loop3A_745 = arith.constant 19 : i32
        %parallel_loop3A_746 = vector.broadcast %parallel_loop3A_745 : i32 to vector<16xi32>
        %parallel_loop3A_747 = arith.shrsi %parallel_loop3A_744, %parallel_loop3A_746 : vector<16xi32>
        %parallel_loop3A_748 = arith.constant 1792 : i32
        %parallel_loop3A_749 = vector.broadcast %parallel_loop3A_748 : i32 to vector<16xi32>
        %parallel_loop3A_750 = arith.subi %parallel_loop3A_747, %parallel_loop3A_749 : vector<16xi32>
        %parallel_loop3A_751 = arith.constant 0 : i32
        %parallel_loop3A_752 = arith.constant 383 : i32
        %parallel_loop3A_753 = vector.broadcast %parallel_loop3A_751 : i32 to vector<16xi32>
        %parallel_loop3A_754 = arith.maxsi %parallel_loop3A_753, %parallel_loop3A_750 : vector<16xi32>
        %parallel_loop3A_755 = vector.broadcast %parallel_loop3A_752 : i32 to vector<16xi32>
        %parallel_loop3A_756 = arith.minsi %parallel_loop3A_755, %parallel_loop3A_754 : vector<16xi32>
        %parallel_loop3A_757 = arith.constant 0 : i32
        %parallel_loop3A_758 = vector.broadcast %parallel_loop3A_757 : i32 to vector<16xi32>
        %parallel_loop3A_759 = arith.addi %parallel_loop3A_758, %parallel_loop3A_756 : vector<16xi32>
        tpu.vector_store_idx %arg15[%parallel_loop3A_759], %broadcast_in_dim3A_17 {add = true} : memref<1536xi32, #tpu.memory_space<vmem>>[vector<16xi32>], vector<16xi32>,
        %parallel_loop3A_760 = arith.mulf %add3A_165, %parallel_loop3A_726 : vector<16xf32>
        %parallel_loop3A_761 = arith.mulf %add3A_166, %parallel_loop3A_728 : vector<16xf32>
        %parallel_loop3A_762 = arith.addf %parallel_loop3A_760, %parallel_loop3A_761 : vector<16xf32>
        %parallel_loop3A_763 = arith.mulf %add3A_167, %parallel_loop3A_730 : vector<16xf32>
        %parallel_loop3A_764 = arith.addf %parallel_loop3A_762, %parallel_loop3A_763 : vector<16xf32>
        %parallel_loop3A_765 = arith.subf %add3A_172, %parallel_loop3A_764 : vector<16xf32>
        %parallel_loop3A_766 = arith.addf %parallel_loop3A_765, %parallel_loop3A_732 : vector<16xf32>
        %parallel_loop3A_767 = arith.constant 4096 : i32
        %parallel_loop3A_768 = arith.addi %parallel_loop3A_767, %parallel_loop3A_724 : i32
        %parallel_loop3A_769 = arith.index_cast %parallel_loop3A_768 : i32 to index
        %parallel_loop3A_770 = tpu.vector_load %arg14[%parallel_loop3A_769] {strides = array<i32>} : memref<16384xf32, #tpu.memory_space<vmem>>, vector<16xf32>,
        tpu.vector_store %arg14[%parallel_loop3A_769], %parallel_loop3A_766 {strides = array<i32>} : memref<16384xf32, #tpu.memory_space<vmem>>, vector<16xf32>,
        %parallel_loop3A_771 = vector.bitcast %parallel_loop3A_766 : vector<16xf32> to vector<16xi32>
        %parallel_loop3A_772 = arith.constant 19 : i32
        %parallel_loop3A_773 = vector.broadcast %parallel_loop3A_772 : i32 to vector<16xi32>
        %parallel_loop3A_774 = arith.shrsi %parallel_loop3A_771, %parallel_loop3A_773 : vector<16xi32>
        %parallel_loop3A_775 = arith.constant 1792 : i32
        %parallel_loop3A_776 = vector.broadcast %parallel_loop3A_775 : i32 to vector<16xi32>
        %parallel_loop3A_777 = arith.subi %parallel_loop3A_774, %parallel_loop3A_776 : vector<16xi32>
        %parallel_loop3A_778 = arith.constant 0 : i32
        %parallel_loop3A_779 = arith.constant 383 : i32
        %parallel_loop3A_780 = vector.broadcast %parallel_loop3A_778 : i32 to vector<16xi32>
        %parallel_loop3A_781 = arith.maxsi %parallel_loop3A_780, %parallel_loop3A_777 : vector<16xi32>
        %parallel_loop3A_782 = vector.broadcast %parallel_loop3A_779 : i32 to vector<16xi32>
        %parallel_loop3A_783 = arith.minsi %parallel_loop3A_782, %parallel_loop3A_781 : vector<16xi32>
        %parallel_loop3A_784 = arith.constant 384 : i32
        %parallel_loop3A_785 = vector.broadcast %parallel_loop3A_784 : i32 to vector<16xi32>
        %parallel_loop3A_786 = arith.addi %parallel_loop3A_785, %parallel_loop3A_783 : vector<16xi32>
        tpu.vector_store_idx %arg15[%parallel_loop3A_786], %broadcast_in_dim3A_17 {add = true} : memref<1536xi32, #tpu.memory_space<vmem>>[vector<16xi32>], vector<16xi32>,
        %parallel_loop3A_787 = arith.mulf %add3A_225, %parallel_loop3A_726 : vector<16xf32>
        %parallel_loop3A_788 = arith.mulf %add3A_226, %parallel_loop3A_728 : vector<16xf32>
        %parallel_loop3A_789 = arith.addf %parallel_loop3A_787, %parallel_loop3A_788 : vector<16xf32>
        %parallel_loop3A_790 = arith.mulf %add3A_227, %parallel_loop3A_730 : vector<16xf32>
        %parallel_loop3A_791 = arith.addf %parallel_loop3A_789, %parallel_loop3A_790 : vector<16xf32>
        %parallel_loop3A_792 = arith.subf %add3A_232, %parallel_loop3A_791 : vector<16xf32>
        %parallel_loop3A_793 = arith.addf %parallel_loop3A_792, %parallel_loop3A_732 : vector<16xf32>
        %parallel_loop3A_794 = arith.constant 8192 : i32
        %parallel_loop3A_795 = arith.addi %parallel_loop3A_794, %parallel_loop3A_724 : i32
        %parallel_loop3A_796 = arith.index_cast %parallel_loop3A_795 : i32 to index
        %parallel_loop3A_797 = tpu.vector_load %arg14[%parallel_loop3A_796] {strides = array<i32>} : memref<16384xf32, #tpu.memory_space<vmem>>, vector<16xf32>,
        tpu.vector_store %arg14[%parallel_loop3A_796], %parallel_loop3A_793 {strides = array<i32>} : memref<16384xf32, #tpu.memory_space<vmem>>, vector<16xf32>,
        %parallel_loop3A_798 = vector.bitcast %parallel_loop3A_793 : vector<16xf32> to vector<16xi32>
        %parallel_loop3A_799 = arith.constant 19 : i32
        %parallel_loop3A_800 = vector.broadcast %parallel_loop3A_799 : i32 to vector<16xi32>
        %parallel_loop3A_801 = arith.shrsi %parallel_loop3A_798, %parallel_loop3A_800 : vector<16xi32>
        %parallel_loop3A_802 = arith.constant 1792 : i32
        %parallel_loop3A_803 = vector.broadcast %parallel_loop3A_802 : i32 to vector<16xi32>
        %parallel_loop3A_804 = arith.subi %parallel_loop3A_801, %parallel_loop3A_803 : vector<16xi32>
        %parallel_loop3A_805 = arith.constant 0 : i32
        %parallel_loop3A_806 = arith.constant 383 : i32
        %parallel_loop3A_807 = vector.broadcast %parallel_loop3A_805 : i32 to vector<16xi32>
        %parallel_loop3A_808 = arith.maxsi %parallel_loop3A_807, %parallel_loop3A_804 : vector<16xi32>
        %parallel_loop3A_809 = vector.broadcast %parallel_loop3A_806 : i32 to vector<16xi32>
        %parallel_loop3A_810 = arith.minsi %parallel_loop3A_809, %parallel_loop3A_808 : vector<16xi32>
        %parallel_loop3A_811 = arith.constant 768 : i32
        %parallel_loop3A_812 = vector.broadcast %parallel_loop3A_811 : i32 to vector<16xi32>
        %parallel_loop3A_813 = arith.addi %parallel_loop3A_812, %parallel_loop3A_810 : vector<16xi32>
        tpu.vector_store_idx %arg15[%parallel_loop3A_813], %broadcast_in_dim3A_17 {add = true} : memref<1536xi32, #tpu.memory_space<vmem>>[vector<16xi32>], vector<16xi32>,
        %parallel_loop3A_814 = arith.mulf %add3A_285, %parallel_loop3A_726 : vector<16xf32>
        %parallel_loop3A_815 = arith.mulf %add3A_286, %parallel_loop3A_728 : vector<16xf32>
        %parallel_loop3A_816 = arith.addf %parallel_loop3A_814, %parallel_loop3A_815 : vector<16xf32>
        %parallel_loop3A_817 = arith.mulf %add3A_287, %parallel_loop3A_730 : vector<16xf32>
        %parallel_loop3A_818 = arith.addf %parallel_loop3A_816, %parallel_loop3A_817 : vector<16xf32>
        %parallel_loop3A_819 = arith.subf %add3A_292, %parallel_loop3A_818 : vector<16xf32>
        %parallel_loop3A_820 = arith.addf %parallel_loop3A_819, %parallel_loop3A_732 : vector<16xf32>
        %parallel_loop3A_821 = arith.constant 12288 : i32
        %parallel_loop3A_822 = arith.addi %parallel_loop3A_821, %parallel_loop3A_724 : i32
        %parallel_loop3A_823 = arith.index_cast %parallel_loop3A_822 : i32 to index
        %parallel_loop3A_824 = tpu.vector_load %arg14[%parallel_loop3A_823] {strides = array<i32>} : memref<16384xf32, #tpu.memory_space<vmem>>, vector<16xf32>,
        tpu.vector_store %arg14[%parallel_loop3A_823], %parallel_loop3A_820 {strides = array<i32>} : memref<16384xf32, #tpu.memory_space<vmem>>, vector<16xf32>,
        %parallel_loop3A_825 = vector.bitcast %parallel_loop3A_820 : vector<16xf32> to vector<16xi32>
        %parallel_loop3A_826 = arith.constant 19 : i32
        %parallel_loop3A_827 = vector.broadcast %parallel_loop3A_826 : i32 to vector<16xi32>
        %parallel_loop3A_828 = arith.shrsi %parallel_loop3A_825, %parallel_loop3A_827 : vector<16xi32>
        %parallel_loop3A_829 = arith.constant 1792 : i32
        %parallel_loop3A_830 = vector.broadcast %parallel_loop3A_829 : i32 to vector<16xi32>
        %parallel_loop3A_831 = arith.subi %parallel_loop3A_828, %parallel_loop3A_830 : vector<16xi32>
        %parallel_loop3A_832 = arith.constant 0 : i32
        %parallel_loop3A_833 = arith.constant 383 : i32
        %parallel_loop3A_834 = vector.broadcast %parallel_loop3A_832 : i32 to vector<16xi32>
        %parallel_loop3A_835 = arith.maxsi %parallel_loop3A_834, %parallel_loop3A_831 : vector<16xi32>
        %parallel_loop3A_836 = vector.broadcast %parallel_loop3A_833 : i32 to vector<16xi32>
        %parallel_loop3A_837 = arith.minsi %parallel_loop3A_836, %parallel_loop3A_835 : vector<16xi32>
        %parallel_loop3A_838 = arith.constant 1152 : i32
        %parallel_loop3A_839 = vector.broadcast %parallel_loop3A_838 : i32 to vector<16xi32>
        %parallel_loop3A_840 = arith.addi %parallel_loop3A_839, %parallel_loop3A_837 : vector<16xi32>
        tpu.vector_store_idx %arg15[%parallel_loop3A_840], %broadcast_in_dim3A_17 {add = true} : memref<1536xi32, #tpu.memory_space<vmem>>[vector<16xi32>], vector<16xi32>,
        %parallel_loop3A_841 = arith.constant 2 : i32
        %parallel_loop3A_842 = arith.muli %parallel_loop3A_841, %parallel_loop3A_717 : i32
        %parallel_loop3A_843 = arith.constant 1 : i32
        %parallel_loop3A_844 = arith.addi %parallel_loop3A_842, %parallel_loop3A_843 : i32
        %parallel_loop3A_845 = arith.constant 16 : i32
        %parallel_loop3A_846 = arith.muli %parallel_loop3A_844, %parallel_loop3A_845 : i32
        %parallel_loop3A_847 = arith.index_cast %parallel_loop3A_846 : i32 to index
        %parallel_loop3A_848 = tpu.vector_load %arg8[%parallel_loop3A_847] {strides = array<i32>} : memref<4096xf32, #tpu.memory_space<vmem>>, vector<16xf32>,
        %parallel_loop3A_849 = arith.index_cast %parallel_loop3A_846 : i32 to index
        %parallel_loop3A_850 = tpu.vector_load %arg9[%parallel_loop3A_849] {strides = array<i32>} : memref<4096xf32, #tpu.memory_space<vmem>>, vector<16xf32>,
        %parallel_loop3A_851 = arith.index_cast %parallel_loop3A_846 : i32 to index
        %parallel_loop3A_852 = tpu.vector_load %arg10[%parallel_loop3A_851] {strides = array<i32>} : memref<4096xf32, #tpu.memory_space<vmem>>, vector<16xf32>,
        %parallel_loop3A_853 = arith.index_cast %parallel_loop3A_846 : i32 to index
        %parallel_loop3A_854 = tpu.vector_load %arg11[%parallel_loop3A_853] {strides = array<i32>} : memref<4096xf32, #tpu.memory_space<vmem>>, vector<16xf32>,
        %parallel_loop3A_855 = arith.mulf %add3A_105, %parallel_loop3A_848 : vector<16xf32>
        %parallel_loop3A_856 = arith.mulf %add3A_106, %parallel_loop3A_850 : vector<16xf32>
        %parallel_loop3A_857 = arith.addf %parallel_loop3A_855, %parallel_loop3A_856 : vector<16xf32>
        %parallel_loop3A_858 = arith.mulf %add3A_107, %parallel_loop3A_852 : vector<16xf32>
        %parallel_loop3A_859 = arith.addf %parallel_loop3A_857, %parallel_loop3A_858 : vector<16xf32>
        %parallel_loop3A_860 = arith.subf %add3A_112, %parallel_loop3A_859 : vector<16xf32>
        %parallel_loop3A_861 = arith.addf %parallel_loop3A_860, %parallel_loop3A_854 : vector<16xf32>
        %parallel_loop3A_862 = arith.constant 0 : i32
        %parallel_loop3A_863 = arith.addi %parallel_loop3A_862, %parallel_loop3A_846 : i32
        %parallel_loop3A_864 = arith.index_cast %parallel_loop3A_863 : i32 to index
        %parallel_loop3A_865 = tpu.vector_load %arg14[%parallel_loop3A_864] {strides = array<i32>} : memref<16384xf32, #tpu.memory_space<vmem>>, vector<16xf32>,
        tpu.vector_store %arg14[%parallel_loop3A_864], %parallel_loop3A_861 {strides = array<i32>} : memref<16384xf32, #tpu.memory_space<vmem>>, vector<16xf32>,
        %parallel_loop3A_866 = vector.bitcast %parallel_loop3A_861 : vector<16xf32> to vector<16xi32>
        %parallel_loop3A_867 = arith.constant 19 : i32
        %parallel_loop3A_868 = vector.broadcast %parallel_loop3A_867 : i32 to vector<16xi32>
        %parallel_loop3A_869 = arith.shrsi %parallel_loop3A_866, %parallel_loop3A_868 : vector<16xi32>
        %parallel_loop3A_870 = arith.constant 1792 : i32
        %parallel_loop3A_871 = vector.broadcast %parallel_loop3A_870 : i32 to vector<16xi32>
        %parallel_loop3A_872 = arith.subi %parallel_loop3A_869, %parallel_loop3A_871 : vector<16xi32>
        %parallel_loop3A_873 = arith.constant 0 : i32
        %parallel_loop3A_874 = arith.constant 383 : i32
        %parallel_loop3A_875 = vector.broadcast %parallel_loop3A_873 : i32 to vector<16xi32>
        %parallel_loop3A_876 = arith.maxsi %parallel_loop3A_875, %parallel_loop3A_872 : vector<16xi32>
        %parallel_loop3A_877 = vector.broadcast %parallel_loop3A_874 : i32 to vector<16xi32>
        %parallel_loop3A_878 = arith.minsi %parallel_loop3A_877, %parallel_loop3A_876 : vector<16xi32>
        %parallel_loop3A_879 = arith.constant 0 : i32
        %parallel_loop3A_880 = vector.broadcast %parallel_loop3A_879 : i32 to vector<16xi32>
        %parallel_loop3A_881 = arith.addi %parallel_loop3A_880, %parallel_loop3A_878 : vector<16xi32>
        tpu.vector_store_idx %arg15[%parallel_loop3A_881], %broadcast_in_dim3A_17 {add = true} : memref<1536xi32, #tpu.memory_space<vmem>>[vector<16xi32>], vector<16xi32>,
        %parallel_loop3A_882 = arith.mulf %add3A_165, %parallel_loop3A_848 : vector<16xf32>
        %parallel_loop3A_883 = arith.mulf %add3A_166, %parallel_loop3A_850 : vector<16xf32>
        %parallel_loop3A_884 = arith.addf %parallel_loop3A_882, %parallel_loop3A_883 : vector<16xf32>
        %parallel_loop3A_885 = arith.mulf %add3A_167, %parallel_loop3A_852 : vector<16xf32>
        %parallel_loop3A_886 = arith.addf %parallel_loop3A_884, %parallel_loop3A_885 : vector<16xf32>
        %parallel_loop3A_887 = arith.subf %add3A_172, %parallel_loop3A_886 : vector<16xf32>
        %parallel_loop3A_888 = arith.addf %parallel_loop3A_887, %parallel_loop3A_854 : vector<16xf32>
        %parallel_loop3A_889 = arith.constant 4096 : i32
        %parallel_loop3A_890 = arith.addi %parallel_loop3A_889, %parallel_loop3A_846 : i32
        %parallel_loop3A_891 = arith.index_cast %parallel_loop3A_890 : i32 to index
        %parallel_loop3A_892 = tpu.vector_load %arg14[%parallel_loop3A_891] {strides = array<i32>} : memref<16384xf32, #tpu.memory_space<vmem>>, vector<16xf32>,
        tpu.vector_store %arg14[%parallel_loop3A_891], %parallel_loop3A_888 {strides = array<i32>} : memref<16384xf32, #tpu.memory_space<vmem>>, vector<16xf32>,
        %parallel_loop3A_893 = vector.bitcast %parallel_loop3A_888 : vector<16xf32> to vector<16xi32>
        %parallel_loop3A_894 = arith.constant 19 : i32
        %parallel_loop3A_895 = vector.broadcast %parallel_loop3A_894 : i32 to vector<16xi32>
        %parallel_loop3A_896 = arith.shrsi %parallel_loop3A_893, %parallel_loop3A_895 : vector<16xi32>
        %parallel_loop3A_897 = arith.constant 1792 : i32
        %parallel_loop3A_898 = vector.broadcast %parallel_loop3A_897 : i32 to vector<16xi32>
        %parallel_loop3A_899 = arith.subi %parallel_loop3A_896, %parallel_loop3A_898 : vector<16xi32>
        %parallel_loop3A_900 = arith.constant 0 : i32
        %parallel_loop3A_901 = arith.constant 383 : i32
        %parallel_loop3A_902 = vector.broadcast %parallel_loop3A_900 : i32 to vector<16xi32>
        %parallel_loop3A_903 = arith.maxsi %parallel_loop3A_902, %parallel_loop3A_899 : vector<16xi32>
        %parallel_loop3A_904 = vector.broadcast %parallel_loop3A_901 : i32 to vector<16xi32>
        %parallel_loop3A_905 = arith.minsi %parallel_loop3A_904, %parallel_loop3A_903 : vector<16xi32>
        %parallel_loop3A_906 = arith.constant 384 : i32
        %parallel_loop3A_907 = vector.broadcast %parallel_loop3A_906 : i32 to vector<16xi32>
        %parallel_loop3A_908 = arith.addi %parallel_loop3A_907, %parallel_loop3A_905 : vector<16xi32>
        tpu.vector_store_idx %arg15[%parallel_loop3A_908], %broadcast_in_dim3A_17 {add = true} : memref<1536xi32, #tpu.memory_space<vmem>>[vector<16xi32>], vector<16xi32>,
        %parallel_loop3A_909 = arith.mulf %add3A_225, %parallel_loop3A_848 : vector<16xf32>
        %parallel_loop3A_910 = arith.mulf %add3A_226, %parallel_loop3A_850 : vector<16xf32>
        %parallel_loop3A_911 = arith.addf %parallel_loop3A_909, %parallel_loop3A_910 : vector<16xf32>
        %parallel_loop3A_912 = arith.mulf %add3A_227, %parallel_loop3A_852 : vector<16xf32>
        %parallel_loop3A_913 = arith.addf %parallel_loop3A_911, %parallel_loop3A_912 : vector<16xf32>
        %parallel_loop3A_914 = arith.subf %add3A_232, %parallel_loop3A_913 : vector<16xf32>
        %parallel_loop3A_915 = arith.addf %parallel_loop3A_914, %parallel_loop3A_854 : vector<16xf32>
        %parallel_loop3A_916 = arith.constant 8192 : i32
        %parallel_loop3A_917 = arith.addi %parallel_loop3A_916, %parallel_loop3A_846 : i32
        %parallel_loop3A_918 = arith.index_cast %parallel_loop3A_917 : i32 to index
        %parallel_loop3A_919 = tpu.vector_load %arg14[%parallel_loop3A_918] {strides = array<i32>} : memref<16384xf32, #tpu.memory_space<vmem>>, vector<16xf32>,
        tpu.vector_store %arg14[%parallel_loop3A_918], %parallel_loop3A_915 {strides = array<i32>} : memref<16384xf32, #tpu.memory_space<vmem>>, vector<16xf32>,
        %parallel_loop3A_920 = vector.bitcast %parallel_loop3A_915 : vector<16xf32> to vector<16xi32>
        %parallel_loop3A_921 = arith.constant 19 : i32
        %parallel_loop3A_922 = vector.broadcast %parallel_loop3A_921 : i32 to vector<16xi32>
        %parallel_loop3A_923 = arith.shrsi %parallel_loop3A_920, %parallel_loop3A_922 : vector<16xi32>
        %parallel_loop3A_924 = arith.constant 1792 : i32
        %parallel_loop3A_925 = vector.broadcast %parallel_loop3A_924 : i32 to vector<16xi32>
        %parallel_loop3A_926 = arith.subi %parallel_loop3A_923, %parallel_loop3A_925 : vector<16xi32>
        %parallel_loop3A_927 = arith.constant 0 : i32
        %parallel_loop3A_928 = arith.constant 383 : i32
        %parallel_loop3A_929 = vector.broadcast %parallel_loop3A_927 : i32 to vector<16xi32>
        %parallel_loop3A_930 = arith.maxsi %parallel_loop3A_929, %parallel_loop3A_926 : vector<16xi32>
        %parallel_loop3A_931 = vector.broadcast %parallel_loop3A_928 : i32 to vector<16xi32>
        %parallel_loop3A_932 = arith.minsi %parallel_loop3A_931, %parallel_loop3A_930 : vector<16xi32>
        %parallel_loop3A_933 = arith.constant 768 : i32
        %parallel_loop3A_934 = vector.broadcast %parallel_loop3A_933 : i32 to vector<16xi32>
        %parallel_loop3A_935 = arith.addi %parallel_loop3A_934, %parallel_loop3A_932 : vector<16xi32>
        tpu.vector_store_idx %arg15[%parallel_loop3A_935], %broadcast_in_dim3A_17 {add = true} : memref<1536xi32, #tpu.memory_space<vmem>>[vector<16xi32>], vector<16xi32>,
        %parallel_loop3A_936 = arith.mulf %add3A_285, %parallel_loop3A_848 : vector<16xf32>
        %parallel_loop3A_937 = arith.mulf %add3A_286, %parallel_loop3A_850 : vector<16xf32>
        %parallel_loop3A_938 = arith.addf %parallel_loop3A_936, %parallel_loop3A_937 : vector<16xf32>
        %parallel_loop3A_939 = arith.mulf %add3A_287, %parallel_loop3A_852 : vector<16xf32>
        %parallel_loop3A_940 = arith.addf %parallel_loop3A_938, %parallel_loop3A_939 : vector<16xf32>
        %parallel_loop3A_941 = arith.subf %add3A_292, %parallel_loop3A_940 : vector<16xf32>
        %parallel_loop3A_942 = arith.addf %parallel_loop3A_941, %parallel_loop3A_854 : vector<16xf32>
        %parallel_loop3A_943 = arith.constant 12288 : i32
        %parallel_loop3A_944 = arith.addi %parallel_loop3A_943, %parallel_loop3A_846 : i32
        %parallel_loop3A_945 = arith.index_cast %parallel_loop3A_944 : i32 to index
        %parallel_loop3A_946 = tpu.vector_load %arg14[%parallel_loop3A_945] {strides = array<i32>} : memref<16384xf32, #tpu.memory_space<vmem>>, vector<16xf32>,
        tpu.vector_store %arg14[%parallel_loop3A_945], %parallel_loop3A_942 {strides = array<i32>} : memref<16384xf32, #tpu.memory_space<vmem>>, vector<16xf32>,
        %parallel_loop3A_947 = vector.bitcast %parallel_loop3A_942 : vector<16xf32> to vector<16xi32>
        %parallel_loop3A_948 = arith.constant 19 : i32
        %parallel_loop3A_949 = vector.broadcast %parallel_loop3A_948 : i32 to vector<16xi32>
        %parallel_loop3A_950 = arith.shrsi %parallel_loop3A_947, %parallel_loop3A_949 : vector<16xi32>
        %parallel_loop3A_951 = arith.constant 1792 : i32
        %parallel_loop3A_952 = vector.broadcast %parallel_loop3A_951 : i32 to vector<16xi32>
        %parallel_loop3A_953 = arith.subi %parallel_loop3A_950, %parallel_loop3A_952 : vector<16xi32>
        %parallel_loop3A_954 = arith.constant 0 : i32
        %parallel_loop3A_955 = arith.constant 383 : i32
        %parallel_loop3A_956 = vector.broadcast %parallel_loop3A_954 : i32 to vector<16xi32>
        %parallel_loop3A_957 = arith.maxsi %parallel_loop3A_956, %parallel_loop3A_953 : vector<16xi32>
        %parallel_loop3A_958 = vector.broadcast %parallel_loop3A_955 : i32 to vector<16xi32>
        %parallel_loop3A_959 = arith.minsi %parallel_loop3A_958, %parallel_loop3A_957 : vector<16xi32>
        %parallel_loop3A_960 = arith.constant 1152 : i32
        %parallel_loop3A_961 = vector.broadcast %parallel_loop3A_960 : i32 to vector<16xi32>
        %parallel_loop3A_962 = arith.addi %parallel_loop3A_961, %parallel_loop3A_959 : vector<16xi32>
        tpu.vector_store_idx %arg15[%parallel_loop3A_962], %broadcast_in_dim3A_17 {add = true} : memref<1536xi32, #tpu.memory_space<vmem>>[vector<16xi32>], vector<16xi32>,
        scf.yield %parallel_loop3A_717 : i32
      } {sc.loop_unroll_factor = 1 : i64, sc.parallel_access}
      %scan3A_297 = arith.constant 0 : i32
      %scan3A_298 = arith.constant 383 : i32
      %scan3A_299 = arith.constant false
      %scan3A_300 = arith.constant 0 : i32
      %scan3A_301 = arith.constant 24 : i32
      %scan3A_302 = arith.addi %scan3A_300, %scan3A_301 : i32
      %scan3A_303 = arith.constant 1 : i32
      %scan3A_304:3 = scf.for %scan3A_717 = %scan3A_300 to %scan3A_302 step %scan3A_303 iter_args(%scan3A_718 = %scan3A_297, %scan3A_719 = %scan3A_298, %scan3A_720 = %scan3A_299) -> (i32, i32, i1)  : i32 {
        %mul3A_721 = arith.constant 16 : i32
        %mul3A_722 = arith.muli %scan3A_717, %mul3A_721 : i32
        %add3A_723 = arith.constant 0 : i32
        %add3A_724 = arith.addi %add3A_723, %mul3A_722 : i32
        %get3A = arith.index_cast %add3A_724 : i32 to index
        %get3A_725 = tpu.vector_load %arg15[%get3A] {strides = array<i32>} : memref<1536xi32, #tpu.memory_space<vmem>>, vector<16xi32>,
        %mul3A_726 = arith.constant 16 : i32
        %mul3A_727 = arith.muli %scan3A_717, %mul3A_726 : i32
        %add3A_728 = arith.constant 0 : i32
        %add3A_729 = arith.addi %add3A_728, %mul3A_727 : i32
        %swap3A = arith.index_cast %add3A_729 : i32 to index
        %swap3A_730 = tpu.vector_load %arg15[%swap3A] {strides = array<i32>} : memref<1536xi32, #tpu.memory_space<vmem>>, vector<16xi32>,
        tpu.vector_store %arg15[%swap3A], %broadcast_in_dim3A_21 {strides = array<i32>} : memref<1536xi32, #tpu.memory_space<vmem>>, vector<16xi32>,
        %broadcast_in_dim3A_731 = arith.constant true
        %broadcast_in_dim3A_732 = vector.broadcast %broadcast_in_dim3A_731 : i1 to vector<16xi1>
        %masked_cumsum3A = tpu.scan <sum>, %get3A_725 masked %broadcast_in_dim3A_732 : vector<16xi32>, vector<16xi1> -> vector<16xi32>
        %add3A_733 = vector.broadcast %scan3A_718 : i32 to vector<16xi32>
        %add3A_734 = arith.addi %masked_cumsum3A, %add3A_733 : vector<16xi32>
        %ge3A = arith.constant 32 : i32
        %ge3A_735 = vector.broadcast %ge3A : i32 to vector<16xi32>
        %ge3A_736 = arith.cmpi sge, %add3A_734, %ge3A_735 : vector<16xi32>
        %jit3A = arith.constant 16 : i32
        %broadcast_in_dim3A_737 = vector.broadcast %jit3A : i32 to vector<16xi32>
        %select_n3A = arith.select %ge3A_736, %iota3A, %broadcast_in_dim3A_737 : vector<16xi1>, vector<16xi32>
        %reduce_min3A = arith.constant true
        %reduce_min3A_738 = vector.broadcast %reduce_min3A : i1 to vector<16xi1>
        %reduce_min3A_739 = arith.constant -2147483648 : i32
        %reduce_min3A_740 = vector.broadcast %reduce_min3A_739 : i32 to vector<16xi32>
        %reduce_min3A_741 = arith.xori %select_n3A, %reduce_min3A_740 : vector<16xi32>
        %reduce_min3A_742 = tpu.scan <min>, %reduce_min3A_741 masked %reduce_min3A_738 : vector<16xi32>, vector<16xi1> -> vector<16xi32>
        %reduce_min3A_743 = arith.xori %reduce_min3A_742, %reduce_min3A_740 : vector<16xi32>
        %reduce_min3A_744 = vector.extract %reduce_min3A_743[15] : i32 from vector<16xi32>
        %lt3A = arith.constant 16 : i32
        %lt3A_745 = arith.cmpi slt, %reduce_min3A_744, %lt3A : i32
        %not3A = arith.constant true
        %not3A_746 = arith.xori %scan3A_720, %not3A : i1
        %and3A_747 = arith.andi %lt3A_745, %not3A_746 : i1
        %mul3A_748 = arith.constant 16 : i32
        %mul3A_749 = arith.muli %scan3A_717, %mul3A_748 : i32
        %add3A_750 = arith.addi %mul3A_749, %reduce_min3A_744 : i32
        %select_n3A_751 = arith.select %and3A_747, %add3A_750, %scan3A_719 : i32
        %or3A = arith.ori %scan3A_720, %lt3A_745 : i1
        %reduce_sum3A = arith.constant true
        %reduce_sum3A_752 = vector.broadcast %reduce_sum3A : i1 to vector<16xi1>
        %reduce_sum3A_753 = tpu.scan <sum>, %get3A_725 masked %reduce_sum3A_752 : vector<16xi32>, vector<16xi1> -> vector<16xi32>
        %reduce_sum3A_754 = vector.extract %reduce_sum3A_753[15] : i32 from vector<16xi32>
        %add3A_755 = arith.addi %scan3A_718, %reduce_sum3A_754 : i32
        scf.yield %add3A_755, %select_n3A_751, %or3A : i32, i32, i1
      }
      %scan3A_305 = arith.constant 24 : i32
      %add3A_306 = arith.constant 1793 : i32
      %add3A_307 = arith.addi %scan3A_304#1, %add3A_306 : i32
      %shift_left3A = arith.constant 19 : i32
      %shift_left3A_308 = arith.shli %add3A_307, %shift_left3A : i32
      %broadcast_in_dim3A_309 = vector.broadcast %shift_left3A_308 : i32 to vector<16xi32>
      %bitcast3A_310 = vector.bitcast %broadcast_in_dim3A_309 : vector<16xi32> to vector<16xf32>
      %scan3A_311 = arith.constant 0 : i32
      %scan3A_312 = arith.constant 0 : i32
      %scan3A_313 = arith.constant 16 : i32
      %scan3A_314 = arith.addi %scan3A_312, %scan3A_313 : i32
      %scan3A_315 = arith.constant 1 : i32
      %scan3A_316 = scf.for %scan3A_717 = %scan3A_312 to %scan3A_314 step %scan3A_315 iter_args(%scan3A_718 = %scan3A_311) -> (i32)  : i32 {
        %mul3A_719 = arith.constant 16 : i32
        %mul3A_720 = arith.muli %scan3A_717, %mul3A_719 : i32
        %swap3A = arith.index_cast %mul3A_720 : i32 to index
        %swap3A_721 = tpu.vector_load %arg16[%swap3A] {strides = array<i32>} : memref<256xf32, #tpu.memory_space<vmem>>, vector<16xf32>,
        tpu.vector_store %arg16[%swap3A], %broadcast_in_dim3A_19 {strides = array<i32>} : memref<256xf32, #tpu.memory_space<vmem>>, vector<16xf32>,
        %scan3A_722 = arith.constant 0 : i32
        scf.yield %scan3A_722 : i32
      }
      %scan3A_317 = arith.constant 16 : i32
      %broadcast_in_dim3A_318 = arith.constant 0 : i32
      %broadcast_in_dim3A_319 = vector.broadcast %broadcast_in_dim3A_318 : i32 to vector<16xi32>
      %parallel_loop3A_320 = arith.constant 0 : i32
      %parallel_loop3A_321 = arith.constant 64 : i32
      %parallel_loop3A_322 = arith.constant 1 : i32
      %parallel_loop3A_323 = scf.for %parallel_loop3A_717 = %parallel_loop3A_320 to %parallel_loop3A_321 step %parallel_loop3A_322 iter_args(%parallel_loop3A_718 = %broadcast_in_dim3A_319) -> (vector<16xi32>)  : i32 {
        %parallel_loop3A_719 = arith.constant 4 : i32
        %parallel_loop3A_720 = arith.muli %parallel_loop3A_719, %parallel_loop3A_717 : i32
        %parallel_loop3A_721 = arith.constant 0 : i32
        %parallel_loop3A_722 = arith.addi %parallel_loop3A_720, %parallel_loop3A_721 : i32
        %parallel_loop3A_723 = arith.constant 16 : i32
        %parallel_loop3A_724 = arith.muli %parallel_loop3A_722, %parallel_loop3A_723 : i32
        %parallel_loop3A_725 = arith.constant 0 : i32
        %parallel_loop3A_726 = arith.addi %parallel_loop3A_725, %parallel_loop3A_724 : i32
        %parallel_loop3A_727 = arith.index_cast %parallel_loop3A_726 : i32 to index
        %parallel_loop3A_728 = tpu.vector_load %arg14[%parallel_loop3A_727] {strides = array<i32>} : memref<16384xf32, #tpu.memory_space<vmem>>, vector<16xf32>,
        %parallel_loop3A_729 = arith.cmpf olt, %parallel_loop3A_728, %bitcast3A_310 : vector<16xf32>
        %parallel_loop3A_730 = arith.constant 4 : i32
        %parallel_loop3A_731 = vector.broadcast %parallel_loop3A_730 : i32 to vector<16xi32>
        %parallel_loop3A_732 = arith.shli %parallel_loop3A_718, %parallel_loop3A_731 : vector<16xi32>
        %parallel_loop3A_733 = arith.addi %parallel_loop3A_732, %iota3A : vector<16xi32>
        %parallel_loop3A_734 = arith.constant 255 : i32
        %parallel_loop3A_735 = vector.broadcast %parallel_loop3A_734 : i32 to vector<16xi32>
        %parallel_loop3A_736 = arith.minsi %parallel_loop3A_733, %parallel_loop3A_735 : vector<16xi32>
        tpu.vector_store_idx %arg16[%parallel_loop3A_736], %parallel_loop3A_728 masked %parallel_loop3A_729 : memref<256xf32, #tpu.memory_space<vmem>>[vector<16xi32>], vector<16xf32>, vector<16xi1>
        %parallel_loop3A_737 = vector.broadcast %parallel_loop3A_724 : i32 to vector<16xi32>
        %parallel_loop3A_738 = arith.addi %parallel_loop3A_737, %iota3A : vector<16xi32>
        tpu.vector_store_idx %arg17[%parallel_loop3A_736], %parallel_loop3A_738 masked %parallel_loop3A_729 : memref<256xi32, #tpu.memory_space<vmem>>[vector<16xi32>], vector<16xi32>, vector<16xi1>
        %parallel_loop3A_739 = arith.extui %parallel_loop3A_729 : vector<16xi1> to vector<16xi32>
        %parallel_loop3A_740 = arith.addi %parallel_loop3A_718, %parallel_loop3A_739 : vector<16xi32>
        %parallel_loop3A_741 = arith.constant 4 : i32
        %parallel_loop3A_742 = arith.muli %parallel_loop3A_741, %parallel_loop3A_717 : i32
        %parallel_loop3A_743 = arith.constant 1 : i32
        %parallel_loop3A_744 = arith.addi %parallel_loop3A_742, %parallel_loop3A_743 : i32
        %parallel_loop3A_745 = arith.constant 16 : i32
        %parallel_loop3A_746 = arith.muli %parallel_loop3A_744, %parallel_loop3A_745 : i32
        %parallel_loop3A_747 = arith.constant 0 : i32
        %parallel_loop3A_748 = arith.addi %parallel_loop3A_747, %parallel_loop3A_746 : i32
        %parallel_loop3A_749 = arith.index_cast %parallel_loop3A_748 : i32 to index
        %parallel_loop3A_750 = tpu.vector_load %arg14[%parallel_loop3A_749] {strides = array<i32>} : memref<16384xf32, #tpu.memory_space<vmem>>, vector<16xf32>,
        %parallel_loop3A_751 = arith.cmpf olt, %parallel_loop3A_750, %bitcast3A_310 : vector<16xf32>
        %parallel_loop3A_752 = arith.constant 4 : i32
        %parallel_loop3A_753 = vector.broadcast %parallel_loop3A_752 : i32 to vector<16xi32>
        %parallel_loop3A_754 = arith.shli %parallel_loop3A_740, %parallel_loop3A_753 : vector<16xi32>
        %parallel_loop3A_755 = arith.addi %parallel_loop3A_754, %iota3A : vector<16xi32>
        %parallel_loop3A_756 = arith.constant 255 : i32
        %parallel_loop3A_757 = vector.broadcast %parallel_loop3A_756 : i32 to vector<16xi32>
        %parallel_loop3A_758 = arith.minsi %parallel_loop3A_755, %parallel_loop3A_757 : vector<16xi32>
        tpu.vector_store_idx %arg16[%parallel_loop3A_758], %parallel_loop3A_750 masked %parallel_loop3A_751 : memref<256xf32, #tpu.memory_space<vmem>>[vector<16xi32>], vector<16xf32>, vector<16xi1>
        %parallel_loop3A_759 = vector.broadcast %parallel_loop3A_746 : i32 to vector<16xi32>
        %parallel_loop3A_760 = arith.addi %parallel_loop3A_759, %iota3A : vector<16xi32>
        tpu.vector_store_idx %arg17[%parallel_loop3A_758], %parallel_loop3A_760 masked %parallel_loop3A_751 : memref<256xi32, #tpu.memory_space<vmem>>[vector<16xi32>], vector<16xi32>, vector<16xi1>
        %parallel_loop3A_761 = arith.extui %parallel_loop3A_751 : vector<16xi1> to vector<16xi32>
        %parallel_loop3A_762 = arith.addi %parallel_loop3A_740, %parallel_loop3A_761 : vector<16xi32>
        %parallel_loop3A_763 = arith.constant 4 : i32
        %parallel_loop3A_764 = arith.muli %parallel_loop3A_763, %parallel_loop3A_717 : i32
        %parallel_loop3A_765 = arith.constant 2 : i32
        %parallel_loop3A_766 = arith.addi %parallel_loop3A_764, %parallel_loop3A_765 : i32
        %parallel_loop3A_767 = arith.constant 16 : i32
        %parallel_loop3A_768 = arith.muli %parallel_loop3A_766, %parallel_loop3A_767 : i32
        %parallel_loop3A_769 = arith.constant 0 : i32
        %parallel_loop3A_770 = arith.addi %parallel_loop3A_769, %parallel_loop3A_768 : i32
        %parallel_loop3A_771 = arith.index_cast %parallel_loop3A_770 : i32 to index
        %parallel_loop3A_772 = tpu.vector_load %arg14[%parallel_loop3A_771] {strides = array<i32>} : memref<16384xf32, #tpu.memory_space<vmem>>, vector<16xf32>,
        %parallel_loop3A_773 = arith.cmpf olt, %parallel_loop3A_772, %bitcast3A_310 : vector<16xf32>
        %parallel_loop3A_774 = arith.constant 4 : i32
        %parallel_loop3A_775 = vector.broadcast %parallel_loop3A_774 : i32 to vector<16xi32>
        %parallel_loop3A_776 = arith.shli %parallel_loop3A_762, %parallel_loop3A_775 : vector<16xi32>
        %parallel_loop3A_777 = arith.addi %parallel_loop3A_776, %iota3A : vector<16xi32>
        %parallel_loop3A_778 = arith.constant 255 : i32
        %parallel_loop3A_779 = vector.broadcast %parallel_loop3A_778 : i32 to vector<16xi32>
        %parallel_loop3A_780 = arith.minsi %parallel_loop3A_777, %parallel_loop3A_779 : vector<16xi32>
        tpu.vector_store_idx %arg16[%parallel_loop3A_780], %parallel_loop3A_772 masked %parallel_loop3A_773 : memref<256xf32, #tpu.memory_space<vmem>>[vector<16xi32>], vector<16xf32>, vector<16xi1>
        %parallel_loop3A_781 = vector.broadcast %parallel_loop3A_768 : i32 to vector<16xi32>
        %parallel_loop3A_782 = arith.addi %parallel_loop3A_781, %iota3A : vector<16xi32>
        tpu.vector_store_idx %arg17[%parallel_loop3A_780], %parallel_loop3A_782 masked %parallel_loop3A_773 : memref<256xi32, #tpu.memory_space<vmem>>[vector<16xi32>], vector<16xi32>, vector<16xi1>
        %parallel_loop3A_783 = arith.extui %parallel_loop3A_773 : vector<16xi1> to vector<16xi32>
        %parallel_loop3A_784 = arith.addi %parallel_loop3A_762, %parallel_loop3A_783 : vector<16xi32>
        %parallel_loop3A_785 = arith.constant 4 : i32
        %parallel_loop3A_786 = arith.muli %parallel_loop3A_785, %parallel_loop3A_717 : i32
        %parallel_loop3A_787 = arith.constant 3 : i32
        %parallel_loop3A_788 = arith.addi %parallel_loop3A_786, %parallel_loop3A_787 : i32
        %parallel_loop3A_789 = arith.constant 16 : i32
        %parallel_loop3A_790 = arith.muli %parallel_loop3A_788, %parallel_loop3A_789 : i32
        %parallel_loop3A_791 = arith.constant 0 : i32
        %parallel_loop3A_792 = arith.addi %parallel_loop3A_791, %parallel_loop3A_790 : i32
        %parallel_loop3A_793 = arith.index_cast %parallel_loop3A_792 : i32 to index
        %parallel_loop3A_794 = tpu.vector_load %arg14[%parallel_loop3A_793] {strides = array<i32>} : memref<16384xf32, #tpu.memory_space<vmem>>, vector<16xf32>,
        %parallel_loop3A_795 = arith.cmpf olt, %parallel_loop3A_794, %bitcast3A_310 : vector<16xf32>
        %parallel_loop3A_796 = arith.constant 4 : i32
        %parallel_loop3A_797 = vector.broadcast %parallel_loop3A_796 : i32 to vector<16xi32>
        %parallel_loop3A_798 = arith.shli %parallel_loop3A_784, %parallel_loop3A_797 : vector<16xi32>
        %parallel_loop3A_799 = arith.addi %parallel_loop3A_798, %iota3A : vector<16xi32>
        %parallel_loop3A_800 = arith.constant 255 : i32
        %parallel_loop3A_801 = vector.broadcast %parallel_loop3A_800 : i32 to vector<16xi32>
        %parallel_loop3A_802 = arith.minsi %parallel_loop3A_799, %parallel_loop3A_801 : vector<16xi32>
        tpu.vector_store_idx %arg16[%parallel_loop3A_802], %parallel_loop3A_794 masked %parallel_loop3A_795 : memref<256xf32, #tpu.memory_space<vmem>>[vector<16xi32>], vector<16xf32>, vector<16xi1>
        %parallel_loop3A_803 = vector.broadcast %parallel_loop3A_790 : i32 to vector<16xi32>
        %parallel_loop3A_804 = arith.addi %parallel_loop3A_803, %iota3A : vector<16xi32>
        tpu.vector_store_idx %arg17[%parallel_loop3A_802], %parallel_loop3A_804 masked %parallel_loop3A_795 : memref<256xi32, #tpu.memory_space<vmem>>[vector<16xi32>], vector<16xi32>, vector<16xi1>
        %parallel_loop3A_805 = arith.extui %parallel_loop3A_795 : vector<16xi1> to vector<16xi32>
        %parallel_loop3A_806 = arith.addi %parallel_loop3A_784, %parallel_loop3A_805 : vector<16xi32>
        scf.yield %parallel_loop3A_806 : vector<16xi32>
      } {sc.loop_unroll_factor = 1 : i64, sc.parallel_access}
      %reduce_max3A = arith.constant true
      %reduce_max3A_324 = vector.broadcast %reduce_max3A : i1 to vector<16xi1>
      %reduce_max3A_325 = arith.constant -2147483648 : i32
      %reduce_max3A_326 = vector.broadcast %reduce_max3A_325 : i32 to vector<16xi32>
      %reduce_max3A_327 = arith.xori %parallel_loop3A_323, %reduce_max3A_326 : vector<16xi32>
      %reduce_max3A_328 = tpu.scan <max>, %reduce_max3A_327 masked %reduce_max3A_324 : vector<16xi32>, vector<16xi1> -> vector<16xi32>
      %reduce_max3A_329 = arith.xori %reduce_max3A_328, %reduce_max3A_326 : vector<16xi32>
      %reduce_max3A_330 = vector.extract %reduce_max3A_329[15] : i32 from vector<16xi32>
      %min3A = arith.constant 16 : i32
      %min3A_331 = arith.minsi %reduce_max3A_330, %min3A : i32
      %while3A = arith.constant 0 : i32
      %while3A_332 = arith.subi %min3A_331, %while3A : i32
      %while3A_333 = arith.addi %while3A, %while3A_332 : i32
      %while3A_334 = arith.constant 1 : i32
      %while3A_335 = arith.divsi %while3A_332, %while3A_334 : i32
      %while3A_336 = arith.muli %while3A_335, %while3A_334 : i32
      %while3A_337 = arith.addi %while3A, %while3A_336 : i32
      %while3A_338 = arith.constant 1 : i32
      %while3A_339:4 = scf.for %while3A_717 = %while3A to %while3A_337 step %while3A_338 iter_args(%while3A_718 = %broadcast_in_dim3A_19, %while3A_719 = %broadcast_in_dim3A_21, %while3A_720 = %broadcast_in_dim3A_19, %while3A_721 = %broadcast_in_dim3A_21) -> (vector<16xf32>, vector<16xi32>, vector<16xf32>, vector<16xi32>)  : i32 {
        %mul3A_722 = arith.constant 16 : i32
        %mul3A_723 = arith.muli %while3A_717, %mul3A_722 : i32
        %get3A = arith.index_cast %mul3A_723 : i32 to index
        %get3A_724 = tpu.vector_load %arg16[%get3A] {strides = array<i32>} : memref<256xf32, #tpu.memory_space<vmem>>, vector<16xf32>,
        %mul3A_725 = arith.constant 16 : i32
        %mul3A_726 = arith.muli %while3A_717, %mul3A_725 : i32
        %get3A_727 = arith.index_cast %mul3A_726 : i32 to index
        %get3A_728 = tpu.vector_load %arg17[%get3A_727] {strides = array<i32>} : memref<256xi32, #tpu.memory_space<vmem>>, vector<16xi32>,
        %masked_sort3A = arith.constant dense<true> : vector<16xi1>
        %masked_sort3A_729, %masked_sort3A_730, %masked_sort3A_731 = tpu.sort %get3A_724, %get3A_728 masked %masked_sort3A : (vector<16xf32>, vector<16xi32>, vector<16xi1>) -> (vector<16xi1>, vector<16xf32>, vector<16xi32>)
        %rev3A = arith.constant 15 : i32
        %rev3A_732 = vector.broadcast %rev3A : i32 to vector<16xi32>
        %rev3A_733 = tpu.iota {dimensions = array<i32: 0>} : vector<16xi32>
        %rev3A_734 = arith.subi %rev3A_732, %rev3A_733 : vector<16xi32>
        %rev3A_735 = tpu.dynamic_gather %masked_sort3A_730[%rev3A_734] in [0] : vector<16xf32>, vector<16xi32> -> vector<16xf32>
        %rev3A_736 = arith.constant 15 : i32
        %rev3A_737 = vector.broadcast %rev3A_736 : i32 to vector<16xi32>
        %rev3A_738 = tpu.iota {dimensions = array<i32: 0>} : vector<16xi32>
        %rev3A_739 = arith.subi %rev3A_737, %rev3A_738 : vector<16xi32>
        %rev3A_740 = tpu.dynamic_gather %masked_sort3A_731[%rev3A_739] in [0] : vector<16xi32>, vector<16xi32> -> vector<16xi32>
        %le3A = arith.cmpf ole, %while3A_720, %rev3A_735 : vector<16xf32>
        %select_n3A = arith.select %le3A, %while3A_720, %rev3A_735 : vector<16xi1>, vector<16xf32>
        %select_n3A_741 = arith.select %le3A, %while3A_721, %rev3A_740 : vector<16xi1>, vector<16xi32>
        %masked_sort3A_742 = arith.constant dense<true> : vector<16xi1>
        %masked_sort3A_743, %masked_sort3A_744, %masked_sort3A_745 = tpu.sort %select_n3A, %select_n3A_741 masked %masked_sort3A_742 : (vector<16xf32>, vector<16xi32>, vector<16xi1>) -> (vector<16xi1>, vector<16xf32>, vector<16xi32>)
        %rev3A_746 = arith.constant 15 : i32
        %rev3A_747 = vector.broadcast %rev3A_746 : i32 to vector<16xi32>
        %rev3A_748 = tpu.iota {dimensions = array<i32: 0>} : vector<16xi32>
        %rev3A_749 = arith.subi %rev3A_747, %rev3A_748 : vector<16xi32>
        %rev3A_750 = tpu.dynamic_gather %masked_sort3A_744[%rev3A_749] in [0] : vector<16xf32>, vector<16xi32> -> vector<16xf32>
        %rev3A_751 = arith.constant 15 : i32
        %rev3A_752 = vector.broadcast %rev3A_751 : i32 to vector<16xi32>
        %rev3A_753 = tpu.iota {dimensions = array<i32: 0>} : vector<16xi32>
        %rev3A_754 = arith.subi %rev3A_752, %rev3A_753 : vector<16xi32>
        %rev3A_755 = tpu.dynamic_gather %masked_sort3A_745[%rev3A_754] in [0] : vector<16xi32>, vector<16xi32> -> vector<16xi32>
        %le3A_756 = arith.cmpf ole, %while3A_718, %rev3A_750 : vector<16xf32>
        %select_n3A_757 = arith.select %le3A_756, %while3A_718, %rev3A_750 : vector<16xi1>, vector<16xf32>
        %select_n3A_758 = arith.select %le3A_756, %while3A_719, %rev3A_755 : vector<16xi1>, vector<16xi32>
        %select_n3A_759 = arith.select %le3A_756, %rev3A_750, %while3A_718 : vector<16xi1>, vector<16xf32>
        %select_n3A_760 = arith.select %le3A_756, %rev3A_755, %while3A_719 : vector<16xi1>, vector<16xi32>
        %masked_sort3A_761 = arith.constant dense<true> : vector<16xi1>
        %masked_sort3A_762, %masked_sort3A_763, %masked_sort3A_764 = tpu.sort %select_n3A_757, %select_n3A_758 masked %masked_sort3A_761 : (vector<16xf32>, vector<16xi32>, vector<16xi1>) -> (vector<16xi1>, vector<16xf32>, vector<16xi32>)
        %masked_sort3A_765 = arith.constant dense<true> : vector<16xi1>
        %masked_sort3A_766, %masked_sort3A_767, %masked_sort3A_768 = tpu.sort %select_n3A_759, %select_n3A_760 masked %masked_sort3A_765 : (vector<16xf32>, vector<16xi32>, vector<16xi1>) -> (vector<16xi1>, vector<16xf32>, vector<16xi32>)
        scf.yield %masked_sort3A_763, %masked_sort3A_764, %masked_sort3A_767, %masked_sort3A_768 : vector<16xf32>, vector<16xi32>, vector<16xf32>, vector<16xi32>
      }
      %while3A_340 = arith.constant 1 : i32
      %while3A_341:4 = scf.for %while3A_717 = %while3A_337 to %while3A_333 step %while3A_340 iter_args(%while3A_718 = %while3A_339#0, %while3A_719 = %while3A_339#1, %while3A_720 = %while3A_339#2, %while3A_721 = %while3A_339#3) -> (vector<16xf32>, vector<16xi32>, vector<16xf32>, vector<16xi32>)  : i32 {
        %mul3A_722 = arith.constant 16 : i32
        %mul3A_723 = arith.muli %while3A_717, %mul3A_722 : i32
        %get3A = arith.index_cast %mul3A_723 : i32 to index
        %get3A_724 = tpu.vector_load %arg16[%get3A] {strides = array<i32>} : memref<256xf32, #tpu.memory_space<vmem>>, vector<16xf32>,
        %mul3A_725 = arith.constant 16 : i32
        %mul3A_726 = arith.muli %while3A_717, %mul3A_725 : i32
        %get3A_727 = arith.index_cast %mul3A_726 : i32 to index
        %get3A_728 = tpu.vector_load %arg17[%get3A_727] {strides = array<i32>} : memref<256xi32, #tpu.memory_space<vmem>>, vector<16xi32>,
        %masked_sort3A = arith.constant dense<true> : vector<16xi1>
        %masked_sort3A_729, %masked_sort3A_730, %masked_sort3A_731 = tpu.sort %get3A_724, %get3A_728 masked %masked_sort3A : (vector<16xf32>, vector<16xi32>, vector<16xi1>) -> (vector<16xi1>, vector<16xf32>, vector<16xi32>)
        %rev3A = arith.constant 15 : i32
        %rev3A_732 = vector.broadcast %rev3A : i32 to vector<16xi32>
        %rev3A_733 = tpu.iota {dimensions = array<i32: 0>} : vector<16xi32>
        %rev3A_734 = arith.subi %rev3A_732, %rev3A_733 : vector<16xi32>
        %rev3A_735 = tpu.dynamic_gather %masked_sort3A_730[%rev3A_734] in [0] : vector<16xf32>, vector<16xi32> -> vector<16xf32>
        %rev3A_736 = arith.constant 15 : i32
        %rev3A_737 = vector.broadcast %rev3A_736 : i32 to vector<16xi32>
        %rev3A_738 = tpu.iota {dimensions = array<i32: 0>} : vector<16xi32>
        %rev3A_739 = arith.subi %rev3A_737, %rev3A_738 : vector<16xi32>
        %rev3A_740 = tpu.dynamic_gather %masked_sort3A_731[%rev3A_739] in [0] : vector<16xi32>, vector<16xi32> -> vector<16xi32>
        %le3A = arith.cmpf ole, %while3A_720, %rev3A_735 : vector<16xf32>
        %select_n3A = arith.select %le3A, %while3A_720, %rev3A_735 : vector<16xi1>, vector<16xf32>
        %select_n3A_741 = arith.select %le3A, %while3A_721, %rev3A_740 : vector<16xi1>, vector<16xi32>
        %masked_sort3A_742 = arith.constant dense<true> : vector<16xi1>
        %masked_sort3A_743, %masked_sort3A_744, %masked_sort3A_745 = tpu.sort %select_n3A, %select_n3A_741 masked %masked_sort3A_742 : (vector<16xf32>, vector<16xi32>, vector<16xi1>) -> (vector<16xi1>, vector<16xf32>, vector<16xi32>)
        %rev3A_746 = arith.constant 15 : i32
        %rev3A_747 = vector.broadcast %rev3A_746 : i32 to vector<16xi32>
        %rev3A_748 = tpu.iota {dimensions = array<i32: 0>} : vector<16xi32>
        %rev3A_749 = arith.subi %rev3A_747, %rev3A_748 : vector<16xi32>
        %rev3A_750 = tpu.dynamic_gather %masked_sort3A_744[%rev3A_749] in [0] : vector<16xf32>, vector<16xi32> -> vector<16xf32>
        %rev3A_751 = arith.constant 15 : i32
        %rev3A_752 = vector.broadcast %rev3A_751 : i32 to vector<16xi32>
        %rev3A_753 = tpu.iota {dimensions = array<i32: 0>} : vector<16xi32>
        %rev3A_754 = arith.subi %rev3A_752, %rev3A_753 : vector<16xi32>
        %rev3A_755 = tpu.dynamic_gather %masked_sort3A_745[%rev3A_754] in [0] : vector<16xi32>, vector<16xi32> -> vector<16xi32>
        %le3A_756 = arith.cmpf ole, %while3A_718, %rev3A_750 : vector<16xf32>
        %select_n3A_757 = arith.select %le3A_756, %while3A_718, %rev3A_750 : vector<16xi1>, vector<16xf32>
        %select_n3A_758 = arith.select %le3A_756, %while3A_719, %rev3A_755 : vector<16xi1>, vector<16xi32>
        %select_n3A_759 = arith.select %le3A_756, %rev3A_750, %while3A_718 : vector<16xi1>, vector<16xf32>
        %select_n3A_760 = arith.select %le3A_756, %rev3A_755, %while3A_719 : vector<16xi1>, vector<16xi32>
        %masked_sort3A_761 = arith.constant dense<true> : vector<16xi1>
        %masked_sort3A_762, %masked_sort3A_763, %masked_sort3A_764 = tpu.sort %select_n3A_757, %select_n3A_758 masked %masked_sort3A_761 : (vector<16xf32>, vector<16xi32>, vector<16xi1>) -> (vector<16xi1>, vector<16xf32>, vector<16xi32>)
        %masked_sort3A_765 = arith.constant dense<true> : vector<16xi1>
        %masked_sort3A_766, %masked_sort3A_767, %masked_sort3A_768 = tpu.sort %select_n3A_759, %select_n3A_760 masked %masked_sort3A_765 : (vector<16xf32>, vector<16xi32>, vector<16xi1>) -> (vector<16xi1>, vector<16xf32>, vector<16xi32>)
        scf.yield %masked_sort3A_763, %masked_sort3A_764, %masked_sort3A_767, %masked_sort3A_768 : vector<16xf32>, vector<16xi32>, vector<16xf32>, vector<16xi32>
      }
      %add3A_342 = arith.constant 0 : i32
      %add3A_343 = arith.addi %mul3A_56, %add3A_342 : i32
      %broadcast_in_dim3A_344 = vector.broadcast %add3A_343 : i32 to vector<16xi32>
      %gather3A_345 = tpu.vector_load_idx %arg13[%broadcast_in_dim3A_344] : memref<256xi32, #tpu.memory_space<vmem>>[vector<16xi32>], vector<16xi32>,
      %gather3A_346 = tpu.vector_load_idx %arg5[%gather3A_345] : memref<4096xf32, #tpu.memory_space<vmem>>[vector<16xi32>], vector<16xf32>,
      %gather3A_347 = tpu.vector_load_idx %arg6[%gather3A_345] : memref<4096xf32, #tpu.memory_space<vmem>>[vector<16xi32>], vector<16xf32>,
      %gather3A_348 = tpu.vector_load_idx %arg7[%gather3A_345] : memref<4096xf32, #tpu.memory_space<vmem>>[vector<16xi32>], vector<16xf32>,
      %gather3A_349 = tpu.vector_load_idx %arg5[%while3A_341#1] : memref<4096xf32, #tpu.memory_space<vmem>>[vector<16xi32>], vector<16xf32>,
      %sub3A = arith.subf %gather3A_349, %gather3A_346 : vector<16xf32>
      %gather3A_350 = tpu.vector_load_idx %arg6[%while3A_341#1] : memref<4096xf32, #tpu.memory_space<vmem>>[vector<16xi32>], vector<16xf32>,
      %sub3A_351 = arith.subf %gather3A_350, %gather3A_347 : vector<16xf32>
      %gather3A_352 = tpu.vector_load_idx %arg7[%while3A_341#1] : memref<4096xf32, #tpu.memory_space<vmem>>[vector<16xi32>], vector<16xf32>,
      %sub3A_353 = arith.subf %gather3A_352, %gather3A_348 : vector<16xf32>
      %add3A_354 = arith.constant 0 : i32
      %add3A_355 = arith.addi %mul3A_56, %add3A_354 : i32
      %broadcast_in_dim3A_356 = vector.broadcast %add3A_355 : i32 to vector<16xi32>
      %mul3A_357 = arith.constant 32 : i32
      %mul3A_358 = vector.broadcast %mul3A_357 : i32 to vector<16xi32>
      %mul3A_359 = arith.muli %mul3A_358, %broadcast_in_dim3A_356 : vector<16xi32>
      %add3A_360 = arith.constant 0 : i32
      %add3A_361 = vector.broadcast %add3A_360 : i32 to vector<16xi32>
      %add3A_362 = arith.addi %mul3A_359, %add3A_361 : vector<16xi32>
      %add3A_363 = arith.addi %add3A_362, %iota3A : vector<16xi32>
      %mul3A_364 = arith.constant 3 : i32
      %mul3A_365 = vector.broadcast %mul3A_364 : i32 to vector<16xi32>
      %mul3A_366 = arith.muli %mul3A_365, %add3A_363 : vector<16xi32>
      tpu.vector_store_idx %arg18[%mul3A_366], %sub3A : memref<24576xf32, #tpu.memory_space<vmem>>[vector<16xi32>], vector<16xf32>,
      %add3A_367 = arith.constant 1 : i32
      %add3A_368 = vector.broadcast %add3A_367 : i32 to vector<16xi32>
      %add3A_369 = arith.addi %mul3A_366, %add3A_368 : vector<16xi32>
      tpu.vector_store_idx %arg18[%add3A_369], %sub3A_351 : memref<24576xf32, #tpu.memory_space<vmem>>[vector<16xi32>], vector<16xf32>,
      %add3A_370 = arith.constant 2 : i32
      %add3A_371 = vector.broadcast %add3A_370 : i32 to vector<16xi32>
      %add3A_372 = arith.addi %mul3A_366, %add3A_371 : vector<16xi32>
      tpu.vector_store_idx %arg18[%add3A_372], %sub3A_353 : memref<24576xf32, #tpu.memory_space<vmem>>[vector<16xi32>], vector<16xf32>,
      %gather3A_373 = tpu.vector_load_idx %arg5[%while3A_341#3] : memref<4096xf32, #tpu.memory_space<vmem>>[vector<16xi32>], vector<16xf32>,
      %sub3A_374 = arith.subf %gather3A_373, %gather3A_346 : vector<16xf32>
      %gather3A_375 = tpu.vector_load_idx %arg6[%while3A_341#3] : memref<4096xf32, #tpu.memory_space<vmem>>[vector<16xi32>], vector<16xf32>,
      %sub3A_376 = arith.subf %gather3A_375, %gather3A_347 : vector<16xf32>
      %gather3A_377 = tpu.vector_load_idx %arg7[%while3A_341#3] : memref<4096xf32, #tpu.memory_space<vmem>>[vector<16xi32>], vector<16xf32>,
      %sub3A_378 = arith.subf %gather3A_377, %gather3A_348 : vector<16xf32>
      %add3A_379 = arith.constant 0 : i32
      %add3A_380 = arith.addi %mul3A_56, %add3A_379 : i32
      %broadcast_in_dim3A_381 = vector.broadcast %add3A_380 : i32 to vector<16xi32>
      %mul3A_382 = arith.constant 32 : i32
      %mul3A_383 = vector.broadcast %mul3A_382 : i32 to vector<16xi32>
      %mul3A_384 = arith.muli %mul3A_383, %broadcast_in_dim3A_381 : vector<16xi32>
      %add3A_385 = arith.constant 16 : i32
      %add3A_386 = vector.broadcast %add3A_385 : i32 to vector<16xi32>
      %add3A_387 = arith.addi %mul3A_384, %add3A_386 : vector<16xi32>
      %add3A_388 = arith.addi %add3A_387, %iota3A : vector<16xi32>
      %mul3A_389 = arith.constant 3 : i32
      %mul3A_390 = vector.broadcast %mul3A_389 : i32 to vector<16xi32>
      %mul3A_391 = arith.muli %mul3A_390, %add3A_388 : vector<16xi32>
      tpu.vector_store_idx %arg18[%mul3A_391], %sub3A_374 : memref<24576xf32, #tpu.memory_space<vmem>>[vector<16xi32>], vector<16xf32>,
      %add3A_392 = arith.constant 1 : i32
      %add3A_393 = vector.broadcast %add3A_392 : i32 to vector<16xi32>
      %add3A_394 = arith.addi %mul3A_391, %add3A_393 : vector<16xi32>
      tpu.vector_store_idx %arg18[%add3A_394], %sub3A_376 : memref<24576xf32, #tpu.memory_space<vmem>>[vector<16xi32>], vector<16xf32>,
      %add3A_395 = arith.constant 2 : i32
      %add3A_396 = vector.broadcast %add3A_395 : i32 to vector<16xi32>
      %add3A_397 = arith.addi %mul3A_391, %add3A_396 : vector<16xi32>
      tpu.vector_store_idx %arg18[%add3A_397], %sub3A_378 : memref<24576xf32, #tpu.memory_space<vmem>>[vector<16xi32>], vector<16xf32>,
      %scan3A_398 = arith.constant 0 : i32
      %scan3A_399 = arith.constant 383 : i32
      %scan3A_400 = arith.constant false
      %scan3A_401 = arith.constant 0 : i32
      %scan3A_402 = arith.constant 24 : i32
      %scan3A_403 = arith.addi %scan3A_401, %scan3A_402 : i32
      %scan3A_404 = arith.constant 1 : i32
      %scan3A_405:3 = scf.for %scan3A_717 = %scan3A_401 to %scan3A_403 step %scan3A_404 iter_args(%scan3A_718 = %scan3A_398, %scan3A_719 = %scan3A_399, %scan3A_720 = %scan3A_400) -> (i32, i32, i1)  : i32 {
        %mul3A_721 = arith.constant 16 : i32
        %mul3A_722 = arith.muli %scan3A_717, %mul3A_721 : i32
        %add3A_723 = arith.constant 384 : i32
        %add3A_724 = arith.addi %add3A_723, %mul3A_722 : i32
        %get3A = arith.index_cast %add3A_724 : i32 to index
        %get3A_725 = tpu.vector_load %arg15[%get3A] {strides = array<i32>} : memref<1536xi32, #tpu.memory_space<vmem>>, vector<16xi32>,
        %mul3A_726 = arith.constant 16 : i32
        %mul3A_727 = arith.muli %scan3A_717, %mul3A_726 : i32
        %add3A_728 = arith.constant 384 : i32
        %add3A_729 = arith.addi %add3A_728, %mul3A_727 : i32
        %swap3A = arith.index_cast %add3A_729 : i32 to index
        %swap3A_730 = tpu.vector_load %arg15[%swap3A] {strides = array<i32>} : memref<1536xi32, #tpu.memory_space<vmem>>, vector<16xi32>,
        tpu.vector_store %arg15[%swap3A], %broadcast_in_dim3A_21 {strides = array<i32>} : memref<1536xi32, #tpu.memory_space<vmem>>, vector<16xi32>,
        %broadcast_in_dim3A_731 = arith.constant true
        %broadcast_in_dim3A_732 = vector.broadcast %broadcast_in_dim3A_731 : i1 to vector<16xi1>
        %masked_cumsum3A = tpu.scan <sum>, %get3A_725 masked %broadcast_in_dim3A_732 : vector<16xi32>, vector<16xi1> -> vector<16xi32>
        %add3A_733 = vector.broadcast %scan3A_718 : i32 to vector<16xi32>
        %add3A_734 = arith.addi %masked_cumsum3A, %add3A_733 : vector<16xi32>
        %ge3A = arith.constant 32 : i32
        %ge3A_735 = vector.broadcast %ge3A : i32 to vector<16xi32>
        %ge3A_736 = arith.cmpi sge, %add3A_734, %ge3A_735 : vector<16xi32>
        %jit3A = arith.constant 16 : i32
        %broadcast_in_dim3A_737 = vector.broadcast %jit3A : i32 to vector<16xi32>
        %select_n3A = arith.select %ge3A_736, %iota3A, %broadcast_in_dim3A_737 : vector<16xi1>, vector<16xi32>
        %reduce_min3A = arith.constant true
        %reduce_min3A_738 = vector.broadcast %reduce_min3A : i1 to vector<16xi1>
        %reduce_min3A_739 = arith.constant -2147483648 : i32
        %reduce_min3A_740 = vector.broadcast %reduce_min3A_739 : i32 to vector<16xi32>
        %reduce_min3A_741 = arith.xori %select_n3A, %reduce_min3A_740 : vector<16xi32>
        %reduce_min3A_742 = tpu.scan <min>, %reduce_min3A_741 masked %reduce_min3A_738 : vector<16xi32>, vector<16xi1> -> vector<16xi32>
        %reduce_min3A_743 = arith.xori %reduce_min3A_742, %reduce_min3A_740 : vector<16xi32>
        %reduce_min3A_744 = vector.extract %reduce_min3A_743[15] : i32 from vector<16xi32>
        %lt3A = arith.constant 16 : i32
        %lt3A_745 = arith.cmpi slt, %reduce_min3A_744, %lt3A : i32
        %not3A = arith.constant true
        %not3A_746 = arith.xori %scan3A_720, %not3A : i1
        %and3A_747 = arith.andi %lt3A_745, %not3A_746 : i1
        %mul3A_748 = arith.constant 16 : i32
        %mul3A_749 = arith.muli %scan3A_717, %mul3A_748 : i32
        %add3A_750 = arith.addi %mul3A_749, %reduce_min3A_744 : i32
        %select_n3A_751 = arith.select %and3A_747, %add3A_750, %scan3A_719 : i32
        %or3A = arith.ori %scan3A_720, %lt3A_745 : i1
        %reduce_sum3A = arith.constant true
        %reduce_sum3A_752 = vector.broadcast %reduce_sum3A : i1 to vector<16xi1>
        %reduce_sum3A_753 = tpu.scan <sum>, %get3A_725 masked %reduce_sum3A_752 : vector<16xi32>, vector<16xi1> -> vector<16xi32>
        %reduce_sum3A_754 = vector.extract %reduce_sum3A_753[15] : i32 from vector<16xi32>
        %add3A_755 = arith.addi %scan3A_718, %reduce_sum3A_754 : i32
        scf.yield %add3A_755, %select_n3A_751, %or3A : i32, i32, i1
      }
      %scan3A_406 = arith.constant 24 : i32
      %add3A_407 = arith.constant 1793 : i32
      %add3A_408 = arith.addi %scan3A_405#1, %add3A_407 : i32
      %shift_left3A_409 = arith.constant 19 : i32
      %shift_left3A_410 = arith.shli %add3A_408, %shift_left3A_409 : i32
      %broadcast_in_dim3A_411 = vector.broadcast %shift_left3A_410 : i32 to vector<16xi32>
      %bitcast3A_412 = vector.bitcast %broadcast_in_dim3A_411 : vector<16xi32> to vector<16xf32>
      %scan3A_413 = arith.constant 0 : i32
      %scan3A_414 = arith.constant 0 : i32
      %scan3A_415 = arith.constant 16 : i32
      %scan3A_416 = arith.addi %scan3A_414, %scan3A_415 : i32
      %scan3A_417 = arith.constant 1 : i32
      %scan3A_418 = scf.for %scan3A_717 = %scan3A_414 to %scan3A_416 step %scan3A_417 iter_args(%scan3A_718 = %scan3A_413) -> (i32)  : i32 {
        %mul3A_719 = arith.constant 16 : i32
        %mul3A_720 = arith.muli %scan3A_717, %mul3A_719 : i32
        %swap3A = arith.index_cast %mul3A_720 : i32 to index
        %swap3A_721 = tpu.vector_load %arg16[%swap3A] {strides = array<i32>} : memref<256xf32, #tpu.memory_space<vmem>>, vector<16xf32>,
        tpu.vector_store %arg16[%swap3A], %broadcast_in_dim3A_19 {strides = array<i32>} : memref<256xf32, #tpu.memory_space<vmem>>, vector<16xf32>,
        %scan3A_722 = arith.constant 0 : i32
        scf.yield %scan3A_722 : i32
      }
      %scan3A_419 = arith.constant 16 : i32
      %broadcast_in_dim3A_420 = arith.constant 0 : i32
      %broadcast_in_dim3A_421 = vector.broadcast %broadcast_in_dim3A_420 : i32 to vector<16xi32>
      %parallel_loop3A_422 = arith.constant 0 : i32
      %parallel_loop3A_423 = arith.constant 64 : i32
      %parallel_loop3A_424 = arith.constant 1 : i32
      %parallel_loop3A_425 = scf.for %parallel_loop3A_717 = %parallel_loop3A_422 to %parallel_loop3A_423 step %parallel_loop3A_424 iter_args(%parallel_loop3A_718 = %broadcast_in_dim3A_421) -> (vector<16xi32>)  : i32 {
        %parallel_loop3A_719 = arith.constant 4 : i32
        %parallel_loop3A_720 = arith.muli %parallel_loop3A_719, %parallel_loop3A_717 : i32
        %parallel_loop3A_721 = arith.constant 0 : i32
        %parallel_loop3A_722 = arith.addi %parallel_loop3A_720, %parallel_loop3A_721 : i32
        %parallel_loop3A_723 = arith.constant 16 : i32
        %parallel_loop3A_724 = arith.muli %parallel_loop3A_722, %parallel_loop3A_723 : i32
        %parallel_loop3A_725 = arith.constant 4096 : i32
        %parallel_loop3A_726 = arith.addi %parallel_loop3A_725, %parallel_loop3A_724 : i32
        %parallel_loop3A_727 = arith.index_cast %parallel_loop3A_726 : i32 to index
        %parallel_loop3A_728 = tpu.vector_load %arg14[%parallel_loop3A_727] {strides = array<i32>} : memref<16384xf32, #tpu.memory_space<vmem>>, vector<16xf32>,
        %parallel_loop3A_729 = arith.cmpf olt, %parallel_loop3A_728, %bitcast3A_412 : vector<16xf32>
        %parallel_loop3A_730 = arith.constant 4 : i32
        %parallel_loop3A_731 = vector.broadcast %parallel_loop3A_730 : i32 to vector<16xi32>
        %parallel_loop3A_732 = arith.shli %parallel_loop3A_718, %parallel_loop3A_731 : vector<16xi32>
        %parallel_loop3A_733 = arith.addi %parallel_loop3A_732, %iota3A : vector<16xi32>
        %parallel_loop3A_734 = arith.constant 255 : i32
        %parallel_loop3A_735 = vector.broadcast %parallel_loop3A_734 : i32 to vector<16xi32>
        %parallel_loop3A_736 = arith.minsi %parallel_loop3A_733, %parallel_loop3A_735 : vector<16xi32>
        tpu.vector_store_idx %arg16[%parallel_loop3A_736], %parallel_loop3A_728 masked %parallel_loop3A_729 : memref<256xf32, #tpu.memory_space<vmem>>[vector<16xi32>], vector<16xf32>, vector<16xi1>
        %parallel_loop3A_737 = vector.broadcast %parallel_loop3A_724 : i32 to vector<16xi32>
        %parallel_loop3A_738 = arith.addi %parallel_loop3A_737, %iota3A : vector<16xi32>
        tpu.vector_store_idx %arg17[%parallel_loop3A_736], %parallel_loop3A_738 masked %parallel_loop3A_729 : memref<256xi32, #tpu.memory_space<vmem>>[vector<16xi32>], vector<16xi32>, vector<16xi1>
        %parallel_loop3A_739 = arith.extui %parallel_loop3A_729 : vector<16xi1> to vector<16xi32>
        %parallel_loop3A_740 = arith.addi %parallel_loop3A_718, %parallel_loop3A_739 : vector<16xi32>
        %parallel_loop3A_741 = arith.constant 4 : i32
        %parallel_loop3A_742 = arith.muli %parallel_loop3A_741, %parallel_loop3A_717 : i32
        %parallel_loop3A_743 = arith.constant 1 : i32
        %parallel_loop3A_744 = arith.addi %parallel_loop3A_742, %parallel_loop3A_743 : i32
        %parallel_loop3A_745 = arith.constant 16 : i32
        %parallel_loop3A_746 = arith.muli %parallel_loop3A_744, %parallel_loop3A_745 : i32
        %parallel_loop3A_747 = arith.constant 4096 : i32
        %parallel_loop3A_748 = arith.addi %parallel_loop3A_747, %parallel_loop3A_746 : i32
        %parallel_loop3A_749 = arith.index_cast %parallel_loop3A_748 : i32 to index
        %parallel_loop3A_750 = tpu.vector_load %arg14[%parallel_loop3A_749] {strides = array<i32>} : memref<16384xf32, #tpu.memory_space<vmem>>, vector<16xf32>,
        %parallel_loop3A_751 = arith.cmpf olt, %parallel_loop3A_750, %bitcast3A_412 : vector<16xf32>
        %parallel_loop3A_752 = arith.constant 4 : i32
        %parallel_loop3A_753 = vector.broadcast %parallel_loop3A_752 : i32 to vector<16xi32>
        %parallel_loop3A_754 = arith.shli %parallel_loop3A_740, %parallel_loop3A_753 : vector<16xi32>
        %parallel_loop3A_755 = arith.addi %parallel_loop3A_754, %iota3A : vector<16xi32>
        %parallel_loop3A_756 = arith.constant 255 : i32
        %parallel_loop3A_757 = vector.broadcast %parallel_loop3A_756 : i32 to vector<16xi32>
        %parallel_loop3A_758 = arith.minsi %parallel_loop3A_755, %parallel_loop3A_757 : vector<16xi32>
        tpu.vector_store_idx %arg16[%parallel_loop3A_758], %parallel_loop3A_750 masked %parallel_loop3A_751 : memref<256xf32, #tpu.memory_space<vmem>>[vector<16xi32>], vector<16xf32>, vector<16xi1>
        %parallel_loop3A_759 = vector.broadcast %parallel_loop3A_746 : i32 to vector<16xi32>
        %parallel_loop3A_760 = arith.addi %parallel_loop3A_759, %iota3A : vector<16xi32>
        tpu.vector_store_idx %arg17[%parallel_loop3A_758], %parallel_loop3A_760 masked %parallel_loop3A_751 : memref<256xi32, #tpu.memory_space<vmem>>[vector<16xi32>], vector<16xi32>, vector<16xi1>
        %parallel_loop3A_761 = arith.extui %parallel_loop3A_751 : vector<16xi1> to vector<16xi32>
        %parallel_loop3A_762 = arith.addi %parallel_loop3A_740, %parallel_loop3A_761 : vector<16xi32>
        %parallel_loop3A_763 = arith.constant 4 : i32
        %parallel_loop3A_764 = arith.muli %parallel_loop3A_763, %parallel_loop3A_717 : i32
        %parallel_loop3A_765 = arith.constant 2 : i32
        %parallel_loop3A_766 = arith.addi %parallel_loop3A_764, %parallel_loop3A_765 : i32
        %parallel_loop3A_767 = arith.constant 16 : i32
        %parallel_loop3A_768 = arith.muli %parallel_loop3A_766, %parallel_loop3A_767 : i32
        %parallel_loop3A_769 = arith.constant 4096 : i32
        %parallel_loop3A_770 = arith.addi %parallel_loop3A_769, %parallel_loop3A_768 : i32
        %parallel_loop3A_771 = arith.index_cast %parallel_loop3A_770 : i32 to index
        %parallel_loop3A_772 = tpu.vector_load %arg14[%parallel_loop3A_771] {strides = array<i32>} : memref<16384xf32, #tpu.memory_space<vmem>>, vector<16xf32>,
        %parallel_loop3A_773 = arith.cmpf olt, %parallel_loop3A_772, %bitcast3A_412 : vector<16xf32>
        %parallel_loop3A_774 = arith.constant 4 : i32
        %parallel_loop3A_775 = vector.broadcast %parallel_loop3A_774 : i32 to vector<16xi32>
        %parallel_loop3A_776 = arith.shli %parallel_loop3A_762, %parallel_loop3A_775 : vector<16xi32>
        %parallel_loop3A_777 = arith.addi %parallel_loop3A_776, %iota3A : vector<16xi32>
        %parallel_loop3A_778 = arith.constant 255 : i32
        %parallel_loop3A_779 = vector.broadcast %parallel_loop3A_778 : i32 to vector<16xi32>
        %parallel_loop3A_780 = arith.minsi %parallel_loop3A_777, %parallel_loop3A_779 : vector<16xi32>
        tpu.vector_store_idx %arg16[%parallel_loop3A_780], %parallel_loop3A_772 masked %parallel_loop3A_773 : memref<256xf32, #tpu.memory_space<vmem>>[vector<16xi32>], vector<16xf32>, vector<16xi1>
        %parallel_loop3A_781 = vector.broadcast %parallel_loop3A_768 : i32 to vector<16xi32>
        %parallel_loop3A_782 = arith.addi %parallel_loop3A_781, %iota3A : vector<16xi32>
        tpu.vector_store_idx %arg17[%parallel_loop3A_780], %parallel_loop3A_782 masked %parallel_loop3A_773 : memref<256xi32, #tpu.memory_space<vmem>>[vector<16xi32>], vector<16xi32>, vector<16xi1>
        %parallel_loop3A_783 = arith.extui %parallel_loop3A_773 : vector<16xi1> to vector<16xi32>
        %parallel_loop3A_784 = arith.addi %parallel_loop3A_762, %parallel_loop3A_783 : vector<16xi32>
        %parallel_loop3A_785 = arith.constant 4 : i32
        %parallel_loop3A_786 = arith.muli %parallel_loop3A_785, %parallel_loop3A_717 : i32
        %parallel_loop3A_787 = arith.constant 3 : i32
        %parallel_loop3A_788 = arith.addi %parallel_loop3A_786, %parallel_loop3A_787 : i32
        %parallel_loop3A_789 = arith.constant 16 : i32
        %parallel_loop3A_790 = arith.muli %parallel_loop3A_788, %parallel_loop3A_789 : i32
        %parallel_loop3A_791 = arith.constant 4096 : i32
        %parallel_loop3A_792 = arith.addi %parallel_loop3A_791, %parallel_loop3A_790 : i32
        %parallel_loop3A_793 = arith.index_cast %parallel_loop3A_792 : i32 to index
        %parallel_loop3A_794 = tpu.vector_load %arg14[%parallel_loop3A_793] {strides = array<i32>} : memref<16384xf32, #tpu.memory_space<vmem>>, vector<16xf32>,
        %parallel_loop3A_795 = arith.cmpf olt, %parallel_loop3A_794, %bitcast3A_412 : vector<16xf32>
        %parallel_loop3A_796 = arith.constant 4 : i32
        %parallel_loop3A_797 = vector.broadcast %parallel_loop3A_796 : i32 to vector<16xi32>
        %parallel_loop3A_798 = arith.shli %parallel_loop3A_784, %parallel_loop3A_797 : vector<16xi32>
        %parallel_loop3A_799 = arith.addi %parallel_loop3A_798, %iota3A : vector<16xi32>
        %parallel_loop3A_800 = arith.constant 255 : i32
        %parallel_loop3A_801 = vector.broadcast %parallel_loop3A_800 : i32 to vector<16xi32>
        %parallel_loop3A_802 = arith.minsi %parallel_loop3A_799, %parallel_loop3A_801 : vector<16xi32>
        tpu.vector_store_idx %arg16[%parallel_loop3A_802], %parallel_loop3A_794 masked %parallel_loop3A_795 : memref<256xf32, #tpu.memory_space<vmem>>[vector<16xi32>], vector<16xf32>, vector<16xi1>
        %parallel_loop3A_803 = vector.broadcast %parallel_loop3A_790 : i32 to vector<16xi32>
        %parallel_loop3A_804 = arith.addi %parallel_loop3A_803, %iota3A : vector<16xi32>
        tpu.vector_store_idx %arg17[%parallel_loop3A_802], %parallel_loop3A_804 masked %parallel_loop3A_795 : memref<256xi32, #tpu.memory_space<vmem>>[vector<16xi32>], vector<16xi32>, vector<16xi1>
        %parallel_loop3A_805 = arith.extui %parallel_loop3A_795 : vector<16xi1> to vector<16xi32>
        %parallel_loop3A_806 = arith.addi %parallel_loop3A_784, %parallel_loop3A_805 : vector<16xi32>
        scf.yield %parallel_loop3A_806 : vector<16xi32>
      } {sc.loop_unroll_factor = 1 : i64, sc.parallel_access}
      %reduce_max3A_426 = arith.constant true
      %reduce_max3A_427 = vector.broadcast %reduce_max3A_426 : i1 to vector<16xi1>
      %reduce_max3A_428 = arith.constant -2147483648 : i32
      %reduce_max3A_429 = vector.broadcast %reduce_max3A_428 : i32 to vector<16xi32>
      %reduce_max3A_430 = arith.xori %parallel_loop3A_425, %reduce_max3A_429 : vector<16xi32>
      %reduce_max3A_431 = tpu.scan <max>, %reduce_max3A_430 masked %reduce_max3A_427 : vector<16xi32>, vector<16xi1> -> vector<16xi32>
      %reduce_max3A_432 = arith.xori %reduce_max3A_431, %reduce_max3A_429 : vector<16xi32>
      %reduce_max3A_433 = vector.extract %reduce_max3A_432[15] : i32 from vector<16xi32>
      %min3A_434 = arith.constant 16 : i32
      %min3A_435 = arith.minsi %reduce_max3A_433, %min3A_434 : i32
      %while3A_436 = arith.constant 0 : i32
      %while3A_437 = arith.subi %min3A_435, %while3A_436 : i32
      %while3A_438 = arith.addi %while3A_436, %while3A_437 : i32
      %while3A_439 = arith.constant 1 : i32
      %while3A_440 = arith.divsi %while3A_437, %while3A_439 : i32
      %while3A_441 = arith.muli %while3A_440, %while3A_439 : i32
      %while3A_442 = arith.addi %while3A_436, %while3A_441 : i32
      %while3A_443 = arith.constant 1 : i32
      %while3A_444:4 = scf.for %while3A_717 = %while3A_436 to %while3A_442 step %while3A_443 iter_args(%while3A_718 = %broadcast_in_dim3A_19, %while3A_719 = %broadcast_in_dim3A_21, %while3A_720 = %broadcast_in_dim3A_19, %while3A_721 = %broadcast_in_dim3A_21) -> (vector<16xf32>, vector<16xi32>, vector<16xf32>, vector<16xi32>)  : i32 {
        %mul3A_722 = arith.constant 16 : i32
        %mul3A_723 = arith.muli %while3A_717, %mul3A_722 : i32
        %get3A = arith.index_cast %mul3A_723 : i32 to index
        %get3A_724 = tpu.vector_load %arg16[%get3A] {strides = array<i32>} : memref<256xf32, #tpu.memory_space<vmem>>, vector<16xf32>,
        %mul3A_725 = arith.constant 16 : i32
        %mul3A_726 = arith.muli %while3A_717, %mul3A_725 : i32
        %get3A_727 = arith.index_cast %mul3A_726 : i32 to index
        %get3A_728 = tpu.vector_load %arg17[%get3A_727] {strides = array<i32>} : memref<256xi32, #tpu.memory_space<vmem>>, vector<16xi32>,
        %masked_sort3A = arith.constant dense<true> : vector<16xi1>
        %masked_sort3A_729, %masked_sort3A_730, %masked_sort3A_731 = tpu.sort %get3A_724, %get3A_728 masked %masked_sort3A : (vector<16xf32>, vector<16xi32>, vector<16xi1>) -> (vector<16xi1>, vector<16xf32>, vector<16xi32>)
        %rev3A = arith.constant 15 : i32
        %rev3A_732 = vector.broadcast %rev3A : i32 to vector<16xi32>
        %rev3A_733 = tpu.iota {dimensions = array<i32: 0>} : vector<16xi32>
        %rev3A_734 = arith.subi %rev3A_732, %rev3A_733 : vector<16xi32>
        %rev3A_735 = tpu.dynamic_gather %masked_sort3A_730[%rev3A_734] in [0] : vector<16xf32>, vector<16xi32> -> vector<16xf32>
        %rev3A_736 = arith.constant 15 : i32
        %rev3A_737 = vector.broadcast %rev3A_736 : i32 to vector<16xi32>
        %rev3A_738 = tpu.iota {dimensions = array<i32: 0>} : vector<16xi32>
        %rev3A_739 = arith.subi %rev3A_737, %rev3A_738 : vector<16xi32>
        %rev3A_740 = tpu.dynamic_gather %masked_sort3A_731[%rev3A_739] in [0] : vector<16xi32>, vector<16xi32> -> vector<16xi32>
        %le3A = arith.cmpf ole, %while3A_720, %rev3A_735 : vector<16xf32>
        %select_n3A = arith.select %le3A, %while3A_720, %rev3A_735 : vector<16xi1>, vector<16xf32>
        %select_n3A_741 = arith.select %le3A, %while3A_721, %rev3A_740 : vector<16xi1>, vector<16xi32>
        %masked_sort3A_742 = arith.constant dense<true> : vector<16xi1>
        %masked_sort3A_743, %masked_sort3A_744, %masked_sort3A_745 = tpu.sort %select_n3A, %select_n3A_741 masked %masked_sort3A_742 : (vector<16xf32>, vector<16xi32>, vector<16xi1>) -> (vector<16xi1>, vector<16xf32>, vector<16xi32>)
        %rev3A_746 = arith.constant 15 : i32
        %rev3A_747 = vector.broadcast %rev3A_746 : i32 to vector<16xi32>
        %rev3A_748 = tpu.iota {dimensions = array<i32: 0>} : vector<16xi32>
        %rev3A_749 = arith.subi %rev3A_747, %rev3A_748 : vector<16xi32>
        %rev3A_750 = tpu.dynamic_gather %masked_sort3A_744[%rev3A_749] in [0] : vector<16xf32>, vector<16xi32> -> vector<16xf32>
        %rev3A_751 = arith.constant 15 : i32
        %rev3A_752 = vector.broadcast %rev3A_751 : i32 to vector<16xi32>
        %rev3A_753 = tpu.iota {dimensions = array<i32: 0>} : vector<16xi32>
        %rev3A_754 = arith.subi %rev3A_752, %rev3A_753 : vector<16xi32>
        %rev3A_755 = tpu.dynamic_gather %masked_sort3A_745[%rev3A_754] in [0] : vector<16xi32>, vector<16xi32> -> vector<16xi32>
        %le3A_756 = arith.cmpf ole, %while3A_718, %rev3A_750 : vector<16xf32>
        %select_n3A_757 = arith.select %le3A_756, %while3A_718, %rev3A_750 : vector<16xi1>, vector<16xf32>
        %select_n3A_758 = arith.select %le3A_756, %while3A_719, %rev3A_755 : vector<16xi1>, vector<16xi32>
        %select_n3A_759 = arith.select %le3A_756, %rev3A_750, %while3A_718 : vector<16xi1>, vector<16xf32>
        %select_n3A_760 = arith.select %le3A_756, %rev3A_755, %while3A_719 : vector<16xi1>, vector<16xi32>
        %masked_sort3A_761 = arith.constant dense<true> : vector<16xi1>
        %masked_sort3A_762, %masked_sort3A_763, %masked_sort3A_764 = tpu.sort %select_n3A_757, %select_n3A_758 masked %masked_sort3A_761 : (vector<16xf32>, vector<16xi32>, vector<16xi1>) -> (vector<16xi1>, vector<16xf32>, vector<16xi32>)
        %masked_sort3A_765 = arith.constant dense<true> : vector<16xi1>
        %masked_sort3A_766, %masked_sort3A_767, %masked_sort3A_768 = tpu.sort %select_n3A_759, %select_n3A_760 masked %masked_sort3A_765 : (vector<16xf32>, vector<16xi32>, vector<16xi1>) -> (vector<16xi1>, vector<16xf32>, vector<16xi32>)
        scf.yield %masked_sort3A_763, %masked_sort3A_764, %masked_sort3A_767, %masked_sort3A_768 : vector<16xf32>, vector<16xi32>, vector<16xf32>, vector<16xi32>
      }
      %while3A_445 = arith.constant 1 : i32
      %while3A_446:4 = scf.for %while3A_717 = %while3A_442 to %while3A_438 step %while3A_445 iter_args(%while3A_718 = %while3A_444#0, %while3A_719 = %while3A_444#1, %while3A_720 = %while3A_444#2, %while3A_721 = %while3A_444#3) -> (vector<16xf32>, vector<16xi32>, vector<16xf32>, vector<16xi32>)  : i32 {
        %mul3A_722 = arith.constant 16 : i32
        %mul3A_723 = arith.muli %while3A_717, %mul3A_722 : i32
        %get3A = arith.index_cast %mul3A_723 : i32 to index
        %get3A_724 = tpu.vector_load %arg16[%get3A] {strides = array<i32>} : memref<256xf32, #tpu.memory_space<vmem>>, vector<16xf32>,
        %mul3A_725 = arith.constant 16 : i32
        %mul3A_726 = arith.muli %while3A_717, %mul3A_725 : i32
        %get3A_727 = arith.index_cast %mul3A_726 : i32 to index
        %get3A_728 = tpu.vector_load %arg17[%get3A_727] {strides = array<i32>} : memref<256xi32, #tpu.memory_space<vmem>>, vector<16xi32>,
        %masked_sort3A = arith.constant dense<true> : vector<16xi1>
        %masked_sort3A_729, %masked_sort3A_730, %masked_sort3A_731 = tpu.sort %get3A_724, %get3A_728 masked %masked_sort3A : (vector<16xf32>, vector<16xi32>, vector<16xi1>) -> (vector<16xi1>, vector<16xf32>, vector<16xi32>)
        %rev3A = arith.constant 15 : i32
        %rev3A_732 = vector.broadcast %rev3A : i32 to vector<16xi32>
        %rev3A_733 = tpu.iota {dimensions = array<i32: 0>} : vector<16xi32>
        %rev3A_734 = arith.subi %rev3A_732, %rev3A_733 : vector<16xi32>
        %rev3A_735 = tpu.dynamic_gather %masked_sort3A_730[%rev3A_734] in [0] : vector<16xf32>, vector<16xi32> -> vector<16xf32>
        %rev3A_736 = arith.constant 15 : i32
        %rev3A_737 = vector.broadcast %rev3A_736 : i32 to vector<16xi32>
        %rev3A_738 = tpu.iota {dimensions = array<i32: 0>} : vector<16xi32>
        %rev3A_739 = arith.subi %rev3A_737, %rev3A_738 : vector<16xi32>
        %rev3A_740 = tpu.dynamic_gather %masked_sort3A_731[%rev3A_739] in [0] : vector<16xi32>, vector<16xi32> -> vector<16xi32>
        %le3A = arith.cmpf ole, %while3A_720, %rev3A_735 : vector<16xf32>
        %select_n3A = arith.select %le3A, %while3A_720, %rev3A_735 : vector<16xi1>, vector<16xf32>
        %select_n3A_741 = arith.select %le3A, %while3A_721, %rev3A_740 : vector<16xi1>, vector<16xi32>
        %masked_sort3A_742 = arith.constant dense<true> : vector<16xi1>
        %masked_sort3A_743, %masked_sort3A_744, %masked_sort3A_745 = tpu.sort %select_n3A, %select_n3A_741 masked %masked_sort3A_742 : (vector<16xf32>, vector<16xi32>, vector<16xi1>) -> (vector<16xi1>, vector<16xf32>, vector<16xi32>)
        %rev3A_746 = arith.constant 15 : i32
        %rev3A_747 = vector.broadcast %rev3A_746 : i32 to vector<16xi32>
        %rev3A_748 = tpu.iota {dimensions = array<i32: 0>} : vector<16xi32>
        %rev3A_749 = arith.subi %rev3A_747, %rev3A_748 : vector<16xi32>
        %rev3A_750 = tpu.dynamic_gather %masked_sort3A_744[%rev3A_749] in [0] : vector<16xf32>, vector<16xi32> -> vector<16xf32>
        %rev3A_751 = arith.constant 15 : i32
        %rev3A_752 = vector.broadcast %rev3A_751 : i32 to vector<16xi32>
        %rev3A_753 = tpu.iota {dimensions = array<i32: 0>} : vector<16xi32>
        %rev3A_754 = arith.subi %rev3A_752, %rev3A_753 : vector<16xi32>
        %rev3A_755 = tpu.dynamic_gather %masked_sort3A_745[%rev3A_754] in [0] : vector<16xi32>, vector<16xi32> -> vector<16xi32>
        %le3A_756 = arith.cmpf ole, %while3A_718, %rev3A_750 : vector<16xf32>
        %select_n3A_757 = arith.select %le3A_756, %while3A_718, %rev3A_750 : vector<16xi1>, vector<16xf32>
        %select_n3A_758 = arith.select %le3A_756, %while3A_719, %rev3A_755 : vector<16xi1>, vector<16xi32>
        %select_n3A_759 = arith.select %le3A_756, %rev3A_750, %while3A_718 : vector<16xi1>, vector<16xf32>
        %select_n3A_760 = arith.select %le3A_756, %rev3A_755, %while3A_719 : vector<16xi1>, vector<16xi32>
        %masked_sort3A_761 = arith.constant dense<true> : vector<16xi1>
        %masked_sort3A_762, %masked_sort3A_763, %masked_sort3A_764 = tpu.sort %select_n3A_757, %select_n3A_758 masked %masked_sort3A_761 : (vector<16xf32>, vector<16xi32>, vector<16xi1>) -> (vector<16xi1>, vector<16xf32>, vector<16xi32>)
        %masked_sort3A_765 = arith.constant dense<true> : vector<16xi1>
        %masked_sort3A_766, %masked_sort3A_767, %masked_sort3A_768 = tpu.sort %select_n3A_759, %select_n3A_760 masked %masked_sort3A_765 : (vector<16xf32>, vector<16xi32>, vector<16xi1>) -> (vector<16xi1>, vector<16xf32>, vector<16xi32>)
        scf.yield %masked_sort3A_763, %masked_sort3A_764, %masked_sort3A_767, %masked_sort3A_768 : vector<16xf32>, vector<16xi32>, vector<16xf32>, vector<16xi32>
      }
      %add3A_447 = arith.constant 1 : i32
      %add3A_448 = arith.addi %mul3A_56, %add3A_447 : i32
      %broadcast_in_dim3A_449 = vector.broadcast %add3A_448 : i32 to vector<16xi32>
      %gather3A_450 = tpu.vector_load_idx %arg13[%broadcast_in_dim3A_449] : memref<256xi32, #tpu.memory_space<vmem>>[vector<16xi32>], vector<16xi32>,
      %gather3A_451 = tpu.vector_load_idx %arg5[%gather3A_450] : memref<4096xf32, #tpu.memory_space<vmem>>[vector<16xi32>], vector<16xf32>,
      %gather3A_452 = tpu.vector_load_idx %arg6[%gather3A_450] : memref<4096xf32, #tpu.memory_space<vmem>>[vector<16xi32>], vector<16xf32>,
      %gather3A_453 = tpu.vector_load_idx %arg7[%gather3A_450] : memref<4096xf32, #tpu.memory_space<vmem>>[vector<16xi32>], vector<16xf32>,
      %gather3A_454 = tpu.vector_load_idx %arg5[%while3A_446#1] : memref<4096xf32, #tpu.memory_space<vmem>>[vector<16xi32>], vector<16xf32>,
      %sub3A_455 = arith.subf %gather3A_454, %gather3A_451 : vector<16xf32>
      %gather3A_456 = tpu.vector_load_idx %arg6[%while3A_446#1] : memref<4096xf32, #tpu.memory_space<vmem>>[vector<16xi32>], vector<16xf32>,
      %sub3A_457 = arith.subf %gather3A_456, %gather3A_452 : vector<16xf32>
      %gather3A_458 = tpu.vector_load_idx %arg7[%while3A_446#1] : memref<4096xf32, #tpu.memory_space<vmem>>[vector<16xi32>], vector<16xf32>,
      %sub3A_459 = arith.subf %gather3A_458, %gather3A_453 : vector<16xf32>
      %add3A_460 = arith.constant 1 : i32
      %add3A_461 = arith.addi %mul3A_56, %add3A_460 : i32
      %broadcast_in_dim3A_462 = vector.broadcast %add3A_461 : i32 to vector<16xi32>
      %mul3A_463 = arith.constant 32 : i32
      %mul3A_464 = vector.broadcast %mul3A_463 : i32 to vector<16xi32>
      %mul3A_465 = arith.muli %mul3A_464, %broadcast_in_dim3A_462 : vector<16xi32>
      %add3A_466 = arith.constant 0 : i32
      %add3A_467 = vector.broadcast %add3A_466 : i32 to vector<16xi32>
      %add3A_468 = arith.addi %mul3A_465, %add3A_467 : vector<16xi32>
      %add3A_469 = arith.addi %add3A_468, %iota3A : vector<16xi32>
      %mul3A_470 = arith.constant 3 : i32
      %mul3A_471 = vector.broadcast %mul3A_470 : i32 to vector<16xi32>
      %mul3A_472 = arith.muli %mul3A_471, %add3A_469 : vector<16xi32>
      tpu.vector_store_idx %arg18[%mul3A_472], %sub3A_455 : memref<24576xf32, #tpu.memory_space<vmem>>[vector<16xi32>], vector<16xf32>,
      %add3A_473 = arith.constant 1 : i32
      %add3A_474 = vector.broadcast %add3A_473 : i32 to vector<16xi32>
      %add3A_475 = arith.addi %mul3A_472, %add3A_474 : vector<16xi32>
      tpu.vector_store_idx %arg18[%add3A_475], %sub3A_457 : memref<24576xf32, #tpu.memory_space<vmem>>[vector<16xi32>], vector<16xf32>,
      %add3A_476 = arith.constant 2 : i32
      %add3A_477 = vector.broadcast %add3A_476 : i32 to vector<16xi32>
      %add3A_478 = arith.addi %mul3A_472, %add3A_477 : vector<16xi32>
      tpu.vector_store_idx %arg18[%add3A_478], %sub3A_459 : memref<24576xf32, #tpu.memory_space<vmem>>[vector<16xi32>], vector<16xf32>,
      %gather3A_479 = tpu.vector_load_idx %arg5[%while3A_446#3] : memref<4096xf32, #tpu.memory_space<vmem>>[vector<16xi32>], vector<16xf32>,
      %sub3A_480 = arith.subf %gather3A_479, %gather3A_451 : vector<16xf32>
      %gather3A_481 = tpu.vector_load_idx %arg6[%while3A_446#3] : memref<4096xf32, #tpu.memory_space<vmem>>[vector<16xi32>], vector<16xf32>,
      %sub3A_482 = arith.subf %gather3A_481, %gather3A_452 : vector<16xf32>
      %gather3A_483 = tpu.vector_load_idx %arg7[%while3A_446#3] : memref<4096xf32, #tpu.memory_space<vmem>>[vector<16xi32>], vector<16xf32>,
      %sub3A_484 = arith.subf %gather3A_483, %gather3A_453 : vector<16xf32>
      %add3A_485 = arith.constant 1 : i32
      %add3A_486 = arith.addi %mul3A_56, %add3A_485 : i32
      %broadcast_in_dim3A_487 = vector.broadcast %add3A_486 : i32 to vector<16xi32>
      %mul3A_488 = arith.constant 32 : i32
      %mul3A_489 = vector.broadcast %mul3A_488 : i32 to vector<16xi32>
      %mul3A_490 = arith.muli %mul3A_489, %broadcast_in_dim3A_487 : vector<16xi32>
      %add3A_491 = arith.constant 16 : i32
      %add3A_492 = vector.broadcast %add3A_491 : i32 to vector<16xi32>
      %add3A_493 = arith.addi %mul3A_490, %add3A_492 : vector<16xi32>
      %add3A_494 = arith.addi %add3A_493, %iota3A : vector<16xi32>
      %mul3A_495 = arith.constant 3 : i32
      %mul3A_496 = vector.broadcast %mul3A_495 : i32 to vector<16xi32>
      %mul3A_497 = arith.muli %mul3A_496, %add3A_494 : vector<16xi32>
      tpu.vector_store_idx %arg18[%mul3A_497], %sub3A_480 : memref<24576xf32, #tpu.memory_space<vmem>>[vector<16xi32>], vector<16xf32>,
      %add3A_498 = arith.constant 1 : i32
      %add3A_499 = vector.broadcast %add3A_498 : i32 to vector<16xi32>
      %add3A_500 = arith.addi %mul3A_497, %add3A_499 : vector<16xi32>
      tpu.vector_store_idx %arg18[%add3A_500], %sub3A_482 : memref<24576xf32, #tpu.memory_space<vmem>>[vector<16xi32>], vector<16xf32>,
      %add3A_501 = arith.constant 2 : i32
      %add3A_502 = vector.broadcast %add3A_501 : i32 to vector<16xi32>
      %add3A_503 = arith.addi %mul3A_497, %add3A_502 : vector<16xi32>
      tpu.vector_store_idx %arg18[%add3A_503], %sub3A_484 : memref<24576xf32, #tpu.memory_space<vmem>>[vector<16xi32>], vector<16xf32>,
      %scan3A_504 = arith.constant 0 : i32
      %scan3A_505 = arith.constant 383 : i32
      %scan3A_506 = arith.constant false
      %scan3A_507 = arith.constant 0 : i32
      %scan3A_508 = arith.constant 24 : i32
      %scan3A_509 = arith.addi %scan3A_507, %scan3A_508 : i32
      %scan3A_510 = arith.constant 1 : i32
      %scan3A_511:3 = scf.for %scan3A_717 = %scan3A_507 to %scan3A_509 step %scan3A_510 iter_args(%scan3A_718 = %scan3A_504, %scan3A_719 = %scan3A_505, %scan3A_720 = %scan3A_506) -> (i32, i32, i1)  : i32 {
        %mul3A_721 = arith.constant 16 : i32
        %mul3A_722 = arith.muli %scan3A_717, %mul3A_721 : i32
        %add3A_723 = arith.constant 768 : i32
        %add3A_724 = arith.addi %add3A_723, %mul3A_722 : i32
        %get3A = arith.index_cast %add3A_724 : i32 to index
        %get3A_725 = tpu.vector_load %arg15[%get3A] {strides = array<i32>} : memref<1536xi32, #tpu.memory_space<vmem>>, vector<16xi32>,
        %mul3A_726 = arith.constant 16 : i32
        %mul3A_727 = arith.muli %scan3A_717, %mul3A_726 : i32
        %add3A_728 = arith.constant 768 : i32
        %add3A_729 = arith.addi %add3A_728, %mul3A_727 : i32
        %swap3A = arith.index_cast %add3A_729 : i32 to index
        %swap3A_730 = tpu.vector_load %arg15[%swap3A] {strides = array<i32>} : memref<1536xi32, #tpu.memory_space<vmem>>, vector<16xi32>,
        tpu.vector_store %arg15[%swap3A], %broadcast_in_dim3A_21 {strides = array<i32>} : memref<1536xi32, #tpu.memory_space<vmem>>, vector<16xi32>,
        %broadcast_in_dim3A_731 = arith.constant true
        %broadcast_in_dim3A_732 = vector.broadcast %broadcast_in_dim3A_731 : i1 to vector<16xi1>
        %masked_cumsum3A = tpu.scan <sum>, %get3A_725 masked %broadcast_in_dim3A_732 : vector<16xi32>, vector<16xi1> -> vector<16xi32>
        %add3A_733 = vector.broadcast %scan3A_718 : i32 to vector<16xi32>
        %add3A_734 = arith.addi %masked_cumsum3A, %add3A_733 : vector<16xi32>
        %ge3A = arith.constant 32 : i32
        %ge3A_735 = vector.broadcast %ge3A : i32 to vector<16xi32>
        %ge3A_736 = arith.cmpi sge, %add3A_734, %ge3A_735 : vector<16xi32>
        %jit3A = arith.constant 16 : i32
        %broadcast_in_dim3A_737 = vector.broadcast %jit3A : i32 to vector<16xi32>
        %select_n3A = arith.select %ge3A_736, %iota3A, %broadcast_in_dim3A_737 : vector<16xi1>, vector<16xi32>
        %reduce_min3A = arith.constant true
        %reduce_min3A_738 = vector.broadcast %reduce_min3A : i1 to vector<16xi1>
        %reduce_min3A_739 = arith.constant -2147483648 : i32
        %reduce_min3A_740 = vector.broadcast %reduce_min3A_739 : i32 to vector<16xi32>
        %reduce_min3A_741 = arith.xori %select_n3A, %reduce_min3A_740 : vector<16xi32>
        %reduce_min3A_742 = tpu.scan <min>, %reduce_min3A_741 masked %reduce_min3A_738 : vector<16xi32>, vector<16xi1> -> vector<16xi32>
        %reduce_min3A_743 = arith.xori %reduce_min3A_742, %reduce_min3A_740 : vector<16xi32>
        %reduce_min3A_744 = vector.extract %reduce_min3A_743[15] : i32 from vector<16xi32>
        %lt3A = arith.constant 16 : i32
        %lt3A_745 = arith.cmpi slt, %reduce_min3A_744, %lt3A : i32
        %not3A = arith.constant true
        %not3A_746 = arith.xori %scan3A_720, %not3A : i1
        %and3A_747 = arith.andi %lt3A_745, %not3A_746 : i1
        %mul3A_748 = arith.constant 16 : i32
        %mul3A_749 = arith.muli %scan3A_717, %mul3A_748 : i32
        %add3A_750 = arith.addi %mul3A_749, %reduce_min3A_744 : i32
        %select_n3A_751 = arith.select %and3A_747, %add3A_750, %scan3A_719 : i32
        %or3A = arith.ori %scan3A_720, %lt3A_745 : i1
        %reduce_sum3A = arith.constant true
        %reduce_sum3A_752 = vector.broadcast %reduce_sum3A : i1 to vector<16xi1>
        %reduce_sum3A_753 = tpu.scan <sum>, %get3A_725 masked %reduce_sum3A_752 : vector<16xi32>, vector<16xi1> -> vector<16xi32>
        %reduce_sum3A_754 = vector.extract %reduce_sum3A_753[15] : i32 from vector<16xi32>
        %add3A_755 = arith.addi %scan3A_718, %reduce_sum3A_754 : i32
        scf.yield %add3A_755, %select_n3A_751, %or3A : i32, i32, i1
      }
      %scan3A_512 = arith.constant 24 : i32
      %add3A_513 = arith.constant 1793 : i32
      %add3A_514 = arith.addi %scan3A_511#1, %add3A_513 : i32
      %shift_left3A_515 = arith.constant 19 : i32
      %shift_left3A_516 = arith.shli %add3A_514, %shift_left3A_515 : i32
      %broadcast_in_dim3A_517 = vector.broadcast %shift_left3A_516 : i32 to vector<16xi32>
      %bitcast3A_518 = vector.bitcast %broadcast_in_dim3A_517 : vector<16xi32> to vector<16xf32>
      %scan3A_519 = arith.constant 0 : i32
      %scan3A_520 = arith.constant 0 : i32
      %scan3A_521 = arith.constant 16 : i32
      %scan3A_522 = arith.addi %scan3A_520, %scan3A_521 : i32
      %scan3A_523 = arith.constant 1 : i32
      %scan3A_524 = scf.for %scan3A_717 = %scan3A_520 to %scan3A_522 step %scan3A_523 iter_args(%scan3A_718 = %scan3A_519) -> (i32)  : i32 {
        %mul3A_719 = arith.constant 16 : i32
        %mul3A_720 = arith.muli %scan3A_717, %mul3A_719 : i32
        %swap3A = arith.index_cast %mul3A_720 : i32 to index
        %swap3A_721 = tpu.vector_load %arg16[%swap3A] {strides = array<i32>} : memref<256xf32, #tpu.memory_space<vmem>>, vector<16xf32>,
        tpu.vector_store %arg16[%swap3A], %broadcast_in_dim3A_19 {strides = array<i32>} : memref<256xf32, #tpu.memory_space<vmem>>, vector<16xf32>,
        %scan3A_722 = arith.constant 0 : i32
        scf.yield %scan3A_722 : i32
      }
      %scan3A_525 = arith.constant 16 : i32
      %broadcast_in_dim3A_526 = arith.constant 0 : i32
      %broadcast_in_dim3A_527 = vector.broadcast %broadcast_in_dim3A_526 : i32 to vector<16xi32>
      %parallel_loop3A_528 = arith.constant 0 : i32
      %parallel_loop3A_529 = arith.constant 64 : i32
      %parallel_loop3A_530 = arith.constant 1 : i32
      %parallel_loop3A_531 = scf.for %parallel_loop3A_717 = %parallel_loop3A_528 to %parallel_loop3A_529 step %parallel_loop3A_530 iter_args(%parallel_loop3A_718 = %broadcast_in_dim3A_527) -> (vector<16xi32>)  : i32 {
        %parallel_loop3A_719 = arith.constant 4 : i32
        %parallel_loop3A_720 = arith.muli %parallel_loop3A_719, %parallel_loop3A_717 : i32
        %parallel_loop3A_721 = arith.constant 0 : i32
        %parallel_loop3A_722 = arith.addi %parallel_loop3A_720, %parallel_loop3A_721 : i32
        %parallel_loop3A_723 = arith.constant 16 : i32
        %parallel_loop3A_724 = arith.muli %parallel_loop3A_722, %parallel_loop3A_723 : i32
        %parallel_loop3A_725 = arith.constant 8192 : i32
        %parallel_loop3A_726 = arith.addi %parallel_loop3A_725, %parallel_loop3A_724 : i32
        %parallel_loop3A_727 = arith.index_cast %parallel_loop3A_726 : i32 to index
        %parallel_loop3A_728 = tpu.vector_load %arg14[%parallel_loop3A_727] {strides = array<i32>} : memref<16384xf32, #tpu.memory_space<vmem>>, vector<16xf32>,
        %parallel_loop3A_729 = arith.cmpf olt, %parallel_loop3A_728, %bitcast3A_518 : vector<16xf32>
        %parallel_loop3A_730 = arith.constant 4 : i32
        %parallel_loop3A_731 = vector.broadcast %parallel_loop3A_730 : i32 to vector<16xi32>
        %parallel_loop3A_732 = arith.shli %parallel_loop3A_718, %parallel_loop3A_731 : vector<16xi32>
        %parallel_loop3A_733 = arith.addi %parallel_loop3A_732, %iota3A : vector<16xi32>
        %parallel_loop3A_734 = arith.constant 255 : i32
        %parallel_loop3A_735 = vector.broadcast %parallel_loop3A_734 : i32 to vector<16xi32>
        %parallel_loop3A_736 = arith.minsi %parallel_loop3A_733, %parallel_loop3A_735 : vector<16xi32>
        tpu.vector_store_idx %arg16[%parallel_loop3A_736], %parallel_loop3A_728 masked %parallel_loop3A_729 : memref<256xf32, #tpu.memory_space<vmem>>[vector<16xi32>], vector<16xf32>, vector<16xi1>
        %parallel_loop3A_737 = vector.broadcast %parallel_loop3A_724 : i32 to vector<16xi32>
        %parallel_loop3A_738 = arith.addi %parallel_loop3A_737, %iota3A : vector<16xi32>
        tpu.vector_store_idx %arg17[%parallel_loop3A_736], %parallel_loop3A_738 masked %parallel_loop3A_729 : memref<256xi32, #tpu.memory_space<vmem>>[vector<16xi32>], vector<16xi32>, vector<16xi1>
        %parallel_loop3A_739 = arith.extui %parallel_loop3A_729 : vector<16xi1> to vector<16xi32>
        %parallel_loop3A_740 = arith.addi %parallel_loop3A_718, %parallel_loop3A_739 : vector<16xi32>
        %parallel_loop3A_741 = arith.constant 4 : i32
        %parallel_loop3A_742 = arith.muli %parallel_loop3A_741, %parallel_loop3A_717 : i32
        %parallel_loop3A_743 = arith.constant 1 : i32
        %parallel_loop3A_744 = arith.addi %parallel_loop3A_742, %parallel_loop3A_743 : i32
        %parallel_loop3A_745 = arith.constant 16 : i32
        %parallel_loop3A_746 = arith.muli %parallel_loop3A_744, %parallel_loop3A_745 : i32
        %parallel_loop3A_747 = arith.constant 8192 : i32
        %parallel_loop3A_748 = arith.addi %parallel_loop3A_747, %parallel_loop3A_746 : i32
        %parallel_loop3A_749 = arith.index_cast %parallel_loop3A_748 : i32 to index
        %parallel_loop3A_750 = tpu.vector_load %arg14[%parallel_loop3A_749] {strides = array<i32>} : memref<16384xf32, #tpu.memory_space<vmem>>, vector<16xf32>,
        %parallel_loop3A_751 = arith.cmpf olt, %parallel_loop3A_750, %bitcast3A_518 : vector<16xf32>
        %parallel_loop3A_752 = arith.constant 4 : i32
        %parallel_loop3A_753 = vector.broadcast %parallel_loop3A_752 : i32 to vector<16xi32>
        %parallel_loop3A_754 = arith.shli %parallel_loop3A_740, %parallel_loop3A_753 : vector<16xi32>
        %parallel_loop3A_755 = arith.addi %parallel_loop3A_754, %iota3A : vector<16xi32>
        %parallel_loop3A_756 = arith.constant 255 : i32
        %parallel_loop3A_757 = vector.broadcast %parallel_loop3A_756 : i32 to vector<16xi32>
        %parallel_loop3A_758 = arith.minsi %parallel_loop3A_755, %parallel_loop3A_757 : vector<16xi32>
        tpu.vector_store_idx %arg16[%parallel_loop3A_758], %parallel_loop3A_750 masked %parallel_loop3A_751 : memref<256xf32, #tpu.memory_space<vmem>>[vector<16xi32>], vector<16xf32>, vector<16xi1>
        %parallel_loop3A_759 = vector.broadcast %parallel_loop3A_746 : i32 to vector<16xi32>
        %parallel_loop3A_760 = arith.addi %parallel_loop3A_759, %iota3A : vector<16xi32>
        tpu.vector_store_idx %arg17[%parallel_loop3A_758], %parallel_loop3A_760 masked %parallel_loop3A_751 : memref<256xi32, #tpu.memory_space<vmem>>[vector<16xi32>], vector<16xi32>, vector<16xi1>
        %parallel_loop3A_761 = arith.extui %parallel_loop3A_751 : vector<16xi1> to vector<16xi32>
        %parallel_loop3A_762 = arith.addi %parallel_loop3A_740, %parallel_loop3A_761 : vector<16xi32>
        %parallel_loop3A_763 = arith.constant 4 : i32
        %parallel_loop3A_764 = arith.muli %parallel_loop3A_763, %parallel_loop3A_717 : i32
        %parallel_loop3A_765 = arith.constant 2 : i32
        %parallel_loop3A_766 = arith.addi %parallel_loop3A_764, %parallel_loop3A_765 : i32
        %parallel_loop3A_767 = arith.constant 16 : i32
        %parallel_loop3A_768 = arith.muli %parallel_loop3A_766, %parallel_loop3A_767 : i32
        %parallel_loop3A_769 = arith.constant 8192 : i32
        %parallel_loop3A_770 = arith.addi %parallel_loop3A_769, %parallel_loop3A_768 : i32
        %parallel_loop3A_771 = arith.index_cast %parallel_loop3A_770 : i32 to index
        %parallel_loop3A_772 = tpu.vector_load %arg14[%parallel_loop3A_771] {strides = array<i32>} : memref<16384xf32, #tpu.memory_space<vmem>>, vector<16xf32>,
        %parallel_loop3A_773 = arith.cmpf olt, %parallel_loop3A_772, %bitcast3A_518 : vector<16xf32>
        %parallel_loop3A_774 = arith.constant 4 : i32
        %parallel_loop3A_775 = vector.broadcast %parallel_loop3A_774 : i32 to vector<16xi32>
        %parallel_loop3A_776 = arith.shli %parallel_loop3A_762, %parallel_loop3A_775 : vector<16xi32>
        %parallel_loop3A_777 = arith.addi %parallel_loop3A_776, %iota3A : vector<16xi32>
        %parallel_loop3A_778 = arith.constant 255 : i32
        %parallel_loop3A_779 = vector.broadcast %parallel_loop3A_778 : i32 to vector<16xi32>
        %parallel_loop3A_780 = arith.minsi %parallel_loop3A_777, %parallel_loop3A_779 : vector<16xi32>
        tpu.vector_store_idx %arg16[%parallel_loop3A_780], %parallel_loop3A_772 masked %parallel_loop3A_773 : memref<256xf32, #tpu.memory_space<vmem>>[vector<16xi32>], vector<16xf32>, vector<16xi1>
        %parallel_loop3A_781 = vector.broadcast %parallel_loop3A_768 : i32 to vector<16xi32>
        %parallel_loop3A_782 = arith.addi %parallel_loop3A_781, %iota3A : vector<16xi32>
        tpu.vector_store_idx %arg17[%parallel_loop3A_780], %parallel_loop3A_782 masked %parallel_loop3A_773 : memref<256xi32, #tpu.memory_space<vmem>>[vector<16xi32>], vector<16xi32>, vector<16xi1>
        %parallel_loop3A_783 = arith.extui %parallel_loop3A_773 : vector<16xi1> to vector<16xi32>
        %parallel_loop3A_784 = arith.addi %parallel_loop3A_762, %parallel_loop3A_783 : vector<16xi32>
        %parallel_loop3A_785 = arith.constant 4 : i32
        %parallel_loop3A_786 = arith.muli %parallel_loop3A_785, %parallel_loop3A_717 : i32
        %parallel_loop3A_787 = arith.constant 3 : i32
        %parallel_loop3A_788 = arith.addi %parallel_loop3A_786, %parallel_loop3A_787 : i32
        %parallel_loop3A_789 = arith.constant 16 : i32
        %parallel_loop3A_790 = arith.muli %parallel_loop3A_788, %parallel_loop3A_789 : i32
        %parallel_loop3A_791 = arith.constant 8192 : i32
        %parallel_loop3A_792 = arith.addi %parallel_loop3A_791, %parallel_loop3A_790 : i32
        %parallel_loop3A_793 = arith.index_cast %parallel_loop3A_792 : i32 to index
        %parallel_loop3A_794 = tpu.vector_load %arg14[%parallel_loop3A_793] {strides = array<i32>} : memref<16384xf32, #tpu.memory_space<vmem>>, vector<16xf32>,
        %parallel_loop3A_795 = arith.cmpf olt, %parallel_loop3A_794, %bitcast3A_518 : vector<16xf32>
        %parallel_loop3A_796 = arith.constant 4 : i32
        %parallel_loop3A_797 = vector.broadcast %parallel_loop3A_796 : i32 to vector<16xi32>
        %parallel_loop3A_798 = arith.shli %parallel_loop3A_784, %parallel_loop3A_797 : vector<16xi32>
        %parallel_loop3A_799 = arith.addi %parallel_loop3A_798, %iota3A : vector<16xi32>
        %parallel_loop3A_800 = arith.constant 255 : i32
        %parallel_loop3A_801 = vector.broadcast %parallel_loop3A_800 : i32 to vector<16xi32>
        %parallel_loop3A_802 = arith.minsi %parallel_loop3A_799, %parallel_loop3A_801 : vector<16xi32>
        tpu.vector_store_idx %arg16[%parallel_loop3A_802], %parallel_loop3A_794 masked %parallel_loop3A_795 : memref<256xf32, #tpu.memory_space<vmem>>[vector<16xi32>], vector<16xf32>, vector<16xi1>
        %parallel_loop3A_803 = vector.broadcast %parallel_loop3A_790 : i32 to vector<16xi32>
        %parallel_loop3A_804 = arith.addi %parallel_loop3A_803, %iota3A : vector<16xi32>
        tpu.vector_store_idx %arg17[%parallel_loop3A_802], %parallel_loop3A_804 masked %parallel_loop3A_795 : memref<256xi32, #tpu.memory_space<vmem>>[vector<16xi32>], vector<16xi32>, vector<16xi1>
        %parallel_loop3A_805 = arith.extui %parallel_loop3A_795 : vector<16xi1> to vector<16xi32>
        %parallel_loop3A_806 = arith.addi %parallel_loop3A_784, %parallel_loop3A_805 : vector<16xi32>
        scf.yield %parallel_loop3A_806 : vector<16xi32>
      } {sc.loop_unroll_factor = 1 : i64, sc.parallel_access}
      %reduce_max3A_532 = arith.constant true
      %reduce_max3A_533 = vector.broadcast %reduce_max3A_532 : i1 to vector<16xi1>
      %reduce_max3A_534 = arith.constant -2147483648 : i32
      %reduce_max3A_535 = vector.broadcast %reduce_max3A_534 : i32 to vector<16xi32>
      %reduce_max3A_536 = arith.xori %parallel_loop3A_531, %reduce_max3A_535 : vector<16xi32>
      %reduce_max3A_537 = tpu.scan <max>, %reduce_max3A_536 masked %reduce_max3A_533 : vector<16xi32>, vector<16xi1> -> vector<16xi32>
      %reduce_max3A_538 = arith.xori %reduce_max3A_537, %reduce_max3A_535 : vector<16xi32>
      %reduce_max3A_539 = vector.extract %reduce_max3A_538[15] : i32 from vector<16xi32>
      %min3A_540 = arith.constant 16 : i32
      %min3A_541 = arith.minsi %reduce_max3A_539, %min3A_540 : i32
      %while3A_542 = arith.constant 0 : i32
      %while3A_543 = arith.subi %min3A_541, %while3A_542 : i32
      %while3A_544 = arith.addi %while3A_542, %while3A_543 : i32
      %while3A_545 = arith.constant 1 : i32
      %while3A_546 = arith.divsi %while3A_543, %while3A_545 : i32
      %while3A_547 = arith.muli %while3A_546, %while3A_545 : i32
      %while3A_548 = arith.addi %while3A_542, %while3A_547 : i32
      %while3A_549 = arith.constant 1 : i32
      %while3A_550:4 = scf.for %while3A_717 = %while3A_542 to %while3A_548 step %while3A_549 iter_args(%while3A_718 = %broadcast_in_dim3A_19, %while3A_719 = %broadcast_in_dim3A_21, %while3A_720 = %broadcast_in_dim3A_19, %while3A_721 = %broadcast_in_dim3A_21) -> (vector<16xf32>, vector<16xi32>, vector<16xf32>, vector<16xi32>)  : i32 {
        %mul3A_722 = arith.constant 16 : i32
        %mul3A_723 = arith.muli %while3A_717, %mul3A_722 : i32
        %get3A = arith.index_cast %mul3A_723 : i32 to index
        %get3A_724 = tpu.vector_load %arg16[%get3A] {strides = array<i32>} : memref<256xf32, #tpu.memory_space<vmem>>, vector<16xf32>,
        %mul3A_725 = arith.constant 16 : i32
        %mul3A_726 = arith.muli %while3A_717, %mul3A_725 : i32
        %get3A_727 = arith.index_cast %mul3A_726 : i32 to index
        %get3A_728 = tpu.vector_load %arg17[%get3A_727] {strides = array<i32>} : memref<256xi32, #tpu.memory_space<vmem>>, vector<16xi32>,
        %masked_sort3A = arith.constant dense<true> : vector<16xi1>
        %masked_sort3A_729, %masked_sort3A_730, %masked_sort3A_731 = tpu.sort %get3A_724, %get3A_728 masked %masked_sort3A : (vector<16xf32>, vector<16xi32>, vector<16xi1>) -> (vector<16xi1>, vector<16xf32>, vector<16xi32>)
        %rev3A = arith.constant 15 : i32
        %rev3A_732 = vector.broadcast %rev3A : i32 to vector<16xi32>
        %rev3A_733 = tpu.iota {dimensions = array<i32: 0>} : vector<16xi32>
        %rev3A_734 = arith.subi %rev3A_732, %rev3A_733 : vector<16xi32>
        %rev3A_735 = tpu.dynamic_gather %masked_sort3A_730[%rev3A_734] in [0] : vector<16xf32>, vector<16xi32> -> vector<16xf32>
        %rev3A_736 = arith.constant 15 : i32
        %rev3A_737 = vector.broadcast %rev3A_736 : i32 to vector<16xi32>
        %rev3A_738 = tpu.iota {dimensions = array<i32: 0>} : vector<16xi32>
        %rev3A_739 = arith.subi %rev3A_737, %rev3A_738 : vector<16xi32>
        %rev3A_740 = tpu.dynamic_gather %masked_sort3A_731[%rev3A_739] in [0] : vector<16xi32>, vector<16xi32> -> vector<16xi32>
        %le3A = arith.cmpf ole, %while3A_720, %rev3A_735 : vector<16xf32>
        %select_n3A = arith.select %le3A, %while3A_720, %rev3A_735 : vector<16xi1>, vector<16xf32>
        %select_n3A_741 = arith.select %le3A, %while3A_721, %rev3A_740 : vector<16xi1>, vector<16xi32>
        %masked_sort3A_742 = arith.constant dense<true> : vector<16xi1>
        %masked_sort3A_743, %masked_sort3A_744, %masked_sort3A_745 = tpu.sort %select_n3A, %select_n3A_741 masked %masked_sort3A_742 : (vector<16xf32>, vector<16xi32>, vector<16xi1>) -> (vector<16xi1>, vector<16xf32>, vector<16xi32>)
        %rev3A_746 = arith.constant 15 : i32
        %rev3A_747 = vector.broadcast %rev3A_746 : i32 to vector<16xi32>
        %rev3A_748 = tpu.iota {dimensions = array<i32: 0>} : vector<16xi32>
        %rev3A_749 = arith.subi %rev3A_747, %rev3A_748 : vector<16xi32>
        %rev3A_750 = tpu.dynamic_gather %masked_sort3A_744[%rev3A_749] in [0] : vector<16xf32>, vector<16xi32> -> vector<16xf32>
        %rev3A_751 = arith.constant 15 : i32
        %rev3A_752 = vector.broadcast %rev3A_751 : i32 to vector<16xi32>
        %rev3A_753 = tpu.iota {dimensions = array<i32: 0>} : vector<16xi32>
        %rev3A_754 = arith.subi %rev3A_752, %rev3A_753 : vector<16xi32>
        %rev3A_755 = tpu.dynamic_gather %masked_sort3A_745[%rev3A_754] in [0] : vector<16xi32>, vector<16xi32> -> vector<16xi32>
        %le3A_756 = arith.cmpf ole, %while3A_718, %rev3A_750 : vector<16xf32>
        %select_n3A_757 = arith.select %le3A_756, %while3A_718, %rev3A_750 : vector<16xi1>, vector<16xf32>
        %select_n3A_758 = arith.select %le3A_756, %while3A_719, %rev3A_755 : vector<16xi1>, vector<16xi32>
        %select_n3A_759 = arith.select %le3A_756, %rev3A_750, %while3A_718 : vector<16xi1>, vector<16xf32>
        %select_n3A_760 = arith.select %le3A_756, %rev3A_755, %while3A_719 : vector<16xi1>, vector<16xi32>
        %masked_sort3A_761 = arith.constant dense<true> : vector<16xi1>
        %masked_sort3A_762, %masked_sort3A_763, %masked_sort3A_764 = tpu.sort %select_n3A_757, %select_n3A_758 masked %masked_sort3A_761 : (vector<16xf32>, vector<16xi32>, vector<16xi1>) -> (vector<16xi1>, vector<16xf32>, vector<16xi32>)
        %masked_sort3A_765 = arith.constant dense<true> : vector<16xi1>
        %masked_sort3A_766, %masked_sort3A_767, %masked_sort3A_768 = tpu.sort %select_n3A_759, %select_n3A_760 masked %masked_sort3A_765 : (vector<16xf32>, vector<16xi32>, vector<16xi1>) -> (vector<16xi1>, vector<16xf32>, vector<16xi32>)
        scf.yield %masked_sort3A_763, %masked_sort3A_764, %masked_sort3A_767, %masked_sort3A_768 : vector<16xf32>, vector<16xi32>, vector<16xf32>, vector<16xi32>
      }
      %while3A_551 = arith.constant 1 : i32
      %while3A_552:4 = scf.for %while3A_717 = %while3A_548 to %while3A_544 step %while3A_551 iter_args(%while3A_718 = %while3A_550#0, %while3A_719 = %while3A_550#1, %while3A_720 = %while3A_550#2, %while3A_721 = %while3A_550#3) -> (vector<16xf32>, vector<16xi32>, vector<16xf32>, vector<16xi32>)  : i32 {
        %mul3A_722 = arith.constant 16 : i32
        %mul3A_723 = arith.muli %while3A_717, %mul3A_722 : i32
        %get3A = arith.index_cast %mul3A_723 : i32 to index
        %get3A_724 = tpu.vector_load %arg16[%get3A] {strides = array<i32>} : memref<256xf32, #tpu.memory_space<vmem>>, vector<16xf32>,
        %mul3A_725 = arith.constant 16 : i32
        %mul3A_726 = arith.muli %while3A_717, %mul3A_725 : i32
        %get3A_727 = arith.index_cast %mul3A_726 : i32 to index
        %get3A_728 = tpu.vector_load %arg17[%get3A_727] {strides = array<i32>} : memref<256xi32, #tpu.memory_space<vmem>>, vector<16xi32>,
        %masked_sort3A = arith.constant dense<true> : vector<16xi1>
        %masked_sort3A_729, %masked_sort3A_730, %masked_sort3A_731 = tpu.sort %get3A_724, %get3A_728 masked %masked_sort3A : (vector<16xf32>, vector<16xi32>, vector<16xi1>) -> (vector<16xi1>, vector<16xf32>, vector<16xi32>)
        %rev3A = arith.constant 15 : i32
        %rev3A_732 = vector.broadcast %rev3A : i32 to vector<16xi32>
        %rev3A_733 = tpu.iota {dimensions = array<i32: 0>} : vector<16xi32>
        %rev3A_734 = arith.subi %rev3A_732, %rev3A_733 : vector<16xi32>
        %rev3A_735 = tpu.dynamic_gather %masked_sort3A_730[%rev3A_734] in [0] : vector<16xf32>, vector<16xi32> -> vector<16xf32>
        %rev3A_736 = arith.constant 15 : i32
        %rev3A_737 = vector.broadcast %rev3A_736 : i32 to vector<16xi32>
        %rev3A_738 = tpu.iota {dimensions = array<i32: 0>} : vector<16xi32>
        %rev3A_739 = arith.subi %rev3A_737, %rev3A_738 : vector<16xi32>
        %rev3A_740 = tpu.dynamic_gather %masked_sort3A_731[%rev3A_739] in [0] : vector<16xi32>, vector<16xi32> -> vector<16xi32>
        %le3A = arith.cmpf ole, %while3A_720, %rev3A_735 : vector<16xf32>
        %select_n3A = arith.select %le3A, %while3A_720, %rev3A_735 : vector<16xi1>, vector<16xf32>
        %select_n3A_741 = arith.select %le3A, %while3A_721, %rev3A_740 : vector<16xi1>, vector<16xi32>
        %masked_sort3A_742 = arith.constant dense<true> : vector<16xi1>
        %masked_sort3A_743, %masked_sort3A_744, %masked_sort3A_745 = tpu.sort %select_n3A, %select_n3A_741 masked %masked_sort3A_742 : (vector<16xf32>, vector<16xi32>, vector<16xi1>) -> (vector<16xi1>, vector<16xf32>, vector<16xi32>)
        %rev3A_746 = arith.constant 15 : i32
        %rev3A_747 = vector.broadcast %rev3A_746 : i32 to vector<16xi32>
        %rev3A_748 = tpu.iota {dimensions = array<i32: 0>} : vector<16xi32>
        %rev3A_749 = arith.subi %rev3A_747, %rev3A_748 : vector<16xi32>
        %rev3A_750 = tpu.dynamic_gather %masked_sort3A_744[%rev3A_749] in [0] : vector<16xf32>, vector<16xi32> -> vector<16xf32>
        %rev3A_751 = arith.constant 15 : i32
        %rev3A_752 = vector.broadcast %rev3A_751 : i32 to vector<16xi32>
        %rev3A_753 = tpu.iota {dimensions = array<i32: 0>} : vector<16xi32>
        %rev3A_754 = arith.subi %rev3A_752, %rev3A_753 : vector<16xi32>
        %rev3A_755 = tpu.dynamic_gather %masked_sort3A_745[%rev3A_754] in [0] : vector<16xi32>, vector<16xi32> -> vector<16xi32>
        %le3A_756 = arith.cmpf ole, %while3A_718, %rev3A_750 : vector<16xf32>
        %select_n3A_757 = arith.select %le3A_756, %while3A_718, %rev3A_750 : vector<16xi1>, vector<16xf32>
        %select_n3A_758 = arith.select %le3A_756, %while3A_719, %rev3A_755 : vector<16xi1>, vector<16xi32>
        %select_n3A_759 = arith.select %le3A_756, %rev3A_750, %while3A_718 : vector<16xi1>, vector<16xf32>
        %select_n3A_760 = arith.select %le3A_756, %rev3A_755, %while3A_719 : vector<16xi1>, vector<16xi32>
        %masked_sort3A_761 = arith.constant dense<true> : vector<16xi1>
        %masked_sort3A_762, %masked_sort3A_763, %masked_sort3A_764 = tpu.sort %select_n3A_757, %select_n3A_758 masked %masked_sort3A_761 : (vector<16xf32>, vector<16xi32>, vector<16xi1>) -> (vector<16xi1>, vector<16xf32>, vector<16xi32>)
        %masked_sort3A_765 = arith.constant dense<true> : vector<16xi1>
        %masked_sort3A_766, %masked_sort3A_767, %masked_sort3A_768 = tpu.sort %select_n3A_759, %select_n3A_760 masked %masked_sort3A_765 : (vector<16xf32>, vector<16xi32>, vector<16xi1>) -> (vector<16xi1>, vector<16xf32>, vector<16xi32>)
        scf.yield %masked_sort3A_763, %masked_sort3A_764, %masked_sort3A_767, %masked_sort3A_768 : vector<16xf32>, vector<16xi32>, vector<16xf32>, vector<16xi32>
      }
      %add3A_553 = arith.constant 2 : i32
      %add3A_554 = arith.addi %mul3A_56, %add3A_553 : i32
      %broadcast_in_dim3A_555 = vector.broadcast %add3A_554 : i32 to vector<16xi32>
      %gather3A_556 = tpu.vector_load_idx %arg13[%broadcast_in_dim3A_555] : memref<256xi32, #tpu.memory_space<vmem>>[vector<16xi32>], vector<16xi32>,
      %gather3A_557 = tpu.vector_load_idx %arg5[%gather3A_556] : memref<4096xf32, #tpu.memory_space<vmem>>[vector<16xi32>], vector<16xf32>,
      %gather3A_558 = tpu.vector_load_idx %arg6[%gather3A_556] : memref<4096xf32, #tpu.memory_space<vmem>>[vector<16xi32>], vector<16xf32>,
      %gather3A_559 = tpu.vector_load_idx %arg7[%gather3A_556] : memref<4096xf32, #tpu.memory_space<vmem>>[vector<16xi32>], vector<16xf32>,
      %gather3A_560 = tpu.vector_load_idx %arg5[%while3A_552#1] : memref<4096xf32, #tpu.memory_space<vmem>>[vector<16xi32>], vector<16xf32>,
      %sub3A_561 = arith.subf %gather3A_560, %gather3A_557 : vector<16xf32>
      %gather3A_562 = tpu.vector_load_idx %arg6[%while3A_552#1] : memref<4096xf32, #tpu.memory_space<vmem>>[vector<16xi32>], vector<16xf32>,
      %sub3A_563 = arith.subf %gather3A_562, %gather3A_558 : vector<16xf32>
      %gather3A_564 = tpu.vector_load_idx %arg7[%while3A_552#1] : memref<4096xf32, #tpu.memory_space<vmem>>[vector<16xi32>], vector<16xf32>,
      %sub3A_565 = arith.subf %gather3A_564, %gather3A_559 : vector<16xf32>
      %add3A_566 = arith.constant 2 : i32
      %add3A_567 = arith.addi %mul3A_56, %add3A_566 : i32
      %broadcast_in_dim3A_568 = vector.broadcast %add3A_567 : i32 to vector<16xi32>
      %mul3A_569 = arith.constant 32 : i32
      %mul3A_570 = vector.broadcast %mul3A_569 : i32 to vector<16xi32>
      %mul3A_571 = arith.muli %mul3A_570, %broadcast_in_dim3A_568 : vector<16xi32>
      %add3A_572 = arith.constant 0 : i32
      %add3A_573 = vector.broadcast %add3A_572 : i32 to vector<16xi32>
      %add3A_574 = arith.addi %mul3A_571, %add3A_573 : vector<16xi32>
      %add3A_575 = arith.addi %add3A_574, %iota3A : vector<16xi32>
      %mul3A_576 = arith.constant 3 : i32
      %mul3A_577 = vector.broadcast %mul3A_576 : i32 to vector<16xi32>
      %mul3A_578 = arith.muli %mul3A_577, %add3A_575 : vector<16xi32>
      tpu.vector_store_idx %arg18[%mul3A_578], %sub3A_561 : memref<24576xf32, #tpu.memory_space<vmem>>[vector<16xi32>], vector<16xf32>,
      %add3A_579 = arith.constant 1 : i32
      %add3A_580 = vector.broadcast %add3A_579 : i32 to vector<16xi32>
      %add3A_581 = arith.addi %mul3A_578, %add3A_580 : vector<16xi32>
      tpu.vector_store_idx %arg18[%add3A_581], %sub3A_563 : memref<24576xf32, #tpu.memory_space<vmem>>[vector<16xi32>], vector<16xf32>,
      %add3A_582 = arith.constant 2 : i32
      %add3A_583 = vector.broadcast %add3A_582 : i32 to vector<16xi32>
      %add3A_584 = arith.addi %mul3A_578, %add3A_583 : vector<16xi32>
      tpu.vector_store_idx %arg18[%add3A_584], %sub3A_565 : memref<24576xf32, #tpu.memory_space<vmem>>[vector<16xi32>], vector<16xf32>,
      %gather3A_585 = tpu.vector_load_idx %arg5[%while3A_552#3] : memref<4096xf32, #tpu.memory_space<vmem>>[vector<16xi32>], vector<16xf32>,
      %sub3A_586 = arith.subf %gather3A_585, %gather3A_557 : vector<16xf32>
      %gather3A_587 = tpu.vector_load_idx %arg6[%while3A_552#3] : memref<4096xf32, #tpu.memory_space<vmem>>[vector<16xi32>], vector<16xf32>,
      %sub3A_588 = arith.subf %gather3A_587, %gather3A_558 : vector<16xf32>
      %gather3A_589 = tpu.vector_load_idx %arg7[%while3A_552#3] : memref<4096xf32, #tpu.memory_space<vmem>>[vector<16xi32>], vector<16xf32>,
      %sub3A_590 = arith.subf %gather3A_589, %gather3A_559 : vector<16xf32>
      %add3A_591 = arith.constant 2 : i32
      %add3A_592 = arith.addi %mul3A_56, %add3A_591 : i32
      %broadcast_in_dim3A_593 = vector.broadcast %add3A_592 : i32 to vector<16xi32>
      %mul3A_594 = arith.constant 32 : i32
      %mul3A_595 = vector.broadcast %mul3A_594 : i32 to vector<16xi32>
      %mul3A_596 = arith.muli %mul3A_595, %broadcast_in_dim3A_593 : vector<16xi32>
      %add3A_597 = arith.constant 16 : i32
      %add3A_598 = vector.broadcast %add3A_597 : i32 to vector<16xi32>
      %add3A_599 = arith.addi %mul3A_596, %add3A_598 : vector<16xi32>
      %add3A_600 = arith.addi %add3A_599, %iota3A : vector<16xi32>
      %mul3A_601 = arith.constant 3 : i32
      %mul3A_602 = vector.broadcast %mul3A_601 : i32 to vector<16xi32>
      %mul3A_603 = arith.muli %mul3A_602, %add3A_600 : vector<16xi32>
      tpu.vector_store_idx %arg18[%mul3A_603], %sub3A_586 : memref<24576xf32, #tpu.memory_space<vmem>>[vector<16xi32>], vector<16xf32>,
      %add3A_604 = arith.constant 1 : i32
      %add3A_605 = vector.broadcast %add3A_604 : i32 to vector<16xi32>
      %add3A_606 = arith.addi %mul3A_603, %add3A_605 : vector<16xi32>
      tpu.vector_store_idx %arg18[%add3A_606], %sub3A_588 : memref<24576xf32, #tpu.memory_space<vmem>>[vector<16xi32>], vector<16xf32>,
      %add3A_607 = arith.constant 2 : i32
      %add3A_608 = vector.broadcast %add3A_607 : i32 to vector<16xi32>
      %add3A_609 = arith.addi %mul3A_603, %add3A_608 : vector<16xi32>
      tpu.vector_store_idx %arg18[%add3A_609], %sub3A_590 : memref<24576xf32, #tpu.memory_space<vmem>>[vector<16xi32>], vector<16xf32>,
      %scan3A_610 = arith.constant 0 : i32
      %scan3A_611 = arith.constant 383 : i32
      %scan3A_612 = arith.constant false
      %scan3A_613 = arith.constant 0 : i32
      %scan3A_614 = arith.constant 24 : i32
      %scan3A_615 = arith.addi %scan3A_613, %scan3A_614 : i32
      %scan3A_616 = arith.constant 1 : i32
      %scan3A_617:3 = scf.for %scan3A_717 = %scan3A_613 to %scan3A_615 step %scan3A_616 iter_args(%scan3A_718 = %scan3A_610, %scan3A_719 = %scan3A_611, %scan3A_720 = %scan3A_612) -> (i32, i32, i1)  : i32 {
        %mul3A_721 = arith.constant 16 : i32
        %mul3A_722 = arith.muli %scan3A_717, %mul3A_721 : i32
        %add3A_723 = arith.constant 1152 : i32
        %add3A_724 = arith.addi %add3A_723, %mul3A_722 : i32
        %get3A = arith.index_cast %add3A_724 : i32 to index
        %get3A_725 = tpu.vector_load %arg15[%get3A] {strides = array<i32>} : memref<1536xi32, #tpu.memory_space<vmem>>, vector<16xi32>,
        %mul3A_726 = arith.constant 16 : i32
        %mul3A_727 = arith.muli %scan3A_717, %mul3A_726 : i32
        %add3A_728 = arith.constant 1152 : i32
        %add3A_729 = arith.addi %add3A_728, %mul3A_727 : i32
        %swap3A = arith.index_cast %add3A_729 : i32 to index
        %swap3A_730 = tpu.vector_load %arg15[%swap3A] {strides = array<i32>} : memref<1536xi32, #tpu.memory_space<vmem>>, vector<16xi32>,
        tpu.vector_store %arg15[%swap3A], %broadcast_in_dim3A_21 {strides = array<i32>} : memref<1536xi32, #tpu.memory_space<vmem>>, vector<16xi32>,
        %broadcast_in_dim3A_731 = arith.constant true
        %broadcast_in_dim3A_732 = vector.broadcast %broadcast_in_dim3A_731 : i1 to vector<16xi1>
        %masked_cumsum3A = tpu.scan <sum>, %get3A_725 masked %broadcast_in_dim3A_732 : vector<16xi32>, vector<16xi1> -> vector<16xi32>
        %add3A_733 = vector.broadcast %scan3A_718 : i32 to vector<16xi32>
        %add3A_734 = arith.addi %masked_cumsum3A, %add3A_733 : vector<16xi32>
        %ge3A = arith.constant 32 : i32
        %ge3A_735 = vector.broadcast %ge3A : i32 to vector<16xi32>
        %ge3A_736 = arith.cmpi sge, %add3A_734, %ge3A_735 : vector<16xi32>
        %jit3A = arith.constant 16 : i32
        %broadcast_in_dim3A_737 = vector.broadcast %jit3A : i32 to vector<16xi32>
        %select_n3A = arith.select %ge3A_736, %iota3A, %broadcast_in_dim3A_737 : vector<16xi1>, vector<16xi32>
        %reduce_min3A = arith.constant true
        %reduce_min3A_738 = vector.broadcast %reduce_min3A : i1 to vector<16xi1>
        %reduce_min3A_739 = arith.constant -2147483648 : i32
        %reduce_min3A_740 = vector.broadcast %reduce_min3A_739 : i32 to vector<16xi32>
        %reduce_min3A_741 = arith.xori %select_n3A, %reduce_min3A_740 : vector<16xi32>
        %reduce_min3A_742 = tpu.scan <min>, %reduce_min3A_741 masked %reduce_min3A_738 : vector<16xi32>, vector<16xi1> -> vector<16xi32>
        %reduce_min3A_743 = arith.xori %reduce_min3A_742, %reduce_min3A_740 : vector<16xi32>
        %reduce_min3A_744 = vector.extract %reduce_min3A_743[15] : i32 from vector<16xi32>
        %lt3A = arith.constant 16 : i32
        %lt3A_745 = arith.cmpi slt, %reduce_min3A_744, %lt3A : i32
        %not3A = arith.constant true
        %not3A_746 = arith.xori %scan3A_720, %not3A : i1
        %and3A_747 = arith.andi %lt3A_745, %not3A_746 : i1
        %mul3A_748 = arith.constant 16 : i32
        %mul3A_749 = arith.muli %scan3A_717, %mul3A_748 : i32
        %add3A_750 = arith.addi %mul3A_749, %reduce_min3A_744 : i32
        %select_n3A_751 = arith.select %and3A_747, %add3A_750, %scan3A_719 : i32
        %or3A = arith.ori %scan3A_720, %lt3A_745 : i1
        %reduce_sum3A = arith.constant true
        %reduce_sum3A_752 = vector.broadcast %reduce_sum3A : i1 to vector<16xi1>
        %reduce_sum3A_753 = tpu.scan <sum>, %get3A_725 masked %reduce_sum3A_752 : vector<16xi32>, vector<16xi1> -> vector<16xi32>
        %reduce_sum3A_754 = vector.extract %reduce_sum3A_753[15] : i32 from vector<16xi32>
        %add3A_755 = arith.addi %scan3A_718, %reduce_sum3A_754 : i32
        scf.yield %add3A_755, %select_n3A_751, %or3A : i32, i32, i1
      }
      %scan3A_618 = arith.constant 24 : i32
      %add3A_619 = arith.constant 1793 : i32
      %add3A_620 = arith.addi %scan3A_617#1, %add3A_619 : i32
      %shift_left3A_621 = arith.constant 19 : i32
      %shift_left3A_622 = arith.shli %add3A_620, %shift_left3A_621 : i32
      %broadcast_in_dim3A_623 = vector.broadcast %shift_left3A_622 : i32 to vector<16xi32>
      %bitcast3A_624 = vector.bitcast %broadcast_in_dim3A_623 : vector<16xi32> to vector<16xf32>
      %scan3A_625 = arith.constant 0 : i32
      %scan3A_626 = arith.constant 0 : i32
      %scan3A_627 = arith.constant 16 : i32
      %scan3A_628 = arith.addi %scan3A_626, %scan3A_627 : i32
      %scan3A_629 = arith.constant 1 : i32
      %scan3A_630 = scf.for %scan3A_717 = %scan3A_626 to %scan3A_628 step %scan3A_629 iter_args(%scan3A_718 = %scan3A_625) -> (i32)  : i32 {
        %mul3A_719 = arith.constant 16 : i32
        %mul3A_720 = arith.muli %scan3A_717, %mul3A_719 : i32
        %swap3A = arith.index_cast %mul3A_720 : i32 to index
        %swap3A_721 = tpu.vector_load %arg16[%swap3A] {strides = array<i32>} : memref<256xf32, #tpu.memory_space<vmem>>, vector<16xf32>,
        tpu.vector_store %arg16[%swap3A], %broadcast_in_dim3A_19 {strides = array<i32>} : memref<256xf32, #tpu.memory_space<vmem>>, vector<16xf32>,
        %scan3A_722 = arith.constant 0 : i32
        scf.yield %scan3A_722 : i32
      }
      %scan3A_631 = arith.constant 16 : i32
      %broadcast_in_dim3A_632 = arith.constant 0 : i32
      %broadcast_in_dim3A_633 = vector.broadcast %broadcast_in_dim3A_632 : i32 to vector<16xi32>
      %parallel_loop3A_634 = arith.constant 0 : i32
      %parallel_loop3A_635 = arith.constant 64 : i32
      %parallel_loop3A_636 = arith.constant 1 : i32
      %parallel_loop3A_637 = scf.for %parallel_loop3A_717 = %parallel_loop3A_634 to %parallel_loop3A_635 step %parallel_loop3A_636 iter_args(%parallel_loop3A_718 = %broadcast_in_dim3A_633) -> (vector<16xi32>)  : i32 {
        %parallel_loop3A_719 = arith.constant 4 : i32
        %parallel_loop3A_720 = arith.muli %parallel_loop3A_719, %parallel_loop3A_717 : i32
        %parallel_loop3A_721 = arith.constant 0 : i32
        %parallel_loop3A_722 = arith.addi %parallel_loop3A_720, %parallel_loop3A_721 : i32
        %parallel_loop3A_723 = arith.constant 16 : i32
        %parallel_loop3A_724 = arith.muli %parallel_loop3A_722, %parallel_loop3A_723 : i32
        %parallel_loop3A_725 = arith.constant 12288 : i32
        %parallel_loop3A_726 = arith.addi %parallel_loop3A_725, %parallel_loop3A_724 : i32
        %parallel_loop3A_727 = arith.index_cast %parallel_loop3A_726 : i32 to index
        %parallel_loop3A_728 = tpu.vector_load %arg14[%parallel_loop3A_727] {strides = array<i32>} : memref<16384xf32, #tpu.memory_space<vmem>>, vector<16xf32>,
        %parallel_loop3A_729 = arith.cmpf olt, %parallel_loop3A_728, %bitcast3A_624 : vector<16xf32>
        %parallel_loop3A_730 = arith.constant 4 : i32
        %parallel_loop3A_731 = vector.broadcast %parallel_loop3A_730 : i32 to vector<16xi32>
        %parallel_loop3A_732 = arith.shli %parallel_loop3A_718, %parallel_loop3A_731 : vector<16xi32>
        %parallel_loop3A_733 = arith.addi %parallel_loop3A_732, %iota3A : vector<16xi32>
        %parallel_loop3A_734 = arith.constant 255 : i32
        %parallel_loop3A_735 = vector.broadcast %parallel_loop3A_734 : i32 to vector<16xi32>
        %parallel_loop3A_736 = arith.minsi %parallel_loop3A_733, %parallel_loop3A_735 : vector<16xi32>
        tpu.vector_store_idx %arg16[%parallel_loop3A_736], %parallel_loop3A_728 masked %parallel_loop3A_729 : memref<256xf32, #tpu.memory_space<vmem>>[vector<16xi32>], vector<16xf32>, vector<16xi1>
        %parallel_loop3A_737 = vector.broadcast %parallel_loop3A_724 : i32 to vector<16xi32>
        %parallel_loop3A_738 = arith.addi %parallel_loop3A_737, %iota3A : vector<16xi32>
        tpu.vector_store_idx %arg17[%parallel_loop3A_736], %parallel_loop3A_738 masked %parallel_loop3A_729 : memref<256xi32, #tpu.memory_space<vmem>>[vector<16xi32>], vector<16xi32>, vector<16xi1>
        %parallel_loop3A_739 = arith.extui %parallel_loop3A_729 : vector<16xi1> to vector<16xi32>
        %parallel_loop3A_740 = arith.addi %parallel_loop3A_718, %parallel_loop3A_739 : vector<16xi32>
        %parallel_loop3A_741 = arith.constant 4 : i32
        %parallel_loop3A_742 = arith.muli %parallel_loop3A_741, %parallel_loop3A_717 : i32
        %parallel_loop3A_743 = arith.constant 1 : i32
        %parallel_loop3A_744 = arith.addi %parallel_loop3A_742, %parallel_loop3A_743 : i32
        %parallel_loop3A_745 = arith.constant 16 : i32
        %parallel_loop3A_746 = arith.muli %parallel_loop3A_744, %parallel_loop3A_745 : i32
        %parallel_loop3A_747 = arith.constant 12288 : i32
        %parallel_loop3A_748 = arith.addi %parallel_loop3A_747, %parallel_loop3A_746 : i32
        %parallel_loop3A_749 = arith.index_cast %parallel_loop3A_748 : i32 to index
        %parallel_loop3A_750 = tpu.vector_load %arg14[%parallel_loop3A_749] {strides = array<i32>} : memref<16384xf32, #tpu.memory_space<vmem>>, vector<16xf32>,
        %parallel_loop3A_751 = arith.cmpf olt, %parallel_loop3A_750, %bitcast3A_624 : vector<16xf32>
        %parallel_loop3A_752 = arith.constant 4 : i32
        %parallel_loop3A_753 = vector.broadcast %parallel_loop3A_752 : i32 to vector<16xi32>
        %parallel_loop3A_754 = arith.shli %parallel_loop3A_740, %parallel_loop3A_753 : vector<16xi32>
        %parallel_loop3A_755 = arith.addi %parallel_loop3A_754, %iota3A : vector<16xi32>
        %parallel_loop3A_756 = arith.constant 255 : i32
        %parallel_loop3A_757 = vector.broadcast %parallel_loop3A_756 : i32 to vector<16xi32>
        %parallel_loop3A_758 = arith.minsi %parallel_loop3A_755, %parallel_loop3A_757 : vector<16xi32>
        tpu.vector_store_idx %arg16[%parallel_loop3A_758], %parallel_loop3A_750 masked %parallel_loop3A_751 : memref<256xf32, #tpu.memory_space<vmem>>[vector<16xi32>], vector<16xf32>, vector<16xi1>
        %parallel_loop3A_759 = vector.broadcast %parallel_loop3A_746 : i32 to vector<16xi32>
        %parallel_loop3A_760 = arith.addi %parallel_loop3A_759, %iota3A : vector<16xi32>
        tpu.vector_store_idx %arg17[%parallel_loop3A_758], %parallel_loop3A_760 masked %parallel_loop3A_751 : memref<256xi32, #tpu.memory_space<vmem>>[vector<16xi32>], vector<16xi32>, vector<16xi1>
        %parallel_loop3A_761 = arith.extui %parallel_loop3A_751 : vector<16xi1> to vector<16xi32>
        %parallel_loop3A_762 = arith.addi %parallel_loop3A_740, %parallel_loop3A_761 : vector<16xi32>
        %parallel_loop3A_763 = arith.constant 4 : i32
        %parallel_loop3A_764 = arith.muli %parallel_loop3A_763, %parallel_loop3A_717 : i32
        %parallel_loop3A_765 = arith.constant 2 : i32
        %parallel_loop3A_766 = arith.addi %parallel_loop3A_764, %parallel_loop3A_765 : i32
        %parallel_loop3A_767 = arith.constant 16 : i32
        %parallel_loop3A_768 = arith.muli %parallel_loop3A_766, %parallel_loop3A_767 : i32
        %parallel_loop3A_769 = arith.constant 12288 : i32
        %parallel_loop3A_770 = arith.addi %parallel_loop3A_769, %parallel_loop3A_768 : i32
        %parallel_loop3A_771 = arith.index_cast %parallel_loop3A_770 : i32 to index
        %parallel_loop3A_772 = tpu.vector_load %arg14[%parallel_loop3A_771] {strides = array<i32>} : memref<16384xf32, #tpu.memory_space<vmem>>, vector<16xf32>,
        %parallel_loop3A_773 = arith.cmpf olt, %parallel_loop3A_772, %bitcast3A_624 : vector<16xf32>
        %parallel_loop3A_774 = arith.constant 4 : i32
        %parallel_loop3A_775 = vector.broadcast %parallel_loop3A_774 : i32 to vector<16xi32>
        %parallel_loop3A_776 = arith.shli %parallel_loop3A_762, %parallel_loop3A_775 : vector<16xi32>
        %parallel_loop3A_777 = arith.addi %parallel_loop3A_776, %iota3A : vector<16xi32>
        %parallel_loop3A_778 = arith.constant 255 : i32
        %parallel_loop3A_779 = vector.broadcast %parallel_loop3A_778 : i32 to vector<16xi32>
        %parallel_loop3A_780 = arith.minsi %parallel_loop3A_777, %parallel_loop3A_779 : vector<16xi32>
        tpu.vector_store_idx %arg16[%parallel_loop3A_780], %parallel_loop3A_772 masked %parallel_loop3A_773 : memref<256xf32, #tpu.memory_space<vmem>>[vector<16xi32>], vector<16xf32>, vector<16xi1>
        %parallel_loop3A_781 = vector.broadcast %parallel_loop3A_768 : i32 to vector<16xi32>
        %parallel_loop3A_782 = arith.addi %parallel_loop3A_781, %iota3A : vector<16xi32>
        tpu.vector_store_idx %arg17[%parallel_loop3A_780], %parallel_loop3A_782 masked %parallel_loop3A_773 : memref<256xi32, #tpu.memory_space<vmem>>[vector<16xi32>], vector<16xi32>, vector<16xi1>
        %parallel_loop3A_783 = arith.extui %parallel_loop3A_773 : vector<16xi1> to vector<16xi32>
        %parallel_loop3A_784 = arith.addi %parallel_loop3A_762, %parallel_loop3A_783 : vector<16xi32>
        %parallel_loop3A_785 = arith.constant 4 : i32
        %parallel_loop3A_786 = arith.muli %parallel_loop3A_785, %parallel_loop3A_717 : i32
        %parallel_loop3A_787 = arith.constant 3 : i32
        %parallel_loop3A_788 = arith.addi %parallel_loop3A_786, %parallel_loop3A_787 : i32
        %parallel_loop3A_789 = arith.constant 16 : i32
        %parallel_loop3A_790 = arith.muli %parallel_loop3A_788, %parallel_loop3A_789 : i32
        %parallel_loop3A_791 = arith.constant 12288 : i32
        %parallel_loop3A_792 = arith.addi %parallel_loop3A_791, %parallel_loop3A_790 : i32
        %parallel_loop3A_793 = arith.index_cast %parallel_loop3A_792 : i32 to index
        %parallel_loop3A_794 = tpu.vector_load %arg14[%parallel_loop3A_793] {strides = array<i32>} : memref<16384xf32, #tpu.memory_space<vmem>>, vector<16xf32>,
        %parallel_loop3A_795 = arith.cmpf olt, %parallel_loop3A_794, %bitcast3A_624 : vector<16xf32>
        %parallel_loop3A_796 = arith.constant 4 : i32
        %parallel_loop3A_797 = vector.broadcast %parallel_loop3A_796 : i32 to vector<16xi32>
        %parallel_loop3A_798 = arith.shli %parallel_loop3A_784, %parallel_loop3A_797 : vector<16xi32>
        %parallel_loop3A_799 = arith.addi %parallel_loop3A_798, %iota3A : vector<16xi32>
        %parallel_loop3A_800 = arith.constant 255 : i32
        %parallel_loop3A_801 = vector.broadcast %parallel_loop3A_800 : i32 to vector<16xi32>
        %parallel_loop3A_802 = arith.minsi %parallel_loop3A_799, %parallel_loop3A_801 : vector<16xi32>
        tpu.vector_store_idx %arg16[%parallel_loop3A_802], %parallel_loop3A_794 masked %parallel_loop3A_795 : memref<256xf32, #tpu.memory_space<vmem>>[vector<16xi32>], vector<16xf32>, vector<16xi1>
        %parallel_loop3A_803 = vector.broadcast %parallel_loop3A_790 : i32 to vector<16xi32>
        %parallel_loop3A_804 = arith.addi %parallel_loop3A_803, %iota3A : vector<16xi32>
        tpu.vector_store_idx %arg17[%parallel_loop3A_802], %parallel_loop3A_804 masked %parallel_loop3A_795 : memref<256xi32, #tpu.memory_space<vmem>>[vector<16xi32>], vector<16xi32>, vector<16xi1>
        %parallel_loop3A_805 = arith.extui %parallel_loop3A_795 : vector<16xi1> to vector<16xi32>
        %parallel_loop3A_806 = arith.addi %parallel_loop3A_784, %parallel_loop3A_805 : vector<16xi32>
        scf.yield %parallel_loop3A_806 : vector<16xi32>
      } {sc.loop_unroll_factor = 1 : i64, sc.parallel_access}
      %reduce_max3A_638 = arith.constant true
      %reduce_max3A_639 = vector.broadcast %reduce_max3A_638 : i1 to vector<16xi1>
      %reduce_max3A_640 = arith.constant -2147483648 : i32
      %reduce_max3A_641 = vector.broadcast %reduce_max3A_640 : i32 to vector<16xi32>
      %reduce_max3A_642 = arith.xori %parallel_loop3A_637, %reduce_max3A_641 : vector<16xi32>
      %reduce_max3A_643 = tpu.scan <max>, %reduce_max3A_642 masked %reduce_max3A_639 : vector<16xi32>, vector<16xi1> -> vector<16xi32>
      %reduce_max3A_644 = arith.xori %reduce_max3A_643, %reduce_max3A_641 : vector<16xi32>
      %reduce_max3A_645 = vector.extract %reduce_max3A_644[15] : i32 from vector<16xi32>
      %min3A_646 = arith.constant 16 : i32
      %min3A_647 = arith.minsi %reduce_max3A_645, %min3A_646 : i32
      %while3A_648 = arith.constant 0 : i32
      %while3A_649 = arith.subi %min3A_647, %while3A_648 : i32
      %while3A_650 = arith.addi %while3A_648, %while3A_649 : i32
      %while3A_651 = arith.constant 1 : i32
      %while3A_652 = arith.divsi %while3A_649, %while3A_651 : i32
      %while3A_653 = arith.muli %while3A_652, %while3A_651 : i32
      %while3A_654 = arith.addi %while3A_648, %while3A_653 : i32
      %while3A_655 = arith.constant 1 : i32
      %while3A_656:4 = scf.for %while3A_717 = %while3A_648 to %while3A_654 step %while3A_655 iter_args(%while3A_718 = %broadcast_in_dim3A_19, %while3A_719 = %broadcast_in_dim3A_21, %while3A_720 = %broadcast_in_dim3A_19, %while3A_721 = %broadcast_in_dim3A_21) -> (vector<16xf32>, vector<16xi32>, vector<16xf32>, vector<16xi32>)  : i32 {
        %mul3A_722 = arith.constant 16 : i32
        %mul3A_723 = arith.muli %while3A_717, %mul3A_722 : i32
        %get3A = arith.index_cast %mul3A_723 : i32 to index
        %get3A_724 = tpu.vector_load %arg16[%get3A] {strides = array<i32>} : memref<256xf32, #tpu.memory_space<vmem>>, vector<16xf32>,
        %mul3A_725 = arith.constant 16 : i32
        %mul3A_726 = arith.muli %while3A_717, %mul3A_725 : i32
        %get3A_727 = arith.index_cast %mul3A_726 : i32 to index
        %get3A_728 = tpu.vector_load %arg17[%get3A_727] {strides = array<i32>} : memref<256xi32, #tpu.memory_space<vmem>>, vector<16xi32>,
        %masked_sort3A = arith.constant dense<true> : vector<16xi1>
        %masked_sort3A_729, %masked_sort3A_730, %masked_sort3A_731 = tpu.sort %get3A_724, %get3A_728 masked %masked_sort3A : (vector<16xf32>, vector<16xi32>, vector<16xi1>) -> (vector<16xi1>, vector<16xf32>, vector<16xi32>)
        %rev3A = arith.constant 15 : i32
        %rev3A_732 = vector.broadcast %rev3A : i32 to vector<16xi32>
        %rev3A_733 = tpu.iota {dimensions = array<i32: 0>} : vector<16xi32>
        %rev3A_734 = arith.subi %rev3A_732, %rev3A_733 : vector<16xi32>
        %rev3A_735 = tpu.dynamic_gather %masked_sort3A_730[%rev3A_734] in [0] : vector<16xf32>, vector<16xi32> -> vector<16xf32>
        %rev3A_736 = arith.constant 15 : i32
        %rev3A_737 = vector.broadcast %rev3A_736 : i32 to vector<16xi32>
        %rev3A_738 = tpu.iota {dimensions = array<i32: 0>} : vector<16xi32>
        %rev3A_739 = arith.subi %rev3A_737, %rev3A_738 : vector<16xi32>
        %rev3A_740 = tpu.dynamic_gather %masked_sort3A_731[%rev3A_739] in [0] : vector<16xi32>, vector<16xi32> -> vector<16xi32>
        %le3A = arith.cmpf ole, %while3A_720, %rev3A_735 : vector<16xf32>
        %select_n3A = arith.select %le3A, %while3A_720, %rev3A_735 : vector<16xi1>, vector<16xf32>
        %select_n3A_741 = arith.select %le3A, %while3A_721, %rev3A_740 : vector<16xi1>, vector<16xi32>
        %masked_sort3A_742 = arith.constant dense<true> : vector<16xi1>
        %masked_sort3A_743, %masked_sort3A_744, %masked_sort3A_745 = tpu.sort %select_n3A, %select_n3A_741 masked %masked_sort3A_742 : (vector<16xf32>, vector<16xi32>, vector<16xi1>) -> (vector<16xi1>, vector<16xf32>, vector<16xi32>)
        %rev3A_746 = arith.constant 15 : i32
        %rev3A_747 = vector.broadcast %rev3A_746 : i32 to vector<16xi32>
        %rev3A_748 = tpu.iota {dimensions = array<i32: 0>} : vector<16xi32>
        %rev3A_749 = arith.subi %rev3A_747, %rev3A_748 : vector<16xi32>
        %rev3A_750 = tpu.dynamic_gather %masked_sort3A_744[%rev3A_749] in [0] : vector<16xf32>, vector<16xi32> -> vector<16xf32>
        %rev3A_751 = arith.constant 15 : i32
        %rev3A_752 = vector.broadcast %rev3A_751 : i32 to vector<16xi32>
        %rev3A_753 = tpu.iota {dimensions = array<i32: 0>} : vector<16xi32>
        %rev3A_754 = arith.subi %rev3A_752, %rev3A_753 : vector<16xi32>
        %rev3A_755 = tpu.dynamic_gather %masked_sort3A_745[%rev3A_754] in [0] : vector<16xi32>, vector<16xi32> -> vector<16xi32>
        %le3A_756 = arith.cmpf ole, %while3A_718, %rev3A_750 : vector<16xf32>
        %select_n3A_757 = arith.select %le3A_756, %while3A_718, %rev3A_750 : vector<16xi1>, vector<16xf32>
        %select_n3A_758 = arith.select %le3A_756, %while3A_719, %rev3A_755 : vector<16xi1>, vector<16xi32>
        %select_n3A_759 = arith.select %le3A_756, %rev3A_750, %while3A_718 : vector<16xi1>, vector<16xf32>
        %select_n3A_760 = arith.select %le3A_756, %rev3A_755, %while3A_719 : vector<16xi1>, vector<16xi32>
        %masked_sort3A_761 = arith.constant dense<true> : vector<16xi1>
        %masked_sort3A_762, %masked_sort3A_763, %masked_sort3A_764 = tpu.sort %select_n3A_757, %select_n3A_758 masked %masked_sort3A_761 : (vector<16xf32>, vector<16xi32>, vector<16xi1>) -> (vector<16xi1>, vector<16xf32>, vector<16xi32>)
        %masked_sort3A_765 = arith.constant dense<true> : vector<16xi1>
        %masked_sort3A_766, %masked_sort3A_767, %masked_sort3A_768 = tpu.sort %select_n3A_759, %select_n3A_760 masked %masked_sort3A_765 : (vector<16xf32>, vector<16xi32>, vector<16xi1>) -> (vector<16xi1>, vector<16xf32>, vector<16xi32>)
        scf.yield %masked_sort3A_763, %masked_sort3A_764, %masked_sort3A_767, %masked_sort3A_768 : vector<16xf32>, vector<16xi32>, vector<16xf32>, vector<16xi32>
      }
      %while3A_657 = arith.constant 1 : i32
      %while3A_658:4 = scf.for %while3A_717 = %while3A_654 to %while3A_650 step %while3A_657 iter_args(%while3A_718 = %while3A_656#0, %while3A_719 = %while3A_656#1, %while3A_720 = %while3A_656#2, %while3A_721 = %while3A_656#3) -> (vector<16xf32>, vector<16xi32>, vector<16xf32>, vector<16xi32>)  : i32 {
        %mul3A_722 = arith.constant 16 : i32
        %mul3A_723 = arith.muli %while3A_717, %mul3A_722 : i32
        %get3A = arith.index_cast %mul3A_723 : i32 to index
        %get3A_724 = tpu.vector_load %arg16[%get3A] {strides = array<i32>} : memref<256xf32, #tpu.memory_space<vmem>>, vector<16xf32>,
        %mul3A_725 = arith.constant 16 : i32
        %mul3A_726 = arith.muli %while3A_717, %mul3A_725 : i32
        %get3A_727 = arith.index_cast %mul3A_726 : i32 to index
        %get3A_728 = tpu.vector_load %arg17[%get3A_727] {strides = array<i32>} : memref<256xi32, #tpu.memory_space<vmem>>, vector<16xi32>,
        %masked_sort3A = arith.constant dense<true> : vector<16xi1>
        %masked_sort3A_729, %masked_sort3A_730, %masked_sort3A_731 = tpu.sort %get3A_724, %get3A_728 masked %masked_sort3A : (vector<16xf32>, vector<16xi32>, vector<16xi1>) -> (vector<16xi1>, vector<16xf32>, vector<16xi32>)
        %rev3A = arith.constant 15 : i32
        %rev3A_732 = vector.broadcast %rev3A : i32 to vector<16xi32>
        %rev3A_733 = tpu.iota {dimensions = array<i32: 0>} : vector<16xi32>
        %rev3A_734 = arith.subi %rev3A_732, %rev3A_733 : vector<16xi32>
        %rev3A_735 = tpu.dynamic_gather %masked_sort3A_730[%rev3A_734] in [0] : vector<16xf32>, vector<16xi32> -> vector<16xf32>
        %rev3A_736 = arith.constant 15 : i32
        %rev3A_737 = vector.broadcast %rev3A_736 : i32 to vector<16xi32>
        %rev3A_738 = tpu.iota {dimensions = array<i32: 0>} : vector<16xi32>
        %rev3A_739 = arith.subi %rev3A_737, %rev3A_738 : vector<16xi32>
        %rev3A_740 = tpu.dynamic_gather %masked_sort3A_731[%rev3A_739] in [0] : vector<16xi32>, vector<16xi32> -> vector<16xi32>
        %le3A = arith.cmpf ole, %while3A_720, %rev3A_735 : vector<16xf32>
        %select_n3A = arith.select %le3A, %while3A_720, %rev3A_735 : vector<16xi1>, vector<16xf32>
        %select_n3A_741 = arith.select %le3A, %while3A_721, %rev3A_740 : vector<16xi1>, vector<16xi32>
        %masked_sort3A_742 = arith.constant dense<true> : vector<16xi1>
        %masked_sort3A_743, %masked_sort3A_744, %masked_sort3A_745 = tpu.sort %select_n3A, %select_n3A_741 masked %masked_sort3A_742 : (vector<16xf32>, vector<16xi32>, vector<16xi1>) -> (vector<16xi1>, vector<16xf32>, vector<16xi32>)
        %rev3A_746 = arith.constant 15 : i32
        %rev3A_747 = vector.broadcast %rev3A_746 : i32 to vector<16xi32>
        %rev3A_748 = tpu.iota {dimensions = array<i32: 0>} : vector<16xi32>
        %rev3A_749 = arith.subi %rev3A_747, %rev3A_748 : vector<16xi32>
        %rev3A_750 = tpu.dynamic_gather %masked_sort3A_744[%rev3A_749] in [0] : vector<16xf32>, vector<16xi32> -> vector<16xf32>
        %rev3A_751 = arith.constant 15 : i32
        %rev3A_752 = vector.broadcast %rev3A_751 : i32 to vector<16xi32>
        %rev3A_753 = tpu.iota {dimensions = array<i32: 0>} : vector<16xi32>
        %rev3A_754 = arith.subi %rev3A_752, %rev3A_753 : vector<16xi32>
        %rev3A_755 = tpu.dynamic_gather %masked_sort3A_745[%rev3A_754] in [0] : vector<16xi32>, vector<16xi32> -> vector<16xi32>
        %le3A_756 = arith.cmpf ole, %while3A_718, %rev3A_750 : vector<16xf32>
        %select_n3A_757 = arith.select %le3A_756, %while3A_718, %rev3A_750 : vector<16xi1>, vector<16xf32>
        %select_n3A_758 = arith.select %le3A_756, %while3A_719, %rev3A_755 : vector<16xi1>, vector<16xi32>
        %select_n3A_759 = arith.select %le3A_756, %rev3A_750, %while3A_718 : vector<16xi1>, vector<16xf32>
        %select_n3A_760 = arith.select %le3A_756, %rev3A_755, %while3A_719 : vector<16xi1>, vector<16xi32>
        %masked_sort3A_761 = arith.constant dense<true> : vector<16xi1>
        %masked_sort3A_762, %masked_sort3A_763, %masked_sort3A_764 = tpu.sort %select_n3A_757, %select_n3A_758 masked %masked_sort3A_761 : (vector<16xf32>, vector<16xi32>, vector<16xi1>) -> (vector<16xi1>, vector<16xf32>, vector<16xi32>)
        %masked_sort3A_765 = arith.constant dense<true> : vector<16xi1>
        %masked_sort3A_766, %masked_sort3A_767, %masked_sort3A_768 = tpu.sort %select_n3A_759, %select_n3A_760 masked %masked_sort3A_765 : (vector<16xf32>, vector<16xi32>, vector<16xi1>) -> (vector<16xi1>, vector<16xf32>, vector<16xi32>)
        scf.yield %masked_sort3A_763, %masked_sort3A_764, %masked_sort3A_767, %masked_sort3A_768 : vector<16xf32>, vector<16xi32>, vector<16xf32>, vector<16xi32>
      }
      %add3A_659 = arith.constant 3 : i32
      %add3A_660 = arith.addi %mul3A_56, %add3A_659 : i32
      %broadcast_in_dim3A_661 = vector.broadcast %add3A_660 : i32 to vector<16xi32>
      %gather3A_662 = tpu.vector_load_idx %arg13[%broadcast_in_dim3A_661] : memref<256xi32, #tpu.memory_space<vmem>>[vector<16xi32>], vector<16xi32>,
      %gather3A_663 = tpu.vector_load_idx %arg5[%gather3A_662] : memref<4096xf32, #tpu.memory_space<vmem>>[vector<16xi32>], vector<16xf32>,
      %gather3A_664 = tpu.vector_load_idx %arg6[%gather3A_662] : memref<4096xf32, #tpu.memory_space<vmem>>[vector<16xi32>], vector<16xf32>,
      %gather3A_665 = tpu.vector_load_idx %arg7[%gather3A_662] : memref<4096xf32, #tpu.memory_space<vmem>>[vector<16xi32>], vector<16xf32>,
      %gather3A_666 = tpu.vector_load_idx %arg5[%while3A_658#1] : memref<4096xf32, #tpu.memory_space<vmem>>[vector<16xi32>], vector<16xf32>,
      %sub3A_667 = arith.subf %gather3A_666, %gather3A_663 : vector<16xf32>
      %gather3A_668 = tpu.vector_load_idx %arg6[%while3A_658#1] : memref<4096xf32, #tpu.memory_space<vmem>>[vector<16xi32>], vector<16xf32>,
      %sub3A_669 = arith.subf %gather3A_668, %gather3A_664 : vector<16xf32>
      %gather3A_670 = tpu.vector_load_idx %arg7[%while3A_658#1] : memref<4096xf32, #tpu.memory_space<vmem>>[vector<16xi32>], vector<16xf32>,
      %sub3A_671 = arith.subf %gather3A_670, %gather3A_665 : vector<16xf32>
      %add3A_672 = arith.constant 3 : i32
      %add3A_673 = arith.addi %mul3A_56, %add3A_672 : i32
      %broadcast_in_dim3A_674 = vector.broadcast %add3A_673 : i32 to vector<16xi32>
      %mul3A_675 = arith.constant 32 : i32
      %mul3A_676 = vector.broadcast %mul3A_675 : i32 to vector<16xi32>
      %mul3A_677 = arith.muli %mul3A_676, %broadcast_in_dim3A_674 : vector<16xi32>
      %add3A_678 = arith.constant 0 : i32
      %add3A_679 = vector.broadcast %add3A_678 : i32 to vector<16xi32>
      %add3A_680 = arith.addi %mul3A_677, %add3A_679 : vector<16xi32>
      %add3A_681 = arith.addi %add3A_680, %iota3A : vector<16xi32>
      %mul3A_682 = arith.constant 3 : i32
      %mul3A_683 = vector.broadcast %mul3A_682 : i32 to vector<16xi32>
      %mul3A_684 = arith.muli %mul3A_683, %add3A_681 : vector<16xi32>
      tpu.vector_store_idx %arg18[%mul3A_684], %sub3A_667 : memref<24576xf32, #tpu.memory_space<vmem>>[vector<16xi32>], vector<16xf32>,
      %add3A_685 = arith.constant 1 : i32
      %add3A_686 = vector.broadcast %add3A_685 : i32 to vector<16xi32>
      %add3A_687 = arith.addi %mul3A_684, %add3A_686 : vector<16xi32>
      tpu.vector_store_idx %arg18[%add3A_687], %sub3A_669 : memref<24576xf32, #tpu.memory_space<vmem>>[vector<16xi32>], vector<16xf32>,
      %add3A_688 = arith.constant 2 : i32
      %add3A_689 = vector.broadcast %add3A_688 : i32 to vector<16xi32>
      %add3A_690 = arith.addi %mul3A_684, %add3A_689 : vector<16xi32>
      tpu.vector_store_idx %arg18[%add3A_690], %sub3A_671 : memref<24576xf32, #tpu.memory_space<vmem>>[vector<16xi32>], vector<16xf32>,
      %gather3A_691 = tpu.vector_load_idx %arg5[%while3A_658#3] : memref<4096xf32, #tpu.memory_space<vmem>>[vector<16xi32>], vector<16xf32>,
      %sub3A_692 = arith.subf %gather3A_691, %gather3A_663 : vector<16xf32>
      %gather3A_693 = tpu.vector_load_idx %arg6[%while3A_658#3] : memref<4096xf32, #tpu.memory_space<vmem>>[vector<16xi32>], vector<16xf32>,
      %sub3A_694 = arith.subf %gather3A_693, %gather3A_664 : vector<16xf32>
      %gather3A_695 = tpu.vector_load_idx %arg7[%while3A_658#3] : memref<4096xf32, #tpu.memory_space<vmem>>[vector<16xi32>], vector<16xf32>,
      %sub3A_696 = arith.subf %gather3A_695, %gather3A_665 : vector<16xf32>
      %add3A_697 = arith.constant 3 : i32
      %add3A_698 = arith.addi %mul3A_56, %add3A_697 : i32
      %broadcast_in_dim3A_699 = vector.broadcast %add3A_698 : i32 to vector<16xi32>
      %mul3A_700 = arith.constant 32 : i32
      %mul3A_701 = vector.broadcast %mul3A_700 : i32 to vector<16xi32>
      %mul3A_702 = arith.muli %mul3A_701, %broadcast_in_dim3A_699 : vector<16xi32>
      %add3A_703 = arith.constant 16 : i32
      %add3A_704 = vector.broadcast %add3A_703 : i32 to vector<16xi32>
      %add3A_705 = arith.addi %mul3A_702, %add3A_704 : vector<16xi32>
      %add3A_706 = arith.addi %add3A_705, %iota3A : vector<16xi32>
      %mul3A_707 = arith.constant 3 : i32
      %mul3A_708 = vector.broadcast %mul3A_707 : i32 to vector<16xi32>
      %mul3A_709 = arith.muli %mul3A_708, %add3A_706 : vector<16xi32>
      tpu.vector_store_idx %arg18[%mul3A_709], %sub3A_692 : memref<24576xf32, #tpu.memory_space<vmem>>[vector<16xi32>], vector<16xf32>,
      %add3A_710 = arith.constant 1 : i32
      %add3A_711 = vector.broadcast %add3A_710 : i32 to vector<16xi32>
      %add3A_712 = arith.addi %mul3A_709, %add3A_711 : vector<16xi32>
      tpu.vector_store_idx %arg18[%add3A_712], %sub3A_694 : memref<24576xf32, #tpu.memory_space<vmem>>[vector<16xi32>], vector<16xf32>,
      %add3A_713 = arith.constant 2 : i32
      %add3A_714 = vector.broadcast %add3A_713 : i32 to vector<16xi32>
      %add3A_715 = arith.addi %mul3A_709, %add3A_714 : vector<16xi32>
      tpu.vector_store_idx %arg18[%add3A_715], %sub3A_696 : memref<24576xf32, #tpu.memory_space<vmem>>[vector<16xi32>], vector<16xf32>,
      %scan3A_716 = arith.constant 0 : i32
      scf.yield %scan3A_716 : i32
    }
    %scan3A_48 = arith.constant 64 : i32
    %mul3A_49 = arith.constant 24576 : i32
    %mul3A_50 = arith.muli %add3A, %mul3A_49 : i32
    "tpu.region"() ({
      %run_scoped3A = tpu.sem_alloc : memref<!tpu.dma_semaphore, #tpu.memory_space<semaphore_mem>>
      %dma_start3A = tpu.memref_slice %arg3[%mul3A_50] : memref<786432xf32, #tpu.memory_space<hbm>> -> memref<24576xf32, #tpu.memory_space<hbm>>
      %dma_start3A_53 = tpu.memref_slice %arg3[%mul3A_50] : memref<786432xf32, #tpu.memory_space<hbm>> -> memref<24576xf32, #tpu.memory_space<hbm>>
      tpu.enqueue_dma source(%arg18 : memref<24576xf32, #tpu.memory_space<vmem>>) target(%dma_start3A_53 : memref<24576xf32, #tpu.memory_space<hbm>>) target_semaphore(%run_scoped3A : memref<!tpu.dma_semaphore, #tpu.memory_space<semaphore_mem>>)
      %dma_wait3A = tpu.memref_slice %arg3[%mul3A_50] : memref<786432xf32, #tpu.memory_space<hbm>> -> memref<24576xf32, #tpu.memory_space<hbm>>
      %dma_wait3A_54 = tpu.memref_slice %arg3[%mul3A_50] : memref<786432xf32, #tpu.memory_space<hbm>> -> memref<24576xf32, #tpu.memory_space<hbm>>
      tpu.wait_dma2 semaphore(%run_scoped3A : memref<!tpu.dma_semaphore, #tpu.memory_space<semaphore_mem>>) src(%arg18 : memref<24576xf32, #tpu.memory_space<vmem>>) dst(%dma_wait3A_54 : memref<24576xf32, #tpu.memory_space<hbm>>)
      tpu.yield
    }) : () -> ()
    %mul3A_51 = arith.constant 768 : i32
    %mul3A_52 = arith.muli %add3A, %mul3A_51 : i32
    "tpu.region"() ({
      %run_scoped3A = tpu.sem_alloc : memref<!tpu.dma_semaphore, #tpu.memory_space<semaphore_mem>>
      %dma_start3A = tpu.memref_slice %arg4[%mul3A_52] : memref<24576xf32, #tpu.memory_space<hbm>> -> memref<768xf32, #tpu.memory_space<hbm>>
      %dma_start3A_53 = tpu.memref_slice %arg4[%mul3A_52] : memref<24576xf32, #tpu.memory_space<hbm>> -> memref<768xf32, #tpu.memory_space<hbm>>
      tpu.enqueue_dma source(%arg19 : memref<768xf32, #tpu.memory_space<vmem>>) target(%dma_start3A_53 : memref<768xf32, #tpu.memory_space<hbm>>) target_semaphore(%run_scoped3A : memref<!tpu.dma_semaphore, #tpu.memory_space<semaphore_mem>>)
      %dma_wait3A = tpu.memref_slice %arg4[%mul3A_52] : memref<24576xf32, #tpu.memory_space<hbm>> -> memref<768xf32, #tpu.memory_space<hbm>>
      %dma_wait3A_54 = tpu.memref_slice %arg4[%mul3A_52] : memref<24576xf32, #tpu.memory_space<hbm>> -> memref<768xf32, #tpu.memory_space<hbm>>
      tpu.wait_dma2 semaphore(%run_scoped3A : memref<!tpu.dma_semaphore, #tpu.memory_space<semaphore_mem>>) src(%arg19 : memref<768xf32, #tpu.memory_space<vmem>>) dst(%dma_wait3A_54 : memref<768xf32, #tpu.memory_space<hbm>>)
      tpu.yield
    }) : () -> ()
    return
  }
}

</mosaic_0001>

<sc_bundles>
// kernel: kernel.3.cloned.1.call-start
scs
__scs_entry_jumppad:
0x0: {  	(pc) =	sbr.rel $0x88, $3  }
0x1: {  	(tag) =	ssettag $0x0;
	lr =	simm.s32 $0x1  }
0x2: {  	[smem:$0x3FA0] =	sst lr;
	_ =	strace $0xD0000000  }
0x3: {  	_ = 	snop  }
0x4: {  	_ = 	snop  }
0x5: {  	_ = 	snop  }
0x6: {  	_ = 	snop  }
0x7: {  	_ = 	snop  }
__scs_overlays_trampoline_lowered:
0x8: {  	[smem:$0x3FAF] =	sst s0  }
0x9: {  	[smem:$0x3FB0] =	sst s1  }
0xa: {  	[smem:$0x3FB1] =	sst s2  }
0xb: {  	[smem:$0x3FB2] =	sst s3  }
0xc: {  	[smem:$0x3FB3] =	sst s4  }
0xd: {  	[smem:$0x3FB4] =	sst s5  }
0xe: {  	[smem:$0x3FB5] =	sst s6  }
0xf: {  	[smem:$0x3FB6] =	sst s7  }
0x10: {  	[smem:$0x3FB7] =	sst s8  }
0x11: {  	[smem:$0x3FB8] =	sst s9;
	s0 =	simm.s32 @!p0 $0x0  }
0x12: {  	s1 =	sld [smem:$0x3F9E];
	s0 =	simm.s32 @p0 $0x1  }
0x13: {  	[smem:$0x3FB9] =	sst s0;
	s0 =	simm.s32 @!p1 $0x0  }
0x14: {  	s2 =	sld [smem:$0x3F9D];
	s0 =	simm.s32 @p1 $0x1  }
0x15: {  	[smem:$0x3FBA] =	sst s0;
	s0 =	simm.s32 @!p2 $0x0  }
0x16: {  	s3 =	sld [smem:$0x3FDB];
	s0 =	simm.s32 @p2 $0x1  }
0x17: {  	s4 =	simm.s32 $0x1BF5;
	[smem:$0x3FBC] =	sst s0  }
0x18: {  	s0 =	sld [smem:$0x3F9F];
	_ =	swait.ge [sflag:s4], $0x0  }
0x19: {  	s7 =	sld [smem:$0x3FA0]  }
0x1a: {  	s8 =	sadd.s32 $0xFFFFE003, lr  }
0x1b: {  	s9 =	sadd.s32 $0xFFFFFEF7, lr;
	s5 =	simm.s32 $0xFFFFFFFF;
	p2 =	slt.u32 s8, $0xFFFFF086  }
0x1c: {  	p1 =	slt.u32 s9, $0xF7A;
	s5 =	simm.s32 @!p2 $0x0  }
0x1d: {  	s5 =	simm.s32 @p1 $0x1;
	p0 =	seq.s32 s7, s2  }
0x1e: {  	s7 =	smul.u32 @!p0 $0xF7A, s2;
	p2 =	seq.s32 @!p0 s5, $0x0  }
0x1f: {  	s9 =	smul.u32 $0xF7A, s1;
	s8 =	simm.s32 @!p0 $0x1BF5;
	p2 =	por !p2, p0  }
0x20: {  	[sflag:s8] =	ssyncset.s32 @!p0 $0xFFFFF086;
	s6 =	sadd.s32 @!p0 s3, s7;
	s7 =	simm.s32 @!p0 $0x108  }
0x21: {  	s3 =	sadd.s32 s3, s9;
	s6 =	sadd.s32 @!p0 $0x88, s6;
	s7 =	simm.s32 @p2 $0x1082  }
0x22: {  	[simem:s7], [sflag:s8] =	dma.local @!p0 [hbm:s6], $0xF7A  }
0x23: {  	s9 =	sor.u32 $0xD0000000, s2;
	s6 =	simm.s32 $0x108;
	_ =	swait.ge @!p0 [sflag:s8], $0x0  }
0x24: {  	s3 =	sadd.s32 $0x88, s3;
	s6 =	simm.s32 @!p1 $0x1082;
	[sflag:s4] =	ssyncset.s32 $0xFFFFF086  }
0x25: {  	[simem:s6], [sflag:s4] =	dma.local [hbm:s3], $0xF7A  }
0x26: {  	[smem:$0x3FA0] =	sst s1;
	(tag) =	ssettag s2;
	_ =	strace s9  }
0x27: {  	s1 =	sld [smem:$0x3FB0]  }
0x28: {  	s2 =	sld [smem:$0x3FB1]  }
0x29: {  	s4 =	sld [smem:$0x3FB3]  }
0x2a: {  	p0 =	seq.s32 s5, $0x0;
	s5 =	sld [smem:$0x3FB4]  }
0x2b: {  	s6 =	sld [smem:$0x3FB5]  }
0x2c: {  	s7 =	sld [smem:$0x3FB6]  }
0x2d: {  	s3 =	simm.s32 $0x108;
	s8 =	sld [smem:$0x3FB7]  }
0x2e: {  	s3 =	simm.s32 @!p0 $0x1082;
	s9 =	sld [smem:$0x3FB8]  }
0x2f: {  	lr =	sadd.s32 s0, s3;
	s0 =	sld [smem:$0x3FAF]  }
0x30: {  	s3 =	sld [smem:$0x3FB2]  }
0x31: {  	[smem:$0x3FBB] =	sst s10  }
0x32: {  	s10 =	sld [smem:$0x3FB9];
	_ =	sdelay $0x3  }
0x33: {  	p0 =	seq.s32 s10, $0x1;
	s10 =	sld [smem:$0x3FBB];
	_ =	sdelay $0x3  }
0x34: {  	[smem:$0x3FBB] =	sst s10  }
0x35: {  	s10 =	sld [smem:$0x3FBA];
	_ =	sdelay $0x3  }
0x36: {  	p1 =	seq.s32 s10, $0x1;
	s10 =	sld [smem:$0x3FBB];
	_ =	sdelay $0x3  }
0x37: {  	[smem:$0x3FBB] =	sst s10  }
0x38: {  	s10 =	sld [smem:$0x3FBC]  }
0x39: {  	_ = 	snop;
	(pc) =	sbr.ind lr, $3  }
0x3a: {  	_ = 	snop  }
0x3b: {  	_ = 	snop  }
0x3c: {  	p2 =	seq.s32 s10, $0x1;
	s10 =	sld [smem:$0x3FBB]  }
0x3d: {  	_ =	shalt  }
0x3e: {  	_ =	shalt  }
0x3f: {  	_ =	shalt  }
0x40: {  	_ =	shalt  }
0x41: {  	_ =	shalt  }
0x42: {  	_ =	shalt  }
0x43: {  	_ =	shalt  }
0x44: {  	_ =	shalt  }
0x45: {  	_ =	shalt  }
0x46: {  	_ =	shalt  }
0x47: {  	_ =	shalt  }
0x48: {  	_ =	shalt  }
0x49: {  	_ =	shalt  }
0x4a: {  	_ =	shalt  }
0x4b: {  	_ =	shalt  }
0x4c: {  	_ =	shalt  }
0x4d: {  	_ =	shalt  }
0x4e: {  	_ =	shalt  }
0x4f: {  	_ =	shalt  }
0x50: {  	_ =	shalt  }
0x51: {  	_ =	shalt  }
0x52: {  	_ =	shalt  }
0x53: {  	_ =	shalt  }
0x54: {  	_ =	shalt  }
0x55: {  	_ =	shalt  }
0x56: {  	_ =	shalt  }
0x57: {  	_ =	shalt  }
0x58: {  	_ =	shalt  }
0x59: {  	_ =	shalt  }
0x5a: {  	_ =	shalt  }
0x5b: {  	_ =	shalt  }
0x5c: {  	_ =	shalt  }
0x5d: {  	_ =	shalt  }
0x5e: {  	_ =	shalt  }
0x5f: {  	_ =	shalt  }
0x60: {  	_ =	shalt  }
0x61: {  	_ =	shalt  }
0x62: {  	_ =	shalt  }
0x63: {  	_ =	shalt  }
0x64: {  	_ =	shalt  }
0x65: {  	_ =	shalt  }
0x66: {  	_ =	shalt  }
0x67: {  	_ =	shalt  }
0x68: {  	_ =	shalt  }
0x69: {  	_ =	shalt  }
0x6a: {  	_ =	shalt  }
0x6b: {  	_ =	shalt  }
0x6c: {  	_ =	shalt  }
0x6d: {  	_ =	shalt  }
0x6e: {  	_ =	shalt  }
0x6f: {  	_ =	shalt  }
0x70: {  	_ =	shalt  }
0x71: {  	_ =	shalt  }
0x72: {  	_ =	shalt  }
0x73: {  	_ =	shalt  }
0x74: {  	_ =	shalt  }
0x75: {  	_ =	shalt  }
0x76: {  	_ =	shalt  }
0x77: {  	_ =	shalt  }
0x78: {  	_ =	shalt  }
0x79: {  	_ =	shalt  }
0x7a: {  	_ =	shalt  }
0x7b: {  	_ =	shalt  }
0x7c: {  	_ =	shalt  }
0x7d: {  	_ =	shalt  }
0x7e: {  	_ =	shalt  }
0x7f: {  	_ =	shalt  }
0x80: {  	_ =	shalt  }
0x81: {  	_ =	shalt  }
0x82: {  	_ =	shalt  }
0x83: {  	_ =	shalt  }
0x84: {  	_ =	shalt  }
0x85: {  	_ =	shalt  }
0x86: {  	_ =	shalt  }
0x87: {  	_ =	shalt  }
.Lfunc_end0:
.L_simem_size_0:
called_computation_lowered:
.L_overlay_start_0:
0x88: {  	s2 =	sld [smem:$0x3FD9]  }
0x89: {  	s3 =	sld [smem:$0x3FFE];
	_ =	sdelay $0x1  }
0x8a: {  	s1 =	srdreg.scid  }
0x8b: {  	s0 =	sand.u32 $0x1, s1  }
0x8c: {  	s14 =	sshll.u32 s0, $0xA;
	s2 =	sadd.s32 s3, s2  }
0x8d: {  	s2 =	sadd.s32 s2, s14  }
0x8e: {  	[smem:$0x3FC7] =	sst s2  }
0x8f: {  	_ = 	snop  }
0x90: {  	s2 =	sld [smem:$0x3FD0];
	_ =	sdelay $0x2  }
0x91: {  	s15 =	simm.s32 $0xA;
	s4 =	simm.s32 $0x10  }
0x92: {  	[smem:s4], [sflag:s15] =	dma.local [hbm:s2], $0x1  }
0x93: {  	_ =	swait.eq [sflag:s15], $0x1  }
0x94: {  	[sflag:s15] =	ssyncset.done $0x0  }
0x95: {  	s16 =	sld [smem:$0x10];
	[sflag:s15] =	ssyncadd.s32 $0xFFFFFFFF  }
0x96: {  	s17 =	sld [smem:$0x11];
	(tm) =	ssettm $0x1  }
0x97: {  	s18 =	sld [smem:$0x3FFB];
	_ =	sdelay $0x3  }
0x98: {  	_ =	strace s18  }
0x99: {  	s4 =	sld [smem:$0x3FFC];
	_ =	sdelay $0x3  }
0x9a: {  	_ =	strace s4  }
0x9b: {  	s4 =	sld [smem:$0x3FFD];
	_ =	sdelay $0x3  }
0x9c: {  	_ =	strace s4  }
0x9d: {  	_ =	strace $0x8FFFFFFF  }
0x9e: {  	s19 =	sld [smem:$0x3FDB];
	_ =	sdelay $0x1  }
0x9f: {  	s5 =	simm.s32 $_scs_section_size  }
0xa0: {  	s6 =	simm.s32 $_size__tile_overlayer_lowered;
	s7 =	simm.s32 $_tile_overlayer_lowered  }
0xa1: {  	s22 =	simm.s32 $0x1BFF;
	s21 =	sshll.u32 s7, $0x1;
	s4 =	sadd.s32 s5, s19  }
0xa2: {  	s8 =	simm.s32 $0x0;
	s20 =	sshll.u32 s6, $0x1;
	s6 =	sadd.s32 s21, s4  }
0xa3: {  	[timem:s8], [sflag:s22] =	dma.local [hbm:s6], s20  }
0xa4: {  	_ =	swait.ge [sflag:s22], s20  }
0xa5: {  	s5 =	ssub.s32 $0x0, s20;
	[sflag:s22] =	ssyncset.done $0x0  }
0xa6: {  	[sflag:s22] =	ssyncadd.s32 s5;
	_ =	sdelay $0x1  }
0xa7: {  	s23 =	simm.s32 $0x1B8B  }
0xa8: {  	_ =	swait.ge [sflag:s23], $0x1  }
0xa9: {  	[sflag:s23] =	ssyncset.done $0x0  }
0xaa: {  	s25 =	simm.s32 $0x1B8E;
	s24 =	sld [smem:$0x3FFE];
	[sflag:s23] =	ssyncadd.s32 $0xFFFFFFFF  }
0xab: {  	s26 =	simm.s32 $execute0_lowered;
	[smem:$0x3FD2] =	sst s25  }
0xac: {  	s6 =	sshll.u32 s26, $0x1;
	_ =	strace $0x80000046;
	[dreg:$0x1] =	wrdreg $0xFFFFFFFF  }
0xad: {  	s28 =	simm.s32 $_size_execute0_lowered;
	s4 =	sadd.s32 s4, s6;
	[dreg:$0x0] =	wrdreg $0x0  }
0xae: {  	s6 =	sshll.u32 s28, $0x1;
	[dreg:$0x2] =	wrdreg s4  }
0xaf: {  	[dreg:$0x3] =	wrdreg s6  }
0xb0: {  	[dreg:$0x4] =	wrdreg $0xC0  }
0xb1: {  	_ =	task [dreg:s8], $0x5FFFF  }
0xb2: {  	[dreg:$0x1] =	wrdreg $0xFFFFFFFF  }
0xb3: {  	[dreg:$0x0] =	wrdreg $0x60  }
0xb4: {  	[dreg:$0x2] =	wrdreg s24  }
0xb5: {  	[dreg:$0x3] =	wrdreg s16  }
0xb6: {  	[dreg:$0x4] =	wrdreg s17  }
0xb7: {  	[dreg:$0x5] =	wrdreg $0x9  }
0xb8: {  	_ =	task.clear_ibuf [dreg:s8], $0x6FFFF;
	_ =	strace $0x90000046  }
0xb9: {  	s29 =	simm.s32 $0x9;
	_ =	strace $0x80000048  }
0xba: {  	_ =	swait.ge [sflag:s29], $0x1  }
0xbb: {  	[sflag:s29] =	ssyncadd.s32 $0xFFFFFFFF  }
0xbc: {  	_ =	strace $0x90000048  }
0xbd: {  	_ =	sfence  }
0xbe: {  	s30 =	sld [smem:$0x0];
	_ =	sdelay $0x2  }
0xbf: {  	s31 =	sshll.u32 s1, $0xD;
	s1 =	sshrl.u32 s1, $0x2  }
0xc0: {  	s3 =	sand.u32 $0x4000, s31;
	s1 =	sadd.s32 s1, s30  }
0xc1: {  	s0 =	sor.u32 s3, s0;
	s1 =	sshll.u32 s1, $0x11  }
0xc2: {  	s0 =	sor.u32 s1, s0  }
0xc3: {  	s0 =	sadd.s32 $0x8F2B, s0  }
0xc4: {  	[sflag:s0] =	ssyncadd.remote.s32 $0x1  }
0xc5: {  	_ =	sfence.sel $0xFFFF  }
0xc6: {  	[dreg:$0x0] =	wrdreg $0xFFFFFFFF;
	(pc) =	sbr.abs _section_cstart, $3  }
0xc7: {  	[dreg:$0x1] =	wrdreg $0xFFFFFFFF  }
0xc8: {  	_ =	task.clear_ibuf [dreg:s8], $0x2FFFF;
	_ =	strace $0x9FFFFFFF  }
0xc9: {  	(tm) =	ssettm $0x7FFFFFFF  }
tec
execute0_lowered:
.L_overlay_start_1:
0x0: {  	(tag) =	ssettag $0x1  }
0x1: {  	s0 =	rddreg [dreg:$0x0]  }
0x2: {  	s1 =	rddreg [dreg:$0x1]  }
0x3: {  	s2 =	srdreg.scid;
	s4 =	stileid.u32  }
0x4: {  	s3 =	rddreg [dreg:$0x2];
	s2 =	sand.u32 $0x1, s2;
	s4 =	sshll.u32 s4, $0x1  }
0x5: {  	s28 =	simm.s32 $0x0;
	s10 =	simm.s32 $0x1000;
	s4 =	sor.u32 s2, s4  }
0x6: {  	s11 =	simm.s32 $0x2000;
	s13 =	simm.s32 $0x8000;
	s5 =	smul.u32 $0x3000, s4  }
0x7: {  	[smem:$0x7FF] =	sst s28;
	s2 =	ssub.s32 $0x2, s2;
	s7 =	smul.u32 $0xC00, s4  }
0x8: {  	_ =	strace $0x80000047;
	s6 =	sshrl.u32 s2, $0x1;
	s4 =	smul.u32 $0x60, s4  }
0x9: {  	s2 =	ssub.s32 s2, s6;
	s5 =	sshrl.u32 s5, $0x3;
	s29 =	sadd.s32 s1, s7  }
0xa: {  	s30 =	sadd.s32 s3, s4;
	s31 =	smax.u32 s2, $0x1;
	[dreg:$0x7] =	wrdreg s29  }
.Ltmp0:
0xb: {  	s0 =	sadd.s32 s5, s0;
	[dreg:$0x8] =	wrdreg s30;
	(pc) =	sbr.rel .LBB2_1-.Ltmp0, $4  }
0xc: {  	s14 =	simm.s32 $0xC700;
	[dreg:$0x9] =	wrdreg s31;
	s5 =	sadd.s32 $0xA00, s0  }
0xd: {  	v0 =	vimm.f32 $1.000000000e+10;
	s15 =	simm.s32 $0xC800;
	s26 =	sadd.s32 $0xC00, s0;
	[dreg:$0x4] =	wrdreg s5  }
0xe: {  	v1 =	vimm.s32 $0x0;
	vm0 =	vcmask $0x3F08;
	vm1 =	vmmov $0x1;
	s16 =	simm.s32 $0xC900;
	s0 =	sadd.s32 $0xE00, s0;
	[dreg:$0x5] =	wrdreg s26  }
0xf: {  	v2 =	vlaneseq.u32;
	v3 =	vimm.s32 $0x1;
	v4 =	vimm.f32 $+Inf;
	s1 =	simm.s32 $0x1;
	s2 =	simm.s32 $0x0;
	[dreg:$0x6] =	wrdreg s0  }
.LBB2_61:
0x10: {  	s0 =	rddreg [dreg:$0x7];
	s1 =	simm.s32 $0x1  }
0x11: {  	[hbm4b:s0+s28] =	stream.linear.scatter [tilespmem:s16], [sflag:$0x1], $0x6000, $0x38;
	[tilespmem:$0x12C00] =	vst v63  }
0x12: {  	_ =	swait.ge [sflag:s1], $0x6000  }
0x13: {  	[sflag:s1] =	ssyncset.done $0x0  }
0x14: {  	s2 =	simm.s32 $0x12900;
	s29 =	rddreg [dreg:$0x8];
	[sflag:s1] =	ssyncadd.s32 $0xFFFFA000  }
0x15: {  	[hbm4b:s29+s28] =	stream.linear.scatter [tilespmem:s2], [sflag:$0x1], $0x300, $0x38;
	[tilespmem:$0x12C00] =	vst v63  }
0x16: {  	_ =	swait.ge [sflag:s1], $0x300  }
0x17: {  	s30 =	rddreg [dreg:$0xa]  }
0x18: {  	s31 =	rddreg [dreg:$0x9];
	s2 =	sadd.s32 $0x1, s30  }
0x19: {  	p0 =	sne.s32 s2, s31  }
.Ltmp1:
0x1a: {  	_ = 	snop;
	(pc) =	sbr.rel @!p0 .LBB2_62-.Ltmp1, $3  }
0x1b: {  	_ =	sdelay $0x1  }
0x1c: {  	[sflag:s1] =	ssyncset.done $0x0  }
0x1d: {  	[sflag:s1] =	ssyncadd.s32 $0xFFFFFD00  }
.LBB2_1:
0x1e: {  	[dreg:$0xa] =	wrdreg s2  }
0x1f: {  	s0 =	rddreg [dreg:$0x4]  }
0x20: {  	[tilespmem:s28], [sflag:$0x1] =	stream.linear.gather [hbm4b:s0+s28], $0x1000, $0x38;
	[tilespmem:$0x12C00] =	vst v63  }
0x21: {  	_ =	swait.ge [sflag:s1], $0x1000  }
0x22: {  	[sflag:s1] =	ssyncset.done $0x0  }
0x23: {  	s30 =	rddreg [dreg:$0x5];
	[sflag:s1] =	ssyncadd.s32 $0xFFFFF000  }
0x24: {  	[tilespmem:s10], [sflag:$0x1] =	stream.linear.gather [hbm4b:s30+s28], $0x1000, $0x38;
	[tilespmem:$0x12C00] =	vst v63  }
0x25: {  	_ =	swait.ge [sflag:s1], $0x1000  }
0x26: {  	[sflag:s1] =	ssyncset.done $0x0  }
0x27: {  	s31 =	rddreg [dreg:$0x6];
	[sflag:s1] =	ssyncadd.s32 $0xFFFFF000  }
0x28: {  	[tilespmem:s11], [sflag:$0x1] =	stream.linear.gather [hbm4b:s31+s28], $0x1000, $0x38;
	[tilespmem:$0x12C00] =	vst v63  }
0x29: {  	_ =	swait.ge [sflag:s1], $0x1000  }
0x2a: {  	[sflag:s1] =	ssyncset.done $0x0  }
0x2b: {  	[sflag:s1] =	ssyncadd.s32 $0xFFFFF000;
	s1 =	simm.s32 $0x0  }
0x2c: {  	v5 =	vld [tilespmem:s1+$0x0]  }
0x2d: {  	v6 =	vld [tilespmem:s1+$0x1000]  }
0x2e: {  	v9 =	vld [tilespmem:s1+$0x2000];
	_ =	sdelay $0x3  }
0x2f: {  	s0 =	simm.s32 $0x10;
	[tilespmem:s1+$0x7000] =	vst v0;
	v8 =	vmul.f32 v5, v5;
	v10 =	vmul.f32 v6, v6;
	v11 =	vshrl.u32 v5, $0x10  }
0x30: {  	v7 =	vld [tilespmem:s0+$0x0];
	v12 =	vshrl.u32 v6, $0x10;
	v13 =	vmul.f32 v9, v9;
	v14 =	vshrl.u32 v9, $0x10  }
0x31: {  	v11 =	vand.u32 $0x1, v11;
	v12 =	vand.u32 $0x1, v12;
	v10 =	vadd.f32 v10, v8;
	v8 =	vld [tilespmem:s0+$0x1000]  }
0x32: {  	v5 =	vadd.s32 v11, v5;
	v11 =	vadd.s32 v12, v6;
	v12 =	vand.u32 $0x1, v14  }
0x33: {  	v6 =	vld [tilespmem:s0+$0x2000];
	v5 =	vadd.s32 $0x7FFF, v5;
	v9 =	vadd.s32 v12, v9  }
0x34: {  	[tilespmem:s0+$0x7000] =	vst v0;
	v11 =	vadd.s32 $0x7FFF, v11;
	v10 =	vadd.f32 v13, v10;
	v5 =	vand.u32 $0xFFFF0000, v5  }
0x35: {  	v12 =	vshrl.u32 v7, $0x10;
	v9 =	vadd.s32 $0x7FFF, v9;
	v14 =	vand.u32 $0xFFFF0000, v11;
	[tilespmem:s1+$0x3000] =	vst v5  }
0x36: {  	s3 =	simm.s32 $0x20;
	[tilespmem:s1+$0x6000] =	vst v10;
	v10 =	vmul.f32 v7, v7;
	v11 =	vshrl.u32 v8, $0x10;
	v13 =	vmul.f32 v8, v8  }
0x37: {  	s2 =	simm.s32 $0xC0;
	v12 =	vand.u32 $0x1, v12;
	v9 =	vand.u32 $0xFFFF0000, v9;
	v5 =	vld [tilespmem:s3+$0x0];
	[tilespmem:s1+$0x4000] =	vst v14;
	v11 =	vand.u32 $0x1, v11  }
.LBB2_2:
0x38: {  	p0 =	sne.s32 s2, $0x3FC0;
	v14 =	vld [tilespmem:s3+$0x1000];
	v15 =	vshrl.u32 v6, $0x10;
	v10 =	vadd.f32 v13, v10;
	v13 =	vmul.f32 v6, v6;
	[tilespmem:s1+$0x5000] =	vst v9;
	s1 =	smov.u32 s0;
	s0 =	smov.u32 s3  }
0x39: {  	v7 =	vadd.s32 v12, v7;
	v8 =	vadd.s32 v11, v8;
	[tilespmem:s0+$0x7000] =	vst v0;
	v9 =	vand.u32 $0x1, v15  }
.Ltmp2:
0x3a: {  	v16 =	vadd.s32 $0x7FFF, v7;
	v9 =	vadd.s32 v9, v6;
	v6 =	vld [tilespmem:s0+$0x2000];
	v10 =	vadd.f32 v13, v10;
	(pc) =	sbr.rel @p0 .LBB2_2-.Ltmp2, $4  }
0x3b: {  	v11 =	vand.u32 $0xFFFF0000, v16;
	v13 =	vadd.s32 $0x7FFF, v8;
	v17 =	vadd.s32 $0x7FFF, v9  }
0x3c: {  	v15 =	vand.u32 $0xFFFF0000, v13;
	v12 =	vshrl.u32 v5, $0x10;
	v9 =	vand.u32 $0xFFFF0000, v17;
	[tilespmem:s1+$0x6000] =	vst v10;
	v7 =	vmovc v5  }
0x3d: {  	s3 =	sshra.s32 s2, $0x2;
	v16 =	vshrl.u32 v14, $0x10;
	v10 =	vmul.f32 v5, v7;
	v13 =	vmul.f32 v14, v14;
	[tilespmem:s1+$0x3000] =	vst v11;
	v8 =	vmovc v14  }
0x3e: {  	s2 =	sadd.s32 $0x40, s2;
	v12 =	vand.u32 $0x1, v12;
	v5 =	vld [tilespmem:s3+$0x0];
	v11 =	vand.u32 $0x1, v16;
	[tilespmem:s1+$0x4000] =	vst v15  }
0x3f: {  	v14 =	vld [tilespmem:s3+$0x1000];
	[tilespmem:s1+$0x5000] =	vst v9;
	v54 =	vshrl.u32 v6, $0x10;
	v10 =	vadd.f32 v13, v10  }
0x40: {  	v55 =	vmul.f32 v6, v6;
	v7 =	vadd.s32 v12, v7;
	v8 =	vadd.s32 v11, v8;
	v56 =	vld [tilespmem:s3+$0x2000]  }
0x41: {  	v9 =	vand.u32 $0x1, v54;
	v7 =	vadd.s32 $0x7FFF, v7;
	v8 =	vadd.s32 $0x7FFF, v8  }
0x42: {  	v6 =	vadd.s32 v9, v6;
	v57 =	vadd.f32 v55, v10;
	v7 =	vand.u32 $0xFFFF0000, v7  }
0x43: {  	v8 =	vand.u32 $0xFFFF0000, v8;
	v6 =	vadd.s32 $0x7FFF, v6;
	v58 =	vmul.f32 v5, v5  }
0x44: {  	[tilespmem:s3+$0x7000] =	vst v0;
	v60 =	vshrl.u32 v5, $0x10;
	v6 =	vand.u32 $0xFFFF0000, v6;
	v59 =	vmul.f32 v14, v14  }
0x45: {  	[tilespmem:s0+$0x3000] =	vst v7;
	v61 =	vshrl.u32 v14, $0x10;
	v7 =	vand.u32 $0x1, v60;
	v62 =	vmul.f32 v56, v56  }
0x46: {  	[tilespmem:s0+$0x4000] =	vst v8;
	v9 =	vand.u32 $0x1, v61;
	v5 =	vadd.s32 v7, v5;
	v10 =	vadd.f32 v59, v58  }
0x47: {  	p0 =	por $0x1, $0x1;
	[tilespmem:s0+$0x5000] =	vst v6;
	v63 =	vshrl.u32 v56, $0x10;
	v6 =	vadd.s32 v9, v14;
	v5 =	vadd.s32 $0x7FFF, v5  }
.Ltmp3:
0x48: {  	[tilespmem:s0+$0x6000] =	vst v57;
	v8 =	vand.u32 $0x1, v63;
	v5 =	vand.u32 $0xFFFF0000, v5;
	v7 =	vadd.f32 v62, v10;
	(pc) =	sbr.rel @!p0 .LBB2_5-.Ltmp3, $4  }
0x49: {  	v8 =	vadd.s32 v8, v56;
	v6 =	vadd.s32 $0x7FFF, v6;
	[tilespmem:s3+$0x3000] =	vst v5  }
0x4a: {  	v6 =	vand.u32 $0xFFFF0000, v6;
	[tilespmem:s3+$0x6000] =	vst v7;
	v7 =	vadd.s32 $0x7FFF, v8  }
0x4b: {  	[tilespmem:s3+$0x4000] =	vst v6;
	v5 =	vand.u32 $0xFFFF0000, v7  }
0x4c: {  	s1 =	simm.s32 $0x40;
	s2 =	simm.s32 $0x0;
	s0 =	simm.s32 $0x0;
	[tilespmem:s3+$0x5000] =	vst v5  }
.LBB2_4:
0x4d: {  	p0 =	sne.s32 s1, $0x17C0;
	[tilespmem:s2+$0xC100] =	vst v1;
	s2 =	smov.u32 s1;
	s1 =	sadd.s32 $0x40, s1  }
.Ltmp4:
0x4e: {  	(pc) =	sbr.rel @p0 .LBB2_4-.Ltmp4, $2  }
0x4f: {  	_ =	sdelay $0x2  }
0x50: {  	s2 =	sshra.s32 s2, $0x2  }
.LBB2_5:
0x51: {  	[tilespmem:s2+$0xC100] =	vst v1;
	s19 =	simm.s32 $0x0  }
.LBB2_6:
0x52: {  	v8 =	vmov s0;
	_ =	sdelay $0x4  }
0x53: {  	v9 =	vmov s19;
	v7 =	vld.idx.msk [tilespmem:v8+s10+$0x0], $0xffff  }
0x54: {  	v10 =	vmul.u32 $0x3, v9;
	v5 =	vld.idx.msk [tilespmem:v8+s11+$0x0], $0xffff  }
0x55: {  	v6 =	vld.idx.msk [tilespmem:v8+s28+$0x0], $0xffff  }
0x56: {  	v10 =	vadd.s32 v2, v10;
	_ =	sdelay $0x2  }
0x57: {  	v11 =	vsel vm0, v5, v7  }
0x58: {  	s4 =	simm.s32 $0x12900;
	v11 =	vsel vm1, v6, v11  }
0x59: {  	[tilespmem:v10+s4+$0x0] =	vst.idx.msk $0x7, v11  }
0x5a: {  	s12 =	simm.s32 $0x20;
	[tilespmem:v9+s13+$0x0] =	vst.idx.msk $0x1, v8  }
0x5b: {  	s3 =	simm.s32 $0x1020;
	v8 =	vld [tilespmem:s12+$0xFFFFFFE0]  }
0x5c: {  	v9 =	vld [tilespmem:s3+$0xFFFFFFE0]  }
0x5d: {  	s9 =	simm.s32 $0x2020  }
0x5e: {  	v10 =	vld [tilespmem:s9+$0xFFFFFFE0];
	_ =	sdelay $0x2  }
0x5f: {  	v8 =	vsub.f32 v8, v6;
	v9 =	vsub.f32 v9, v7;
	_ =	sdelay $0x1  }
0x60: {  	s18 =	simm.s32 $0x7020;
	v10 =	vsub.f32 v10, v5;
	v8 =	vmul.f32 v8, v8;
	v9 =	vmul.f32 v9, v9  }
0x61: {  	v11 =	vld [tilespmem:s18+$0xFFFFFFE0]  }
0x62: {  	v8 =	vadd.f32 v9, v8;
	v9 =	vmul.f32 v10, v10;
	_ =	sdelay $0x1  }
0x63: {  	v8 =	vadd.f32 v9, v8;
	_ =	sdelay $0x1  }
0x64: {  	s8 =	simm.s32 $0x1060;
	v9 =	vmin.f32 v11, v8  }
0x65: {  	v13 =	vld [tilespmem:s8+$0xFFFFFFE0];
	[tilespmem:s18+$0xFFFFFFE0] =	vst v9  }
0x66: {  	v8 =	vld [tilespmem:s12+$0xFFFFFFF0]  }
0x67: {  	v10 =	vld [tilespmem:s3+$0xFFFFFFF0]  }
0x68: {  	s1 =	simm.s32 $0x60;
	v11 =	vld [tilespmem:s9+$0xFFFFFFF0]  }
0x69: {  	v12 =	vld [tilespmem:s1+$0xFFFFFFE0]  }
0x6a: {  	s7 =	simm.s32 $0x2060  }
0x6b: {  	v14 =	vld [tilespmem:s7+$0xFFFFFFE0]  }
0x6c: {  	v8 =	vsub.f32 v8, v6;
	v10 =	vsub.f32 v10, v7  }
0x6d: {  	v13 =	vsub.f32 v13, v7;
	v11 =	vsub.f32 v11, v5  }
0x6e: {  	v12 =	vsub.f32 v12, v6;
	v8 =	vmul.f32 v8, v8;
	v10 =	vmul.f32 v10, v10  }
0x6f: {  	v15 =	vld [tilespmem:s18+$0xFFFFFFF0];
	v13 =	vmul.f32 v13, v13;
	v11 =	vmul.f32 v11, v11  }
0x70: {  	s20 =	simm.s32 $0x7060;
	v8 =	vadd.f32 v10, v8;
	v10 =	vmul.f32 v12, v12;
	v12 =	vsub.f32 v14, v5  }
0x71: {  	v14 =	vld [tilespmem:s20+$0xFFFFFFE0]  }
0x72: {  	v8 =	vadd.f32 v11, v8;
	v10 =	vadd.f32 v13, v10;
	v11 =	vmul.f32 v12, v12;
	_ =	sdelay $0x1  }
0x73: {  	s22 =	simm.s32 $0xA0;
	v13 =	vmin.f32 v15, v8;
	v8 =	vadd.f32 v11, v10  }
0x74: {  	v18 =	vld [tilespmem:s22+$0xFFFFFFE0];
	[tilespmem:s18+$0xFFFFFFF0] =	vst v13  }
0x75: {  	v10 =	vld [tilespmem:s3+$0x0];
	v14 =	vmin.f32 v14, v8  }
0x76: {  	v12 =	vld [tilespmem:s12+$0x0];
	[tilespmem:s20+$0xFFFFFFE0] =	vst v14  }
0x77: {  	v15 =	vld [tilespmem:s1+$0xFFFFFFF0]  }
0x78: {  	v16 =	vld [tilespmem:s8+$0xFFFFFFF0]  }
0x79: {  	v11 =	vld [tilespmem:s9+$0x0]  }
0x7a: {  	s0 =	simm.s32 $0x10A0;
	v17 =	vld [tilespmem:s7+$0xFFFFFFF0]  }
0x7b: {  	v19 =	vld [tilespmem:s0+$0xFFFFFFE0];
	v18 =	vsub.f32 v18, v6  }
0x7c: {  	s23 =	simm.s32 $0x20A0;
	s24 =	simm.s32 $0x20;
	v10 =	vsub.f32 v10, v7;
	v12 =	vsub.f32 v12, v6  }
0x7d: {  	v24 =	vor.u32 s24, v2;
	v20 =	vld [tilespmem:s23+$0xFFFFFFE0];
	v15 =	vsub.f32 v15, v6;
	v16 =	vsub.f32 v16, v7  }
0x7e: {  	v11 =	vsub.f32 v11, v5;
	v10 =	vmul.f32 v10, v10;
	v12 =	vmul.f32 v12, v12  }
0x7f: {  	v21 =	vld [tilespmem:s18+$0x0];
	v17 =	vsub.f32 v17, v5;
	v15 =	vmul.f32 v15, v15;
	v16 =	vmul.f32 v16, v16  }
0x80: {  	v11 =	vmul.f32 v11, v11;
	v10 =	vadd.f32 v10, v12;
	v12 =	vsub.f32 v19, v7;
	v19 =	vld [tilespmem:s20+$0xFFFFFFF0]  }
0x81: {  	v18 =	vmul.f32 v18, v18;
	v17 =	vmul.f32 v17, v17;
	v15 =	vadd.f32 v16, v15  }
0x82: {  	s21 =	simm.s32 $0x70A0;
	s25 =	simm.s32 $0x50;
	v10 =	vadd.f32 v11, v10;
	v16 =	vsub.f32 v20, v5;
	v20 =	vmul.f32 v12, v12  }
0x83: {  	v26 =	vor.u32 s25, v2;
	v22 =	vld [tilespmem:s21+$0xFFFFFFE0];
	v8 =	vimm.f32 $-1.000000000e+00;
	v15 =	vadd.f32 v17, v15  }
0x84: {  	s26 =	simm.s32 $0x80;
	v17 =	vmin.f32 v21, v10;
	v10 =	vadd.f32 v20, v18;
	v16 =	vmul.f32 v16, v16  }
0x85: {  	s5 =	simm.s32 $0x0;
	v28 =	vor.u32 s26, v2;
	vm2 =	vgt.f32 v9, v8;
	[tilespmem:s18+$0x0] =	vst v17;
	v15 =	vmin.f32 v19, v15  }
0x86: {  	s2 =	simm.s32 $0x30;
	v11 =	vimm.s32 $0x0;
	v18 =	vor.u32 s5, v2;
	v20 =	vld [tilespmem:s3+$0x10];
	v10 =	vadd.f32 v16, v10;
	[tilespmem:s20+$0xFFFFFFF0] =	vst v15  }
0x87: {  	s6 =	simm.s32 $0x70;
	v12 =	vor.u32 s2, v2;
	v18 =	vsel vm2, v18, v11;
	v19 =	vsel vm2, v9, v8;
	v21 =	vld [tilespmem:s8+$0x0]  }
0x88: {  	s4 =	simm.s32 $0x10;
	v9 =	vor.u32 s6, v2;
	vm3 =	vgt.f32 v14, v19;
	v22 =	vmin.f32 v22, v10;
	v23 =	vld [tilespmem:s7+$0x0]  }
0x89: {  	s17 =	simm.s32 $0x40;
	v16 =	vor.u32 s4, v2;
	vm2 =	vgt.f32 v13, v8;
	v14 =	vsel vm3, v14, v19;
	v19 =	vld [tilespmem:s1+$0x0];
	[tilespmem:s21+$0xFFFFFFE0] =	vst v22  }
0x8a: {  	v13 =	vsel vm2, v13, v8;
	v16 =	vsel vm2, v16, v11;
	v10 =	vor.u32 s17, v2;
	v25 =	vld [tilespmem:s22+$0xFFFFFFF0]  }
0x8b: {  	vm2 =	vgt.f32 v17, v8;
	v18 =	vsel vm3, v10, v18;
	vm3 =	vgt.f32 v15, v13;
	v27 =	vld [tilespmem:s0+$0xFFFFFFF0]  }
0x8c: {  	s3 =	simm.s32 $0xB0;
	s4 =	simm.s32 $0xE0;
	v17 =	vsel vm2, v17, v8;
	v24 =	vsel vm2, v24, v11;
	v15 =	vsel vm3, v15, v13;
	v13 =	vld [tilespmem:s23+$0xFFFFFFF0]  }
0x8d: {  	s5 =	simm.s32 $0x10E0;
	v29 =	vld [tilespmem:s4+$0xFFFFFFE0];
	v10 =	vor.u32 s3, v2;
	vm2 =	vgt.f32 v22, v14;
	v26 =	vsel vm3, v26, v16  }
0x8e: {  	v14 =	vsel vm2, v22, v14;
	v16 =	vld [tilespmem:s5+$0xFFFFFFE0];
	v21 =	vsub.f32 v21, v7;
	v19 =	vsub.f32 v19, v6  }
0x8f: {  	s6 =	simm.s32 $0x20E0;
	v31 =	vld [tilespmem:s9+$0x10];
	v28 =	vsel vm2, v28, v18;
	v23 =	vsub.f32 v23, v5;
	v22 =	vsub.f32 v25, v6  }
0x90: {  	v21 =	vmul.f32 v21, v21;
	v25 =	vld [tilespmem:s6+$0xFFFFFFE0];
	v27 =	vsub.f32 v27, v7;
	v19 =	vmul.f32 v19, v19  }
0x91: {  	v20 =	vsub.f32 v20, v7;
	v13 =	vsub.f32 v13, v5;
	v18 =	vmul.f32 v22, v22;
	v22 =	vld [tilespmem:s20+$0x0]  }
0x92: {  	v23 =	vmul.f32 v23, v23;
	v27 =	vmul.f32 v27, v27;
	v19 =	vadd.f32 v21, v19;
	v21 =	vld [tilespmem:s12+$0x10]  }
0x93: {  	v30 =	vmul.f32 v20, v20;
	v20 =	vsub.f32 v29, v6;
	v29 =	vld [tilespmem:s21+$0xFFFFFFF0];
	v16 =	vsub.f32 v16, v7  }
0x94: {  	v32 =	vmul.f32 v13, v13;
	v18 =	vadd.f32 v27, v18;
	v19 =	vadd.f32 v23, v19  }
0x95: {  	s25 =	simm.s32 $0xF0;
	s24 =	simm.s32 $0x70E0;
	v20 =	vmul.f32 v20, v20;
	v16 =	vmul.f32 v16, v16;
	v23 =	vsub.f32 v25, v5  }
0x96: {  	v13 =	vor.u32 s25, v2;
	v25 =	vld [tilespmem:s24+$0xFFFFFFE0];
	v18 =	vadd.f32 v32, v18;
	v19 =	vmin.f32 v22, v19  }
0x97: {  	s29 =	simm.s32 $0x60;
	v16 =	vadd.f32 v16, v20;
	v20 =	vmul.f32 v23, v23;
	v21 =	vsub.f32 v21, v6;
	v22 =	vld [tilespmem:s18+$0x10];
	[tilespmem:s20+$0x0] =	vst v19  }
0x98: {  	v27 =	vor.u32 s29, v2;
	v23 =	vsub.f32 v31, v5;
	v18 =	vmin.f32 v29, v18;
	v29 =	vld [tilespmem:s8+$0x10]  }
0x99: {  	s30 =	simm.s32 $0x90;
	vm2 =	vgt.f32 v19, v17;
	v16 =	vadd.f32 v20, v16;
	[tilespmem:s21+$0xFFFFFFF0] =	vst v18;
	v20 =	vld [tilespmem:s7+$0x10];
	v21 =	vmul.f32 v21, v21  }
0x9a: {  	v31 =	vor.u32 s30, v2;
	v19 =	vsel vm2, v19, v17;
	vm3 =	vgt.f32 v18, v15;
	v63 =	vld [tilespmem:s0+$0x0]  }
0x9b: {  	s31 =	simm.s32 $0xC0;
	v33 =	vmul.f32 v23, v23;
	v23 =	vld [tilespmem:s23+$0x0];
	v34 =	vmin.f32 v25, v16;
	v21 =	vadd.f32 v30, v21  }
0x9c: {  	v17 =	vsel vm2, v27, v24;
	v27 =	vor.u32 s31, v2;
	v24 =	vld [tilespmem:s22+$0x0];
	v16 =	vsel vm3, v18, v15;
	[tilespmem:s24+$0xFFFFFFE0] =	vst v34  }
0x9d: {  	vm2 =	vgt.f32 v34, v14;
	v25 =	vld [tilespmem:s4+$0xFFFFFFF0];
	v30 =	vadd.f32 v33, v21;
	v29 =	vsub.f32 v29, v7  }
0x9e: {  	s9 =	simm.s32 $0x1120;
	v18 =	vsel vm3, v31, v26;
	v15 =	vsel vm2, v34, v14;
	v14 =	vsel vm2, v27, v28;
	v27 =	vld [tilespmem:s5+$0xFFFFFFF0]  }
0x9f: {  	s12 =	simm.s32 $0x120;
	s8 =	simm.s32 $0x130;
	s7 =	simm.s32 $0x20E0;
	v26 =	vld [tilespmem:s6+$0xFFFFFFF0];
	v28 =	vsub.f32 v63, v7;
	v22 =	vmin.f32 v22, v30;
	v21 =	vmul.f32 v29, v29  }
.LBB2_7:
0xa0: {  	v29 =	vld [tilespmem:s12+$0xFFFFFFE0];
	v30 =	vor.u32 s8, v2;
	p0 =	sne.s32 s8, $0xFF0;
	[tilespmem:s18+$0x10] =	vst v22;
	vm2 =	vgt.f32 v22, v8;
	s2 =	smov.u32 s8;
	s8 =	sadd.s32 $0x40, s8  }
0xa1: {  	s6 =	sadd.s32 $0x40, s6;
	s18 =	smov.u32 s20;
	s20 =	smov.u32 s21;
	v31 =	vld [tilespmem:s9+$0xFFFFFFE0];
	v24 =	vsub.f32 v24, v6;
	v28 =	vmul.f32 v28, v28;
	v8 =	vsel vm2, v22, v8  }
0xa2: {  	v23 =	vsub.f32 v23, v5;
	s21 =	smov.u32 s24;
	v11 =	vsel vm2, v12, v11;
	v12 =	vmovc v9;
	v22 =	vsub.f32 v25, v6  }
0xa3: {  	v9 =	vmovc v10;
	v10 =	vmovc v13;
	v13 =	vmov v30;
	v25 =	vld [tilespmem:s6+$0xFFFFFFE0];
	v27 =	vsub.f32 v27, v7;
	v24 =	vmul.f32 v24, v24  }
0xa4: {  	v23 =	vmul.f32 v23, v23;
	v26 =	vsub.f32 v26, v5;
	v22 =	vmul.f32 v22, v22;
	v30 =	vld [tilespmem:s20+$0x0]  }
0xa5: {  	v29 =	vsub.f32 v29, v6;
	v27 =	vmul.f32 v27, v27;
	v24 =	vadd.f32 v28, v24;
	v28 =	vld [tilespmem:s1+$0x10];
	s1 =	smov.u32 s22;
	s22 =	smov.u32 s4;
	s4 =	smov.u32 s12  }
0xa6: {  	v31 =	vsub.f32 v31, v7;
	v26 =	vmul.f32 v26, v26;
	v32 =	vld [tilespmem:s24+$0xFFFFFFF0]  }
0xa7: {  	s17 =	sadd.s32 $0xFFFFFFF0, s3;
	s3 =	smov.u32 s25;
	s24 =	sadd.s32 $0x40, s24;
	v29 =	vmul.f32 v29, v29;
	v22 =	vadd.f32 v27, v22;
	v23 =	vadd.f32 v23, v24  }
0xa8: {  	s26 =	sadd.s32 $0xFFFFFFE0, s3;
	s25 =	smov.u32 s2;
	v27 =	vor.u32 s17, v2;
	v24 =	vsub.f32 v25, v5;
	v25 =	vmul.f32 v31, v31  }
0xa9: {  	v31 =	vld [tilespmem:s24+$0xFFFFFFE0];
	v22 =	vadd.f32 v26, v22;
	v26 =	vor.u32 s26, v2;
	v23 =	vmin.f32 v30, v23  }
0xaa: {  	v25 =	vadd.f32 v25, v29;
	v24 =	vmul.f32 v24, v24;
	[tilespmem:s20+$0x0] =	vst v23;
	v28 =	vsub.f32 v28, v6;
	v29 =	vld [tilespmem:s18+$0x10]  }
0xab: {  	vm2 =	vgt.f32 v23, v19;
	v22 =	vmin.f32 v32, v22;
	v30 =	vld [tilespmem:s0+$0x10];
	v32 =	vsub.f32 v20, v5;
	s0 =	smov.u32 s5;
	s5 =	smov.u32 s9  }
0xac: {  	v19 =	vsel vm2, v23, v19;
	v24 =	vadd.f32 v24, v25;
	[tilespmem:s21+$0xFFFFFFF0] =	vst v22;
	v20 =	vld [tilespmem:s23+$0x10];
	v25 =	vmul.f32 v28, v28;
	s23 =	smov.u32 s7;
	s7 =	smov.u32 s6  }
0xad: {  	v17 =	vsel vm2, v27, v17;
	vm3 =	vgt.f32 v22, v16;
	v28 =	vld [tilespmem:s0+$0x0];
	v27 =	vmul.f32 v32, v32  }
.Ltmp5:
0xae: {  	s2 =	sadd.s32 $0xFFFFFFD0, s25;
	v16 =	vsel vm3, v22, v16;
	v31 =	vmin.f32 v31, v24;
	v23 =	vld [tilespmem:s23+$0x0];
	v21 =	vadd.f32 v21, v25;
	(pc) =	sbr.rel @p0 .LBB2_7-.Ltmp5, $4  }
0xaf: {  	v22 =	vor.u32 s2, v2;
	v18 =	vsel vm3, v26, v18;
	[tilespmem:s24+$0xFFFFFFE0] =	vst v31;
	vm2 =	vgt.f32 v31, v15;
	v24 =	vld [tilespmem:s22+$0x0]  }
0xb0: {  	v15 =	vsel vm2, v31, v15;
	v25 =	vld [tilespmem:s12+$0xFFFFFFF0];
	v30 =	vsub.f32 v30, v7;
	v31 =	vadd.f32 v27, v21  }
0xb1: {  	v14 =	vsel vm2, v22, v14;
	v27 =	vld [tilespmem:s9+$0xFFFFFFF0]  }
0xb2: {  	s12 =	sadd.s32 $0x40, s12;
	s9 =	sadd.s32 $0x40, s9;
	v26 =	vld [tilespmem:s6+$0xFFFFFFF0];
	v28 =	vsub.f32 v28, v7;
	v21 =	vmul.f32 v30, v30;
	v22 =	vmin.f32 v29, v31  }
0xb3: {  	_ =	sdelay $0x2  }
0xb4: {  	v25 =	vsub.f32 v25, v6;
	v27 =	vsub.f32 v27, v7;
	_ =	sdelay $0x1  }
0xb5: {  	v26 =	vsub.f32 v26, v5;
	v25 =	vmul.f32 v25, v25;
	v27 =	vmul.f32 v27, v27  }
0xb6: {  	v29 =	vld [tilespmem:s24+$0xFFFFFFF0]  }
0xb7: {  	v26 =	vmul.f32 v26, v26;
	v25 =	vadd.f32 v27, v25;
	_ =	sdelay $0x1  }
0xb8: {  	v25 =	vadd.f32 v26, v25;
	_ =	sdelay $0x1  }
0xb9: {  	v25 =	vmin.f32 v29, v25  }
0xba: {  	[tilespmem:s24+$0xFFFFFFF0] =	vst v25  }
0xbb: {  	v35 =	vld [tilespmem:s5+$0x0]  }
0xbc: {  	v36 =	vld [tilespmem:s4+$0x0];
	_ =	sdelay $0x1  }
0xbd: {  	v24 =	vsub.f32 v24, v6;
	v37 =	vld [tilespmem:s7+$0x0];
	_ =	sdelay $0x1  }
0xbe: {  	v23 =	vsub.f32 v23, v5;
	v28 =	vmul.f32 v28, v28;
	v24 =	vmul.f32 v24, v24  }
0xbf: {  	v30 =	vld [tilespmem:s21+$0x0];
	v26 =	vsub.f32 v35, v7;
	v27 =	vsub.f32 v36, v6  }
0xc0: {  	v23 =	vmul.f32 v23, v23;
	v24 =	vadd.f32 v28, v24  }
0xc1: {  	v38 =	vsub.f32 v37, v5;
	v26 =	vmul.f32 v26, v26;
	v27 =	vmul.f32 v27, v27  }
0xc2: {  	v39 =	vld [tilespmem:s24+$0x0];
	v23 =	vadd.f32 v23, v24  }
0xc3: {  	v40 =	vmul.f32 v38, v38;
	v26 =	vadd.f32 v26, v27  }
0xc4: {  	v23 =	vmin.f32 v30, v23  }
0xc5: {  	v31 =	vld [tilespmem:s1+$0x10];
	[tilespmem:s21+$0x0] =	vst v23;
	v24 =	vadd.f32 v40, v26  }
0xc6: {  	v41 =	vld [tilespmem:s0+$0x10]  }
0xc7: {  	v43 =	vld [tilespmem:s22+$0x10];
	v24 =	vmin.f32 v39, v24  }
0xc8: {  	vm2 =	vgt.f32 v22, v8;
	v45 =	vld [tilespmem:s23+$0x10];
	[tilespmem:s24+$0x0] =	vst v24  }
0xc9: {  	v20 =	vsub.f32 v20, v5;
	s26 =	sadd.s32 $0xFFFFFFF0, s3;
	s29 =	sadd.s32 $0xFFFFFFE0, s25;
	v11 =	vsel vm2, v12, v11;
	v8 =	vsel vm2, v22, v8;
	v44 =	vld [tilespmem:s5+$0x10]  }
0xca: {  	s30 =	sadd.s32 $0xFFFFFFF0, s25;
	v54 =	vor.u32 s26, v2;
	v56 =	vor.u32 s29, v2;
	v42 =	vsub.f32 v31, v6;
	v46 =	vld [tilespmem:s4+$0x10]  }
0xcb: {  	v60 =	vor.u32 s30, v2;
	v47 =	vmul.f32 v20, v20;
	vm3 =	vgt.f32 v23, v19  }
0xcc: {  	v50 =	vsub.f32 v43, v6;
	v27 =	vmul.f32 v42, v42;
	v26 =	vsub.f32 v41, v7;
	v49 =	vld [tilespmem:s7+$0x10]  }
0xcd: {  	v51 =	vld [tilespmem:s20+$0x10];
	v19 =	vsel vm3, v23, v19;
	vm2 =	vgt.f32 v25, v16;
	v53 =	vsub.f32 v45, v5  }
0xce: {  	v48 =	vadd.f32 v21, v27;
	v27 =	vmul.f32 v50, v50;
	v52 =	vmul.f32 v26, v26  }
0xcf: {  	v58 =	vsel vm2, v56, v18;
	v7 =	vsub.f32 v44, v7;
	v6 =	vsub.f32 v46, v6  }
0xd0: {  	v55 =	vld [tilespmem:s21+$0x10];
	v12 =	vadd.f32 v47, v48;
	v26 =	vmul.f32 v53, v53;
	v23 =	vadd.f32 v52, v27  }
0xd1: {  	v5 =	vsub.f32 v49, v5;
	v7 =	vmul.f32 v7, v7;
	v6 =	vmul.f32 v6, v6  }
0xd2: {  	v57 =	vld [tilespmem:s24+$0x10];
	v17 =	vsel vm3, v54, v17;
	vm4 =	vlt.s32 v58, v14;
	v12 =	vmin.f32 v51, v12  }
0xd3: {  	v23 =	vadd.f32 v26, v23;
	v5 =	vmul.f32 v5, v5;
	v6 =	vadd.f32 v7, v6  }
0xd4: {  	vm3 =	vgt.f32 v24, v19;
	v7 =	vsel vm2, v25, v16;
	vm2 =	vgt.f32 v12, v8  }
0xd5: {  	v59 =	vmin.f32 v55, v23;
	v8 =	vsel vm2, v12, v8;
	v5 =	vadd.f32 v5, v6  }
0xd6: {  	v61 =	vsel vm3, v24, v19;
	v6 =	vsel vm2, v9, v11;
	vm2 =	vgt.f32 v59, v8  }
0xd7: {  	v9 =	vsel vm3, v60, v17;
	v8 =	vsel vm2, v59, v8;
	v5 =	vmin.f32 v57, v5  }
0xd8: {  	vm3 =	veq.f32 v7, v15;
	v6 =	vsel vm2, v10, v6;
	vm2 =	vgt.f32 v5, v8  }
0xd9: {  	vm3 =	vmand vm3, vm4;
	v8 =	vsel vm2, v5, v8;
	v6 =	vsel vm2, v13, v6  }
0xda: {  	vm2 =	vgt.f32 v7, v15;
	vm13 =	veq.f32 v8, v61;
	vm5 =	vlt.s32 v6, v9  }
0xdb: {  	vm2 =	vmor vm2, vm3;
	vm14 =	vgt.f32 v8, v61;
	vm3 =	vmand vm13, vm5  }
0xdc: {  	v7 =	vsel vm2, v7, v15;
	vm3 =	vmor vm14, vm3  }
0xdd: {  	v62 =	vsel vm2, v58, v14;
	v8 =	vsel vm3, v8, v61;
	v6 =	vsel vm3, v6, v9  }
0xde: {  	vm2 =	veq.f32 v8, v7;
	vm3 =	vlt.s32 v6, v62  }
0xdf: {  	vm15 =	vgt.f32 v8, v7;
	vm2 =	vmand vm2, vm3  }
0xe0: {  	vm2 =	vmor vm15, vm2  }
0xe1: {  	v7 =	vsel vm2, v8, v7  }
0xe2: {  	(xrf0) =	vmax.scan.msk.f32 $0xffff, v7;
	_ =	sdelay $0x5  }
0xe3: {  	v63, _, _ =	vpop (xrf0)  }
0xe4: {  	v8 =	vbroadcast v63, $0xF  }
0xe5: {  	v6 =	vsel vm2, v6, v62  }
0xe6: {  	v6 =	vxor.u32 $0x80000000, v6;
	vm2 =	veq.f32 v7, v8  }
0xe7: {  	v6 =	vnsel vm2, $0xFFFFFFFF, v6  }
0xe8: {  	(xrf0) =	vmin.scan.msk.u32 $0xffff, v6;
	_ =	sdelay $0x5  }
0xe9: {  	v6, _, _ =	vpop (xrf0)  }
0xea: {  	(v2sf) =	vpush v6, $0xF;
	_ =	sdelay $0x9  }
0xeb: {  	s19 =	sadd.s32 $0x1, s19  }
0xec: {  	p0 =	sne.s32 s19, $0x100  }
.Ltmp6:
0xed: {  	_ = 	snop;
	(pc) =	sbr.rel @p0 .LBB2_6-.Ltmp6, $4  }
0xee: {  	[tilespmem:s18+$0x10] =	vst v22  }
0xef: {  	[tilespmem:s20+$0x10] =	vst v12  }
0xf0: {  	[tilespmem:s21+$0x10] =	vst v59;
	s31 =	spop (v2sf)  }
0xf1: {  	s18 =	simm.s32 $0x0;
	[tilespmem:s24+$0x10] =	vst v5;
	s0 =	sxor.u32 $0x80000000, s31  }
.Ltmp7:
0xf2: {  	(pc) =	sbr.rel .LBB2_10-.Ltmp7, $2  }
0xf3: {  	_ =	sdelay $0x2  }
0xf4: {  	s19 =	simm.s32 $0x0  }
.LBB2_53:
0xf5: {  	v7 =	vimm.s32 $0x0  }
.LBB2_60:
0xf6: {  	_ =	sdelay $0x3  }
0xf7: {  	v8 =	vld.idx.msk [tilespmem:v5+s13+$0x0], $0xffff;
	_ =	sdelay $0x4  }
0xf8: {  	v17 =	vld.idx.msk [tilespmem:v6+s28+$0x0], $0xffff  }
0xf9: {  	v18 =	vld.idx.msk [tilespmem:v6+s10+$0x0], $0xffff  }
0xfa: {  	v6 =	vld.idx.msk [tilespmem:v6+s11+$0x0], $0xffff  }
0xfb: {  	v5 =	vmul.u32 $0x60, v5;
	v15 =	vld.idx.msk [tilespmem:v8+s28+$0x0], $0xffff  }
0xfc: {  	v16 =	vld.idx.msk [tilespmem:v8+s10+$0x0], $0xffff  }
0xfd: {  	v9 =	vadd.s32 v9, v5;
	v8 =	vld.idx.msk [tilespmem:v8+s11+$0x0], $0xffff  }
0xfe: {  	v10 =	vadd.s32 v10, v5  }
0xff: {  	v11 =	vadd.s32 v11, v5  }
0x100: {  	v17 =	vsub.f32 v17, v15  }
0x101: {  	v18 =	vsub.f32 v18, v16  }
0x102: {  	v6 =	vsub.f32 v6, v8;
	[tilespmem:v9+s16+$0x0] =	vst.idx.msk $0xffff, v17  }
0x103: {  	[tilespmem:v10+s16+$0x0] =	vst.idx.msk $0xffff, v18  }
0x104: {  	[tilespmem:v11+s16+$0x0] =	vst.idx.msk $0xffff, v6  }
0x105: {  	v6 =	vld.idx.msk [tilespmem:v7+s28+$0x0], $0xffff  }
0x106: {  	v9 =	vld.idx.msk [tilespmem:v7+s10+$0x0], $0xffff  }
0x107: {  	v62 =	vadd.s32 v12, v5;
	v7 =	vld.idx.msk [tilespmem:v7+s11+$0x0], $0xffff  }
0x108: {  	s19 =	sadd.s32 $0x1, s19;
	v63 =	vadd.s32 v13, v5  }
0x109: {  	p0 =	sne.s32 s19, $0x40;
	v5 =	vadd.s32 v14, v5  }
.Ltmp8:
0x10a: {  	v6 =	vsub.f32 v6, v15;
	(pc) =	sbr.rel @!p0 .LBB2_61-.Ltmp8, $4  }
0x10b: {  	v9 =	vsub.f32 v9, v16  }
0x10c: {  	v7 =	vsub.f32 v7, v8;
	[tilespmem:v62+s16+$0x0] =	vst.idx.msk $0xffff, v6  }
0x10d: {  	[tilespmem:v63+s16+$0x0] =	vst.idx.msk $0xffff, v9  }
0x10e: {  	[tilespmem:v5+s16+$0x0] =	vst.idx.msk $0xffff, v7  }
.LBB2_10:
0x10f: {  	s0 =	sshll.u32 s19, $0x2  }
0x110: {  	v9 =	vmov s0;
	_ =	sdelay $0x4  }
0x111: {  	v5 =	vld.idx.msk [tilespmem:v9+s13+$0x0], $0xffff  }
0x112: {  	s1 =	sor.u32 $0x1, s0  }
0x113: {  	v7 =	vmov s1;
	_ =	sdelay $0x4  }
0x114: {  	v10 =	vld.idx.msk [tilespmem:v7+s13+$0x0], $0xffff  }
0x115: {  	v8 =	vld.idx.msk [tilespmem:v5+s18+$0x0], $0xffff  }
0x116: {  	s0 =	sor.u32 $0x2, s0;
	v11 =	vld.idx.msk [tilespmem:v5+s10+$0x0], $0xffff  }
0x117: {  	v6 =	vmov s0  }
0x118: {  	v13 =	vld.idx.msk [tilespmem:v5+s11+$0x0], $0xffff;
	_ =	sdelay $0x2  }
0x119: {  	v5 =	vshrl.u32 v8, $0x10;
	v12 =	vshrl.u32 v11, $0x10  }
0x11a: {  	v15 =	vld.idx.msk [tilespmem:v6+s13+$0x0], $0xffff;
	v5 =	vand.u32 $0x1, v5;
	v12 =	vand.u32 $0x1, v12  }
0x11b: {  	v14 =	vshrl.u32 v13, $0x10;
	v5 =	vadd.s32 v5, v8;
	v12 =	vadd.s32 v12, v11  }
0x11c: {  	v16 =	vld.idx.msk [tilespmem:v10+s18+$0x0], $0xffff;
	v8 =	vmul.f32 v8, v8;
	v11 =	vmul.f32 v11, v11;
	v5 =	vadd.s32 $0x7FFF, v5  }
0x11d: {  	v18 =	vld.idx.msk [tilespmem:v10+s11+$0x0], $0xffff;
	v14 =	vand.u32 $0x1, v14;
	v17 =	vand.u32 $0xFFFF0000, v5;
	v5 =	vadd.s32 $0x7FFF, v12  }
0x11e: {  	s26 =	sshllo.u32 s19, $0x2;
	v12 =	vadd.s32 v14, v13;
	v8 =	vadd.f32 v11, v8;
	v11 =	vmul.f32 v13, v13  }
0x11f: {  	v14 =	vld.idx.msk [tilespmem:v10+s10+$0x0], $0xffff;
	v12 =	vadd.s32 $0x7FFF, v12;
	v10 =	vand.u32 $0xFFFF0000, v5;
	v5 =	vmov s26  }
0x120: {  	v19 =	vand.u32 $0xFFFF0000, v12  }
0x121: {  	v13 =	vadd.f32 v10, v10;
	v8 =	vadd.f32 v11, v8;
	v11 =	vshrl.u32 v16, $0x10  }
0x122: {  	v20 =	vld.idx.msk [tilespmem:v15+s18+$0x0], $0xffff;
	v10 =	vadd.f32 v19, v19;
	v11 =	vand.u32 $0x1, v11;
	v19 =	vshrl.u32 v18, $0x10  }
0x123: {  	v22 =	vld.idx.msk [tilespmem:v15+s10+$0x0], $0xffff;
	v12 =	vadd.f32 v17, v17;
	v11 =	vadd.s32 v11, v16;
	v19 =	vand.u32 $0x1, v19  }
0x124: {  	v16 =	vmul.f32 v16, v16;
	v17 =	vshrl.u32 v14, $0x10;
	v19 =	vadd.s32 v19, v18;
	v21 =	vld.idx.msk [tilespmem:v5+s13+$0x0], $0xffff  }
0x125: {  	v23 =	vld.idx.msk [tilespmem:v15+s11+$0x0], $0xffff;
	v11 =	vadd.s32 $0x7FFF, v11;
	v17 =	vand.u32 $0x1, v17;
	v19 =	vadd.s32 $0x7FFF, v19  }
0x126: {  	v11 =	vand.u32 $0xFFFF0000, v11;
	v17 =	vadd.s32 v17, v14;
	v14 =	vmul.f32 v14, v14  }
0x127: {  	v26 =	vmul.f32 v20, v20;
	v19 =	vand.u32 $0xFFFF0000, v19;
	v15 =	vadd.f32 v11, v11  }
0x128: {  	v17 =	vadd.s32 $0x7FFF, v17;
	v11 =	vadd.f32 v14, v16;
	v16 =	vmul.f32 v18, v18  }
0x129: {  	v17 =	vand.u32 $0xFFFF0000, v17;
	v14 =	vadd.f32 v19, v19;
	v18 =	vshrl.u32 v22, $0x10  }
0x12a: {  	s8 =	simm.s32 $0x3010;
	v19 =	vshrl.u32 v23, $0x10;
	v11 =	vadd.f32 v16, v11;
	v16 =	vshrl.u32 v20, $0x10  }
0x12b: {  	v29 =	vld [tilespmem:s8+$0xFFFFFFF0];
	v18 =	vand.u32 $0x1, v18;
	v19 =	vand.u32 $0x1, v19;
	v16 =	vand.u32 $0x1, v16  }
0x12c: {  	v18 =	vadd.s32 v18, v22;
	v19 =	vadd.s32 v19, v23;
	v16 =	vadd.s32 v16, v20;
	v24 =	vld.idx.msk [tilespmem:v21+s18+$0x0], $0xffff  }
0x12d: {  	v22 =	vmul.f32 v22, v22;
	v18 =	vadd.s32 $0x7FFF, v18;
	v16 =	vadd.s32 $0x7FFF, v16;
	v25 =	vld.idx.msk [tilespmem:v21+s10+$0x0], $0xffff  }
0x12e: {  	v19 =	vadd.s32 $0x7FFF, v19;
	v18 =	vand.u32 $0xFFFF0000, v18;
	v27 =	vld.idx.msk [tilespmem:v21+s11+$0x0], $0xffff;
	v16 =	vand.u32 $0xFFFF0000, v16  }
0x12f: {  	v20 =	vadd.f32 v16, v16;
	v16 =	vadd.f32 v22, v26;
	v22 =	vmul.f32 v23, v23  }
0x130: {  	v17 =	vadd.f32 v17, v17;
	v19 =	vand.u32 $0xFFFF0000, v19;
	v21 =	vadd.f32 v18, v18  }
0x131: {  	v32 =	vmul.f32 v29, v12;
	v18 =	vadd.f32 v19, v19;
	v16 =	vadd.f32 v22, v16  }
0x132: {  	s6 =	simm.s32 $0x5010;
	v34 =	vmul.f32 v29, v20;
	v19 =	vshrl.u32 v24, $0x10;
	v22 =	vshrl.u32 v25, $0x10  }
0x133: {  	s7 =	simm.s32 $0x4010;
	v28 =	vld [tilespmem:s6+$0xFFFFFFF0];
	v23 =	vshrl.u32 v27, $0x10;
	v19 =	vand.u32 $0x1, v19;
	v22 =	vand.u32 $0x1, v22  }
0x134: {  	v26 =	vld [tilespmem:s7+$0xFFFFFFF0];
	v23 =	vand.u32 $0x1, v23;
	v19 =	vadd.s32 v19, v24;
	v22 =	vadd.s32 v22, v25  }
0x135: {  	v24 =	vmul.f32 v24, v24;
	v25 =	vmul.f32 v25, v25;
	v19 =	vadd.s32 $0x7FFF, v19  }
0x136: {  	v23 =	vadd.s32 v23, v27;
	v22 =	vadd.s32 $0x7FFF, v22;
	v19 =	vand.u32 $0xFFFF0000, v19  }
0x137: {  	v30 =	vand.u32 $0xFFFF0000, v22;
	v22 =	vadd.s32 $0x7FFF, v23;
	v25 =	vadd.f32 v25, v24  }
0x138: {  	v31 =	vand.u32 $0xFFFF0000, v22;
	v22 =	vadd.f32 v19, v19;
	v19 =	vmul.f32 v27, v27  }
0x139: {  	s4 =	simm.s32 $0x3030;
	v23 =	vadd.f32 v30, v30;
	v27 =	vmul.f32 v26, v13;
	v30 =	vmul.f32 v28, v10  }
0x13a: {  	s3 =	simm.s32 $0x5030;
	v56 =	vld [tilespmem:s4+$0xFFFFFFF0];
	v24 =	vadd.f32 v31, v31;
	v31 =	vmul.f32 v26, v17;
	v19 =	vadd.f32 v19, v25  }
0x13b: {  	s5 =	simm.s32 $0x6010;
	v58 =	vld [tilespmem:s3+$0xFFFFFFF0];
	v25 =	vmul.f32 v26, v23;
	v26 =	vmul.f32 v26, v21;
	v27 =	vadd.f32 v27, v32  }
0x13c: {  	s28 =	simm.s32 $0x3050;
	v54 =	vld [tilespmem:s5+$0xFFFFFFF0];
	v33 =	vmul.f32 v29, v22;
	v29 =	vmul.f32 v29, v15  }
0x13d: {  	v42 =	vld [tilespmem:s28+$0xFFFFFFF0];
	v55 =	vmul.f32 v28, v18;
	v26 =	vadd.f32 v26, v34;
	v27 =	vadd.f32 v30, v27  }
0x13e: {  	v53 =	vmul.f32 v28, v24;
	v28 =	vmul.f32 v28, v14;
	v29 =	vadd.f32 v31, v29  }
0x13f: {  	v40 =	vmul.f32 v56, v12;
	v26 =	vadd.f32 v55, v26;
	v27 =	vsub.f32 v8, v27  }
0x140: {  	v39 =	vmul.f32 v58, v10;
	v25 =	vadd.f32 v25, v33;
	v28 =	vadd.f32 v28, v29  }
0x141: {  	v61 =	vmul.f32 v58, v18;
	v27 =	vadd.f32 v27, v54;
	v26 =	vsub.f32 v16, v26  }
0x142: {  	s0 =	simm.s32 $0x4030;
	v51 =	vmul.f32 v42, v20;
	v38 =	vmul.f32 v56, v22;
	v28 =	vsub.f32 v11, v28  }
0x143: {  	v30 =	vld [tilespmem:s0+$0xFFFFFFF0];
	v25 =	vadd.f32 v53, v25;
	v29 =	vshra.s32 v27, $0x13;
	v26 =	vadd.f32 v26, v54  }
0x144: {  	v32 =	vmul.f32 v56, v15;
	v28 =	vadd.f32 v28, v54;
	vm2 =	vgt.s32 v29, $0x700  }
0x145: {  	v25 =	vsub.f32 v19, v25;
	v29 =	vnsel vm2, $0x700, v29;
	v57 =	vshra.s32 v26, $0x13  }
0x146: {  	v35 =	vshra.s32 v28, $0x13;
	v29 =	vmin.u32 v29, $0x87F;
	vm2 =	vgt.s32 v57, $0x700  }
0x147: {  	v29 =	vadd.s32 $0xFFFFF900, v29;
	v33 =	vnsel vm2, $0x700, v57;
	vm2 =	vgt.s32 v35, $0x700  }
0x148: {  	v59 =	vmul.f32 v58, v24;
	v37 =	vmul.f32 v30, v23;
	v35 =	vnsel vm2, $0x700, v35  }
0x149: {  	s9 =	simm.s32 $0x6030;
	v36 =	vmul.f32 v30, v13;
	v25 =	vadd.f32 v25, v54;
	v35 =	vmin.u32 v35, $0x87F  }
0x14a: {  	s21 =	simm.s32 $0x8100;
	s23 =	simm.s32 $0x5050;
	v60 =	vld [tilespmem:s9+$0xFFFFFFF0];
	v41 =	vmul.f32 v30, v21;
	v37 =	vadd.f32 v37, v38;
	v35 =	vadd.s32 $0xFFFFFA80, v35  }
0x14b: {  	s20 =	simm.s32 $0xC100;
	v63 =	vld [tilespmem:s23+$0xFFFFFFF0];
	[tilespmem:s21+$0x0] =	vst v27;
	v27 =	vmul.f32 v56, v20;
	v36 =	vadd.f32 v36, v40;
	v31 =	vshra.s32 v25, $0x13  }
0x14c: {  	s2 =	sand.u32 $0xFE0, s18;
	vm3 =	vgt.s32 v31, $0x700;
	v33 =	vmin.u32 v33, $0x87F;
	[tilespmem:v29+s20+$0x0] =	vst.idx.add.s32.msk $0xffff, v3;
	v29 =	vadd.f32 v59, v37  }
0x14d: {  	v31 =	vnsel vm3, $0x700, v31;
	v33 =	vadd.s32 $0xFFFFFC00, v33;
	[tilespmem:s2+$0x9100] =	vst v28;
	v28 =	vadd.f32 v39, v36  }
0x14e: {  	v27 =	vadd.f32 v41, v27;
	v31 =	vmin.u32 v31, $0x87F;
	v29 =	vsub.f32 v19, v29  }
0x14f: {  	s24 =	simm.s32 $0x4050;
	v52 =	vmul.f32 v42, v22;
	v31 =	vadd.s32 $0xFFFFFD80, v31;
	[tilespmem:v35+s20+$0x0] =	vst.idx.add.s32.msk $0xffff, v3;
	v28 =	vsub.f32 v8, v28  }
0x150: {  	[tilespmem:s2+$0xA100] =	vst v26;
	v26 =	vadd.f32 v61, v27;
	v27 =	vadd.f32 v29, v60;
	v29 =	vmul.f32 v30, v17;
	v30 =	vld [tilespmem:s24+$0xFFFFFFF0]  }
0x151: {  	v38 =	vmul.f32 v63, v10;
	v41 =	vmul.f32 v63, v14;
	v28 =	vadd.f32 v28, v60  }
0x152: {  	v35 =	vmul.f32 v63, v18;
	[tilespmem:v33+s20+$0x0] =	vst.idx.add.s32.msk $0xffff, v3;
	v62 =	vshra.s32 v27, $0x13;
	v26 =	vsub.f32 v16, v26  }
0x153: {  	[tilespmem:s2+$0xB100] =	vst v25;
	v25 =	vmul.f32 v58, v14;
	vm2 =	vgt.s32 v62, $0x700;
	v53 =	vshra.s32 v28, $0x13  }
0x154: {  	[tilespmem:v31+s20+$0x0] =	vst.idx.add.s32.msk $0xffff, v3;
	vm3 =	vgt.s32 v53, $0x700;
	v31 =	vadd.f32 v26, v60;
	v26 =	vadd.f32 v29, v32  }
0x155: {  	v54 =	vnsel vm2, $0x700, v62;
	v62 =	vmul.f32 v63, v24;
	v58 =	vmul.f32 v30, v13  }
0x156: {  	v29 =	vld [tilespmem:s8+$0x0];
	v55 =	vnsel vm3, $0x700, v53;
	v39 =	vmul.f32 v30, v17;
	v49 =	vmul.f32 v30, v23  }
0x157: {  	v56 =	vld [tilespmem:s7+$0x0];
	v32 =	vmin.u32 v54, $0x87F;
	v30 =	vmul.f32 v30, v21;
	v53 =	vmul.f32 v42, v12  }
0x158: {  	v42 =	vmul.f32 v42, v15;
	v33 =	vmin.u32 v55, $0x87F;
	v57 =	vshra.s32 v31, $0x13  }
0x159: {  	v25 =	vadd.f32 v25, v26;
	v32 =	vadd.s32 $0xFFFFFD80, v32;
	v33 =	vadd.s32 $0xFFFFF900, v33  }
0x15a: {  	vm2 =	vgt.s32 v57, $0x700;
	v61 =	vadd.f32 v49, v52;
	v30 =	vadd.f32 v30, v51  }
0x15b: {  	v26 =	vld [tilespmem:s6+$0x0];
	v37 =	vadd.f32 v58, v53;
	v25 =	vsub.f32 v11, v25;
	v59 =	vmul.f32 v29, v12  }
0x15c: {  	v36 =	vnsel vm2, $0x700, v57;
	v43 =	vmul.f32 v56, v13;
	v44 =	vmul.f32 v56, v21  }
0x15d: {  	v36 =	vmin.u32 v36, $0x87F;
	v45 =	vmul.f32 v56, v17;
	v48 =	vmul.f32 v29, v20  }
0x15e: {  	v34 =	vmul.f32 v56, v23;
	v63 =	vmul.f32 v29, v15;
	v30 =	vadd.f32 v35, v30  }
0x15f: {  	v29 =	vmul.f32 v29, v22;
	v37 =	vadd.f32 v38, v37;
	v25 =	vadd.f32 v25, v60  }
0x160: {  	s25 =	simm.s32 $0x6050;
	v47 =	vmul.f32 v26, v24;
	v50 =	vmul.f32 v26, v14;
	v40 =	vadd.f32 v43, v59  }
0x161: {  	s30 =	simm.s32 $0x5070;
	v51 =	vld [tilespmem:s25+$0xFFFFFFF0];
	v60 =	vmul.f32 v26, v10;
	v43 =	vadd.f32 v62, v61;
	v56 =	vadd.f32 v44, v48  }
0x162: {  	v38 =	vld [tilespmem:s30+$0xFFFFFFF0];
	v26 =	vmul.f32 v26, v18;
	v57 =	vadd.f32 v45, v63;
	v29 =	vadd.f32 v34, v29  }
0x163: {  	s22 =	simm.s32 $0x8120;
	v36 =	vadd.s32 $0xFFFFFC00, v36;
	v37 =	vsub.f32 v8, v37;
	v40 =	vadd.f32 v60, v40  }
0x164: {  	s12 =	simm.s32 $0x20;
	[tilespmem:s22+$0x0] =	vst v28;
	v58 =	vld [tilespmem:s5+$0x0];
	v46 =	vshra.s32 v25, $0x13;
	v43 =	vsub.f32 v19, v43;
	v35 =	vadd.f32 v26, v56  }
0x165: {  	s2 =	sand.u32 $0xFE0, s12;
	[tilespmem:v33+s20+$0x0] =	vst.idx.add.s32.msk $0xffff, v3;
	vm2 =	vgt.s32 v46, $0x700;
	v59 =	vadd.f32 v50, v57;
	v29 =	vadd.f32 v47, v29  }
0x166: {  	v33 =	vadd.f32 v37, v51;
	[tilespmem:s2+$0x9100] =	vst v25;
	v25 =	vsub.f32 v16, v30;
	v46 =	vnsel vm2, $0x700, v46  }
0x167: {  	v45 =	vmul.f32 v38, v10;
	v46 =	vmin.u32 v46, $0x87F;
	v26 =	vadd.f32 v43, v51  }
0x168: {  	v35 =	vsub.f32 v16, v35;
	v34 =	vsub.f32 v11, v59;
	v46 =	vadd.s32 $0xFFFFFA80, v46  }
0x169: {  	s29 =	simm.s32 $0x4070;
	v30 =	vshra.s32 v33, $0x13;
	v44 =	vadd.f32 v25, v51;
	v28 =	vshra.s32 v26, $0x13  }
0x16a: {  	v25 =	vsub.f32 v19, v29;
	v37 =	vadd.f32 v35, v58;
	v35 =	vld [tilespmem:s29+$0xFFFFFFF0];
	vm2 =	vgt.s32 v28, $0x700  }
0x16b: {  	s1 =	simm.s32 $0x3070;
	v34 =	vadd.f32 v34, v58;
	v28 =	vnsel vm2, $0x700, v28;
	vm2 =	vgt.s32 v30, $0x700  }
0x16c: {  	v49 =	vld [tilespmem:s1+$0xFFFFFFF0];
	v60 =	vshra.s32 v44, $0x13;
	v25 =	vadd.f32 v25, v58;
	v29 =	vnsel vm2, $0x700, v30  }
0x16d: {  	v28 =	vmin.u32 v28, $0x87F;
	v30 =	vsub.f32 v8, v40;
	[tilespmem:v46+s20+$0x0] =	vst.idx.add.s32.msk $0xffff, v3;
	v29 =	vmin.u32 v29, $0x87F  }
0x16e: {  	[tilespmem:s2+$0xA100] =	vst v31;
	v31 =	vshra.s32 v34, $0x13;
	v40 =	vadd.s32 $0xFFFFF900, v29;
	v29 =	vadd.f32 v39, v42  }
0x16f: {  	v42 =	vmul.f32 v35, v13;
	v56 =	vmul.f32 v35, v23;
	[tilespmem:v36+s20+$0x0] =	vst.idx.add.s32.msk $0xffff, v3;
	vm2 =	vgt.s32 v31, $0x700  }
0x170: {  	[tilespmem:s2+$0xB100] =	vst v27;
	v27 =	vnsel vm2, $0x700, v31;
	vm2 =	vgt.s32 v60, $0x700;
	v29 =	vadd.f32 v41, v29  }
0x171: {  	v41 =	vadd.f32 v30, v58;
	v30 =	vshra.s32 v25, $0x13;
	v58 =	vmul.f32 v49, v20  }
0x172: {  	[tilespmem:v32+s20+$0x0] =	vst.idx.add.s32.msk $0xffff, v3;
	v27 =	vmin.u32 v27, $0x87F;
	v31 =	vnsel vm2, $0x700, v60;
	vm2 =	vgt.s32 v30, $0x700  }
0x173: {  	s26 =	simm.s32 $0x8140;
	v32 =	vld [tilespmem:s4+$0x0];
	v27 =	vadd.s32 $0xFFFFFA80, v27;
	v39 =	vmin.u32 v31, $0x87F;
	v61 =	vsub.f32 v11, v29  }
0x174: {  	[tilespmem:s26+$0x0] =	vst v33;
	v31 =	vld [tilespmem:s0+$0x0];
	v62 =	vshra.s32 v41, $0x13;
	v30 =	vnsel vm2, $0x700, v30;
	v29 =	vmul.f32 v35, v17  }
0x175: {  	v43 =	vld [tilespmem:s3+$0x0];
	v35 =	vmul.f32 v35, v21;
	[tilespmem:s21+$0x10] =	vst v41;
	v41 =	vadd.s32 $0xFFFFFD80, v28;
	vm2 =	vgt.s32 v62, $0x700  }
0x176: {  	v47 =	vmin.u32 v30, $0x87F;
	v30 =	vmul.f32 v38, v14;
	[tilespmem:v40+s20+$0x0] =	vst.idx.add.s32.msk $0xffff, v3;
	v40 =	vmul.f32 v49, v15  }
0x177: {  	v48 =	vadd.f32 v61, v51;
	v46 =	vnsel vm2, $0x700, v62;
	v62 =	vmul.f32 v49, v22  }
0x178: {  	v35 =	vadd.f32 v35, v58;
	v46 =	vmin.u32 v46, $0x87F;
	v63 =	vmul.f32 v32, v12  }
0x179: {  	v61 =	vshra.s32 v48, $0x13;
	v60 =	vmul.f32 v31, v13;
	v51 =	vmul.f32 v31, v21  }
0x17a: {  	v46 =	vadd.s32 $0xFFFFF900, v46;
	v53 =	vmul.f32 v31, v17;
	v54 =	vmul.f32 v43, v24  }
0x17b: {  	vm2 =	vgt.s32 v61, $0x700;
	v55 =	vmul.f32 v32, v20;
	v50 =	vmul.f32 v43, v14  }
0x17c: {  	v57 =	vmul.f32 v43, v10;
	v59 =	vmul.f32 v31, v23;
	v31 =	vadd.f32 v56, v62  }
0x17d: {  	v43 =	vmul.f32 v43, v18;
	v52 =	vnsel vm2, $0x700, v61;
	v61 =	vmul.f32 v38, v18  }
0x17e: {  	v38 =	vmul.f32 v38, v24;
	v36 =	vadd.f32 v60, v63;
	v60 =	vshra.s32 v37, $0x13  }
0x17f: {  	s6 =	simm.s32 $0x6070;
	v63 =	vmul.f32 v49, v12;
	v52 =	vmin.u32 v52, $0x87F;
	vm2 =	vgt.s32 v60, $0x700  }
0x180: {  	v33 =	vld [tilespmem:s6+$0xFFFFFFF0];
	v62 =	vadd.f32 v38, v31;
	v31 =	vmul.f32 v32, v15;
	v49 =	vadd.s32 $0xFFFFFA80, v52  }
0x181: {  	v32 =	vmul.f32 v32, v22;
	v36 =	vadd.f32 v57, v36;
	v42 =	vadd.f32 v42, v63  }
0x182: {  	s17 =	simm.s32 $0x40;
	v57 =	vadd.f32 v61, v35;
	v63 =	vadd.f32 v51, v55;
	v58 =	vnsel vm2, $0x700, v60  }
0x183: {  	s12 =	sand.u32 $0xFE0, s17;
	[tilespmem:v46+s20+$0x0] =	vst.idx.add.s32.msk $0xffff, v3;
	v61 =	vadd.s32 $0xFFFFFC00, v39;
	v55 =	vadd.f32 v53, v31;
	v35 =	vsub.f32 v19, v62  }
0x184: {  	[tilespmem:s12+$0x9100] =	vst v48;
	v31 =	vld [tilespmem:s9+$0x0];
	v60 =	vmin.u32 v58, $0x87F;
	v32 =	vadd.f32 v59, v32;
	v42 =	vadd.f32 v45, v42  }
0x185: {  	[tilespmem:s21+$0x1010] =	vst v34;
	v34 =	vadd.s32 $0xFFFFFD80, v47;
	v43 =	vadd.f32 v43, v63;
	v35 =	vadd.f32 v35, v33  }
0x186: {  	v38 =	vadd.s32 $0xFFFFFC00, v60;
	[tilespmem:v27+s20+$0x0] =	vst.idx.add.s32.msk $0xffff, v3;
	v62 =	vadd.f32 v50, v55;
	v27 =	vsub.f32 v8, v42  }
0x187: {  	[tilespmem:s21+$0x2010] =	vst v37;
	v63 =	vsub.f32 v16, v43;
	v42 =	vadd.f32 v54, v32;
	v28 =	vshra.s32 v35, $0x13  }
0x188: {  	s31 =	simm.s32 $0x8160;
	s17 =	simm.s32 $0x5090;
	s7 =	simm.s32 $0x80;
	[tilespmem:v49+s20+$0x0] =	vst.idx.add.s32.msk $0xffff, v3;
	v46 =	vsub.f32 v11, v62;
	v39 =	vadd.f32 v27, v33;
	vm2 =	vgt.s32 v28, $0x700  }
0x189: {  	s8 =	simm.s32 $0x4090;
	s5 =	simm.s32 $0x60;
	s4 =	simm.s32 $0xC100;
	v43 =	vsub.f32 v16, v57;
	[tilespmem:s12+$0xA100] =	vst v44;
	v27 =	vadd.f32 v63, v31;
	v28 =	vnsel vm2, $0x700, v28  }
0x18a: {  	s0 =	simm.s32 $0xC100;
	s3 =	simm.s32 $0x6070;
	s9 =	simm.s32 $0x3090;
	[tilespmem:v61+s20+$0x0] =	vst.idx.add.s32.msk $0xffff, v3;
	v44 =	vshra.s32 v39, $0x13;
	v32 =	vmin.u32 v28, $0x87F;
	v28 =	vadd.f32 v46, v31  }
.LBB2_11:
0x18b: {  	p0 =	sne.s32 s7, $0xFE0;
	vm2 =	vgt.s32 v44, $0x700;
	v37 =	vadd.f32 v43, v33;
	v42 =	vsub.f32 v19, v42;
	[tilespmem:v38+s4+$0x0] =	vst.idx.add.s32.msk $0xffff, v3;
	s2 =	smov.u32 s7;
	s7 =	sadd.s32 $0x20, s7  }
0x18c: {  	v36 =	vsub.f32 v8, v36;
	v38 =	vld [tilespmem:s8+$0xFFFFFFF0];
	v43 =	vnsel vm2, $0x700, v44;
	v44 =	vshra.s32 v28, $0x13;
	[tilespmem:s21+$0x3010] =	vst v25;
	s21 =	smov.u32 s22;
	s22 =	smov.u32 s26;
	s26 =	smov.u32 s31  }
0x18d: {  	v25 =	vmin.u32 v43, $0x87F;
	v43 =	vshra.s32 v37, $0x13;
	vm2 =	vgt.s32 v44, $0x700;
	[tilespmem:v34+s4+$0x0] =	vst.idx.add.s32.msk $0xffff, v3;
	s4 =	smov.u32 s0;
	s0 =	smov.u32 s20  }
0x18e: {  	v29 =	vadd.f32 v29, v40;
	v34 =	vld [tilespmem:s17+$0xFFFFFFF0];
	v45 =	vadd.s32 $0xFFFFF900, v25;
	[tilespmem:s12+$0xB100] =	vst v26;
	v25 =	vnsel vm2, $0x700, v44;
	v26 =	vmovc v35  }
0x18f: {  	vm2 =	vgt.s32 v43, $0x700;
	[tilespmem:v41+s0+$0x0] =	vst.idx.add.s32.msk $0xffff, v3;
	v35 =	vmin.u32 v25, $0x87F;
	v25 =	vadd.f32 v42, v31  }
0x190: {  	v29 =	vadd.f32 v30, v29;
	v30 =	vnsel vm2, $0x700, v43;
	v41 =	vld [tilespmem:s28+$0x0];
	v35 =	vadd.s32 $0xFFFFFA80, v35;
	s28 =	smov.u32 s1;
	s1 =	smov.u32 s9  }
0x191: {  	v42 =	vmin.u32 v30, $0x87F;
	v30 =	vadd.f32 v36, v31;
	v40 =	vld [tilespmem:s24+$0x0];
	v31 =	vshra.s32 v25, $0x13;
	s24 =	smov.u32 s29;
	s29 =	smov.u32 s8  }
0x192: {  	s6 =	sadd.s32 $0x20, s6;
	v36 =	vsub.f32 v11, v29;
	v43 =	vmul.f32 v38, v13;
	[tilespmem:s31+$0x0] =	vst v39;
	v39 =	vld [tilespmem:s23+$0x0];
	vm2 =	vgt.s32 v31, $0x700;
	s23 =	smov.u32 s30  }
0x193: {  	s30 =	smov.u32 s17;
	v44 =	vmul.f32 v34, v10;
	[tilespmem:v45+s20+$0x0] =	vst.idx.add.s32.msk $0xffff, v3;
	v45 =	vshra.s32 v30, $0x13;
	v46 =	vnsel vm2, $0x700, v31  }
0x194: {  	v29 =	vmul.f32 v38, v17;
	v31 =	vld [tilespmem:s25+$0x0];
	[tilespmem:s21+$0x10] =	vst v30;
	vm2 =	vgt.s32 v45, $0x700;
	v46 =	vmin.u32 v46, $0x87F;
	s25 =	smov.u32 s3;
	s3 =	smov.u32 s6  }
0x195: {  	v33 =	vadd.f32 v36, v33;
	v30 =	vmul.f32 v34, v14;
	v36 =	vmul.f32 v41, v12  }
0x196: {  	s12 =	sand.u32 $0xFE0, s5;
	s5 =	smov.u32 s2;
	v45 =	vnsel vm2, $0x700, v45;
	v47 =	vld [tilespmem:s9+$0xFFFFFFF0];
	v48 =	vmul.f32 v40, v13;
	v49 =	vmul.f32 v40, v21  }
0x197: {  	v50 =	vmul.f32 v40, v17;
	[tilespmem:s12+$0x9100] =	vst v33;
	v33 =	vshra.s32 v33, $0x13;
	v51 =	vmul.f32 v39, v24  }
0x198: {  	vm2 =	vgt.s32 v33, $0x700;
	v36 =	vadd.f32 v48, v36;
	v48 =	vmul.f32 v41, v20  }
0x199: {  	v52 =	vmul.f32 v38, v23;
	v45 =	vmin.u32 v45, $0x87F;
	v53 =	vmul.f32 v39, v14  }
0x19a: {  	v38 =	vmul.f32 v38, v21;
	v54 =	vmul.f32 v39, v10;
	v45 =	vadd.s32 $0xFFFFF900, v45  }
0x19b: {  	v56 =	vmul.f32 v40, v23;
	v33 =	vnsel vm2, $0x700, v33;
	v55 =	vmul.f32 v47, v20  }
0x19c: {  	v57 =	vmin.u32 v33, $0x87F;
	v36 =	vadd.f32 v54, v36;
	v40 =	vmul.f32 v47, v22  }
0x19d: {  	v54 =	vshra.s32 v27, $0x13;
	v33 =	vmul.f32 v47, v12;
	v38 =	vadd.f32 v38, v55  }
0x19e: {  	vm2 =	vgt.s32 v54, $0x700;
	v55 =	vmul.f32 v34, v18;
	v52 =	vadd.f32 v52, v40  }
0x19f: {  	v39 =	vmul.f32 v39, v18;
	v43 =	vadd.f32 v43, v33;
	v34 =	vmul.f32 v34, v24  }
0x1a0: {  	v40 =	vmul.f32 v47, v15;
	v47 =	vadd.f32 v55, v38;
	v38 =	vmul.f32 v41, v15;
	v33 =	vld [tilespmem:s6+$0xFFFFFFF0]  }
0x1a1: {  	s31 =	sadd.s32 $0x20, s31;
	v48 =	vadd.f32 v49, v48;
	v34 =	vadd.f32 v34, v52;
	v52 =	vadd.s32 $0xFFFFFA80, v57;
	[tilespmem:v45+s4+$0x0] =	vst.idx.add.s32.msk $0xffff, v3  }
0x1a2: {  	v41 =	vmul.f32 v41, v22;
	v38 =	vadd.f32 v50, v38;
	[tilespmem:s21+$0x1010] =	vst v28;
	v28 =	vnsel vm2, $0x700, v54  }
0x1a3: {  	v39 =	vadd.f32 v39, v48;
	v34 =	vsub.f32 v19, v34;
	[tilespmem:v35+s4+$0x0] =	vst.idx.add.s32.msk $0xffff, v3;
	v28 =	vmin.u32 v28, $0x87F  }
0x1a4: {  	v43 =	vadd.f32 v44, v43;
	v45 =	vadd.s32 $0xFFFFFC00, v42;
	v42 =	vadd.f32 v56, v41;
	[tilespmem:s21+$0x2010] =	vst v27  }
0x1a5: {  	v27 =	vadd.f32 v53, v38;
	v38 =	vadd.s32 $0xFFFFFC00, v28;
	v35 =	vadd.f32 v34, v33  }
.Ltmp9:
0x1a6: {  	v41 =	vadd.s32 $0xFFFFFD80, v32;
	v28 =	vsub.f32 v8, v43;
	v34 =	vadd.s32 $0xFFFFFD80, v46;
	(pc) =	sbr.rel @p0 .LBB2_11-.Ltmp9, $4  }
0x1a7: {  	v44 =	vsub.f32 v16, v39;
	v42 =	vadd.f32 v51, v42;
	v32 =	vshra.s32 v35, $0x13  }
0x1a8: {  	v39 =	vadd.f32 v28, v33;
	v28 =	vsub.f32 v11, v27;
	vm2 =	vgt.s32 v32, $0x700;
	[tilespmem:v52+s20+$0x0] =	vst.idx.add.s32.msk $0xffff, v3  }
0x1a9: {  	v43 =	vsub.f32 v16, v47;
	v27 =	vadd.f32 v44, v31;
	v32 =	vnsel vm2, $0x700, v32;
	[tilespmem:s12+$0xA100] =	vst v37  }
0x1aa: {  	s8 =	sadd.s32 $0x20, s8;
	s17 =	sadd.s32 $0x20, s17;
	s9 =	sadd.s32 $0x20, s9;
	v44 =	vshra.s32 v39, $0x13;
	v28 =	vadd.f32 v28, v31;
	v32 =	vmin.u32 v32, $0x87F;
	[tilespmem:v45+s20+$0x0] =	vst.idx.add.s32.msk $0xffff, v3  }
0x1ab: {  	_ =	sdelay $0x2  }
0x1ac: {  	v29 =	vadd.f32 v29, v40;
	vm2 =	vgt.s32 v44, $0x700;
	[tilespmem:s12+$0xB100] =	vst v26;
	v56 =	vsub.f32 v19, v42  }
0x1ad: {  	v36 =	vsub.f32 v8, v36;
	v32 =	vadd.s32 $0xFFFFFD80, v32;
	v37 =	vnsel vm2, $0x700, v44;
	[tilespmem:v41+s20+$0x0] =	vst.idx.add.s32.msk $0xffff, v3  }
0x1ae: {  	v57 =	vshra.s32 v28, $0x13;
	v29 =	vadd.f32 v30, v29;
	v30 =	vadd.f32 v43, v33;
	v41 =	vld [tilespmem:s28+$0x0]  }
0x1af: {  	v37 =	vmin.u32 v37, $0x87F;
	vm2 =	vgt.s32 v57, $0x700;
	v59 =	vld [tilespmem:s24+$0x0];
	v26 =	vadd.f32 v56, v31  }
0x1b0: {  	v31 =	vadd.f32 v36, v31;
	v61 =	vnsel vm2, $0x700, v57;
	v29 =	vsub.f32 v11, v29  }
0x1b1: {  	v60 =	vadd.s32 $0xFFFFF900, v37;
	v58 =	vshra.s32 v30, $0x13;
	v37 =	vmin.u32 v61, $0x87F  }
0x1b2: {  	v52 =	vld [tilespmem:s23+$0x0];
	v63 =	vshra.s32 v26, $0x13;
	vm2 =	vgt.s32 v58, $0x700;
	v29 =	vadd.f32 v29, v33  }
0x1b3: {  	v47 =	vshra.s32 v31, $0x13;
	v37 =	vadd.s32 $0xFFFFFA80, v37;
	v42 =	vnsel vm2, $0x700, v58  }
0x1b4: {  	v45 =	vmul.f32 v41, v12;
	v46 =	vmul.f32 v59, v13;
	v62 =	vshra.s32 v29, $0x13  }
0x1b5: {  	v48 =	vmul.f32 v59, v17;
	v49 =	vmul.f32 v41, v15;
	vm2 =	vgt.s32 v62, $0x700  }
0x1b6: {  	v53 =	vmul.f32 v59, v23;
	v54 =	vmul.f32 v41, v22;
	v40 =	vnsel vm2, $0x700, v62  }
0x1b7: {  	v56 =	vmul.f32 v52, v14;
	v58 =	vmul.f32 v59, v21;
	v40 =	vmin.u32 v40, $0x87F  }
0x1b8: {  	[tilespmem:s31+$0x0] =	vst v39;
	s6 =	simm.s32 $0xC100;
	v41 =	vmul.f32 v41, v20;
	v61 =	vmul.f32 v52, v24;
	v40 =	vadd.s32 $0xFFFFFA80, v40  }
0x1b9: {  	v42 =	vmin.u32 v42, $0x87F;
	v44 =	vmul.f32 v52, v18;
	[tilespmem:v60+s6+$0x0] =	vst.idx.add.s32.msk $0xffff, v3;
	v48 =	vadd.f32 v48, v49  }
0x1ba: {  	v42 =	vadd.s32 $0xFFFFFC00, v42;
	v60 =	vld [tilespmem:s25+$0x0];
	v45 =	vadd.f32 v46, v45;
	v55 =	vadd.f32 v53, v54  }
0x1bb: {  	s2 =	sand.u32 $0xFE0, s5;
	[tilespmem:v38+s4+$0x0] =	vst.idx.add.s32.msk $0xffff, v3;
	vm2 =	vgt.s32 v63, $0x700;
	v62 =	vmul.f32 v52, v10;
	v46 =	vadd.f32 v56, v48  }
0x1bc: {  	[tilespmem:s2+$0x9100] =	vst v29;
	v36 =	vnsel vm2, $0x700, v63;
	vm2 =	vgt.s32 v47, $0x700;
	v63 =	vshra.s32 v27, $0x13  }
0x1bd: {  	v57 =	vmin.u32 v36, $0x87F;
	v36 =	vadd.f32 v58, v41;
	v49 =	vsub.f32 v11, v46;
	[tilespmem:v40+s6+$0x0] =	vst.idx.add.s32.msk $0xffff, v3  }
0x1be: {  	v48 =	vadd.f32 v61, v55;
	v59 =	vnsel vm2, $0x700, v47;
	vm2 =	vgt.s32 v63, $0x700;
	[tilespmem:s2+$0xA100] =	vst v30  }
0x1bf: {  	v43 =	vmin.u32 v59, $0x87F;
	v36 =	vadd.f32 v44, v36;
	v39 =	vadd.f32 v49, v60;
	[tilespmem:v42+s6+$0x0] =	vst.idx.add.s32.msk $0xffff, v3  }
0x1c0: {  	v41 =	vnsel vm2, $0x700, v63;
	v40 =	vadd.f32 v62, v45;
	v30 =	vsub.f32 v19, v48;
	[tilespmem:s2+$0xB100] =	vst v35  }
0x1c1: {  	v50 =	vmin.u32 v41, $0x87F;
	v51 =	vadd.s32 $0xFFFFF900, v43;
	v36 =	vsub.f32 v16, v36;
	[tilespmem:v32+s6+$0x0] =	vst.idx.add.s32.msk $0xffff, v3  }
0x1c2: {  	v52 =	vshra.s32 v39, $0x13;
	v40 =	vsub.f32 v8, v40;
	v30 =	vadd.f32 v30, v60;
	v41 =	vld [tilespmem:s1+$0x0]  }
0x1c3: {  	v33 =	vadd.s32 $0xFFFFFD80, v57;
	vm2 =	vgt.s32 v52, $0x700;
	v29 =	vadd.f32 v36, v60;
	v53 =	vld [tilespmem:s29+$0x0]  }
0x1c4: {  	[tilespmem:s21+$0x3010] =	vst v25;
	v54 =	vnsel vm2, $0x700, v52;
	v40 =	vadd.f32 v40, v60;
	v55 =	vshra.s32 v30, $0x13  }
0x1c5: {  	[tilespmem:s22+$0x10] =	vst v31;
	v35 =	vadd.s32 $0xFFFFFC00, v50;
	v36 =	vmin.u32 v54, $0x87F;
	v56 =	vld [tilespmem:s30+$0x0];
	vm2 =	vgt.s32 v55, $0x700  }
0x1c6: {  	[tilespmem:v51+s0+$0x0] =	vst.idx.add.s32.msk $0xffff, v3;
	v51 =	vshra.s32 v29, $0x13;
	v57 =	vshra.s32 v40, $0x13;
	v58 =	vnsel vm2, $0x700, v55  }
0x1c7: {  	[tilespmem:v34+s4+$0x0] =	vst.idx.add.s32.msk $0xffff, v3;
	v36 =	vadd.s32 $0xFFFFFA80, v36;
	vm2 =	vgt.s32 v57, $0x700;
	v59 =	vmin.u32 v58, $0x87F  }
0x1c8: {  	[tilespmem:s22+$0x1010] =	vst v28;
	v63 =	vnsel vm2, $0x700, v57;
	v60 =	vmul.f32 v41, v12;
	v61 =	vmul.f32 v53, v13  }
0x1c9: {  	[tilespmem:v37+s0+$0x0] =	vst.idx.add.s32.msk $0xffff, v3;
	vm2 =	vgt.s32 v51, $0x700;
	v62 =	vmul.f32 v53, v21;
	v38 =	vmul.f32 v53, v17  }
0x1ca: {  	v45 =	vmul.f32 v41, v15;
	v10 =	vmul.f32 v56, v10;
	v12 =	vadd.f32 v61, v60  }
0x1cb: {  	v48 =	vld [tilespmem:s3+$0x0];
	v47 =	vmin.u32 v63, $0x87F;
	v46 =	vmul.f32 v41, v20;
	v49 =	vmul.f32 v56, v14  }
0x1cc: {  	v50 =	vmul.f32 v53, v23;
	v13 =	vadd.f32 v38, v45;
	v10 =	vadd.f32 v10, v12  }
0x1cd: {  	v52 =	vmul.f32 v56, v18;
	v53 =	vmul.f32 v41, v22;
	v15 =	vadd.f32 v62, v46  }
0x1ce: {  	[tilespmem:s22+$0x2010] =	vst v27;
	v20 =	vadd.s32 $0xFFFFF900, v47;
	v13 =	vadd.f32 v49, v13;
	v8 =	vsub.f32 v8, v10  }
0x1cf: {  	[tilespmem:s26+$0x10] =	vst v40;
	v42 =	vmul.f32 v56, v24;
	v55 =	vadd.f32 v50, v53;
	v54 =	vadd.f32 v52, v15  }
0x1d0: {  	[tilespmem:v35+s0+$0x0] =	vst.idx.add.s32.msk $0xffff, v3;
	v10 =	vnsel vm2, $0x700, v51;
	v11 =	vsub.f32 v11, v13;
	v8 =	vadd.f32 v8, v48  }
0x1d1: {  	[tilespmem:s22+$0x3010] =	vst v26;
	v12 =	vsub.f32 v16, v54;
	v13 =	vadd.f32 v42, v55;
	v10 =	vmin.u32 v10, $0x87F  }
0x1d2: {  	[tilespmem:v33+s0+$0x0] =	vst.idx.add.s32.msk $0xffff, v3;
	v10 =	vadd.s32 $0xFFFFFC00, v10;
	v11 =	vadd.f32 v11, v48;
	v57 =	vshra.s32 v8, $0x13  }
0x1d3: {  	v56 =	vadd.s32 $0xFFFFFD80, v59;
	[tilespmem:v20+s20+$0x0] =	vst.idx.add.s32.msk $0xffff, v3;
	v13 =	vsub.f32 v19, v13;
	vm2 =	vgt.s32 v57, $0x700  }
0x1d4: {  	[tilespmem:s26+$0x1010] =	vst v39;
	v12 =	vadd.f32 v12, v48;
	v58 =	vshra.s32 v11, $0x13;
	v15 =	vnsel vm2, $0x700, v57  }
0x1d5: {  	[tilespmem:v36+s20+$0x0] =	vst.idx.add.s32.msk $0xffff, v3;
	v13 =	vadd.f32 v13, v48;
	vm2 =	vgt.s32 v58, $0x700;
	v15 =	vmin.u32 v15, $0x87F  }
0x1d6: {  	[tilespmem:s26+$0x2010] =	vst v29;
	v59 =	vshra.s32 v12, $0x13;
	v16 =	vnsel vm2, $0x700, v58;
	v15 =	vadd.s32 $0xFFFFF900, v15  }
0x1d7: {  	[tilespmem:v10+s20+$0x0] =	vst.idx.add.s32.msk $0xffff, v3;
	vm2 =	vgt.s32 v59, $0x700;
	v10 =	vmin.u32 v16, $0x87F  }
0x1d8: {  	[tilespmem:s31+$0x10] =	vst v8;
	v60 =	vshra.s32 v13, $0x13;
	v17 =	vnsel vm2, $0x700, v59;
	v10 =	vadd.s32 $0xFFFFFA80, v10  }
0x1d9: {  	[tilespmem:s26+$0x3010] =	vst v30;
	vm2 =	vgt.s32 v60, $0x700;
	v61 =	vmin.u32 v17, $0x87F  }
0x1da: {  	[tilespmem:v56+s20+$0x0] =	vst.idx.add.s32.msk $0xffff, v3;
	v16 =	vnsel vm2, $0x700, v60;
	v8 =	vadd.s32 $0xFFFFFC00, v61  }
0x1db: {  	v62 =	vmin.u32 v16, $0x87F;
	[tilespmem:v15+s6+$0x0] =	vst.idx.add.s32.msk $0xffff, v3  }
0x1dc: {  	[tilespmem:s31+$0x1010] =	vst v11;
	v11 =	vadd.s32 $0xFFFFFD80, v62  }
0x1dd: {  	[tilespmem:v10+s6+$0x0] =	vst.idx.add.s32.msk $0xffff, v3  }
0x1de: {  	[tilespmem:s31+$0x2010] =	vst v12  }
0x1df: {  	[tilespmem:v8+s6+$0x0] =	vst.idx.add.s32.msk $0xffff, v3  }
0x1e0: {  	[tilespmem:s31+$0x3010] =	vst v13  }
0x1e1: {  	[tilespmem:v11+s6+$0x0] =	vst.idx.add.s32.msk $0xffff, v3  }
0x1e2: {  	v8 =	vld [tilespmem:s6+$0x0];
	_ =	sdelay $0x4  }
0x1e3: {  	(xrf0) =	vadd.scan.msk.s32 $0xffff, v8;
	_ =	sdelay $0x1  }
0x1e4: {  	s25 =	simm.s32 $0xC110;
	[tilespmem:s6+$0x0] =	vst v1  }
0x1e5: {  	v8 =	vld [tilespmem:s25+$0x0];
	_ =	sdelay $0x2  }
0x1e6: {  	v10, _, _ =	vpop (xrf0)  }
0x1e7: {  	s26 =	simm.s32 $0x0;
	(v2sf) =	vpush v10, $0xF  }
0x1e8: {  	(xrf0) =	vadd.scan.msk.s32 $0xffff, v8;
	v8 =	vadd.s32 s26, v10  }
0x1e9: {  	vm2 =	vgt.s32 v8, $0x1F;
	v8 =	vor.u32 $0x80000000, v2  }
0x1ea: {  	v10 =	vnsel vm2, $0x80000010, v8  }
0x1eb: {  	(xrf0) =	vmin.scan.msk.u32 $0xffff, v10;
	_ =	sdelay $0x4  }
0x1ec: {  	v10, _, _ =	vpop (xrf0)  }
0x1ed: {  	s28 =	simm.s32 $0xC120;
	[tilespmem:s25+$0x0] =	vst v1;
	(v2sf) =	vpush v10, $0xF;
	v11, _, _ =	vpop (xrf0)  }
0x1ee: {  	(v2sf) =	vpush v11, $0xF;
	v11 =	vld [tilespmem:s28+$0x0];
	_ =	sdelay $0x3  }
0x1ef: {  	s29 =	spop (v2sf)  }
0x1f0: {  	(xrf0) =	vadd.scan.msk.s32 $0xffff, v11;
	s0 =	sadd.s32 $0x0, s29  }
0x1f1: {  	v10 =	vadd.s32 s0, v10  }
0x1f2: {  	vm2 =	vgt.s32 v10, $0x1F  }
0x1f3: {  	v10 =	vnsel vm2, $0x80000010, v8  }
0x1f4: {  	s30 =	simm.s32 $0xC130;
	[tilespmem:s28+$0x0] =	vst v1  }
0x1f5: {  	v12 =	vld [tilespmem:s30+$0x0]  }
0x1f6: {  	(xrf0) =	vmin.scan.msk.u32 $0xffff, v10;
	v10, _, _ =	vpop (xrf0)  }
0x1f7: {  	(v2sf) =	vpush v10, $0xF;
	_ =	sdelay $0x2  }
0x1f8: {  	(xrf0) =	vadd.scan.msk.s32 $0xffff, v12;
	_ =	sdelay $0x1  }
0x1f9: {  	s31 =	spop (v2sf)  }
0x1fa: {  	s2 =	sadd.s32 s0, s31  }
0x1fb: {  	v63 =	vadd.s32 s2, v10;
	v10, _, _ =	vpop (xrf0)  }
0x1fc: {  	s6 =	simm.s32 $0xC140;
	[tilespmem:s30+$0x0] =	vst v1;
	(v2sf) =	vpush v10, $0xF  }
0x1fd: {  	v11 =	vld [tilespmem:s6+$0x0];
	vm2 =	vgt.s32 v63, $0x1F;
	v10, _, _ =	vpop (xrf0)  }
0x1fe: {  	v12 =	vnsel vm2, $0x80000010, v8;
	s7 =	spop (v2sf);
	(v2sf) =	vpush v10, $0xF  }
0x1ff: {  	s5 =	simm.s32 $0x80000010;
	s4 =	simm.s32 $0x80000020;
	(xrf0) =	vmin.scan.msk.u32 $0xffff, v12  }
0x200: {  	p0 =	por $0x0, $0x0;
	s3 =	simm.s32 $0x80000030;
	s1 =	simm.s32 $0x80000040  }
0x201: {  	s0 =	simm.s32 $0x17F;
	s9 =	sxor.u32 $0x80000000, s7;
	s8 =	sadd.s32 $0x80000000, s7  }
0x202: {  	[tilespmem:s6+$0x0] =	vst v1;
	s7 =	simm.s32 $0x80000050;
	(xrf0) =	vadd.scan.msk.s32 $0xffff, v11;
	p1 =	slt.s32 s9, $0x10;
	s8 =	smov.u32 @p0 s0  }
.LBB2_13:
0x203: {  	s9 =	spop (v2sf);
	s0 =	smov.u32 @p1 s8;
	p0 =	por p0, p1  }
0x204: {  	s12 =	smov.u32 s3;
	s3 =	smov.u32 s1;
	s1 =	smov.u32 s7  }
0x205: {  	p2 =	sne.s32 s7, $0x80000170;
	s7 =	sadd.s32 $0x10, s7;
	s2 =	sadd.s32 s2, s9;
	v11, _, _ =	vpop (xrf0)  }
0x206: {  	s6 =	sadd.s32 $0x10, s6;
	v12 =	vadd.s32 s2, v10;
	(v2sf) =	vpush v11, $0xF  }
0x207: {  	v11 =	vld [tilespmem:s6+$0x0];
	vm2 =	vgt.s32 v12, $0x1F  }
0x208: {  	[tilespmem:s6+$0x0] =	vst v1;
	v10, _, _ =	vpop (xrf0);
	v12 =	vnsel vm2, $0x80000010, v8  }
.Ltmp10:
0x209: {  	(v2sf) =	vpush v10, $0xF;
	(xrf0) =	vmin.scan.msk.u32 $0xffff, v12;
	(pc) =	sbr.rel @p2 .LBB2_13-.Ltmp10, $4  }
0x20a: {  	_ = 	snop  }
0x20b: {  	s8 =	spop (v2sf)  }
0x20c: {  	(xrf0) =	vadd.scan.msk.s32 $0xffff, v11;
	s9 =	sxor.u32 $0x80000000, s8;
	s8 =	sadd.s32 s5, s8;
	s5 =	smov.u32 s4  }
0x20d: {  	s4 =	smov.u32 s12;
	p1 =	slt.s32 s9, $0x10;
	s8 =	smov.u32 @p0 s0  }
0x20e: {  	_ =	sdelay $0x5  }
0x20f: {  	s6 =	spop (v2sf)  }
0x210: {  	s2 =	sadd.s32 s2, s6  }
0x211: {  	v10 =	vadd.s32 s2, v10  }
0x212: {  	s22 =	spop (v2sf)  }
0x213: {  	v11, _, _ =	vpop (xrf0);
	vm2 =	vgt.s32 v10, $0x1F;
	s7 =	spop (v2sf)  }
0x214: {  	v12 =	vnsel vm2, $0x80000010, v8;
	v10, _, _ =	vpop (xrf0);
	s2 =	sadd.s32 s2, s7  }
0x215: {  	(xrf0) =	vmin.scan.msk.u32 $0xffff, v12;
	v63 =	vadd.s32 s2, v10  }
0x216: {  	vm2 =	vgt.s32 v63, $0x1F  }
0x217: {  	v12 =	vnsel vm2, $0x80000010, v8  }
0x218: {  	(xrf0) =	vmin.scan.msk.u32 $0xffff, v12  }
0x219: {  	(v2sf) =	vpush v11, $0xF;
	_ =	sdelay $0x1  }
0x21a: {  	(v2sf) =	vpush v10, $0xF;
	v10, _, _ =	vpop (xrf0)  }
0x21b: {  	(v2sf) =	vpush v10, $0xF;
	_ =	sdelay $0x1  }
0x21c: {  	v10, _, _ =	vpop (xrf0)  }
0x21d: {  	(v2sf) =	vpush v10, $0xF;
	_ =	sdelay $0x5  }
0x21e: {  	s0 =	smov.u32 @p1 s8  }
0x21f: {  	p0 =	por p0, p1;
	[tilespmem:$0xC700] =	vst v4;
	s23 =	sxor.u32 $0x80000000, s22;
	s5 =	sadd.s32 s5, s22  }
0x220: {  	[tilespmem:$0xC710] =	vst v4;
	p1 =	slt.s32 s23, $0x10;
	s5 =	smov.u32 @p0 s0  }
0x221: {  	[tilespmem:$0xC720] =	vst v4;
	s0 =	smov.u32 @p1 s5;
	s24 =	spop (v2sf)  }
0x222: {  	[tilespmem:$0xC730] =	vst v4;
	p0 =	por p0, p1;
	s25 =	sxor.u32 $0x80000000, s24;
	s2 =	sadd.s32 s4, s24  }
0x223: {  	[tilespmem:$0xC740] =	vst v4;
	p1 =	slt.s32 s25, $0x10;
	s2 =	smov.u32 @p0 s0;
	s26 =	spop (v2sf)  }
0x224: {  	[tilespmem:$0xC750] =	vst v4;
	s0 =	smov.u32 @p1 s2;
	s29 =	spop (v2sf)  }
0x225: {  	[tilespmem:$0xC760] =	vst v4;
	p0 =	por p0, p1;
	s4 =	sxor.u32 $0x80000000, s29;
	s2 =	sadd.s32 s3, s29  }
0x226: {  	[tilespmem:$0xC770] =	vst v4;
	p1 =	slt.s32 s4, $0x10;
	s2 =	smov.u32 @p0 s0  }
0x227: {  	[tilespmem:$0xC780] =	vst v4;
	s0 =	smov.u32 @p1 s2;
	s30 =	spop (v2sf)  }
0x228: {  	[tilespmem:$0xC790] =	vst v4;
	p0 =	por p0, p1;
	s31 =	sxor.u32 $0x80000000, s30;
	s1 =	sadd.s32 s1, s30  }
0x229: {  	[tilespmem:$0xC7A0] =	vst v4;
	p1 =	slt.s32 s31, $0x10;
	s1 =	smov.u32 @p0 s0  }
0x22a: {  	[tilespmem:$0xC7B0] =	vst v4;
	s0 =	smov.u32 @p1 s1  }
0x22b: {  	[tilespmem:$0xC7C0] =	vst v4;
	s0 =	sshll.u32 s0, $0x13  }
0x22c: {  	[tilespmem:$0xC7D0] =	vst v4;
	s0 =	sadd.s32 $0x38080000, s0  }
0x22d: {  	[tilespmem:$0xC7E0] =	vst v4;
	v10 =	vmov s0  }
0x22e: {  	[tilespmem:$0xC7F0] =	vst v4;
	s28 =	simm.s32 $0x0;
	v11 =	vimm.s32 $0x0;
	s1 =	simm.s32 $0x8120;
	s0 =	simm.s32 $0x0;
	v10 =	vbroadcast v10, $0x0  }
.LBB2_15:
0x22f: {  	v12 =	vld [tilespmem:s1+$0xFFFFFFE0];
	_ =	sdelay $0x2  }
0x230: {  	v13 =	vshll.u32 v11, $0x4  }
0x231: {  	v13 =	vor.u32 v2, v13  }
0x232: {  	vm3 =	vlt.s32 v13, $0xFF;
	vm2 =	vlt.f32 v12, v10  }
0x233: {  	v13 =	vnsel vm3, $0xFF, v13;
	_ =	sdelay $0x4  }
0x234: {  	v57 =	vor.u32 s0, v2;
	[tilespmem:v13+s14+$0x0] =	vst.idx.msk vm2, v12  }
0x235: {  	[tilespmem:v13+s15+$0x0] =	vst.idx.msk vm2, v57  }
0x236: {  	v12 =	vld [tilespmem:s1+$0xFFFFFFF0]  }
0x237: {  	v58 =	vsel vm2, $0x1, v1  }
0x238: {  	v11 =	vadd.s32 v58, v11  }
0x239: {  	v13 =	vshll.u32 v11, $0x4  }
0x23a: {  	v13 =	vor.u32 v2, v13  }
0x23b: {  	vm3 =	vlt.s32 v13, $0xFF;
	vm2 =	vlt.f32 v12, v10  }
0x23c: {  	v13 =	vnsel vm3, $0xFF, v13;
	_ =	sdelay $0x3  }
0x23d: {  	s2 =	sadd.s32 $0x10, s0  }
0x23e: {  	v59 =	vor.u32 s2, v2;
	[tilespmem:v13+s14+$0x0] =	vst.idx.msk vm2, v12  }
0x23f: {  	[tilespmem:v13+s15+$0x0] =	vst.idx.msk vm2, v59  }
0x240: {  	v12 =	vld [tilespmem:s1+$0x0]  }
0x241: {  	v60 =	vsel vm2, $0x1, v1  }
0x242: {  	v11 =	vadd.s32 v60, v11  }
0x243: {  	v13 =	vshll.u32 v11, $0x4  }
0x244: {  	v13 =	vor.u32 v2, v13  }
0x245: {  	vm3 =	vlt.s32 v13, $0xFF;
	vm2 =	vlt.f32 v12, v10  }
0x246: {  	v13 =	vnsel vm3, $0xFF, v13;
	_ =	sdelay $0x3  }
0x247: {  	s30 =	sadd.s32 $0x20, s0  }
0x248: {  	v61 =	vor.u32 s30, v2;
	[tilespmem:v13+s14+$0x0] =	vst.idx.msk vm2, v12  }
0x249: {  	[tilespmem:v13+s15+$0x0] =	vst.idx.msk vm2, v61  }
0x24a: {  	v12 =	vld [tilespmem:s1+$0x10]  }
0x24b: {  	v62 =	vsel vm2, $0x1, v1  }
0x24c: {  	v11 =	vadd.s32 v62, v11  }
0x24d: {  	v13 =	vshll.u32 v11, $0x4  }
0x24e: {  	v13 =	vor.u32 v2, v13  }
0x24f: {  	vm3 =	vlt.s32 v13, $0xFF;
	vm2 =	vlt.f32 v12, v10  }
0x250: {  	v13 =	vnsel vm3, $0xFF, v13  }
0x251: {  	p0 =	sne.s32 s0, $0xFC0  }
.Ltmp11:
0x252: {  	_ = 	snop;
	(pc) =	sbr.rel @p0 .LBB2_15-.Ltmp11, $4  }
0x253: {  	_ = 	snop  }
0x254: {  	s31 =	sadd.s32 $0x30, s0  }
0x255: {  	v63 =	vor.u32 s31, v2;
	v14 =	vsel vm2, $0x1, v1;
	[tilespmem:v13+s14+$0x0] =	vst.idx.msk vm2, v12  }
0x256: {  	s0 =	sadd.s32 $0x40, s0;
	s1 =	sadd.s32 $0x40, s1;
	v11 =	vadd.s32 v14, v11;
	[tilespmem:v13+s15+$0x0] =	vst.idx.msk vm2, v63  }
0x257: {  	v10 =	vxor.u32 $0x80000000, v11  }
0x258: {  	(xrf0) =	vmax.scan.msk.u32 $0xffff, v10;
	_ =	sdelay $0x5  }
0x259: {  	v10, _, _ =	vpop (xrf0)  }
0x25a: {  	(v2sf) =	vpush v10, $0xF;
	_ =	sdelay $0xe  }
0x25b: {  	s0 =	spop (v2sf)  }
0x25c: {  	s0 =	sxor.u32 $0x80000000, s0  }
0x25d: {  	p0 =	slt.s32 s0, $0x1  }
.Ltmp12:
0x25e: {  	_ = 	snop;
	(pc) =	sbr.rel @p0 .LBB2_17-.Ltmp12, $2  }
0x25f: {  	_ =	sdelay $0x2  }
0x260: {  	v10 =	vimm.s32 $0x0  }
0x261: {  	s1 =	simm.s32 $0xC700;
	p0 =	slt.s32 s0, $0x10  }
0x262: {  	s2 =	simm.s32 $0xC800;
	v12 =	vld [tilespmem:s1+$0x0];
	s0 =	simm.s32 @!p0 $0x10  }
0x263: {  	v13 =	vld [tilespmem:s2+$0x0];
	p1 =	sne.s32 s0, $0x1  }
.Ltmp13:
0x264: {  	_ = 	snop;
	(pc) =	sbr.rel @!p1 .LBB2_19-.Ltmp13, $2  }
0x265: {  	_ =	sdelay $0x2  }
0x266: {  	v11 =	vimm.f32 $+Inf;
	p0 =	por $0x0, $0x0;
	s2 =	sadd.s32 $0xFFFFFFFF, s0;
	(xrf1) =	vsort.ascd.msk.f32 $0xffff, v12, v13  }
0x267: {  	_ =	sdelay $0xa  }
0x268: {  	v12 =	vmul.u32 $0xFFFFFFFF, v2;
	_ =	sdelay $0x1  }
0x269: {  	v12 =	vadd.s32 $0xF, v12;
	v13, v14, _ =	vpop (xrf1)  }
0x26a: {  	v13 =	vperm.xlane v13, v12  }
0x26b: {  	v14 =	vperm.xlane v14, v12  }
0x26c: {  	vm2 =	vle.f32 v11, v13  }
0x26d: {  	v13 =	vsel vm2, v11, v13;
	v14 =	vsel vm2, v10, v14  }
0x26e: {  	(xrf1) =	vsort.ascd.msk.f32 $0xffff, v13, v14;
	_ =	sdelay $0x9  }
0x26f: {  	s1 =	simm.s32 $0xC810  }
0x270: {  	s0 =	simm.s32 $0xC710;
	v16 =	vld [tilespmem:s1+$0x0]  }
0x271: {  	v13 =	vld [tilespmem:s0+$0x0]  }
0x272: {  	p1 =	sne.s32 s2, $0x1  }
.Ltmp14:
0x273: {  	v14, v15, _ =	vpop (xrf1);
	(pc) =	sbr.rel @!p1 .LBB2_21-.Ltmp14, $4  }
0x274: {  	v17 =	vperm.xlane v14, v12  }
0x275: {  	v14 =	vperm.xlane v15, v12  }
0x276: {  	(xrf1) =	vsort.ascd.msk.f32 $0xffff, v13, v16;
	v13 =	vimm.s32 $0x0;
	vm2 =	vle.f32 v11, v17  }
0x277: {  	s2 =	sadd.s32 $0xFFFFFFFF, s2;
	p0 =	por $0x1, $0x1;
	v15 =	vsel vm2, v11, v17;
	v16 =	vsel vm2, v17, v11;
	v17 =	vsel vm2, v14, v10  }
.LBB2_22:
0x278: {  	p1 =	sne.s32 s2, $0x1;
	s2 =	sadd.s32 $0xFFFFFFFF, s2;
	v13 =	vsel vm2, v13, v14;
	(xrf1) =	vsort.ascd.msk.f32 $0xffff, v16, v17  }
0x279: {  	(xrf1) =	vsort.ascd.msk.f32 $0xffff, v15, v13;
	_ =	sdelay $0xa  }
0x27a: {  	v13, v14, _ =	vpop (xrf1)  }
0x27b: {  	v15 =	vperm.xlane v13, v12;
	v14 =	vperm.xlane v14, v12  }
0x27c: {  	v16, v17, _ =	vpop (xrf1)  }
0x27d: {  	vm2 =	vle.f32 v16, v15;
	v18, v13, _ =	vpop (xrf1)  }
0x27e: {  	v15 =	vsel vm2, v16, v15;
	v14 =	vsel vm2, v17, v14  }
0x27f: {  	(xrf1) =	vsort.ascd.msk.f32 $0xffff, v15, v14;
	_ =	sdelay $0x9  }
0x280: {  	s0 =	sadd.s32 $0x10, s0  }
0x281: {  	s1 =	sadd.s32 $0x10, s1;
	v15 =	vld [tilespmem:s0+$0x0]  }
0x282: {  	v16 =	vld [tilespmem:s1+$0x0];
	_ =	sdelay $0x1  }
.Ltmp15:
0x283: {  	v14, v17, _ =	vpop (xrf1);
	(pc) =	sbr.rel @p1 .LBB2_22-.Ltmp15, $4  }
0x284: {  	v19 =	vperm.xlane v14, v12  }
0x285: {  	v14 =	vperm.xlane v17, v12  }
0x286: {  	(xrf1) =	vsort.ascd.msk.f32 $0xffff, v15, v16;
	vm2 =	vle.f32 v18, v19  }
0x287: {  	v15 =	vsel vm2, v18, v19;
	v16 =	vsel vm2, v19, v18;
	v17 =	vsel vm2, v14, v13  }
.LBB2_23:
0x288: {  	(xrf1) =	vsort.ascd.msk.f32 @p0 $0xffff, v16, v17;
	_ =	sdelay $0xa  }
0x289: {  	v12 =	vmul.u32 $0xFFFFFFFF, v2;
	_ =	sdelay $0x1  }
0x28a: {  	v12 =	vadd.s32 $0xF, v12;
	v16, v17, _ =	vpop (xrf1)  }
0x28b: {  	v16 =	vperm.xlane v16, v12;
	v18, v19, _ =	vpop @p0 (xrf1)  }
0x28c: {  	v17 =	vperm.xlane v17, v12;
	v18 =	vpsel p0, v18, v11  }
0x28d: {  	v13 =	vsel @p0 vm2, v13, v14;
	v14 =	vpsel p0, v19, v10;
	vm2 =	vle.f32 v18, v16  }
0x28e: {  	(xrf1) =	vsort.ascd.msk.f32 @p0 $0xffff, v15, v13;
	v13 =	vsel vm2, v18, v16;
	v14 =	vsel vm2, v14, v17  }
0x28f: {  	(xrf1) =	vsort.ascd.msk.f32 $0xffff, v13, v14;
	_ =	sdelay $0xc  }
0x290: {  	v13, v14, _ =	vpop @p0 (xrf1)  }
0x291: {  	v15, v63, _ =	vpop (xrf1)  }
0x292: {  	v15 =	vperm.xlane v15, v12  }
0x293: {  	v11 =	vpsel p0, v13, v11;
	v12 =	vperm.xlane v63, v12  }
0x294: {  	v10 =	vpsel p0, v14, v10;
	vm2 =	vle.f32 v11, v15  }
0x295: {  	v13 =	vsel vm2, v15, v11;
	v14 =	vsel vm2, v12, v10  }
0x296: {  	(xrf1) =	vsort.ascd.msk.f32 $0xffff, v13, v14  }
0x297: {  	v11 =	vsel vm2, v11, v15;
	v10 =	vsel vm2, v10, v12  }
0x298: {  	(xrf1) =	vsort.ascd.msk.f32 $0xffff, v11, v10;
	_ =	sdelay $0x9  }
.Ltmp16:
0x299: {  	_ = 	snop;
	(pc) =	sbr.rel .LBB2_24-.Ltmp16, $3  }
0x29a: {  	_ = 	snop  }
0x29b: {  	v10, v13, _ =	vpop (xrf1);
	_ =	sdelay $0x1  }
0x29c: {  	v11, v10, _ =	vpop (xrf1)  }
.LBB2_17:
0x29d: {  	v13 =	vimm.s32 $0x0  }
.LBB2_24:
0x29e: {  	_ =	sdelay $0x3  }
0x29f: {  	v11 =	vld.idx.msk [tilespmem:v9+s13+$0x0], $0xffff;
	_ =	sdelay $0x4  }
0x2a0: {  	v14 =	vld.idx.msk [tilespmem:v10+s10+$0x0], $0xffff  }
0x2a1: {  	s1 =	simm.s32 $0x0;
	v19 =	vld.idx.msk [tilespmem:v10+s11+$0x0], $0xffff  }
0x2a2: {  	v12 =	vld.idx.msk [tilespmem:v10+s1+$0x0], $0xffff  }
0x2a3: {  	v18 =	vmul.u32 $0x60, v9;
	v9 =	vmul.u32 $0x3, v2;
	v15 =	vld.idx.msk [tilespmem:v11+s1+$0x0], $0xffff  }
0x2a4: {  	v16 =	vld.idx.msk [tilespmem:v11+s10+$0x0], $0xffff  }
0x2a5: {  	v20 =	vor.u32 v9, v18;
	v10 =	vadd.s32 $0x1, v9;
	v17 =	vld.idx.msk [tilespmem:v11+s11+$0x0], $0xffff  }
0x2a6: {  	v21 =	vor.u32 v10, v18;
	v11 =	vadd.s32 $0x2, v9  }
0x2a7: {  	v22 =	vor.u32 v11, v18  }
0x2a8: {  	v12 =	vsub.f32 v12, v15  }
0x2a9: {  	v14 =	vsub.f32 v14, v16  }
0x2aa: {  	v19 =	vsub.f32 v19, v17;
	[tilespmem:v20+s16+$0x0] =	vst.idx.msk $0xffff, v12  }
0x2ab: {  	[tilespmem:v21+s16+$0x0] =	vst.idx.msk $0xffff, v14  }
0x2ac: {  	[tilespmem:v22+s16+$0x0] =	vst.idx.msk $0xffff, v19  }
0x2ad: {  	v19 =	vld.idx.msk [tilespmem:v13+s1+$0x0], $0xffff  }
0x2ae: {  	v12 =	vadd.s32 $0x30, v9;
	v20 =	vld.idx.msk [tilespmem:v13+s10+$0x0], $0xffff  }
0x2af: {  	v63 =	vor.u32 v12, v18;
	v21 =	vld.idx.msk [tilespmem:v13+s11+$0x0], $0xffff;
	v13 =	vadd.s32 $0x31, v9  }
0x2b0: {  	v14 =	vadd.s32 $0x32, v9;
	v23 =	vor.u32 v13, v18  }
0x2b1: {  	v18 =	vor.u32 v14, v18  }
0x2b2: {  	v15 =	vsub.f32 v19, v15  }
0x2b3: {  	v16 =	vsub.f32 v20, v16  }
0x2b4: {  	[tilespmem:v63+s16+$0x0] =	vst.idx.msk $0xffff, v15;
	v15 =	vsub.f32 v21, v17  }
0x2b5: {  	[tilespmem:v23+s16+$0x0] =	vst.idx.msk $0xffff, v16  }
0x2b6: {  	s0 =	sand.u32 $0x1F0, s1;
	[tilespmem:v18+s16+$0x0] =	vst.idx.msk $0xffff, v15  }
0x2b7: {  	v15 =	vld [tilespmem:s0+$0xC280];
	_ =	sdelay $0x3  }
0x2b8: {  	s4 =	simm.s32 $0x10  }
0x2b9: {  	s2 =	sand.u32 $0x1F0, s4;
	[tilespmem:s0+$0xC280] =	vst v1;
	(xrf0) =	vadd.scan.msk.s32 $0xffff, v15  }
0x2ba: {  	v15 =	vld [tilespmem:s2+$0xC280];
	_ =	sdelay $0x4  }
0x2bb: {  	v16, _, _ =	vpop (xrf0);
	(xrf0) =	vadd.scan.msk.s32 $0xffff, v15  }
0x2bc: {  	(v2sf) =	vpush v16, $0xF;
	v15 =	vadd.s32 s1, v16  }
0x2bd: {  	vm2 =	vgt.s32 v15, $0x1F  }
0x2be: {  	v15 =	vnsel vm2, $0x80000010, v8;
	_ =	sdelay $0x2  }
0x2bf: {  	s0 =	simm.s32 $0x20;
	(xrf0) =	vmin.scan.msk.u32 $0xffff, v15;
	v15, _, _ =	vpop (xrf0)  }
0x2c0: {  	s26 =	sand.u32 $0x1F0, s0;
	[tilespmem:s2+$0xC280] =	vst v1;
	(v2sf) =	vpush v15, $0xF  }
0x2c1: {  	v16 =	vld [tilespmem:s26+$0xC280];
	_ =	sdelay $0x4  }
0x2c2: {  	(xrf0) =	vadd.scan.msk.s32 $0xffff, v16;
	_ =	sdelay $0x2  }
0x2c3: {  	v16, _, _ =	vpop (xrf0);
	s29 =	spop (v2sf)  }
0x2c4: {  	s5 =	simm.s32 $0x30;
	(v2sf) =	vpush v16, $0xF;
	s1 =	sadd.s32 $0x0, s29  }
0x2c5: {  	s30 =	sand.u32 $0x1F0, s5;
	[tilespmem:s26+$0xC280] =	vst v1;
	v15 =	vadd.s32 s1, v15  }
0x2c6: {  	v17 =	vld [tilespmem:s30+$0xC280];
	v16, _, _ =	vpop (xrf0);
	vm2 =	vgt.s32 v15, $0x1F  }
0x2c7: {  	(v2sf) =	vpush v16, $0xF;
	v15 =	vnsel vm2, $0x80000010, v8  }
0x2c8: {  	(xrf0) =	vmin.scan.msk.u32 $0xffff, v15  }
0x2c9: {  	s31 =	spop (v2sf)  }
0x2ca: {  	s2 =	sadd.s32 s1, s31  }
0x2cb: {  	(xrf0) =	vadd.scan.msk.s32 $0xffff, v17;
	v15 =	vadd.s32 s2, v16;
	_ =	sdelay $0x2  }
0x2cc: {  	s3 =	simm.s32 $0x40;
	vm2 =	vgt.s32 v15, $0x1F;
	v15, _, _ =	vpop (xrf0)  }
0x2cd: {  	s8 =	sand.u32 $0x1F0, s3;
	[tilespmem:s30+$0xC280] =	vst v1;
	(v2sf) =	vpush v15, $0xF  }
0x2ce: {  	v17 =	vld [tilespmem:s8+$0xC280]  }
0x2cf: {  	v16 =	vnsel vm2, $0x80000010, v8;
	v15, _, _ =	vpop (xrf0)  }
0x2d0: {  	(xrf0) =	vmin.scan.msk.u32 $0xffff, v16;
	(v2sf) =	vpush v15, $0xF  }
0x2d1: {  	s7 =	spop (v2sf)  }
0x2d2: {  	p0 =	por $0x0, $0x0;
	s6 =	simm.s32 $0x50;
	s9 =	sadd.s32 $0x0, s7  }
0x2d3: {  	s1 =	simm.s32 $0x17F;
	s12 =	sxor.u32 $0x80000000, s7;
	s7 =	sadd.s32 $0x80000000, s9;
	(xrf0) =	vadd.scan.msk.s32 $0xffff, v17  }
0x2d4: {  	[tilespmem:s8+$0xC280] =	vst v1;
	s8 =	spop (v2sf);
	p1 =	slt.s32 s12, $0x10;
	s7 =	smov.u32 @p0 s1  }
.LBB2_25:
0x2d5: {  	s2 =	sadd.s32 s2, s8;
	s1 =	smov.u32 @p1 s7  }
0x2d6: {  	v16, _, _ =	vpop (xrf0);
	p0 =	por p0, p1;
	s8 =	smov.u32 s3;
	s3 =	smov.u32 s6  }
0x2d7: {  	p2 =	sne.s32 s6, $0x170;
	s6 =	sadd.s32 $0x10, s6;
	s7 =	sand.u32 $0x1F0, s3;
	v17 =	vadd.s32 s2, v15;
	(v2sf) =	vpush v16, $0xF  }
0x2d8: {  	v16 =	vld [tilespmem:s7+$0xC280];
	vm2 =	vgt.s32 v17, $0x1F  }
0x2d9: {  	[tilespmem:s7+$0xC280] =	vst v1;
	v15, _, _ =	vpop (xrf0);
	v17 =	vnsel vm2, $0x80000010, v8  }
0x2da: {  	(v2sf) =	vpush v15, $0xF;
	(xrf0) =	vmin.scan.msk.u32 $0xffff, v17  }
.Ltmp17:
0x2db: {  	(pc) =	sbr.rel @p2 .LBB2_25-.Ltmp17, $4  }
0x2dc: {  	s7 =	spop (v2sf)  }
0x2dd: {  	(xrf0) =	vadd.scan.msk.s32 $0xffff, v16;
	s9 =	sxor.u32 $0x80000000, s7;
	s7 =	sadd.s32 s4, s7;
	s4 =	smov.u32 s0  }
0x2de: {  	s0 =	smov.u32 s5;
	s5 =	smov.u32 s8;
	s7 =	sadd.s32 $0x80000000, s7  }
0x2df: {  	p1 =	slt.s32 s9, $0x10;
	s8 =	spop (v2sf);
	s7 =	smov.u32 @p0 s1  }
0x2e0: {  	_ =	sdelay $0x5  }
0x2e1: {  	s2 =	sadd.s32 s2, s8  }
0x2e2: {  	v15 =	vadd.s32 s2, v15  }
0x2e3: {  	s6 =	spop (v2sf)  }
0x2e4: {  	v16, _, _ =	vpop (xrf0);
	vm2 =	vgt.s32 v15, $0x1F;
	s20 =	spop (v2sf)  }
0x2e5: {  	v17 =	vnsel vm2, $0x80000010, v8;
	v15, _, _ =	vpop (xrf0);
	s2 =	sadd.s32 s2, s20  }
0x2e6: {  	(xrf0) =	vmin.scan.msk.u32 $0xffff, v17;
	v17 =	vadd.s32 s2, v15  }
0x2e7: {  	vm2 =	vgt.s32 v17, $0x1F  }
0x2e8: {  	v17 =	vnsel vm2, $0x80000010, v8  }
0x2e9: {  	(xrf0) =	vmin.scan.msk.u32 $0xffff, v17;
	_ =	sdelay $0x1  }
0x2ea: {  	(v2sf) =	vpush v16, $0xF;
	_ =	sdelay $0x1  }
0x2eb: {  	(v2sf) =	vpush v15, $0xF;
	v15, _, _ =	vpop (xrf0)  }
0x2ec: {  	(v2sf) =	vpush v15, $0xF  }
0x2ed: {  	v15, _, _ =	vpop (xrf0)  }
0x2ee: {  	(v2sf) =	vpush v15, $0xF;
	_ =	sdelay $0x7  }
0x2ef: {  	s1 =	smov.u32 @p1 s7;
	[tilespmem:$0xC700] =	vst v4;
	s21 =	sadd.s32 s4, s6;
	s22 =	sxor.u32 $0x80000000, s6  }
0x2f0: {  	p0 =	por p0, p1;
	[tilespmem:$0xC710] =	vst v4;
	p1 =	slt.s32 s22, $0x10;
	s2 =	sadd.s32 $0x80000000, s21  }
0x2f1: {  	[tilespmem:$0xC720] =	vst v4;
	s2 =	smov.u32 @p0 s1;
	p0 =	por p0, p1;
	s23 =	spop (v2sf)  }
0x2f2: {  	[tilespmem:$0xC730] =	vst v4;
	s1 =	smov.u32 @p1 s2;
	s0 =	sadd.s32 s0, s23;
	s24 =	sxor.u32 $0x80000000, s23  }
0x2f3: {  	[tilespmem:$0xC740] =	vst v4;
	s0 =	sadd.s32 $0x80000000, s0;
	p1 =	slt.s32 s24, $0x10;
	s25 =	spop (v2sf)  }
0x2f4: {  	[tilespmem:$0xC750] =	vst v4;
	s0 =	smov.u32 @p0 s1;
	p0 =	por p0, p1;
	s26 =	spop (v2sf)  }
0x2f5: {  	[tilespmem:$0xC760] =	vst v4;
	s1 =	smov.u32 @p1 s0;
	s29 =	sadd.s32 s5, s26;
	s2 =	sxor.u32 $0x80000000, s26  }
0x2f6: {  	[tilespmem:$0xC770] =	vst v4;
	s0 =	sadd.s32 $0x80000000, s29;
	p1 =	slt.s32 s2, $0x10;
	s30 =	spop (v2sf)  }
0x2f7: {  	[tilespmem:$0xC780] =	vst v4;
	s0 =	smov.u32 @p0 s1;
	p0 =	por p0, p1;
	s31 =	sadd.s32 s3, s30  }
0x2f8: {  	[tilespmem:$0xC790] =	vst v4;
	s1 =	smov.u32 @p1 s0;
	s2 =	sxor.u32 $0x80000000, s30;
	s0 =	sadd.s32 $0x80000000, s31  }
0x2f9: {  	[tilespmem:$0xC7A0] =	vst v4;
	p1 =	slt.s32 s2, $0x10;
	s0 =	smov.u32 @p0 s1  }
0x2fa: {  	[tilespmem:$0xC7B0] =	vst v4;
	s1 =	smov.u32 @p1 s0  }
0x2fb: {  	[tilespmem:$0xC7C0] =	vst v4;
	s0 =	sshll.u32 s1, $0x13  }
0x2fc: {  	[tilespmem:$0xC7D0] =	vst v4;
	s0 =	sadd.s32 $0x38080000, s0  }
0x2fd: {  	[tilespmem:$0xC7E0] =	vst v4;
	v15 =	vmov s0  }
0x2fe: {  	[tilespmem:$0xC7F0] =	vst v4;
	v16 =	vimm.s32 $0x0;
	s1 =	simm.s32 $0x9130;
	s0 =	simm.s32 $0x0;
	v15 =	vbroadcast v15, $0x0  }
.LBB2_27:
0x2ff: {  	s2 =	sand.u32 $0xFC0, s0  }
0x300: {  	v17 =	vld [tilespmem:s2+$0x9100];
	_ =	sdelay $0x2  }
0x301: {  	v18 =	vshll.u32 v16, $0x4  }
0x302: {  	v18 =	vor.u32 v2, v18  }
0x303: {  	vm3 =	vlt.s32 v18, $0xFF;
	vm2 =	vlt.f32 v17, v15  }
0x304: {  	v18 =	vnsel vm3, $0xFF, v18;
	_ =	sdelay $0x4  }
0x305: {  	[tilespmem:v18+s14+$0x0] =	vst.idx.msk vm2, v17;
	v17 =	vor.u32 s0, v2  }
0x306: {  	[tilespmem:v18+s15+$0x0] =	vst.idx.msk vm2, v17  }
0x307: {  	v17 =	vld [tilespmem:s1+$0xFFFFFFE0]  }
0x308: {  	v18 =	vsel vm2, $0x1, v1  }
0x309: {  	v16 =	vadd.s32 v18, v16  }
0x30a: {  	v18 =	vshll.u32 v16, $0x4  }
0x30b: {  	v18 =	vor.u32 v2, v18  }
0x30c: {  	vm3 =	vlt.s32 v18, $0xFF;
	vm2 =	vlt.f32 v17, v15  }
0x30d: {  	v18 =	vnsel vm3, $0xFF, v18;
	_ =	sdelay $0x3  }
0x30e: {  	s29 =	sadd.s32 $0x10, s0  }
0x30f: {  	[tilespmem:v18+s14+$0x0] =	vst.idx.msk vm2, v17;
	v17 =	vor.u32 s29, v2  }
0x310: {  	[tilespmem:v18+s15+$0x0] =	vst.idx.msk vm2, v17  }
0x311: {  	v17 =	vld [tilespmem:s1+$0xFFFFFFF0]  }
0x312: {  	v18 =	vsel vm2, $0x1, v1  }
0x313: {  	v16 =	vadd.s32 v18, v16  }
0x314: {  	v18 =	vshll.u32 v16, $0x4  }
0x315: {  	v18 =	vor.u32 v2, v18  }
0x316: {  	vm3 =	vlt.s32 v18, $0xFF;
	vm2 =	vlt.f32 v17, v15  }
0x317: {  	v18 =	vnsel vm3, $0xFF, v18;
	_ =	sdelay $0x3  }
0x318: {  	s30 =	sadd.s32 $0x20, s0  }
0x319: {  	[tilespmem:v18+s14+$0x0] =	vst.idx.msk vm2, v17;
	v17 =	vor.u32 s30, v2  }
0x31a: {  	[tilespmem:v18+s15+$0x0] =	vst.idx.msk vm2, v17  }
0x31b: {  	v17 =	vld [tilespmem:s1+$0x0]  }
0x31c: {  	v18 =	vsel vm2, $0x1, v1  }
0x31d: {  	v16 =	vadd.s32 v18, v16  }
0x31e: {  	v18 =	vshll.u32 v16, $0x4  }
0x31f: {  	v18 =	vor.u32 v2, v18  }
0x320: {  	vm3 =	vlt.s32 v18, $0xFF;
	vm2 =	vlt.f32 v17, v15  }
0x321: {  	v18 =	vnsel vm3, $0xFF, v18  }
0x322: {  	p0 =	sne.s32 s0, $0xFC0  }
.Ltmp18:
0x323: {  	_ = 	snop;
	(pc) =	sbr.rel @p0 .LBB2_27-.Ltmp18, $4  }
0x324: {  	_ = 	snop  }
0x325: {  	s31 =	sadd.s32 $0x30, s0  }
0x326: {  	v19 =	vsel vm2, $0x1, v1;
	[tilespmem:v18+s14+$0x0] =	vst.idx.msk vm2, v17;
	v17 =	vor.u32 s31, v2  }
0x327: {  	s0 =	sadd.s32 $0x40, s0;
	s1 =	sadd.s32 $0x40, s1;
	v16 =	vadd.s32 v19, v16;
	[tilespmem:v18+s15+$0x0] =	vst.idx.msk vm2, v17  }
0x328: {  	v15 =	vxor.u32 $0x80000000, v16  }
0x329: {  	(xrf0) =	vmax.scan.msk.u32 $0xffff, v15;
	_ =	sdelay $0x5  }
0x32a: {  	v15, _, _ =	vpop (xrf0)  }
0x32b: {  	(v2sf) =	vpush v15, $0xF;
	_ =	sdelay $0xe  }
0x32c: {  	s0 =	spop (v2sf)  }
0x32d: {  	s0 =	sxor.u32 $0x80000000, s0  }
0x32e: {  	p0 =	slt.s32 s0, $0x1  }
.Ltmp19:
0x32f: {  	_ = 	snop;
	(pc) =	sbr.rel @p0 .LBB2_29-.Ltmp19, $2  }
0x330: {  	_ =	sdelay $0x2  }
0x331: {  	v15 =	vimm.s32 $0x0  }
0x332: {  	s1 =	simm.s32 $0xC700;
	p0 =	slt.s32 s0, $0x10  }
0x333: {  	s2 =	simm.s32 $0xC800;
	v17 =	vld [tilespmem:s1+$0x0];
	s0 =	simm.s32 @!p0 $0x10  }
0x334: {  	v18 =	vld [tilespmem:s2+$0x0];
	p1 =	sne.s32 s0, $0x1  }
.Ltmp20:
0x335: {  	_ = 	snop;
	(pc) =	sbr.rel @!p1 .LBB2_31-.Ltmp20, $2  }
0x336: {  	_ =	sdelay $0x2  }
0x337: {  	v16 =	vimm.f32 $+Inf;
	p0 =	por $0x0, $0x0;
	s2 =	sadd.s32 $0xFFFFFFFF, s0;
	(xrf1) =	vsort.ascd.msk.f32 $0xffff, v17, v18  }
0x338: {  	_ =	sdelay $0xa  }
0x339: {  	v17 =	vmul.u32 $0xFFFFFFFF, v2;
	_ =	sdelay $0x1  }
0x33a: {  	v17 =	vadd.s32 $0xF, v17;
	v18, v19, _ =	vpop (xrf1)  }
0x33b: {  	v18 =	vperm.xlane v18, v17  }
0x33c: {  	v19 =	vperm.xlane v19, v17  }
0x33d: {  	vm2 =	vle.f32 v16, v18  }
0x33e: {  	v18 =	vsel vm2, v16, v18;
	v19 =	vsel vm2, v15, v19  }
0x33f: {  	(xrf1) =	vsort.ascd.msk.f32 $0xffff, v18, v19;
	_ =	sdelay $0x9  }
0x340: {  	s1 =	simm.s32 $0xC810  }
0x341: {  	s0 =	simm.s32 $0xC710;
	v21 =	vld [tilespmem:s1+$0x0]  }
0x342: {  	v18 =	vld [tilespmem:s0+$0x0]  }
0x343: {  	p1 =	sne.s32 s2, $0x1  }
.Ltmp21:
0x344: {  	v19, v20, _ =	vpop (xrf1);
	(pc) =	sbr.rel @!p1 .LBB2_33-.Ltmp21, $4  }
0x345: {  	v22 =	vperm.xlane v19, v17  }
0x346: {  	v19 =	vperm.xlane v20, v17  }
0x347: {  	(xrf1) =	vsort.ascd.msk.f32 $0xffff, v18, v21;
	v18 =	vimm.s32 $0x0;
	vm2 =	vle.f32 v16, v22  }
0x348: {  	s2 =	sadd.s32 $0xFFFFFFFF, s2;
	p0 =	por $0x1, $0x1;
	v20 =	vsel vm2, v16, v22;
	v21 =	vsel vm2, v22, v16;
	v22 =	vsel vm2, v19, v15  }
.LBB2_34:
0x349: {  	p1 =	sne.s32 s2, $0x1;
	s2 =	sadd.s32 $0xFFFFFFFF, s2;
	v18 =	vsel vm2, v18, v19;
	(xrf1) =	vsort.ascd.msk.f32 $0xffff, v21, v22  }
0x34a: {  	(xrf1) =	vsort.ascd.msk.f32 $0xffff, v20, v18;
	_ =	sdelay $0xa  }
0x34b: {  	v18, v19, _ =	vpop (xrf1)  }
0x34c: {  	v20 =	vperm.xlane v18, v17;
	v19 =	vperm.xlane v19, v17  }
0x34d: {  	v21, v22, _ =	vpop (xrf1)  }
0x34e: {  	vm2 =	vle.f32 v21, v20;
	v23, v18, _ =	vpop (xrf1)  }
0x34f: {  	v20 =	vsel vm2, v21, v20;
	v19 =	vsel vm2, v22, v19  }
0x350: {  	(xrf1) =	vsort.ascd.msk.f32 $0xffff, v20, v19;
	_ =	sdelay $0x9  }
0x351: {  	s0 =	sadd.s32 $0x10, s0  }
0x352: {  	s1 =	sadd.s32 $0x10, s1;
	v20 =	vld [tilespmem:s0+$0x0]  }
0x353: {  	v21 =	vld [tilespmem:s1+$0x0];
	_ =	sdelay $0x1  }
.Ltmp22:
0x354: {  	v19, v22, _ =	vpop (xrf1);
	(pc) =	sbr.rel @p1 .LBB2_34-.Ltmp22, $4  }
0x355: {  	v24 =	vperm.xlane v19, v17  }
0x356: {  	v19 =	vperm.xlane v22, v17  }
0x357: {  	(xrf1) =	vsort.ascd.msk.f32 $0xffff, v20, v21;
	vm2 =	vle.f32 v23, v24  }
0x358: {  	v20 =	vsel vm2, v23, v24;
	v21 =	vsel vm2, v24, v23;
	v22 =	vsel vm2, v19, v18  }
.LBB2_35:
0x359: {  	(xrf1) =	vsort.ascd.msk.f32 @p0 $0xffff, v21, v22;
	_ =	sdelay $0xa  }
0x35a: {  	v17 =	vmul.u32 $0xFFFFFFFF, v2;
	_ =	sdelay $0x1  }
0x35b: {  	v17 =	vadd.s32 $0xF, v17;
	v21, v22, _ =	vpop (xrf1)  }
0x35c: {  	v21 =	vperm.xlane v21, v17;
	v23, v24, _ =	vpop @p0 (xrf1)  }
0x35d: {  	v22 =	vperm.xlane v22, v17;
	v23 =	vpsel p0, v23, v16  }
0x35e: {  	v18 =	vsel @p0 vm2, v18, v19;
	v19 =	vpsel p0, v24, v15;
	vm2 =	vle.f32 v23, v21  }
0x35f: {  	(xrf1) =	vsort.ascd.msk.f32 @p0 $0xffff, v20, v18;
	v18 =	vsel vm2, v23, v21;
	v19 =	vsel vm2, v19, v22  }
0x360: {  	(xrf1) =	vsort.ascd.msk.f32 $0xffff, v18, v19;
	_ =	sdelay $0xc  }
0x361: {  	v18, v19, _ =	vpop @p0 (xrf1)  }
0x362: {  	v62, v63, _ =	vpop (xrf1)  }
0x363: {  	v20 =	vperm.xlane v62, v17  }
0x364: {  	v16 =	vpsel p0, v18, v16;
	v17 =	vperm.xlane v63, v17  }
0x365: {  	v15 =	vpsel p0, v19, v15;
	vm2 =	vle.f32 v16, v20  }
0x366: {  	v18 =	vsel vm2, v20, v16;
	v19 =	vsel vm2, v17, v15  }
0x367: {  	(xrf1) =	vsort.ascd.msk.f32 $0xffff, v18, v19  }
0x368: {  	v16 =	vsel vm2, v16, v20;
	v15 =	vsel vm2, v15, v17  }
0x369: {  	(xrf1) =	vsort.ascd.msk.f32 $0xffff, v16, v15;
	_ =	sdelay $0x9  }
.Ltmp23:
0x36a: {  	_ = 	snop;
	(pc) =	sbr.rel .LBB2_36-.Ltmp23, $3  }
0x36b: {  	_ = 	snop  }
0x36c: {  	v15, v16, _ =	vpop (xrf1);
	_ =	sdelay $0x1  }
0x36d: {  	v17, v15, _ =	vpop (xrf1)  }
.LBB2_29:
0x36e: {  	v16 =	vimm.s32 $0x0  }
.LBB2_36:
0x36f: {  	_ =	sdelay $0x3  }
0x370: {  	v17 =	vld.idx.msk [tilespmem:v7+s13+$0x0], $0xffff;
	_ =	sdelay $0x4  }
0x371: {  	s1 =	simm.s32 $0x0;
	v21 =	vld.idx.msk [tilespmem:v15+s10+$0x0], $0xffff  }
0x372: {  	v20 =	vld.idx.msk [tilespmem:v15+s1+$0x0], $0xffff  }
0x373: {  	v15 =	vld.idx.msk [tilespmem:v15+s11+$0x0], $0xffff  }
0x374: {  	v7 =	vmul.u32 $0x60, v7;
	v18 =	vld.idx.msk [tilespmem:v17+s1+$0x0], $0xffff  }
0x375: {  	v19 =	vld.idx.msk [tilespmem:v17+s10+$0x0], $0xffff  }
0x376: {  	v22 =	vadd.s32 v9, v7;
	v17 =	vld.idx.msk [tilespmem:v17+s11+$0x0], $0xffff  }
0x377: {  	v23 =	vadd.s32 v10, v7  }
0x378: {  	v24 =	vadd.s32 v11, v7  }
0x379: {  	v20 =	vsub.f32 v20, v18  }
0x37a: {  	v21 =	vsub.f32 v21, v19  }
0x37b: {  	v15 =	vsub.f32 v15, v17;
	[tilespmem:v22+s16+$0x0] =	vst.idx.msk $0xffff, v20  }
0x37c: {  	[tilespmem:v23+s16+$0x0] =	vst.idx.msk $0xffff, v21  }
0x37d: {  	[tilespmem:v24+s16+$0x0] =	vst.idx.msk $0xffff, v15  }
0x37e: {  	v15 =	vld.idx.msk [tilespmem:v16+s1+$0x0], $0xffff  }
0x37f: {  	v20 =	vld.idx.msk [tilespmem:v16+s10+$0x0], $0xffff  }
0x380: {  	v60 =	vadd.s32 v12, v7;
	v59 =	vld.idx.msk [tilespmem:v16+s11+$0x0], $0xffff  }
0x381: {  	v61 =	vadd.s32 v13, v7  }
0x382: {  	v7 =	vadd.s32 v14, v7  }
0x383: {  	v15 =	vsub.f32 v15, v18  }
0x384: {  	v62 =	vsub.f32 v20, v19  }
0x385: {  	v16 =	vsub.f32 v59, v17;
	[tilespmem:v60+s16+$0x0] =	vst.idx.msk $0xffff, v15  }
0x386: {  	[tilespmem:v61+s16+$0x0] =	vst.idx.msk $0xffff, v62  }
0x387: {  	s0 =	sand.u32 $0x1F0, s1;
	[tilespmem:v7+s16+$0x0] =	vst.idx.msk $0xffff, v16  }
0x388: {  	v7 =	vld [tilespmem:s0+$0xC400];
	_ =	sdelay $0x3  }
0x389: {  	s4 =	simm.s32 $0x10  }
0x38a: {  	s2 =	sand.u32 $0x1F0, s4;
	[tilespmem:s0+$0xC400] =	vst v1;
	(xrf0) =	vadd.scan.msk.s32 $0xffff, v7  }
0x38b: {  	v7 =	vld [tilespmem:s2+$0xC400];
	_ =	sdelay $0x4  }
0x38c: {  	v15, _, _ =	vpop (xrf0);
	(xrf0) =	vadd.scan.msk.s32 $0xffff, v7  }
0x38d: {  	(v2sf) =	vpush v15, $0xF;
	v7 =	vadd.s32 s1, v15  }
0x38e: {  	vm2 =	vgt.s32 v7, $0x1F  }
0x38f: {  	v7 =	vnsel vm2, $0x80000010, v8;
	_ =	sdelay $0x2  }
0x390: {  	s0 =	simm.s32 $0x20;
	(xrf0) =	vmin.scan.msk.u32 $0xffff, v7;
	v7, _, _ =	vpop (xrf0)  }
0x391: {  	s26 =	sand.u32 $0x1F0, s0;
	[tilespmem:s2+$0xC400] =	vst v1;
	(v2sf) =	vpush v7, $0xF  }
0x392: {  	v15 =	vld [tilespmem:s26+$0xC400];
	_ =	sdelay $0x4  }
0x393: {  	(xrf0) =	vadd.scan.msk.s32 $0xffff, v15;
	_ =	sdelay $0x2  }
0x394: {  	v15, _, _ =	vpop (xrf0);
	s29 =	spop (v2sf)  }
0x395: {  	s5 =	simm.s32 $0x30;
	(v2sf) =	vpush v15, $0xF;
	s1 =	sadd.s32 $0x0, s29  }
0x396: {  	s30 =	sand.u32 $0x1F0, s5;
	[tilespmem:s26+$0xC400] =	vst v1;
	v7 =	vadd.s32 s1, v7  }
0x397: {  	v16 =	vld [tilespmem:s30+$0xC400];
	v15, _, _ =	vpop (xrf0);
	vm2 =	vgt.s32 v7, $0x1F  }
0x398: {  	(v2sf) =	vpush v15, $0xF;
	v7 =	vnsel vm2, $0x80000010, v8  }
0x399: {  	(xrf0) =	vmin.scan.msk.u32 $0xffff, v7  }
0x39a: {  	s31 =	spop (v2sf)  }
0x39b: {  	s2 =	sadd.s32 s1, s31  }
0x39c: {  	(xrf0) =	vadd.scan.msk.s32 $0xffff, v16;
	v7 =	vadd.s32 s2, v15;
	_ =	sdelay $0x2  }
0x39d: {  	s3 =	simm.s32 $0x40;
	vm2 =	vgt.s32 v7, $0x1F;
	v7, _, _ =	vpop (xrf0)  }
0x39e: {  	s8 =	sand.u32 $0x1F0, s3;
	[tilespmem:s30+$0xC400] =	vst v1;
	(v2sf) =	vpush v7, $0xF  }
0x39f: {  	v63 =	vld [tilespmem:s8+$0xC400]  }
0x3a0: {  	v15 =	vnsel vm2, $0x80000010, v8;
	v7, _, _ =	vpop (xrf0)  }
0x3a1: {  	(xrf0) =	vmin.scan.msk.u32 $0xffff, v15;
	(v2sf) =	vpush v7, $0xF  }
0x3a2: {  	s7 =	spop (v2sf)  }
0x3a3: {  	p0 =	por $0x0, $0x0;
	s6 =	simm.s32 $0x50;
	s9 =	sadd.s32 $0x0, s7  }
0x3a4: {  	s1 =	simm.s32 $0x17F;
	s12 =	sxor.u32 $0x80000000, s7;
	s7 =	sadd.s32 $0x80000000, s9;
	(xrf0) =	vadd.scan.msk.s32 $0xffff, v63  }
0x3a5: {  	[tilespmem:s8+$0xC400] =	vst v1;
	s8 =	spop (v2sf);
	p1 =	slt.s32 s12, $0x10;
	s7 =	smov.u32 @p0 s1  }
.LBB2_37:
0x3a6: {  	s2 =	sadd.s32 s2, s8;
	s1 =	smov.u32 @p1 s7  }
0x3a7: {  	v15, _, _ =	vpop (xrf0);
	p0 =	por p0, p1;
	s8 =	smov.u32 s3;
	s3 =	smov.u32 s6  }
0x3a8: {  	p2 =	sne.s32 s6, $0x170;
	s6 =	sadd.s32 $0x10, s6;
	s7 =	sand.u32 $0x1F0, s3;
	v16 =	vadd.s32 s2, v7;
	(v2sf) =	vpush v15, $0xF  }
0x3a9: {  	v15 =	vld [tilespmem:s7+$0xC400];
	vm2 =	vgt.s32 v16, $0x1F  }
0x3aa: {  	[tilespmem:s7+$0xC400] =	vst v1;
	v7, _, _ =	vpop (xrf0);
	v16 =	vnsel vm2, $0x80000010, v8  }
0x3ab: {  	(v2sf) =	vpush v7, $0xF;
	(xrf0) =	vmin.scan.msk.u32 $0xffff, v16  }
.Ltmp24:
0x3ac: {  	(pc) =	sbr.rel @p2 .LBB2_37-.Ltmp24, $4  }
0x3ad: {  	s7 =	spop (v2sf)  }
0x3ae: {  	(xrf0) =	vadd.scan.msk.s32 $0xffff, v15;
	s9 =	sxor.u32 $0x80000000, s7;
	s7 =	sadd.s32 s4, s7;
	s4 =	smov.u32 s0  }
0x3af: {  	s0 =	smov.u32 s5;
	s5 =	smov.u32 s8;
	s7 =	sadd.s32 $0x80000000, s7  }
0x3b0: {  	p1 =	slt.s32 s9, $0x10;
	s8 =	spop (v2sf);
	s7 =	smov.u32 @p0 s1  }
0x3b1: {  	_ =	sdelay $0x5  }
0x3b2: {  	s2 =	sadd.s32 s2, s8  }
0x3b3: {  	v7 =	vadd.s32 s2, v7  }
0x3b4: {  	s6 =	spop (v2sf)  }
0x3b5: {  	v15, _, _ =	vpop (xrf0);
	vm2 =	vgt.s32 v7, $0x1F;
	s20 =	spop (v2sf)  }
0x3b6: {  	v16 =	vnsel vm2, $0x80000010, v8;
	v7, _, _ =	vpop (xrf0);
	s2 =	sadd.s32 s2, s20  }
0x3b7: {  	(xrf0) =	vmin.scan.msk.u32 $0xffff, v16;
	v16 =	vadd.s32 s2, v7  }
0x3b8: {  	vm2 =	vgt.s32 v16, $0x1F  }
0x3b9: {  	v16 =	vnsel vm2, $0x80000010, v8  }
0x3ba: {  	(xrf0) =	vmin.scan.msk.u32 $0xffff, v16;
	_ =	sdelay $0x1  }
0x3bb: {  	(v2sf) =	vpush v15, $0xF;
	_ =	sdelay $0x1  }
0x3bc: {  	(v2sf) =	vpush v7, $0xF;
	v7, _, _ =	vpop (xrf0)  }
0x3bd: {  	(v2sf) =	vpush v7, $0xF  }
0x3be: {  	v7, _, _ =	vpop (xrf0)  }
0x3bf: {  	(v2sf) =	vpush v7, $0xF;
	_ =	sdelay $0x7  }
0x3c0: {  	s1 =	smov.u32 @p1 s7;
	[tilespmem:$0xC700] =	vst v4;
	s21 =	sadd.s32 s4, s6;
	s22 =	sxor.u32 $0x80000000, s6  }
0x3c1: {  	p0 =	por p0, p1;
	[tilespmem:$0xC710] =	vst v4;
	p1 =	slt.s32 s22, $0x10;
	s2 =	sadd.s32 $0x80000000, s21  }
0x3c2: {  	[tilespmem:$0xC720] =	vst v4;
	s2 =	smov.u32 @p0 s1;
	p0 =	por p0, p1;
	s23 =	spop (v2sf)  }
0x3c3: {  	[tilespmem:$0xC730] =	vst v4;
	s1 =	smov.u32 @p1 s2;
	s0 =	sadd.s32 s0, s23;
	s24 =	sxor.u32 $0x80000000, s23  }
0x3c4: {  	[tilespmem:$0xC740] =	vst v4;
	s0 =	sadd.s32 $0x80000000, s0;
	p1 =	slt.s32 s24, $0x10;
	s25 =	spop (v2sf)  }
0x3c5: {  	[tilespmem:$0xC750] =	vst v4;
	s0 =	smov.u32 @p0 s1;
	p0 =	por p0, p1;
	s26 =	spop (v2sf)  }
0x3c6: {  	[tilespmem:$0xC760] =	vst v4;
	s1 =	smov.u32 @p1 s0;
	s29 =	sadd.s32 s5, s26;
	s2 =	sxor.u32 $0x80000000, s26  }
0x3c7: {  	[tilespmem:$0xC770] =	vst v4;
	s0 =	sadd.s32 $0x80000000, s29;
	p1 =	slt.s32 s2, $0x10;
	s30 =	spop (v2sf)  }
0x3c8: {  	[tilespmem:$0xC780] =	vst v4;
	s0 =	smov.u32 @p0 s1;
	p0 =	por p0, p1;
	s31 =	sadd.s32 s3, s30  }
0x3c9: {  	[tilespmem:$0xC790] =	vst v4;
	s1 =	smov.u32 @p1 s0;
	s2 =	sxor.u32 $0x80000000, s30;
	s0 =	sadd.s32 $0x80000000, s31  }
0x3ca: {  	[tilespmem:$0xC7A0] =	vst v4;
	p1 =	slt.s32 s2, $0x10;
	s0 =	smov.u32 @p0 s1  }
0x3cb: {  	[tilespmem:$0xC7B0] =	vst v4;
	s1 =	smov.u32 @p1 s0  }
0x3cc: {  	[tilespmem:$0xC7C0] =	vst v4;
	s0 =	sshll.u32 s1, $0x13  }
0x3cd: {  	[tilespmem:$0xC7D0] =	vst v4;
	s0 =	sadd.s32 $0x38080000, s0  }
0x3ce: {  	[tilespmem:$0xC7E0] =	vst v4;
	v7 =	vmov s0  }
0x3cf: {  	[tilespmem:$0xC7F0] =	vst v4;
	v15 =	vimm.s32 $0x0;
	s1 =	simm.s32 $0xA130;
	s0 =	simm.s32 $0x0;
	v7 =	vbroadcast v7, $0x0  }
.LBB2_39:
0x3d0: {  	s2 =	sand.u32 $0xFC0, s0  }
0x3d1: {  	v16 =	vld [tilespmem:s2+$0xA100];
	_ =	sdelay $0x2  }
0x3d2: {  	v17 =	vshll.u32 v15, $0x4  }
0x3d3: {  	v17 =	vor.u32 v2, v17  }
0x3d4: {  	vm3 =	vlt.s32 v17, $0xFF;
	vm2 =	vlt.f32 v16, v7  }
0x3d5: {  	v17 =	vnsel vm3, $0xFF, v17;
	_ =	sdelay $0x4  }
0x3d6: {  	[tilespmem:v17+s14+$0x0] =	vst.idx.msk vm2, v16;
	v16 =	vor.u32 s0, v2  }
0x3d7: {  	[tilespmem:v17+s15+$0x0] =	vst.idx.msk vm2, v16  }
0x3d8: {  	v16 =	vld [tilespmem:s1+$0xFFFFFFE0]  }
0x3d9: {  	v17 =	vsel vm2, $0x1, v1  }
0x3da: {  	v15 =	vadd.s32 v17, v15  }
0x3db: {  	v17 =	vshll.u32 v15, $0x4  }
0x3dc: {  	v17 =	vor.u32 v2, v17  }
0x3dd: {  	vm3 =	vlt.s32 v17, $0xFF;
	vm2 =	vlt.f32 v16, v7  }
0x3de: {  	v17 =	vnsel vm3, $0xFF, v17;
	_ =	sdelay $0x3  }
0x3df: {  	s29 =	sadd.s32 $0x10, s0  }
0x3e0: {  	[tilespmem:v17+s14+$0x0] =	vst.idx.msk vm2, v16;
	v16 =	vor.u32 s29, v2  }
0x3e1: {  	[tilespmem:v17+s15+$0x0] =	vst.idx.msk vm2, v16  }
0x3e2: {  	v16 =	vld [tilespmem:s1+$0xFFFFFFF0]  }
0x3e3: {  	v17 =	vsel vm2, $0x1, v1  }
0x3e4: {  	v15 =	vadd.s32 v17, v15  }
0x3e5: {  	v17 =	vshll.u32 v15, $0x4  }
0x3e6: {  	v17 =	vor.u32 v2, v17  }
0x3e7: {  	vm3 =	vlt.s32 v17, $0xFF;
	vm2 =	vlt.f32 v16, v7  }
0x3e8: {  	v17 =	vnsel vm3, $0xFF, v17;
	_ =	sdelay $0x3  }
0x3e9: {  	s30 =	sadd.s32 $0x20, s0  }
0x3ea: {  	[tilespmem:v17+s14+$0x0] =	vst.idx.msk vm2, v16;
	v16 =	vor.u32 s30, v2  }
0x3eb: {  	[tilespmem:v17+s15+$0x0] =	vst.idx.msk vm2, v16  }
0x3ec: {  	v16 =	vld [tilespmem:s1+$0x0]  }
0x3ed: {  	v17 =	vsel vm2, $0x1, v1  }
0x3ee: {  	v15 =	vadd.s32 v17, v15  }
0x3ef: {  	v17 =	vshll.u32 v15, $0x4  }
0x3f0: {  	v17 =	vor.u32 v2, v17  }
0x3f1: {  	vm3 =	vlt.s32 v17, $0xFF;
	vm2 =	vlt.f32 v16, v7  }
0x3f2: {  	v17 =	vnsel vm3, $0xFF, v17  }
0x3f3: {  	p0 =	sne.s32 s0, $0xFC0  }
.Ltmp25:
0x3f4: {  	_ = 	snop;
	(pc) =	sbr.rel @p0 .LBB2_39-.Ltmp25, $4  }
0x3f5: {  	_ = 	snop  }
0x3f6: {  	s31 =	sadd.s32 $0x30, s0  }
0x3f7: {  	v18 =	vsel vm2, $0x1, v1;
	[tilespmem:v17+s14+$0x0] =	vst.idx.msk vm2, v16;
	v16 =	vor.u32 s31, v2  }
0x3f8: {  	s0 =	sadd.s32 $0x40, s0;
	s1 =	sadd.s32 $0x40, s1;
	v15 =	vadd.s32 v18, v15;
	[tilespmem:v17+s15+$0x0] =	vst.idx.msk vm2, v16  }
0x3f9: {  	v7 =	vxor.u32 $0x80000000, v15  }
0x3fa: {  	(xrf0) =	vmax.scan.msk.u32 $0xffff, v7;
	_ =	sdelay $0x5  }
0x3fb: {  	v7, _, _ =	vpop (xrf0)  }
0x3fc: {  	(v2sf) =	vpush v7, $0xF;
	_ =	sdelay $0xe  }
0x3fd: {  	s0 =	spop (v2sf)  }
0x3fe: {  	s0 =	sxor.u32 $0x80000000, s0  }
0x3ff: {  	p0 =	slt.s32 s0, $0x1  }
.Ltmp26:
0x400: {  	_ = 	snop;
	(pc) =	sbr.rel @p0 .LBB2_41-.Ltmp26, $2  }
0x401: {  	_ =	sdelay $0x2  }
0x402: {  	v7 =	vimm.s32 $0x0  }
0x403: {  	s1 =	simm.s32 $0xC700;
	p0 =	slt.s32 s0, $0x10  }
0x404: {  	s2 =	simm.s32 $0xC800;
	v16 =	vld [tilespmem:s1+$0x0];
	s0 =	simm.s32 @!p0 $0x10  }
0x405: {  	v17 =	vld [tilespmem:s2+$0x0];
	p1 =	sne.s32 s0, $0x1  }
.Ltmp27:
0x406: {  	_ = 	snop;
	(pc) =	sbr.rel @!p1 .LBB2_43-.Ltmp27, $2  }
0x407: {  	_ =	sdelay $0x2  }
0x408: {  	v15 =	vimm.f32 $+Inf;
	p0 =	por $0x0, $0x0;
	s2 =	sadd.s32 $0xFFFFFFFF, s0;
	(xrf1) =	vsort.ascd.msk.f32 $0xffff, v16, v17  }
0x409: {  	_ =	sdelay $0xa  }
0x40a: {  	v16 =	vmul.u32 $0xFFFFFFFF, v2;
	_ =	sdelay $0x1  }
0x40b: {  	v16 =	vadd.s32 $0xF, v16;
	v17, v18, _ =	vpop (xrf1)  }
0x40c: {  	v17 =	vperm.xlane v17, v16  }
0x40d: {  	v18 =	vperm.xlane v18, v16  }
0x40e: {  	vm2 =	vle.f32 v15, v17  }
0x40f: {  	v17 =	vsel vm2, v15, v17;
	v18 =	vsel vm2, v7, v18  }
0x410: {  	(xrf1) =	vsort.ascd.msk.f32 $0xffff, v17, v18;
	_ =	sdelay $0x9  }
0x411: {  	s1 =	simm.s32 $0xC810  }
0x412: {  	s0 =	simm.s32 $0xC710;
	v20 =	vld [tilespmem:s1+$0x0]  }
0x413: {  	v17 =	vld [tilespmem:s0+$0x0]  }
0x414: {  	p1 =	sne.s32 s2, $0x1  }
.Ltmp28:
0x415: {  	v18, v19, _ =	vpop (xrf1);
	(pc) =	sbr.rel @!p1 .LBB2_45-.Ltmp28, $4  }
0x416: {  	v21 =	vperm.xlane v18, v16  }
0x417: {  	v18 =	vperm.xlane v19, v16  }
0x418: {  	(xrf1) =	vsort.ascd.msk.f32 $0xffff, v17, v20;
	v17 =	vimm.s32 $0x0;
	vm2 =	vle.f32 v15, v21  }
0x419: {  	s2 =	sadd.s32 $0xFFFFFFFF, s2;
	p0 =	por $0x1, $0x1;
	v19 =	vsel vm2, v15, v21;
	v20 =	vsel vm2, v21, v15;
	v21 =	vsel vm2, v18, v7  }
.LBB2_46:
0x41a: {  	p1 =	sne.s32 s2, $0x1;
	s2 =	sadd.s32 $0xFFFFFFFF, s2;
	v17 =	vsel vm2, v17, v18;
	(xrf1) =	vsort.ascd.msk.f32 $0xffff, v20, v21  }
0x41b: {  	(xrf1) =	vsort.ascd.msk.f32 $0xffff, v19, v17;
	_ =	sdelay $0xa  }
0x41c: {  	v17, v18, _ =	vpop (xrf1)  }
0x41d: {  	v19 =	vperm.xlane v17, v16;
	v18 =	vperm.xlane v18, v16  }
0x41e: {  	v20, v21, _ =	vpop (xrf1)  }
0x41f: {  	vm2 =	vle.f32 v20, v19;
	v22, v17, _ =	vpop (xrf1)  }
0x420: {  	v19 =	vsel vm2, v20, v19;
	v18 =	vsel vm2, v21, v18  }
0x421: {  	(xrf1) =	vsort.ascd.msk.f32 $0xffff, v19, v18;
	_ =	sdelay $0x9  }
0x422: {  	s0 =	sadd.s32 $0x10, s0  }
0x423: {  	s1 =	sadd.s32 $0x10, s1;
	v19 =	vld [tilespmem:s0+$0x0]  }
0x424: {  	v20 =	vld [tilespmem:s1+$0x0];
	_ =	sdelay $0x1  }
.Ltmp29:
0x425: {  	v18, v21, _ =	vpop (xrf1);
	(pc) =	sbr.rel @p1 .LBB2_46-.Ltmp29, $4  }
0x426: {  	v23 =	vperm.xlane v18, v16  }
0x427: {  	v18 =	vperm.xlane v21, v16  }
0x428: {  	(xrf1) =	vsort.ascd.msk.f32 $0xffff, v19, v20;
	vm2 =	vle.f32 v22, v23  }
0x429: {  	v19 =	vsel vm2, v22, v23;
	v20 =	vsel vm2, v23, v22;
	v21 =	vsel vm2, v18, v17  }
.LBB2_47:
0x42a: {  	(xrf1) =	vsort.ascd.msk.f32 @p0 $0xffff, v20, v21;
	_ =	sdelay $0xa  }
0x42b: {  	v16 =	vmul.u32 $0xFFFFFFFF, v2;
	_ =	sdelay $0x1  }
0x42c: {  	v16 =	vadd.s32 $0xF, v16;
	v20, v21, _ =	vpop (xrf1)  }
0x42d: {  	v20 =	vperm.xlane v20, v16;
	v22, v23, _ =	vpop @p0 (xrf1)  }
0x42e: {  	v21 =	vperm.xlane v21, v16;
	v22 =	vpsel p0, v22, v15  }
0x42f: {  	v17 =	vsel @p0 vm2, v17, v18;
	v61 =	vpsel p0, v23, v7;
	vm2 =	vle.f32 v22, v20  }
0x430: {  	(xrf1) =	vsort.ascd.msk.f32 @p0 $0xffff, v19, v17;
	v17 =	vsel vm2, v22, v20;
	v18 =	vsel vm2, v61, v21  }
0x431: {  	(xrf1) =	vsort.ascd.msk.f32 $0xffff, v17, v18;
	_ =	sdelay $0xc  }
0x432: {  	v17, v18, _ =	vpop @p0 (xrf1)  }
0x433: {  	v62, v63, _ =	vpop (xrf1)  }
0x434: {  	v19 =	vperm.xlane v62, v16  }
0x435: {  	v15 =	vpsel p0, v17, v15;
	v16 =	vperm.xlane v63, v16  }
0x436: {  	v7 =	vpsel p0, v18, v7;
	vm2 =	vle.f32 v15, v19  }
0x437: {  	v17 =	vsel vm2, v19, v15;
	v18 =	vsel vm2, v16, v7  }
0x438: {  	(xrf1) =	vsort.ascd.msk.f32 $0xffff, v17, v18  }
0x439: {  	v15 =	vsel vm2, v15, v19;
	v7 =	vsel vm2, v7, v16  }
0x43a: {  	(xrf1) =	vsort.ascd.msk.f32 $0xffff, v15, v7;
	_ =	sdelay $0x9  }
.Ltmp30:
0x43b: {  	_ = 	snop;
	(pc) =	sbr.rel .LBB2_48-.Ltmp30, $3  }
0x43c: {  	_ = 	snop  }
0x43d: {  	v7, v15, _ =	vpop (xrf1);
	_ =	sdelay $0x1  }
0x43e: {  	v16, v7, _ =	vpop (xrf1)  }
.LBB2_41:
0x43f: {  	v15 =	vimm.s32 $0x0  }
.LBB2_48:
0x440: {  	_ =	sdelay $0x3  }
0x441: {  	v16 =	vld.idx.msk [tilespmem:v6+s13+$0x0], $0xffff;
	_ =	sdelay $0x4  }
0x442: {  	s1 =	simm.s32 $0x0;
	v20 =	vld.idx.msk [tilespmem:v7+s10+$0x0], $0xffff  }
0x443: {  	v19 =	vld.idx.msk [tilespmem:v7+s1+$0x0], $0xffff  }
0x444: {  	v7 =	vld.idx.msk [tilespmem:v7+s11+$0x0], $0xffff  }
0x445: {  	v6 =	vmul.u32 $0x60, v6;
	v17 =	vld.idx.msk [tilespmem:v16+s1+$0x0], $0xffff  }
0x446: {  	v18 =	vld.idx.msk [tilespmem:v16+s10+$0x0], $0xffff  }
0x447: {  	v22 =	vadd.s32 $0x41, v9;
	v21 =	vor.u32 v9, v6;
	v16 =	vld.idx.msk [tilespmem:v16+s11+$0x0], $0xffff  }
0x448: {  	v23 =	vadd.s32 $0x42, v9;
	v22 =	vor.u32 v22, v6  }
0x449: {  	v23 =	vor.u32 v23, v6  }
0x44a: {  	v19 =	vsub.f32 v19, v17  }
0x44b: {  	v20 =	vsub.f32 v20, v18  }
0x44c: {  	v7 =	vsub.f32 v7, v16;
	[tilespmem:v21+s16+$0x0] =	vst.idx.msk $0xffff, v19  }
0x44d: {  	[tilespmem:v22+s16+$0x0] =	vst.idx.msk $0xffff, v20  }
0x44e: {  	[tilespmem:v23+s16+$0x0] =	vst.idx.msk $0xffff, v7  }
0x44f: {  	v7 =	vld.idx.msk [tilespmem:v15+s1+$0x0], $0xffff  }
0x450: {  	v19 =	vld.idx.msk [tilespmem:v15+s10+$0x0], $0xffff  }
0x451: {  	v61 =	vadd.s32 v12, v6;
	v15 =	vld.idx.msk [tilespmem:v15+s11+$0x0], $0xffff  }
0x452: {  	v62 =	vadd.s32 v13, v6  }
0x453: {  	v6 =	vadd.s32 v14, v6  }
0x454: {  	v7 =	vsub.f32 v7, v17  }
0x455: {  	v63 =	vsub.f32 v19, v18  }
0x456: {  	v15 =	vsub.f32 v15, v16;
	[tilespmem:v61+s16+$0x0] =	vst.idx.msk $0xffff, v7  }
0x457: {  	[tilespmem:v62+s16+$0x0] =	vst.idx.msk $0xffff, v63  }
0x458: {  	s0 =	sand.u32 $0x1F0, s1;
	[tilespmem:v6+s16+$0x0] =	vst.idx.msk $0xffff, v15  }
0x459: {  	v6 =	vld [tilespmem:s0+$0xC580];
	_ =	sdelay $0x3  }
0x45a: {  	s4 =	simm.s32 $0x10  }
0x45b: {  	s2 =	sand.u32 $0x1F0, s4;
	[tilespmem:s0+$0xC580] =	vst v1;
	(xrf0) =	vadd.scan.msk.s32 $0xffff, v6  }
0x45c: {  	v6 =	vld [tilespmem:s2+$0xC580];
	_ =	sdelay $0x4  }
0x45d: {  	v7, _, _ =	vpop (xrf0);
	(xrf0) =	vadd.scan.msk.s32 $0xffff, v6  }
0x45e: {  	(v2sf) =	vpush v7, $0xF;
	v6 =	vadd.s32 s1, v7  }
0x45f: {  	vm2 =	vgt.s32 v6, $0x1F  }
0x460: {  	v6 =	vnsel vm2, $0x80000010, v8;
	_ =	sdelay $0x2  }
0x461: {  	s0 =	simm.s32 $0x20;
	(xrf0) =	vmin.scan.msk.u32 $0xffff, v6;
	v6, _, _ =	vpop (xrf0)  }
0x462: {  	s26 =	sand.u32 $0x1F0, s0;
	[tilespmem:s2+$0xC580] =	vst v1;
	(v2sf) =	vpush v6, $0xF  }
0x463: {  	v7 =	vld [tilespmem:s26+$0xC580];
	_ =	sdelay $0x4  }
0x464: {  	(xrf0) =	vadd.scan.msk.s32 $0xffff, v7;
	_ =	sdelay $0x2  }
0x465: {  	v7, _, _ =	vpop (xrf0);
	s29 =	spop (v2sf)  }
0x466: {  	s5 =	simm.s32 $0x30;
	(v2sf) =	vpush v7, $0xF;
	s1 =	sadd.s32 $0x0, s29  }
0x467: {  	s30 =	sand.u32 $0x1F0, s5;
	[tilespmem:s26+$0xC580] =	vst v1;
	v6 =	vadd.s32 s1, v6  }
0x468: {  	v15 =	vld [tilespmem:s30+$0xC580];
	v7, _, _ =	vpop (xrf0);
	vm2 =	vgt.s32 v6, $0x1F  }
0x469: {  	(v2sf) =	vpush v7, $0xF;
	v6 =	vnsel vm2, $0x80000010, v8  }
0x46a: {  	(xrf0) =	vmin.scan.msk.u32 $0xffff, v6  }
0x46b: {  	s31 =	spop (v2sf)  }
0x46c: {  	s2 =	sadd.s32 s1, s31  }
0x46d: {  	(xrf0) =	vadd.scan.msk.s32 $0xffff, v15;
	v6 =	vadd.s32 s2, v7;
	_ =	sdelay $0x2  }
0x46e: {  	s3 =	simm.s32 $0x40;
	vm2 =	vgt.s32 v6, $0x1F;
	v6, _, _ =	vpop (xrf0)  }
0x46f: {  	s8 =	sand.u32 $0x1F0, s3;
	[tilespmem:s30+$0xC580] =	vst v1;
	(v2sf) =	vpush v6, $0xF  }
0x470: {  	v15 =	vld [tilespmem:s8+$0xC580]  }
0x471: {  	v7 =	vnsel vm2, $0x80000010, v8;
	v6, _, _ =	vpop (xrf0)  }
0x472: {  	(xrf0) =	vmin.scan.msk.u32 $0xffff, v7;
	(v2sf) =	vpush v6, $0xF  }
0x473: {  	s7 =	spop (v2sf)  }
0x474: {  	p0 =	por $0x0, $0x0;
	s6 =	simm.s32 $0x50;
	s9 =	sadd.s32 $0x0, s7  }
0x475: {  	s1 =	simm.s32 $0x17F;
	s12 =	sxor.u32 $0x80000000, s7;
	s7 =	sadd.s32 $0x80000000, s9;
	(xrf0) =	vadd.scan.msk.s32 $0xffff, v15  }
0x476: {  	[tilespmem:s8+$0xC580] =	vst v1;
	s8 =	spop (v2sf);
	p1 =	slt.s32 s12, $0x10;
	s7 =	smov.u32 @p0 s1  }
.LBB2_49:
0x477: {  	s2 =	sadd.s32 s2, s8;
	s1 =	smov.u32 @p1 s7  }
0x478: {  	v7, _, _ =	vpop (xrf0);
	p0 =	por p0, p1;
	s8 =	smov.u32 s3;
	s3 =	smov.u32 s6  }
0x479: {  	p2 =	sne.s32 s6, $0x170;
	s6 =	sadd.s32 $0x10, s6;
	s7 =	sand.u32 $0x1F0, s3;
	v15 =	vadd.s32 s2, v6;
	(v2sf) =	vpush v7, $0xF  }
0x47a: {  	v7 =	vld [tilespmem:s7+$0xC580];
	vm2 =	vgt.s32 v15, $0x1F  }
0x47b: {  	[tilespmem:s7+$0xC580] =	vst v1;
	v6, _, _ =	vpop (xrf0);
	v15 =	vnsel vm2, $0x80000010, v8  }
0x47c: {  	(v2sf) =	vpush v6, $0xF;
	(xrf0) =	vmin.scan.msk.u32 $0xffff, v15  }
.Ltmp31:
0x47d: {  	(pc) =	sbr.rel @p2 .LBB2_49-.Ltmp31, $4  }
0x47e: {  	s7 =	spop (v2sf)  }
0x47f: {  	(xrf0) =	vadd.scan.msk.s32 $0xffff, v7;
	s9 =	sxor.u32 $0x80000000, s7;
	s7 =	sadd.s32 s4, s7;
	s4 =	smov.u32 s0  }
0x480: {  	s0 =	smov.u32 s5;
	s5 =	smov.u32 s8;
	s7 =	sadd.s32 $0x80000000, s7  }
0x481: {  	p1 =	slt.s32 s9, $0x10;
	s8 =	spop (v2sf);
	s7 =	smov.u32 @p0 s1  }
0x482: {  	_ =	sdelay $0x5  }
0x483: {  	s2 =	sadd.s32 s2, s8  }
0x484: {  	v6 =	vadd.s32 s2, v6  }
0x485: {  	s6 =	spop (v2sf)  }
0x486: {  	v7, _, _ =	vpop (xrf0);
	vm2 =	vgt.s32 v6, $0x1F;
	s20 =	spop (v2sf)  }
0x487: {  	v15 =	vnsel vm2, $0x80000010, v8;
	v6, _, _ =	vpop (xrf0);
	s2 =	sadd.s32 s2, s20  }
0x488: {  	(xrf0) =	vmin.scan.msk.u32 $0xffff, v15;
	v15 =	vadd.s32 s2, v6  }
0x489: {  	vm2 =	vgt.s32 v15, $0x1F  }
0x48a: {  	v8 =	vnsel vm2, $0x80000010, v8  }
0x48b: {  	(xrf0) =	vmin.scan.msk.u32 $0xffff, v8;
	_ =	sdelay $0x1  }
0x48c: {  	(v2sf) =	vpush v7, $0xF;
	_ =	sdelay $0x1  }
0x48d: {  	(v2sf) =	vpush v6, $0xF;
	v6, _, _ =	vpop (xrf0)  }
0x48e: {  	(v2sf) =	vpush v6, $0xF  }
0x48f: {  	v6, _, _ =	vpop (xrf0)  }
0x490: {  	(v2sf) =	vpush v6, $0xF;
	_ =	sdelay $0x7  }
0x491: {  	s1 =	smov.u32 @p1 s7;
	[tilespmem:$0xC700] =	vst v4;
	s21 =	sadd.s32 s4, s6;
	s22 =	sxor.u32 $0x80000000, s6  }
0x492: {  	p0 =	por p0, p1;
	[tilespmem:$0xC710] =	vst v4;
	p1 =	slt.s32 s22, $0x10;
	s2 =	sadd.s32 $0x80000000, s21  }
0x493: {  	[tilespmem:$0xC720] =	vst v4;
	s2 =	smov.u32 @p0 s1;
	p0 =	por p0, p1;
	s23 =	spop (v2sf)  }
0x494: {  	[tilespmem:$0xC730] =	vst v4;
	s1 =	smov.u32 @p1 s2;
	s0 =	sadd.s32 s0, s23;
	s24 =	sxor.u32 $0x80000000, s23  }
0x495: {  	[tilespmem:$0xC740] =	vst v4;
	s0 =	sadd.s32 $0x80000000, s0;
	p1 =	slt.s32 s24, $0x10;
	s25 =	spop (v2sf)  }
0x496: {  	[tilespmem:$0xC750] =	vst v4;
	s0 =	smov.u32 @p0 s1;
	p0 =	por p0, p1;
	s26 =	spop (v2sf)  }
0x497: {  	[tilespmem:$0xC760] =	vst v4;
	s1 =	smov.u32 @p1 s0;
	s29 =	sadd.s32 s5, s26;
	s2 =	sxor.u32 $0x80000000, s26  }
0x498: {  	[tilespmem:$0xC770] =	vst v4;
	s0 =	sadd.s32 $0x80000000, s29;
	p1 =	slt.s32 s2, $0x10;
	s30 =	spop (v2sf)  }
0x499: {  	[tilespmem:$0xC780] =	vst v4;
	s0 =	smov.u32 @p0 s1;
	p0 =	por p0, p1;
	s31 =	sadd.s32 s3, s30  }
0x49a: {  	[tilespmem:$0xC790] =	vst v4;
	s1 =	smov.u32 @p1 s0;
	s2 =	sxor.u32 $0x80000000, s30;
	s0 =	sadd.s32 $0x80000000, s31  }
0x49b: {  	[tilespmem:$0xC7A0] =	vst v4;
	p1 =	slt.s32 s2, $0x10;
	s0 =	smov.u32 @p0 s1  }
0x49c: {  	[tilespmem:$0xC7B0] =	vst v4;
	s1 =	smov.u32 @p1 s0  }
0x49d: {  	[tilespmem:$0xC7C0] =	vst v4;
	s0 =	sshll.u32 s1, $0x13  }
0x49e: {  	[tilespmem:$0xC7D0] =	vst v4;
	s0 =	sadd.s32 $0x38080000, s0  }
0x49f: {  	[tilespmem:$0xC7E0] =	vst v4;
	v6 =	vmov s0  }
0x4a0: {  	[tilespmem:$0xC7F0] =	vst v4;
	v7 =	vimm.s32 $0x0;
	s1 =	simm.s32 $0xB130;
	s0 =	simm.s32 $0x0;
	v6 =	vbroadcast v6, $0x0  }
.LBB2_51:
0x4a1: {  	s2 =	sand.u32 $0xFC0, s0  }
0x4a2: {  	v8 =	vld [tilespmem:s2+$0xB100];
	_ =	sdelay $0x2  }
0x4a3: {  	v15 =	vshll.u32 v7, $0x4  }
0x4a4: {  	v15 =	vor.u32 v2, v15  }
0x4a5: {  	vm3 =	vlt.s32 v15, $0xFF;
	vm2 =	vlt.f32 v8, v6  }
0x4a6: {  	v15 =	vnsel vm3, $0xFF, v15;
	_ =	sdelay $0x4  }
0x4a7: {  	[tilespmem:v15+s14+$0x0] =	vst.idx.msk vm2, v8;
	v8 =	vor.u32 s0, v2  }
0x4a8: {  	[tilespmem:v15+s15+$0x0] =	vst.idx.msk vm2, v8  }
0x4a9: {  	v8 =	vld [tilespmem:s1+$0xFFFFFFE0]  }
0x4aa: {  	v15 =	vsel vm2, $0x1, v1  }
0x4ab: {  	v7 =	vadd.s32 v15, v7  }
0x4ac: {  	v15 =	vshll.u32 v7, $0x4  }
0x4ad: {  	v15 =	vor.u32 v2, v15  }
0x4ae: {  	vm3 =	vlt.s32 v15, $0xFF;
	vm2 =	vlt.f32 v8, v6  }
0x4af: {  	v15 =	vnsel vm3, $0xFF, v15;
	_ =	sdelay $0x3  }
0x4b0: {  	s29 =	sadd.s32 $0x10, s0  }
0x4b1: {  	[tilespmem:v15+s14+$0x0] =	vst.idx.msk vm2, v8;
	v8 =	vor.u32 s29, v2  }
0x4b2: {  	[tilespmem:v15+s15+$0x0] =	vst.idx.msk vm2, v8  }
0x4b3: {  	v8 =	vld [tilespmem:s1+$0xFFFFFFF0]  }
0x4b4: {  	v15 =	vsel vm2, $0x1, v1  }
0x4b5: {  	v7 =	vadd.s32 v15, v7  }
0x4b6: {  	v15 =	vshll.u32 v7, $0x4  }
0x4b7: {  	v15 =	vor.u32 v2, v15  }
0x4b8: {  	vm3 =	vlt.s32 v15, $0xFF;
	vm2 =	vlt.f32 v8, v6  }
0x4b9: {  	v15 =	vnsel vm3, $0xFF, v15;
	_ =	sdelay $0x3  }
0x4ba: {  	s30 =	sadd.s32 $0x20, s0  }
0x4bb: {  	[tilespmem:v15+s14+$0x0] =	vst.idx.msk vm2, v8;
	v8 =	vor.u32 s30, v2  }
0x4bc: {  	[tilespmem:v15+s15+$0x0] =	vst.idx.msk vm2, v8  }
0x4bd: {  	v8 =	vld [tilespmem:s1+$0x0]  }
0x4be: {  	v15 =	vsel vm2, $0x1, v1  }
0x4bf: {  	v7 =	vadd.s32 v15, v7  }
0x4c0: {  	v15 =	vshll.u32 v7, $0x4  }
0x4c1: {  	v15 =	vor.u32 v2, v15  }
0x4c2: {  	vm3 =	vlt.s32 v15, $0xFF;
	vm2 =	vlt.f32 v8, v6  }
0x4c3: {  	v15 =	vnsel vm3, $0xFF, v15  }
0x4c4: {  	p0 =	sne.s32 s0, $0xFC0  }
.Ltmp32:
0x4c5: {  	_ = 	snop;
	(pc) =	sbr.rel @p0 .LBB2_51-.Ltmp32, $4  }
0x4c6: {  	_ = 	snop  }
0x4c7: {  	s31 =	sadd.s32 $0x30, s0  }
0x4c8: {  	v16 =	vsel vm2, $0x1, v1;
	[tilespmem:v15+s14+$0x0] =	vst.idx.msk vm2, v8;
	v8 =	vor.u32 s31, v2  }
0x4c9: {  	s0 =	sadd.s32 $0x40, s0;
	s1 =	sadd.s32 $0x40, s1;
	v7 =	vadd.s32 v16, v7;
	[tilespmem:v15+s15+$0x0] =	vst.idx.msk vm2, v8  }
0x4ca: {  	v6 =	vxor.u32 $0x80000000, v7  }
0x4cb: {  	(xrf0) =	vmax.scan.msk.u32 $0xffff, v6;
	_ =	sdelay $0x5  }
0x4cc: {  	v6, _, _ =	vpop (xrf0)  }
0x4cd: {  	(v2sf) =	vpush v6, $0xF;
	_ =	sdelay $0xe  }
0x4ce: {  	s0 =	spop (v2sf)  }
0x4cf: {  	s0 =	sxor.u32 $0x80000000, s0  }
0x4d0: {  	p0 =	slt.s32 s0, $0x1  }
.Ltmp33:
0x4d1: {  	_ = 	snop;
	(pc) =	sbr.rel @p0 .LBB2_53-.Ltmp33, $2  }
0x4d2: {  	_ =	sdelay $0x2  }
0x4d3: {  	v6 =	vimm.s32 $0x0  }
0x4d4: {  	s1 =	simm.s32 $0xC700;
	p0 =	slt.s32 s0, $0x10  }
0x4d5: {  	s2 =	simm.s32 $0xC800;
	v8 =	vld [tilespmem:s1+$0x0];
	s0 =	simm.s32 @!p0 $0x10  }
0x4d6: {  	v15 =	vld [tilespmem:s2+$0x0];
	p1 =	sne.s32 s0, $0x1  }
.Ltmp34:
0x4d7: {  	_ = 	snop;
	(pc) =	sbr.rel @!p1 .LBB2_55-.Ltmp34, $2  }
0x4d8: {  	_ =	sdelay $0x2  }
0x4d9: {  	v7 =	vimm.f32 $+Inf;
	p0 =	por $0x0, $0x0;
	s2 =	sadd.s32 $0xFFFFFFFF, s0;
	(xrf1) =	vsort.ascd.msk.f32 $0xffff, v8, v15;
	v8 =	vmul.u32 $0xFFFFFFFF, v2  }
0x4da: {  	_ =	sdelay $0xc  }
0x4db: {  	v15 =	vadd.s32 $0xF, v8;
	v16, v17, _ =	vpop (xrf1)  }
0x4dc: {  	v16 =	vperm.xlane v16, v15  }
0x4dd: {  	v17 =	vperm.xlane v17, v15  }
0x4de: {  	vm2 =	vle.f32 v7, v16  }
0x4df: {  	v16 =	vsel vm2, v7, v16;
	v17 =	vsel vm2, v6, v17  }
0x4e0: {  	(xrf1) =	vsort.ascd.msk.f32 $0xffff, v16, v17;
	_ =	sdelay $0x9  }
0x4e1: {  	s1 =	simm.s32 $0xC810  }
0x4e2: {  	s0 =	simm.s32 $0xC710;
	v19 =	vld [tilespmem:s1+$0x0]  }
0x4e3: {  	v16 =	vld [tilespmem:s0+$0x0]  }
0x4e4: {  	p1 =	sne.s32 s2, $0x1  }
.Ltmp35:
0x4e5: {  	v17, v18, _ =	vpop (xrf1);
	(pc) =	sbr.rel @!p1 .LBB2_57-.Ltmp35, $4  }
0x4e6: {  	v20 =	vperm.xlane v17, v15  }
0x4e7: {  	v17 =	vperm.xlane v18, v15  }
0x4e8: {  	(xrf1) =	vsort.ascd.msk.f32 $0xffff, v16, v19;
	v16 =	vimm.s32 $0x0;
	vm2 =	vle.f32 v7, v20  }
0x4e9: {  	s2 =	sadd.s32 $0xFFFFFFFF, s2;
	p0 =	por $0x1, $0x1;
	v18 =	vsel vm2, v7, v20;
	v19 =	vsel vm2, v20, v7;
	v20 =	vsel vm2, v17, v6  }
.LBB2_58:
0x4ea: {  	p1 =	sne.s32 s2, $0x1;
	s2 =	sadd.s32 $0xFFFFFFFF, s2;
	v16 =	vsel vm2, v16, v17;
	(xrf1) =	vsort.ascd.msk.f32 $0xffff, v19, v20  }
0x4eb: {  	(xrf1) =	vsort.ascd.msk.f32 $0xffff, v18, v16;
	_ =	sdelay $0xa  }
0x4ec: {  	v16, v17, _ =	vpop (xrf1)  }
0x4ed: {  	v18 =	vperm.xlane v16, v15;
	v17 =	vperm.xlane v17, v15  }
0x4ee: {  	v19, v20, _ =	vpop (xrf1)  }
0x4ef: {  	vm2 =	vle.f32 v19, v18;
	v21, v16, _ =	vpop (xrf1)  }
0x4f0: {  	v18 =	vsel vm2, v19, v18;
	v17 =	vsel vm2, v20, v17  }
0x4f1: {  	(xrf1) =	vsort.ascd.msk.f32 $0xffff, v18, v17;
	_ =	sdelay $0x9  }
0x4f2: {  	s0 =	sadd.s32 $0x10, s0  }
0x4f3: {  	s1 =	sadd.s32 $0x10, s1;
	v18 =	vld [tilespmem:s0+$0x0]  }
0x4f4: {  	v19 =	vld [tilespmem:s1+$0x0];
	_ =	sdelay $0x1  }
.Ltmp36:
0x4f5: {  	v17, v20, _ =	vpop (xrf1);
	(pc) =	sbr.rel @p1 .LBB2_58-.Ltmp36, $4  }
0x4f6: {  	v22 =	vperm.xlane v17, v15  }
0x4f7: {  	v17 =	vperm.xlane v20, v15  }
0x4f8: {  	(xrf1) =	vsort.ascd.msk.f32 $0xffff, v18, v19;
	vm2 =	vle.f32 v21, v22  }
0x4f9: {  	v18 =	vsel vm2, v21, v22;
	v19 =	vsel vm2, v22, v21;
	v20 =	vsel vm2, v17, v16  }
.LBB2_59:
0x4fa: {  	(xrf1) =	vsort.ascd.msk.f32 @p0 $0xffff, v19, v20;
	_ =	sdelay $0xc  }
0x4fb: {  	v8 =	vadd.s32 $0xF, v8;
	v15, v59, _ =	vpop (xrf1)  }
0x4fc: {  	v15 =	vperm.xlane v15, v8;
	v20, v21, _ =	vpop @p0 (xrf1)  }
0x4fd: {  	v19 =	vperm.xlane v59, v8;
	v20 =	vpsel p0, v20, v7  }
0x4fe: {  	v16 =	vsel @p0 vm2, v16, v17;
	v60 =	vpsel p0, v21, v6;
	vm2 =	vle.f32 v20, v15  }
0x4ff: {  	(xrf1) =	vsort.ascd.msk.f32 @p0 $0xffff, v18, v16;
	v15 =	vsel vm2, v20, v15;
	v61 =	vsel vm2, v60, v19  }
0x500: {  	(xrf1) =	vsort.ascd.msk.f32 $0xffff, v15, v61;
	_ =	sdelay $0xc  }
0x501: {  	v15, v16, _ =	vpop @p0 (xrf1)  }
0x502: {  	v63, v62, _ =	vpop (xrf1)  }
0x503: {  	v17 =	vperm.xlane v63, v8  }
0x504: {  	v7 =	vpsel p0, v15, v7;
	v8 =	vperm.xlane v62, v8  }
0x505: {  	v6 =	vpsel p0, v16, v6;
	vm2 =	vle.f32 v7, v17  }
0x506: {  	v15 =	vsel vm2, v17, v7;
	v16 =	vsel vm2, v8, v6  }
0x507: {  	(xrf1) =	vsort.ascd.msk.f32 $0xffff, v15, v16  }
0x508: {  	v7 =	vsel vm2, v7, v17;
	v6 =	vsel vm2, v6, v8  }
0x509: {  	(xrf1) =	vsort.ascd.msk.f32 $0xffff, v7, v6;
	_ =	sdelay $0x9  }
.Ltmp37:
0x50a: {  	_ = 	snop;
	(pc) =	sbr.rel .LBB2_60-.Ltmp37, $3  }
0x50b: {  	_ = 	snop  }
0x50c: {  	v6, v7, _ =	vpop (xrf1);
	_ =	sdelay $0x1  }
0x50d: {  	v8, v6, _ =	vpop (xrf1)  }
.LBB2_19:
.Ltmp38:
0x50e: {  	(pc) =	sbr.rel .LBB2_23-.Ltmp38, $2  }
0x50f: {  	_ =	sdelay $0x2  }
0x510: {  	v13 =	vimm.s32 $0x0  }
.LBB2_31:
.Ltmp39:
0x511: {  	(pc) =	sbr.rel .LBB2_35-.Ltmp39, $2  }
0x512: {  	_ =	sdelay $0x2  }
0x513: {  	v18 =	vimm.s32 $0x0  }
.LBB2_43:
.Ltmp40:
0x514: {  	(pc) =	sbr.rel .LBB2_47-.Ltmp40, $2  }
0x515: {  	_ =	sdelay $0x2  }
0x516: {  	v17 =	vimm.s32 $0x0  }
.LBB2_55:
.Ltmp41:
0x517: {  	(pc) =	sbr.rel .LBB2_59-.Ltmp41, $2  }
0x518: {  	_ =	sdelay $0x2  }
0x519: {  	v16 =	vimm.s32 $0x0  }
.LBB2_21:
.Ltmp42:
0x51a: {  	(pc) =	sbr.rel .LBB2_23-.Ltmp42, $2  }
0x51b: {  	_ =	sdelay $0x2  }
0x51c: {  	v13 =	vimm.s32 $0x0  }
.LBB2_33:
.Ltmp43:
0x51d: {  	(pc) =	sbr.rel .LBB2_35-.Ltmp43, $2  }
0x51e: {  	_ =	sdelay $0x2  }
0x51f: {  	v18 =	vimm.s32 $0x0  }
.LBB2_45:
.Ltmp44:
0x520: {  	(pc) =	sbr.rel .LBB2_47-.Ltmp44, $2  }
0x521: {  	_ =	sdelay $0x2  }
0x522: {  	v17 =	vimm.s32 $0x0  }
.LBB2_57:
.Ltmp45:
0x523: {  	(pc) =	sbr.rel .LBB2_59-.Ltmp45, $2  }
0x524: {  	_ =	sdelay $0x2  }
0x525: {  	v16 =	vimm.s32 $0x0  }
.LBB2_62:
0x526: {  	_ =	sfence.sel $0x180000  }
0x527: {  	[bflag:$0x0] =	sbarrier.arrive $0xFFFF  }
0x528: {  	_ =	strace $0x90000047  }
0x529: {  	s0 =	stileid.u32;
	[bflag:$0x2] =	sbarrier.arrive $0xFFFF  }
0x52a: {  	p0 =	sne.s32 s0, $0x0;
	s0 =	rddreg [dreg:$0x3]  }
0x52b: {  	s0 =	sadd.s32 @!p0 $0x100000, s0  }
0x52c: {  	[sflag:s0] =	ssyncadd.tile.s32 @!p0 $0x1;
	_ =	shalt  }
.Lfunc_end2:
_tile_overlayer_lowered:
.L_overlay_start_2:
0x52d: {  	(tag) =	ssettag $0x2  }
0x52e: {  	s0 =	rddreg [dreg:$0x0];
	s2 =	stileid.u32  }
0x52f: {  	s1 =	rddreg [dreg:$0x1];
	p0 =	sne.s32 s2, $0x0  }
0x530: {  	s3 =	rddreg [dreg:$0x2];
	[bflag:$0x3] =	sbarrier.arrive $0xFFFF;
	s2 =	simm.s32 @!p0 $0x1C01  }
0x531: {  	[timem:s3], [sflag:s2] =	dma.local @!p0 [hbm:s0], s1  }
0x532: {  	s0 =	simm.s32 @!p0 $0x1  }
0x533: {  	_ =	swait.ge @!p0 [sflag:s0], s1  }
0x534: {  	s1 =	ssub.s32 @!p0 $0x0, s1;
	[sflag:s0] =	ssyncset.done @!p0 $0x0  }
0x535: {  	[sflag:s0] =	ssyncadd.s32 @!p0 s1  }
0x536: {  	[bflag:$0x3] =	sbarrier.arrive $0xFFFF  }
0x537: {  	_ =	shalt  }

</sc_bundles>
